<compile_context>
chip_gen: v7x
topology: tpu7x:2x2x1
jax: 0.10.2.dev20260603
libtpu: 0.0.44.dev20260713+nightly
codegen_flags: <defaults>
</compile_context>

<pallas_src>
import functools

import jax
import jax.numpy as jnp
from jax import lax
from jax.experimental import pallas as pl
from jax.experimental.pallas import tpu as pltpu
from jax.experimental.pallas import tpu_sc as plsc

N_NODES = 10000
N_EDGES = 320000
D_IN = 128
D_HID = 64
N_HID = 6

NC = 2
NS = 16
NW = NC * NS
EPT = N_EDGES // NW
CHUNK = 80
NCHUNK = EPT // CHUNK
NBUF = 5
NROUND = NCHUNK // NBUF
RPT = 624
TAIL = N_NODES - NS * RPT
TAIL0 = NS * RPT
BR = 1000


@functools.lru_cache(maxsize=None)
def _make_sc_aggregate(width: int):
    mesh = plsc.VectorSubcoreMesh(core_axis_name="c", subcore_axis_name="s")

    def body(table, src_i, dst_i, out, acc_s, src_v, dst_v, rows_v, gsem,
             ssem):
        c = lax.axis_index("c")
        s = lax.axis_index("s")
        wid = c * NS + s
        r0 = s * RPT
        pltpu.sync_copy(table.at[pl.ds(r0, RPT)], acc_s.at[pl.ds(r0, RPT)])

        @pl.when(s == 0)
        def _init_tail():
            pltpu.sync_copy(table.at[pl.ds(TAIL0, TAIL)],
                            acc_s.at[pl.ds(TAIL0, TAIL)])

        pltpu.sync_copy(src_i.at[wid], src_v)
        pltpu.sync_copy(dst_i.at[wid], dst_v)
        for b in range(NBUF):
            pltpu.async_copy(table.at[src_v.at[b]], rows_v.at[b],
                             gsem.at[b])
        plsc.subcore_barrier()

        def gwait(j, b):
            return pltpu.make_async_copy(
                table.at[src_v.at[j]], rows_v.at[b], gsem.at[b]).wait()

        def round_(r, carry):
            scatters = []
            for b in range(NBUF):
                j = r * NBUF + b
                gwait(j, b)
                scatters.append(pltpu.async_copy(
                    rows_v.at[b], acc_s.at[dst_v.at[j]], ssem.at[b],
                    add=True))
            for b in range(NBUF):
                scatters[b].wait()
                jn = (r + 1) * NBUF + b
                pltpu.async_copy(table.at[src_v.at[jn]], rows_v.at[b],
                                 gsem.at[b])
            return carry

        lax.fori_loop(0, NROUND - 1, round_, 0)
        last = []
        for b in range(NBUF):
            j = (NROUND - 1) * NBUF + b
            gwait(j, b)
            last.append(pltpu.async_copy(
                rows_v.at[b], acc_s.at[dst_v.at[j]], ssem.at[b], add=True))
        for d in last:
            d.wait()
        plsc.subcore_barrier()
        pltpu.sync_copy(acc_s.at[pl.ds(r0, RPT)], out.at[c, pl.ds(r0, RPT)])

        @pl.when(s == 0)
        def _out_tail():
            pltpu.sync_copy(acc_s.at[pl.ds(TAIL0, TAIL)],
                            out.at[c, pl.ds(TAIL0, TAIL)])

    return pl.kernel(
        body,
        out_type=jax.ShapeDtypeStruct((NC, N_NODES, width), jnp.float32),
        mesh=mesh,
        scratch_types=[
            pltpu.VMEM_SHARED((N_NODES, width), jnp.float32),
            pltpu.VMEM((NCHUNK, CHUNK), jnp.int32),
            pltpu.VMEM((NCHUNK, CHUNK), jnp.int32),
            pltpu.VMEM((NBUF, CHUNK, width), jnp.float32),
            pltpu.SemaphoreType.DMA((NBUF,)),
            pltpu.SemaphoreType.DMA((NBUF,)),
        ],
        compiler_params=pltpu.CompilerParams(use_tc_tiling_on_sc=False),
    )


def _make_sc_degree():
    width = 16
    mesh = plsc.VectorSubcoreMesh(core_axis_name="c", subcore_axis_name="s")

    def body(table, ones_rows, dst_i, out, acc_s, dst_v, rows_v, ssem):
        c = lax.axis_index("c")
        s = lax.axis_index("s")
        wid = c * NS + s
        r0 = s * RPT
        pltpu.sync_copy(table.at[pl.ds(r0, RPT)], acc_s.at[pl.ds(r0, RPT)])

        @pl.when(s == 0)
        def _init_tail():
            pltpu.sync_copy(table.at[pl.ds(TAIL0, TAIL)],
                            acc_s.at[pl.ds(TAIL0, TAIL)])

        pltpu.sync_copy(dst_i.at[wid], dst_v)
        pltpu.sync_copy(ones_rows, rows_v)
        plsc.subcore_barrier()

        def round_(r, carry):
            scatters = []
            for b in range(NBUF):
                j = r * NBUF + b
                scatters.append(pltpu.async_copy(
                    rows_v, acc_s.at[dst_v.at[j]], ssem.at[b], add=True))
            for d in scatters:
                d.wait()
            return carry

        lax.fori_loop(0, NROUND, round_, 0)
        plsc.subcore_barrier()
        pltpu.sync_copy(acc_s.at[pl.ds(r0, RPT)], out.at[c, pl.ds(r0, RPT)])

        @pl.when(s == 0)
        def _out_tail():
            pltpu.sync_copy(acc_s.at[pl.ds(TAIL0, TAIL)],
                            out.at[c, pl.ds(TAIL0, TAIL)])

    return pl.kernel(
        body,
        out_type=jax.ShapeDtypeStruct((NC, N_NODES, width), jnp.float32),
        mesh=mesh,
        scratch_types=[
            pltpu.VMEM_SHARED((N_NODES, width), jnp.float32),
            pltpu.VMEM((NCHUNK, CHUNK), jnp.int32),
            pltpu.VMEM((CHUNK, width), jnp.float32),
            pltpu.SemaphoreType.DMA((NBUF,)),
        ],
        compiler_params=pltpu.CompilerParams(use_tc_tiling_on_sc=False),
    )


def _tc_matmul0(x, w):

    def body(x_ref, w_ref, h_ref):
        h_ref[...] = jnp.dot(x_ref[...], w_ref[...],
                             preferred_element_type=jnp.float32)

    return pl.pallas_call(
        body,
        grid=(N_NODES // BR,),
        in_specs=[
            pl.BlockSpec((BR, D_IN), lambda i: (i, 0)),
            pl.BlockSpec((D_IN, D_HID), lambda i: (0, 0)),
        ],
        out_specs=pl.BlockSpec((BR, D_HID), lambda i: (i, 0)),
        out_shape=jax.ShapeDtypeStruct((N_NODES, D_HID), jnp.float32),
    )(x, w)


def _tc_scale0(degp, h):

    def body(p_ref, h_ref, hs_ref, dinv_ref):
        deg = p_ref[0, :, 0:1] + p_ref[1, :, 0:1] - 1.0
        dinv = lax.rsqrt(deg)
        hs_ref[...] = h_ref[...] * dinv
        dinv_ref[...] = dinv

    return pl.pallas_call(
        body,
        grid=(N_NODES // BR,),
        in_specs=[
            pl.BlockSpec((NC, BR, 16), lambda i: (0, i, 0)),
            pl.BlockSpec((BR, D_HID), lambda i: (i, 0)),
        ],
        out_specs=[
            pl.BlockSpec((BR, D_HID), lambda i: (i, 0)),
            pl.BlockSpec((BR, 1), lambda i: (i, 0)),
        ],
        out_shape=[
            jax.ShapeDtypeStruct((N_NODES, D_HID), jnp.float32),
            jax.ShapeDtypeStruct((N_NODES, 1), jnp.float32),
        ],
    )(degp, h)


def _tc_layer(p, hs, dinv, w, b):
    wout = w.shape[1]

    def body(p_ref, hs_ref, dinv_ref, w_ref, b_ref, out_ref):
        agg = p_ref[0] + p_ref[1] - hs_ref[...]
        t = agg * dinv_ref[...] + b_ref[...]
        r = jnp.maximum(t, 0.0)
        out_ref[...] = (
            jnp.dot(r, w_ref[...], preferred_element_type=jnp.float32)
            * dinv_ref[...]
        )

    return pl.pallas_call(
        body,
        grid=(N_NODES // BR,),
        in_specs=[
            pl.BlockSpec((NC, BR, D_HID), lambda i: (0, i, 0)),
            pl.BlockSpec((BR, D_HID), lambda i: (i, 0)),
            pl.BlockSpec((BR, 1), lambda i: (i, 0)),
            pl.BlockSpec((D_HID, wout), lambda i: (0, 0)),
            pl.BlockSpec((1, D_HID), lambda i: (0, 0)),
        ],
        out_specs=pl.BlockSpec((BR, wout), lambda i: (i, 0)),
        out_shape=jax.ShapeDtypeStruct((N_NODES, wout), jnp.float32),
    )(p, hs, dinv, w, b)


def _tc_final(p, z, dinv, b):

    def body(p_ref, z_ref, dinv_ref, b_ref, out_ref):
        agg = p_ref[0] + p_ref[1] - z_ref[...]
        out_ref[...] = agg[:, 0:1] * dinv_ref[...] + b_ref[...]

    return pl.pallas_call(
        body,
        grid=(N_NODES // BR,),
        in_specs=[
            pl.BlockSpec((NC, BR, 16), lambda i: (0, i, 0)),
            pl.BlockSpec((BR, 16), lambda i: (i, 0)),
            pl.BlockSpec((BR, 1), lambda i: (i, 0)),
            pl.BlockSpec((1, 1), lambda i: (0, 0)),
        ],
        out_specs=pl.BlockSpec((BR, 1), lambda i: (i, 0)),
        out_shape=jax.ShapeDtypeStruct((N_NODES, 1), jnp.float32),
    )(p, z, dinv, b)


def kernel(x, edge_index, W_i, b_i, W_h, b_h, W_o, b_o):
    ei = edge_index.astype(jnp.int32)
    src4 = ei[0].reshape(NW, NCHUNK, CHUNK)
    dst4 = ei[1].reshape(NW, NCHUNK, CHUNK)
    onehot = jnp.zeros((N_NODES, 16), jnp.float32).at[:, 0].set(1.0)
    ones_rows = jnp.zeros((CHUNK, 16), jnp.float32).at[:, 0].set(1.0)

    agg16 = _make_sc_aggregate(16)
    agg64 = _make_sc_aggregate(D_HID)

    degp = _make_sc_degree()(onehot, ones_rows, dst4)
    h0 = _tc_matmul0(x, W_i)
    hs, dinv = _tc_scale0(degp, h0)

    w_o16 = jnp.pad(W_o, ((0, 0), (0, 15)))

    p = agg64(hs, src4, dst4)

    w_stack = W_h
    b_stack = jnp.concatenate(
        [b_i.reshape(1, D_HID)] + [b_h[i].reshape(1, D_HID)
                                   for i in range(N_HID - 1)], axis=0)

    def step(carry, wb):
        p_c, hs_c = carry
        w, b = wb
        nxt = _tc_layer(p_c, hs_c, dinv, w, b.reshape(1, D_HID))
        return (agg64(nxt, src4, dst4), nxt), None

    (p, hs), _ = lax.scan(step, (p, hs), (w_stack, b_stack))

    nxt = _tc_layer(p, hs, dinv, w_o16, b_h[N_HID - 1].reshape(1, D_HID))
    p = agg16(nxt, src4, dst4)
    return _tc_final(p, nxt, dinv, b_o.reshape(1, 1))

# --- scband reference (transcript-rebuilt; emitter-appended) ---
"""Pipeline reference for scband-net-5652176962006 (READ-ONLY COPY).

The authoritative reference and input builder live on the scoring server;
editing this copy changes nothing except your own understanding.
"""

import jax, jax.numpy as jnp
import numpy as np

N_NODES = 10000
N_EDGES = 320000
D_IN = 128
D_HID = 64
N_HID = 6


def gcn_conv(x, edge_index, W, b):
    # Faithful PyG GCNConv: h = XW, add self-loops, sym-normalize, aggregate at dst, add bias
    num_nodes = x.shape[0]
    loop = jnp.arange(num_nodes, dtype=edge_index.dtype)
    src = jnp.concatenate([edge_index[0], loop])
    dst = jnp.concatenate([edge_index[1], loop])
    deg = jnp.zeros((num_nodes,), dtype=x.dtype).at[dst].add(1.0)
    deg_inv_sqrt = jnp.where(deg > 0, deg ** -0.5, 0.0)
    norm = deg_inv_sqrt[src] * deg_inv_sqrt[dst]
    h = x @ W
    msg = h[src] * norm[:, None]
    out = jnp.zeros((num_nodes, h.shape[1]), dtype=x.dtype).at[dst].add(msg)
    return out + b


def setup_inputs(seed: int = 0) -> dict:
    key = jax.random.key(seed)
    ks = jax.random.split(key, 8)
    x = jax.random.normal(ks[0], (N_NODES, D_IN), dtype=jnp.float32)
    edge_index = jax.random.randint(ks[1], (2, N_EDGES), 0, N_NODES, dtype=jnp.int64)
    s = 1.0 / np.sqrt(D_IN)
    W_i = jax.random.uniform(ks[2], (D_IN, D_HID), minval=-s, maxval=s, dtype=jnp.float32)
    b_i = jnp.zeros((D_HID,), dtype=jnp.float32)
    sh = 1.0 / np.sqrt(D_HID)
    W_h = jax.random.uniform(ks[3], (N_HID, D_HID, D_HID), minval=-sh, maxval=sh, dtype=jnp.float32)
    b_h = jnp.zeros((N_HID, D_HID), dtype=jnp.float32)
    W_o = jax.random.uniform(ks[4], (D_HID, 1), minval=-sh, maxval=sh, dtype=jnp.float32)
    b_o = jnp.zeros((1,), dtype=jnp.float32)
    return {"x": x, "edge_index": edge_index, "W_i": W_i, "b_i": b_i,
            "W_h": W_h, "b_h": b_h, "W_o": W_o, "b_o": b_o}


def reference(x, edge_index, W_i, b_i, W_h, b_h, W_o, b_o):
    h = gcn_conv(x, edge_index, W_i, b_i)
    h = jax.nn.relu(h)
    for i in range(N_HID):
        h = gcn_conv(h, edge_index, W_h[i], b_h[i])
        h = jax.nn.relu(h)
    out = gcn_conv(h, edge_index, W_o, b_o)
    return out

if __name__ == "__main__":
    import jax
    _d = setup_inputs()
    print(jax.jit(kernel)(*tuple(_d.values())))

</pallas_src>

<mosaic_0001>
#map = affine_map<(d0, d1) -> (0, 0)>
#map1 = affine_map<(d0, d1) -> (0, 0, 0)>
module attributes {stable_mosaic.version = 14 : i64} {
  func.func @body(%arg0: i32, %arg1: i32, %arg2: memref<10000x64xf32, #tpu.memory_space<hbm>>, %arg3: memref<32x125x80xi32, #tpu.memory_space<hbm>>, %arg4: memref<32x125x80xi32, #tpu.memory_space<hbm>>, %arg5: memref<2x10000x64xf32, #tpu.memory_space<hbm>>, %arg6: memref<10000x64xf32, #tpu.memory_space<vmem_shared>>, %arg7: memref<125x80xi32, #tpu.memory_space<vmem>>, %arg8: memref<125x80xi32, #tpu.memory_space<vmem>>, %arg9: memref<5x80x64xf32, #tpu.memory_space<vmem>>, %arg10: memref<5x!tpu.dma_semaphore, #tpu.memory_space<semaphore_mem>>, %arg11: memref<5x!tpu.dma_semaphore, #tpu.memory_space<semaphore_mem>>) attributes {dimension_semantics = [#tpu.dimension_semantics<core_parallel>, #tpu.dimension_semantics<subcore_parallel>], iteration_bounds = array<i64: 2, 16>, scalar_prefetch = 0 : i64, scratch_operands = 6 : i64, tpu.core_type = #tpu.core_type<sc_vector_subcore>, window_params = [{transform_indices = #map}, {transform_indices = #map1}, {transform_indices = #map1}, {transform_indices = #map1}]} {
    %mul3A = arith.constant 16 : i32
    %mul3A_0 = arith.muli %arg0, %mul3A : i32
    %add3A = arith.addi %mul3A_0, %arg1 : i32
    %mul3A_1 = arith.constant 624 : i32
    %mul3A_2 = arith.muli %arg1, %mul3A_1 : i32
    "tpu.region"() ({
      %run_scoped3A = tpu.sem_alloc : memref<!tpu.dma_semaphore, #tpu.memory_space<semaphore_mem>>
      %dma_start3A_314 = arith.constant 0 : i32
      %dma_start3A_315 = tpu.memref_slice %arg6[%mul3A_2, %dma_start3A_314] : memref<10000x64xf32, #tpu.memory_space<vmem_shared>> -> memref<624x64xf32, #tpu.memory_space<vmem_shared>>
      %dma_start3A_316 = arith.constant 0 : i32
      %dma_start3A_317 = tpu.memref_slice %arg2[%mul3A_2, %dma_start3A_316] : memref<10000x64xf32, #tpu.memory_space<hbm>> -> memref<624x64xf32, #tpu.memory_space<hbm>>
      tpu.enqueue_dma source(%dma_start3A_317 : memref<624x64xf32, #tpu.memory_space<hbm>>) target(%dma_start3A_315 : memref<624x64xf32, #tpu.memory_space<vmem_shared>>) target_semaphore(%run_scoped3A : memref<!tpu.dma_semaphore, #tpu.memory_space<semaphore_mem>>)
      %dma_wait3A_318 = arith.constant 0 : i32
      %dma_wait3A_319 = tpu.memref_slice %arg6[%mul3A_2, %dma_wait3A_318] : memref<10000x64xf32, #tpu.memory_space<vmem_shared>> -> memref<624x64xf32, #tpu.memory_space<vmem_shared>>
      %dma_wait3A_320 = arith.constant 0 : i32
      %dma_wait3A_321 = tpu.memref_slice %arg2[%mul3A_2, %dma_wait3A_320] : memref<10000x64xf32, #tpu.memory_space<hbm>> -> memref<624x64xf32, #tpu.memory_space<hbm>>
      tpu.wait_dma2 semaphore(%run_scoped3A : memref<!tpu.dma_semaphore, #tpu.memory_space<semaphore_mem>>) src(%dma_wait3A_321 : memref<624x64xf32, #tpu.memory_space<hbm>>) dst(%dma_wait3A_319 : memref<624x64xf32, #tpu.memory_space<vmem_shared>>)
      tpu.yield
    }) : () -> ()
    %eq3A = arith.constant 0 : i32
    %eq3A_3 = arith.cmpi eq, %arg1, %eq3A : i32
    %convert_element_type3A = arith.extui %eq3A_3 : i1 to i32
    %cond3A = arith.constant 0 : i32
    %cond3A_4 = arith.cmpi ne, %convert_element_type3A, %cond3A : i32
    scf.if %cond3A_4 {
      "tpu.region"() ({
        %run_scoped3A = tpu.sem_alloc : memref<!tpu.dma_semaphore, #tpu.memory_space<semaphore_mem>>
        %dma_start3A_314 = arith.constant 9984 : i32
        %dma_start3A_315 = arith.constant 0 : i32
        %dma_start3A_316 = tpu.memref_slice %arg6[%dma_start3A_314, %dma_start3A_315] : memref<10000x64xf32, #tpu.memory_space<vmem_shared>> -> memref<16x64xf32, #tpu.memory_space<vmem_shared>>
        %dma_start3A_317 = arith.constant 9984 : i32
        %dma_start3A_318 = arith.constant 0 : i32
        %dma_start3A_319 = tpu.memref_slice %arg2[%dma_start3A_317, %dma_start3A_318] : memref<10000x64xf32, #tpu.memory_space<hbm>> -> memref<16x64xf32, #tpu.memory_space<hbm>>
        tpu.enqueue_dma source(%dma_start3A_319 : memref<16x64xf32, #tpu.memory_space<hbm>>) target(%dma_start3A_316 : memref<16x64xf32, #tpu.memory_space<vmem_shared>>) target_semaphore(%run_scoped3A : memref<!tpu.dma_semaphore, #tpu.memory_space<semaphore_mem>>)
        %dma_wait3A_320 = arith.constant 9984 : i32
        %dma_wait3A_321 = arith.constant 0 : i32
        %dma_wait3A_322 = tpu.memref_slice %arg6[%dma_wait3A_320, %dma_wait3A_321] : memref<10000x64xf32, #tpu.memory_space<vmem_shared>> -> memref<16x64xf32, #tpu.memory_space<vmem_shared>>
        %dma_wait3A_323 = arith.constant 9984 : i32
        %dma_wait3A_324 = arith.constant 0 : i32
        %dma_wait3A_325 = tpu.memref_slice %arg2[%dma_wait3A_323, %dma_wait3A_324] : memref<10000x64xf32, #tpu.memory_space<hbm>> -> memref<16x64xf32, #tpu.memory_space<hbm>>
        tpu.wait_dma2 semaphore(%run_scoped3A : memref<!tpu.dma_semaphore, #tpu.memory_space<semaphore_mem>>) src(%dma_wait3A_325 : memref<16x64xf32, #tpu.memory_space<hbm>>) dst(%dma_wait3A_322 : memref<16x64xf32, #tpu.memory_space<vmem_shared>>)
        tpu.yield
      }) : () -> ()
    } else {
    }
    "tpu.region"() ({
      %run_scoped3A = tpu.sem_alloc : memref<!tpu.dma_semaphore, #tpu.memory_space<semaphore_mem>>
      %dma_start3A_314 = arith.constant 0 : i32
      %dma_start3A_315 = arith.constant 0 : i32
      %dma_start3A_316 = tpu.memref_slice %arg3[%add3A, %dma_start3A_314, %dma_start3A_315] : memref<32x125x80xi32, #tpu.memory_space<hbm>> -> memref<1x125x80xi32, #tpu.memory_space<hbm>>
      %dma_start3A_317 = tpu.memref_squeeze %dma_start3A_316 : memref<1x125x80xi32, #tpu.memory_space<hbm>> -> memref<125x80xi32, #tpu.memory_space<hbm>>
      %dma_start3A_318 = arith.constant 0 : i32
      %dma_start3A_319 = arith.constant 0 : i32
      %dma_start3A_320 = tpu.memref_slice %arg3[%add3A, %dma_start3A_318, %dma_start3A_319] : memref<32x125x80xi32, #tpu.memory_space<hbm>> -> memref<1x125x80xi32, #tpu.memory_space<hbm>>
      %dma_start3A_321 = tpu.memref_squeeze %dma_start3A_320 : memref<1x125x80xi32, #tpu.memory_space<hbm>> -> memref<125x80xi32, #tpu.memory_space<hbm>>
      tpu.enqueue_dma source(%dma_start3A_321 : memref<125x80xi32, #tpu.memory_space<hbm>>) target(%arg7 : memref<125x80xi32, #tpu.memory_space<vmem>>) target_semaphore(%run_scoped3A : memref<!tpu.dma_semaphore, #tpu.memory_space<semaphore_mem>>)
      %dma_wait3A_322 = arith.constant 0 : i32
      %dma_wait3A_323 = arith.constant 0 : i32
      %dma_wait3A_324 = tpu.memref_slice %arg3[%add3A, %dma_wait3A_322, %dma_wait3A_323] : memref<32x125x80xi32, #tpu.memory_space<hbm>> -> memref<1x125x80xi32, #tpu.memory_space<hbm>>
      %dma_wait3A_325 = tpu.memref_squeeze %dma_wait3A_324 : memref<1x125x80xi32, #tpu.memory_space<hbm>> -> memref<125x80xi32, #tpu.memory_space<hbm>>
      %dma_wait3A_326 = arith.constant 0 : i32
      %dma_wait3A_327 = arith.constant 0 : i32
      %dma_wait3A_328 = tpu.memref_slice %arg3[%add3A, %dma_wait3A_326, %dma_wait3A_327] : memref<32x125x80xi32, #tpu.memory_space<hbm>> -> memref<1x125x80xi32, #tpu.memory_space<hbm>>
      %dma_wait3A_329 = tpu.memref_squeeze %dma_wait3A_328 : memref<1x125x80xi32, #tpu.memory_space<hbm>> -> memref<125x80xi32, #tpu.memory_space<hbm>>
      tpu.wait_dma2 semaphore(%run_scoped3A : memref<!tpu.dma_semaphore, #tpu.memory_space<semaphore_mem>>) src(%dma_wait3A_329 : memref<125x80xi32, #tpu.memory_space<hbm>>) dst(%arg7 : memref<125x80xi32, #tpu.memory_space<vmem>>)
      tpu.yield
    }) : () -> ()
    "tpu.region"() ({
      %run_scoped3A = tpu.sem_alloc : memref<!tpu.dma_semaphore, #tpu.memory_space<semaphore_mem>>
      %dma_start3A_314 = arith.constant 0 : i32
      %dma_start3A_315 = arith.constant 0 : i32
      %dma_start3A_316 = tpu.memref_slice %arg4[%add3A, %dma_start3A_314, %dma_start3A_315] : memref<32x125x80xi32, #tpu.memory_space<hbm>> -> memref<1x125x80xi32, #tpu.memory_space<hbm>>
      %dma_start3A_317 = tpu.memref_squeeze %dma_start3A_316 : memref<1x125x80xi32, #tpu.memory_space<hbm>> -> memref<125x80xi32, #tpu.memory_space<hbm>>
      %dma_start3A_318 = arith.constant 0 : i32
      %dma_start3A_319 = arith.constant 0 : i32
      %dma_start3A_320 = tpu.memref_slice %arg4[%add3A, %dma_start3A_318, %dma_start3A_319] : memref<32x125x80xi32, #tpu.memory_space<hbm>> -> memref<1x125x80xi32, #tpu.memory_space<hbm>>
      %dma_start3A_321 = tpu.memref_squeeze %dma_start3A_320 : memref<1x125x80xi32, #tpu.memory_space<hbm>> -> memref<125x80xi32, #tpu.memory_space<hbm>>
      tpu.enqueue_dma source(%dma_start3A_321 : memref<125x80xi32, #tpu.memory_space<hbm>>) target(%arg8 : memref<125x80xi32, #tpu.memory_space<vmem>>) target_semaphore(%run_scoped3A : memref<!tpu.dma_semaphore, #tpu.memory_space<semaphore_mem>>)
      %dma_wait3A_322 = arith.constant 0 : i32
      %dma_wait3A_323 = arith.constant 0 : i32
      %dma_wait3A_324 = tpu.memref_slice %arg4[%add3A, %dma_wait3A_322, %dma_wait3A_323] : memref<32x125x80xi32, #tpu.memory_space<hbm>> -> memref<1x125x80xi32, #tpu.memory_space<hbm>>
      %dma_wait3A_325 = tpu.memref_squeeze %dma_wait3A_324 : memref<1x125x80xi32, #tpu.memory_space<hbm>> -> memref<125x80xi32, #tpu.memory_space<hbm>>
      %dma_wait3A_326 = arith.constant 0 : i32
      %dma_wait3A_327 = arith.constant 0 : i32
      %dma_wait3A_328 = tpu.memref_slice %arg4[%add3A, %dma_wait3A_326, %dma_wait3A_327] : memref<32x125x80xi32, #tpu.memory_space<hbm>> -> memref<1x125x80xi32, #tpu.memory_space<hbm>>
      %dma_wait3A_329 = tpu.memref_squeeze %dma_wait3A_328 : memref<1x125x80xi32, #tpu.memory_space<hbm>> -> memref<125x80xi32, #tpu.memory_space<hbm>>
      tpu.wait_dma2 semaphore(%run_scoped3A : memref<!tpu.dma_semaphore, #tpu.memory_space<semaphore_mem>>) src(%dma_wait3A_329 : memref<125x80xi32, #tpu.memory_space<hbm>>) dst(%arg8 : memref<125x80xi32, #tpu.memory_space<vmem>>)
      tpu.yield
    }) : () -> ()
    %dma_start3A = arith.constant 0 : i32
    %dma_start3A_5 = arith.constant 0 : i32
    %dma_start3A_6 = arith.constant 0 : i32
    %dma_start3A_7 = arith.constant 0 : i32
    %dma_start3A_8 = arith.constant 0 : i32
    %dma_start3A_9 = tpu.memref_slice %arg9[%dma_start3A_5, %dma_start3A_7, %dma_start3A_8] : memref<5x80x64xf32, #tpu.memory_space<vmem>> -> memref<1x80x64xf32, #tpu.memory_space<vmem>>
    %dma_start3A_10 = tpu.memref_squeeze %dma_start3A_9 : memref<1x80x64xf32, #tpu.memory_space<vmem>> -> memref<80x64xf32, #tpu.memory_space<vmem>>
    %dma_start3A_11 = arith.constant 0 : i32
    %dma_start3A_12 = tpu.memref_slice %arg7[%dma_start3A, %dma_start3A_11] : memref<125x80xi32, #tpu.memory_space<vmem>> -> memref<1x80xi32, #tpu.memory_space<vmem>>
    %dma_start3A_13 = tpu.memref_squeeze %dma_start3A_12 : memref<1x80xi32, #tpu.memory_space<vmem>> -> memref<80xi32, #tpu.memory_space<vmem>>
    %dma_start3A_14 = arith.constant 0 : i32
    %dma_start3A_15 = arith.constant 0 : i32
    %dma_start3A_16 = tpu.memref_slice %arg2[%dma_start3A_14, %dma_start3A_15] : memref<10000x64xf32, #tpu.memory_space<hbm>> -> memref<10000x64xf32, #tpu.memory_space<hbm>>
    %dma_start3A_17 = tpu.memref_slice %arg10[%dma_start3A_6] : memref<5x!tpu.dma_semaphore, #tpu.memory_space<semaphore_mem>> -> memref<1x!tpu.dma_semaphore, #tpu.memory_space<semaphore_mem>>
    %dma_start3A_18 = tpu.memref_squeeze %dma_start3A_17 : memref<1x!tpu.dma_semaphore, #tpu.memory_space<semaphore_mem>> -> memref<!tpu.dma_semaphore, #tpu.memory_space<semaphore_mem>>
    tpu.enqueue_indirect_dma source(%dma_start3A_16 : memref<10000x64xf32, #tpu.memory_space<hbm>>) target(%dma_start3A_10 : memref<80x64xf32, #tpu.memory_space<vmem>>) offsets(%dma_start3A_13 : memref<80xi32, #tpu.memory_space<vmem>>) semaphore(%dma_start3A_18 : memref<!tpu.dma_semaphore, #tpu.memory_space<semaphore_mem>>)
    %dma_start3A_19 = arith.constant 1 : i32
    %dma_start3A_20 = arith.constant 1 : i32
    %dma_start3A_21 = arith.constant 1 : i32
    %dma_start3A_22 = arith.constant 0 : i32
    %dma_start3A_23 = arith.constant 0 : i32
    %dma_start3A_24 = tpu.memref_slice %arg9[%dma_start3A_20, %dma_start3A_22, %dma_start3A_23] : memref<5x80x64xf32, #tpu.memory_space<vmem>> -> memref<1x80x64xf32, #tpu.memory_space<vmem>>
    %dma_start3A_25 = tpu.memref_squeeze %dma_start3A_24 : memref<1x80x64xf32, #tpu.memory_space<vmem>> -> memref<80x64xf32, #tpu.memory_space<vmem>>
    %dma_start3A_26 = arith.constant 0 : i32
    %dma_start3A_27 = tpu.memref_slice %arg7[%dma_start3A_19, %dma_start3A_26] : memref<125x80xi32, #tpu.memory_space<vmem>> -> memref<1x80xi32, #tpu.memory_space<vmem>>
    %dma_start3A_28 = tpu.memref_squeeze %dma_start3A_27 : memref<1x80xi32, #tpu.memory_space<vmem>> -> memref<80xi32, #tpu.memory_space<vmem>>
    %dma_start3A_29 = arith.constant 0 : i32
    %dma_start3A_30 = arith.constant 0 : i32
    %dma_start3A_31 = tpu.memref_slice %arg2[%dma_start3A_29, %dma_start3A_30] : memref<10000x64xf32, #tpu.memory_space<hbm>> -> memref<10000x64xf32, #tpu.memory_space<hbm>>
    %dma_start3A_32 = tpu.memref_slice %arg10[%dma_start3A_21] : memref<5x!tpu.dma_semaphore, #tpu.memory_space<semaphore_mem>> -> memref<1x!tpu.dma_semaphore, #tpu.memory_space<semaphore_mem>>
    %dma_start3A_33 = tpu.memref_squeeze %dma_start3A_32 : memref<1x!tpu.dma_semaphore, #tpu.memory_space<semaphore_mem>> -> memref<!tpu.dma_semaphore, #tpu.memory_space<semaphore_mem>>
    tpu.enqueue_indirect_dma source(%dma_start3A_31 : memref<10000x64xf32, #tpu.memory_space<hbm>>) target(%dma_start3A_25 : memref<80x64xf32, #tpu.memory_space<vmem>>) offsets(%dma_start3A_28 : memref<80xi32, #tpu.memory_space<vmem>>) semaphore(%dma_start3A_33 : memref<!tpu.dma_semaphore, #tpu.memory_space<semaphore_mem>>)
    %dma_start3A_34 = arith.constant 2 : i32
    %dma_start3A_35 = arith.constant 2 : i32
    %dma_start3A_36 = arith.constant 2 : i32
    %dma_start3A_37 = arith.constant 0 : i32
    %dma_start3A_38 = arith.constant 0 : i32
    %dma_start3A_39 = tpu.memref_slice %arg9[%dma_start3A_35, %dma_start3A_37, %dma_start3A_38] : memref<5x80x64xf32, #tpu.memory_space<vmem>> -> memref<1x80x64xf32, #tpu.memory_space<vmem>>
    %dma_start3A_40 = tpu.memref_squeeze %dma_start3A_39 : memref<1x80x64xf32, #tpu.memory_space<vmem>> -> memref<80x64xf32, #tpu.memory_space<vmem>>
    %dma_start3A_41 = arith.constant 0 : i32
    %dma_start3A_42 = tpu.memref_slice %arg7[%dma_start3A_34, %dma_start3A_41] : memref<125x80xi32, #tpu.memory_space<vmem>> -> memref<1x80xi32, #tpu.memory_space<vmem>>
    %dma_start3A_43 = tpu.memref_squeeze %dma_start3A_42 : memref<1x80xi32, #tpu.memory_space<vmem>> -> memref<80xi32, #tpu.memory_space<vmem>>
    %dma_start3A_44 = arith.constant 0 : i32
    %dma_start3A_45 = arith.constant 0 : i32
    %dma_start3A_46 = tpu.memref_slice %arg2[%dma_start3A_44, %dma_start3A_45] : memref<10000x64xf32, #tpu.memory_space<hbm>> -> memref<10000x64xf32, #tpu.memory_space<hbm>>
    %dma_start3A_47 = tpu.memref_slice %arg10[%dma_start3A_36] : memref<5x!tpu.dma_semaphore, #tpu.memory_space<semaphore_mem>> -> memref<1x!tpu.dma_semaphore, #tpu.memory_space<semaphore_mem>>
    %dma_start3A_48 = tpu.memref_squeeze %dma_start3A_47 : memref<1x!tpu.dma_semaphore, #tpu.memory_space<semaphore_mem>> -> memref<!tpu.dma_semaphore, #tpu.memory_space<semaphore_mem>>
    tpu.enqueue_indirect_dma source(%dma_start3A_46 : memref<10000x64xf32, #tpu.memory_space<hbm>>) target(%dma_start3A_40 : memref<80x64xf32, #tpu.memory_space<vmem>>) offsets(%dma_start3A_43 : memref<80xi32, #tpu.memory_space<vmem>>) semaphore(%dma_start3A_48 : memref<!tpu.dma_semaphore, #tpu.memory_space<semaphore_mem>>)
    %dma_start3A_49 = arith.constant 3 : i32
    %dma_start3A_50 = arith.constant 3 : i32
    %dma_start3A_51 = arith.constant 3 : i32
    %dma_start3A_52 = arith.constant 0 : i32
    %dma_start3A_53 = arith.constant 0 : i32
    %dma_start3A_54 = tpu.memref_slice %arg9[%dma_start3A_50, %dma_start3A_52, %dma_start3A_53] : memref<5x80x64xf32, #tpu.memory_space<vmem>> -> memref<1x80x64xf32, #tpu.memory_space<vmem>>
    %dma_start3A_55 = tpu.memref_squeeze %dma_start3A_54 : memref<1x80x64xf32, #tpu.memory_space<vmem>> -> memref<80x64xf32, #tpu.memory_space<vmem>>
    %dma_start3A_56 = arith.constant 0 : i32
    %dma_start3A_57 = tpu.memref_slice %arg7[%dma_start3A_49, %dma_start3A_56] : memref<125x80xi32, #tpu.memory_space<vmem>> -> memref<1x80xi32, #tpu.memory_space<vmem>>
    %dma_start3A_58 = tpu.memref_squeeze %dma_start3A_57 : memref<1x80xi32, #tpu.memory_space<vmem>> -> memref<80xi32, #tpu.memory_space<vmem>>
    %dma_start3A_59 = arith.constant 0 : i32
    %dma_start3A_60 = arith.constant 0 : i32
    %dma_start3A_61 = tpu.memref_slice %arg2[%dma_start3A_59, %dma_start3A_60] : memref<10000x64xf32, #tpu.memory_space<hbm>> -> memref<10000x64xf32, #tpu.memory_space<hbm>>
    %dma_start3A_62 = tpu.memref_slice %arg10[%dma_start3A_51] : memref<5x!tpu.dma_semaphore, #tpu.memory_space<semaphore_mem>> -> memref<1x!tpu.dma_semaphore, #tpu.memory_space<semaphore_mem>>
    %dma_start3A_63 = tpu.memref_squeeze %dma_start3A_62 : memref<1x!tpu.dma_semaphore, #tpu.memory_space<semaphore_mem>> -> memref<!tpu.dma_semaphore, #tpu.memory_space<semaphore_mem>>
    tpu.enqueue_indirect_dma source(%dma_start3A_61 : memref<10000x64xf32, #tpu.memory_space<hbm>>) target(%dma_start3A_55 : memref<80x64xf32, #tpu.memory_space<vmem>>) offsets(%dma_start3A_58 : memref<80xi32, #tpu.memory_space<vmem>>) semaphore(%dma_start3A_63 : memref<!tpu.dma_semaphore, #tpu.memory_space<semaphore_mem>>)
    %dma_start3A_64 = arith.constant 4 : i32
    %dma_start3A_65 = arith.constant 4 : i32
    %dma_start3A_66 = arith.constant 4 : i32
    %dma_start3A_67 = arith.constant 0 : i32
    %dma_start3A_68 = arith.constant 0 : i32
    %dma_start3A_69 = tpu.memref_slice %arg9[%dma_start3A_65, %dma_start3A_67, %dma_start3A_68] : memref<5x80x64xf32, #tpu.memory_space<vmem>> -> memref<1x80x64xf32, #tpu.memory_space<vmem>>
    %dma_start3A_70 = tpu.memref_squeeze %dma_start3A_69 : memref<1x80x64xf32, #tpu.memory_space<vmem>> -> memref<80x64xf32, #tpu.memory_space<vmem>>
    %dma_start3A_71 = arith.constant 0 : i32
    %dma_start3A_72 = tpu.memref_slice %arg7[%dma_start3A_64, %dma_start3A_71] : memref<125x80xi32, #tpu.memory_space<vmem>> -> memref<1x80xi32, #tpu.memory_space<vmem>>
    %dma_start3A_73 = tpu.memref_squeeze %dma_start3A_72 : memref<1x80xi32, #tpu.memory_space<vmem>> -> memref<80xi32, #tpu.memory_space<vmem>>
    %dma_start3A_74 = arith.constant 0 : i32
    %dma_start3A_75 = arith.constant 0 : i32
    %dma_start3A_76 = tpu.memref_slice %arg2[%dma_start3A_74, %dma_start3A_75] : memref<10000x64xf32, #tpu.memory_space<hbm>> -> memref<10000x64xf32, #tpu.memory_space<hbm>>
    %dma_start3A_77 = tpu.memref_slice %arg10[%dma_start3A_66] : memref<5x!tpu.dma_semaphore, #tpu.memory_space<semaphore_mem>> -> memref<1x!tpu.dma_semaphore, #tpu.memory_space<semaphore_mem>>
    %dma_start3A_78 = tpu.memref_squeeze %dma_start3A_77 : memref<1x!tpu.dma_semaphore, #tpu.memory_space<semaphore_mem>> -> memref<!tpu.dma_semaphore, #tpu.memory_space<semaphore_mem>>
    tpu.enqueue_indirect_dma source(%dma_start3A_76 : memref<10000x64xf32, #tpu.memory_space<hbm>>) target(%dma_start3A_70 : memref<80x64xf32, #tpu.memory_space<vmem>>) offsets(%dma_start3A_73 : memref<80xi32, #tpu.memory_space<vmem>>) semaphore(%dma_start3A_78 : memref<!tpu.dma_semaphore, #tpu.memory_space<semaphore_mem>>)
    %barrier3A = arith.constant 0 : index
    tpu.barrier barrier_id(%barrier3A)
    %scan3A = arith.constant 0 : i32
    %scan3A_79 = arith.constant 0 : i32
    %scan3A_80 = arith.constant 24 : i32
    %scan3A_81 = arith.addi %scan3A_79, %scan3A_80 : i32
    %scan3A_82 = arith.constant 1 : i32
    scf.for %scan3A_314 = %scan3A_79 to %scan3A_81 step %scan3A_82  : i32 {
      %mul3A_315 = arith.constant 5 : i32
      %mul3A_316 = arith.muli %scan3A_314, %mul3A_315 : i32
      %add3A_317 = arith.constant 0 : i32
      %add3A_318 = arith.addi %mul3A_316, %add3A_317 : i32
      %dma_wait3A_319 = arith.constant 0 : i32
      %dma_wait3A_320 = arith.constant 0 : i32
      %dma_wait3A_321 = arith.constant 0 : i32
      %dma_wait3A_322 = arith.constant 0 : i32
      %dma_wait3A_323 = tpu.memref_slice %arg9[%dma_wait3A_319, %dma_wait3A_321, %dma_wait3A_322] : memref<5x80x64xf32, #tpu.memory_space<vmem>> -> memref<1x80x64xf32, #tpu.memory_space<vmem>>
      %dma_wait3A_324 = tpu.memref_squeeze %dma_wait3A_323 : memref<1x80x64xf32, #tpu.memory_space<vmem>> -> memref<80x64xf32, #tpu.memory_space<vmem>>
      %dma_wait3A_325 = arith.constant 0 : i32
      %dma_wait3A_326 = tpu.memref_slice %arg7[%add3A_318, %dma_wait3A_325] : memref<125x80xi32, #tpu.memory_space<vmem>> -> memref<1x80xi32, #tpu.memory_space<vmem>>
      %dma_wait3A_327 = tpu.memref_squeeze %dma_wait3A_326 : memref<1x80xi32, #tpu.memory_space<vmem>> -> memref<80xi32, #tpu.memory_space<vmem>>
      %dma_wait3A_328 = arith.constant 0 : i32
      %dma_wait3A_329 = arith.constant 0 : i32
      %dma_wait3A_330 = tpu.memref_slice %arg2[%dma_wait3A_328, %dma_wait3A_329] : memref<10000x64xf32, #tpu.memory_space<hbm>> -> memref<10000x64xf32, #tpu.memory_space<hbm>>
      %dma_wait3A_331 = tpu.memref_slice %arg10[%dma_wait3A_320] : memref<5x!tpu.dma_semaphore, #tpu.memory_space<semaphore_mem>> -> memref<1x!tpu.dma_semaphore, #tpu.memory_space<semaphore_mem>>
      %dma_wait3A_332 = tpu.memref_squeeze %dma_wait3A_331 : memref<1x!tpu.dma_semaphore, #tpu.memory_space<semaphore_mem>> -> memref<!tpu.dma_semaphore, #tpu.memory_space<semaphore_mem>>
      tpu.wait_indirect_dma semaphore(%dma_wait3A_332 : memref<!tpu.dma_semaphore, #tpu.memory_space<semaphore_mem>>) src(%dma_wait3A_330 : memref<10000x64xf32, #tpu.memory_space<hbm>>) dst(%dma_wait3A_324 : memref<80x64xf32, #tpu.memory_space<vmem>>)
      %dma_start3A_333 = arith.constant 0 : i32
      %dma_start3A_334 = arith.constant 0 : i32
      %dma_start3A_335 = arith.constant 0 : i32
      %dma_start3A_336 = arith.constant 0 : i32
      %dma_start3A_337 = tpu.memref_slice %arg9[%dma_start3A_333, %dma_start3A_335, %dma_start3A_336] : memref<5x80x64xf32, #tpu.memory_space<vmem>> -> memref<1x80x64xf32, #tpu.memory_space<vmem>>
      %dma_start3A_338 = tpu.memref_squeeze %dma_start3A_337 : memref<1x80x64xf32, #tpu.memory_space<vmem>> -> memref<80x64xf32, #tpu.memory_space<vmem>>
      %dma_start3A_339 = arith.constant 0 : i32
      %dma_start3A_340 = tpu.memref_slice %arg8[%add3A_318, %dma_start3A_339] : memref<125x80xi32, #tpu.memory_space<vmem>> -> memref<1x80xi32, #tpu.memory_space<vmem>>
      %dma_start3A_341 = tpu.memref_squeeze %dma_start3A_340 : memref<1x80xi32, #tpu.memory_space<vmem>> -> memref<80xi32, #tpu.memory_space<vmem>>
      %dma_start3A_342 = arith.constant 0 : i32
      %dma_start3A_343 = arith.constant 0 : i32
      %dma_start3A_344 = tpu.memref_slice %arg6[%dma_start3A_342, %dma_start3A_343] : memref<10000x64xf32, #tpu.memory_space<vmem_shared>> -> memref<10000x64xf32, #tpu.memory_space<vmem_shared>>
      %dma_start3A_345 = tpu.memref_slice %arg11[%dma_start3A_334] : memref<5x!tpu.dma_semaphore, #tpu.memory_space<semaphore_mem>> -> memref<1x!tpu.dma_semaphore, #tpu.memory_space<semaphore_mem>>
      %dma_start3A_346 = tpu.memref_squeeze %dma_start3A_345 : memref<1x!tpu.dma_semaphore, #tpu.memory_space<semaphore_mem>> -> memref<!tpu.dma_semaphore, #tpu.memory_space<semaphore_mem>>
      tpu.enqueue_indirect_dma source(%dma_start3A_338 : memref<80x64xf32, #tpu.memory_space<vmem>>) target(%dma_start3A_344 : memref<10000x64xf32, #tpu.memory_space<vmem_shared>>) offsets(%dma_start3A_341 : memref<80xi32, #tpu.memory_space<vmem>>) semaphore(%dma_start3A_346 : memref<!tpu.dma_semaphore, #tpu.memory_space<semaphore_mem>>) {add = true}
      %mul3A_347 = arith.constant 5 : i32
      %mul3A_348 = arith.muli %scan3A_314, %mul3A_347 : i32
      %add3A_349 = arith.constant 1 : i32
      %add3A_350 = arith.addi %mul3A_348, %add3A_349 : i32
      %dma_wait3A_351 = arith.constant 1 : i32
      %dma_wait3A_352 = arith.constant 1 : i32
      %dma_wait3A_353 = arith.constant 0 : i32
      %dma_wait3A_354 = arith.constant 0 : i32
      %dma_wait3A_355 = tpu.memref_slice %arg9[%dma_wait3A_351, %dma_wait3A_353, %dma_wait3A_354] : memref<5x80x64xf32, #tpu.memory_space<vmem>> -> memref<1x80x64xf32, #tpu.memory_space<vmem>>
      %dma_wait3A_356 = tpu.memref_squeeze %dma_wait3A_355 : memref<1x80x64xf32, #tpu.memory_space<vmem>> -> memref<80x64xf32, #tpu.memory_space<vmem>>
      %dma_wait3A_357 = arith.constant 0 : i32
      %dma_wait3A_358 = tpu.memref_slice %arg7[%add3A_350, %dma_wait3A_357] : memref<125x80xi32, #tpu.memory_space<vmem>> -> memref<1x80xi32, #tpu.memory_space<vmem>>
      %dma_wait3A_359 = tpu.memref_squeeze %dma_wait3A_358 : memref<1x80xi32, #tpu.memory_space<vmem>> -> memref<80xi32, #tpu.memory_space<vmem>>
      %dma_wait3A_360 = arith.constant 0 : i32
      %dma_wait3A_361 = arith.constant 0 : i32
      %dma_wait3A_362 = tpu.memref_slice %arg2[%dma_wait3A_360, %dma_wait3A_361] : memref<10000x64xf32, #tpu.memory_space<hbm>> -> memref<10000x64xf32, #tpu.memory_space<hbm>>
      %dma_wait3A_363 = tpu.memref_slice %arg10[%dma_wait3A_352] : memref<5x!tpu.dma_semaphore, #tpu.memory_space<semaphore_mem>> -> memref<1x!tpu.dma_semaphore, #tpu.memory_space<semaphore_mem>>
      %dma_wait3A_364 = tpu.memref_squeeze %dma_wait3A_363 : memref<1x!tpu.dma_semaphore, #tpu.memory_space<semaphore_mem>> -> memref<!tpu.dma_semaphore, #tpu.memory_space<semaphore_mem>>
      tpu.wait_indirect_dma semaphore(%dma_wait3A_364 : memref<!tpu.dma_semaphore, #tpu.memory_space<semaphore_mem>>) src(%dma_wait3A_362 : memref<10000x64xf32, #tpu.memory_space<hbm>>) dst(%dma_wait3A_356 : memref<80x64xf32, #tpu.memory_space<vmem>>)
      %dma_start3A_365 = arith.constant 1 : i32
      %dma_start3A_366 = arith.constant 1 : i32
      %dma_start3A_367 = arith.constant 0 : i32
      %dma_start3A_368 = arith.constant 0 : i32
      %dma_start3A_369 = tpu.memref_slice %arg9[%dma_start3A_365, %dma_start3A_367, %dma_start3A_368] : memref<5x80x64xf32, #tpu.memory_space<vmem>> -> memref<1x80x64xf32, #tpu.memory_space<vmem>>
      %dma_start3A_370 = tpu.memref_squeeze %dma_start3A_369 : memref<1x80x64xf32, #tpu.memory_space<vmem>> -> memref<80x64xf32, #tpu.memory_space<vmem>>
      %dma_start3A_371 = arith.constant 0 : i32
      %dma_start3A_372 = tpu.memref_slice %arg8[%add3A_350, %dma_start3A_371] : memref<125x80xi32, #tpu.memory_space<vmem>> -> memref<1x80xi32, #tpu.memory_space<vmem>>
      %dma_start3A_373 = tpu.memref_squeeze %dma_start3A_372 : memref<1x80xi32, #tpu.memory_space<vmem>> -> memref<80xi32, #tpu.memory_space<vmem>>
      %dma_start3A_374 = arith.constant 0 : i32
      %dma_start3A_375 = arith.constant 0 : i32
      %dma_start3A_376 = tpu.memref_slice %arg6[%dma_start3A_374, %dma_start3A_375] : memref<10000x64xf32, #tpu.memory_space<vmem_shared>> -> memref<10000x64xf32, #tpu.memory_space<vmem_shared>>
      %dma_start3A_377 = tpu.memref_slice %arg11[%dma_start3A_366] : memref<5x!tpu.dma_semaphore, #tpu.memory_space<semaphore_mem>> -> memref<1x!tpu.dma_semaphore, #tpu.memory_space<semaphore_mem>>
      %dma_start3A_378 = tpu.memref_squeeze %dma_start3A_377 : memref<1x!tpu.dma_semaphore, #tpu.memory_space<semaphore_mem>> -> memref<!tpu.dma_semaphore, #tpu.memory_space<semaphore_mem>>
      tpu.enqueue_indirect_dma source(%dma_start3A_370 : memref<80x64xf32, #tpu.memory_space<vmem>>) target(%dma_start3A_376 : memref<10000x64xf32, #tpu.memory_space<vmem_shared>>) offsets(%dma_start3A_373 : memref<80xi32, #tpu.memory_space<vmem>>) semaphore(%dma_start3A_378 : memref<!tpu.dma_semaphore, #tpu.memory_space<semaphore_mem>>) {add = true}
      %mul3A_379 = arith.constant 5 : i32
      %mul3A_380 = arith.muli %scan3A_314, %mul3A_379 : i32
      %add3A_381 = arith.constant 2 : i32
      %add3A_382 = arith.addi %mul3A_380, %add3A_381 : i32
      %dma_wait3A_383 = arith.constant 2 : i32
      %dma_wait3A_384 = arith.constant 2 : i32
      %dma_wait3A_385 = arith.constant 0 : i32
      %dma_wait3A_386 = arith.constant 0 : i32
      %dma_wait3A_387 = tpu.memref_slice %arg9[%dma_wait3A_383, %dma_wait3A_385, %dma_wait3A_386] : memref<5x80x64xf32, #tpu.memory_space<vmem>> -> memref<1x80x64xf32, #tpu.memory_space<vmem>>
      %dma_wait3A_388 = tpu.memref_squeeze %dma_wait3A_387 : memref<1x80x64xf32, #tpu.memory_space<vmem>> -> memref<80x64xf32, #tpu.memory_space<vmem>>
      %dma_wait3A_389 = arith.constant 0 : i32
      %dma_wait3A_390 = tpu.memref_slice %arg7[%add3A_382, %dma_wait3A_389] : memref<125x80xi32, #tpu.memory_space<vmem>> -> memref<1x80xi32, #tpu.memory_space<vmem>>
      %dma_wait3A_391 = tpu.memref_squeeze %dma_wait3A_390 : memref<1x80xi32, #tpu.memory_space<vmem>> -> memref<80xi32, #tpu.memory_space<vmem>>
      %dma_wait3A_392 = arith.constant 0 : i32
      %dma_wait3A_393 = arith.constant 0 : i32
      %dma_wait3A_394 = tpu.memref_slice %arg2[%dma_wait3A_392, %dma_wait3A_393] : memref<10000x64xf32, #tpu.memory_space<hbm>> -> memref<10000x64xf32, #tpu.memory_space<hbm>>
      %dma_wait3A_395 = tpu.memref_slice %arg10[%dma_wait3A_384] : memref<5x!tpu.dma_semaphore, #tpu.memory_space<semaphore_mem>> -> memref<1x!tpu.dma_semaphore, #tpu.memory_space<semaphore_mem>>
      %dma_wait3A_396 = tpu.memref_squeeze %dma_wait3A_395 : memref<1x!tpu.dma_semaphore, #tpu.memory_space<semaphore_mem>> -> memref<!tpu.dma_semaphore, #tpu.memory_space<semaphore_mem>>
      tpu.wait_indirect_dma semaphore(%dma_wait3A_396 : memref<!tpu.dma_semaphore, #tpu.memory_space<semaphore_mem>>) src(%dma_wait3A_394 : memref<10000x64xf32, #tpu.memory_space<hbm>>) dst(%dma_wait3A_388 : memref<80x64xf32, #tpu.memory_space<vmem>>)
      %dma_start3A_397 = arith.constant 2 : i32
      %dma_start3A_398 = arith.constant 2 : i32
      %dma_start3A_399 = arith.constant 0 : i32
      %dma_start3A_400 = arith.constant 0 : i32
      %dma_start3A_401 = tpu.memref_slice %arg9[%dma_start3A_397, %dma_start3A_399, %dma_start3A_400] : memref<5x80x64xf32, #tpu.memory_space<vmem>> -> memref<1x80x64xf32, #tpu.memory_space<vmem>>
      %dma_start3A_402 = tpu.memref_squeeze %dma_start3A_401 : memref<1x80x64xf32, #tpu.memory_space<vmem>> -> memref<80x64xf32, #tpu.memory_space<vmem>>
      %dma_start3A_403 = arith.constant 0 : i32
      %dma_start3A_404 = tpu.memref_slice %arg8[%add3A_382, %dma_start3A_403] : memref<125x80xi32, #tpu.memory_space<vmem>> -> memref<1x80xi32, #tpu.memory_space<vmem>>
      %dma_start3A_405 = tpu.memref_squeeze %dma_start3A_404 : memref<1x80xi32, #tpu.memory_space<vmem>> -> memref<80xi32, #tpu.memory_space<vmem>>
      %dma_start3A_406 = arith.constant 0 : i32
      %dma_start3A_407 = arith.constant 0 : i32
      %dma_start3A_408 = tpu.memref_slice %arg6[%dma_start3A_406, %dma_start3A_407] : memref<10000x64xf32, #tpu.memory_space<vmem_shared>> -> memref<10000x64xf32, #tpu.memory_space<vmem_shared>>
      %dma_start3A_409 = tpu.memref_slice %arg11[%dma_start3A_398] : memref<5x!tpu.dma_semaphore, #tpu.memory_space<semaphore_mem>> -> memref<1x!tpu.dma_semaphore, #tpu.memory_space<semaphore_mem>>
      %dma_start3A_410 = tpu.memref_squeeze %dma_start3A_409 : memref<1x!tpu.dma_semaphore, #tpu.memory_space<semaphore_mem>> -> memref<!tpu.dma_semaphore, #tpu.memory_space<semaphore_mem>>
      tpu.enqueue_indirect_dma source(%dma_start3A_402 : memref<80x64xf32, #tpu.memory_space<vmem>>) target(%dma_start3A_408 : memref<10000x64xf32, #tpu.memory_space<vmem_shared>>) offsets(%dma_start3A_405 : memref<80xi32, #tpu.memory_space<vmem>>) semaphore(%dma_start3A_410 : memref<!tpu.dma_semaphore, #tpu.memory_space<semaphore_mem>>) {add = true}
      %mul3A_411 = arith.constant 5 : i32
      %mul3A_412 = arith.muli %scan3A_314, %mul3A_411 : i32
      %add3A_413 = arith.constant 3 : i32
      %add3A_414 = arith.addi %mul3A_412, %add3A_413 : i32
      %dma_wait3A_415 = arith.constant 3 : i32
      %dma_wait3A_416 = arith.constant 3 : i32
      %dma_wait3A_417 = arith.constant 0 : i32
      %dma_wait3A_418 = arith.constant 0 : i32
      %dma_wait3A_419 = tpu.memref_slice %arg9[%dma_wait3A_415, %dma_wait3A_417, %dma_wait3A_418] : memref<5x80x64xf32, #tpu.memory_space<vmem>> -> memref<1x80x64xf32, #tpu.memory_space<vmem>>
      %dma_wait3A_420 = tpu.memref_squeeze %dma_wait3A_419 : memref<1x80x64xf32, #tpu.memory_space<vmem>> -> memref<80x64xf32, #tpu.memory_space<vmem>>
      %dma_wait3A_421 = arith.constant 0 : i32
      %dma_wait3A_422 = tpu.memref_slice %arg7[%add3A_414, %dma_wait3A_421] : memref<125x80xi32, #tpu.memory_space<vmem>> -> memref<1x80xi32, #tpu.memory_space<vmem>>
      %dma_wait3A_423 = tpu.memref_squeeze %dma_wait3A_422 : memref<1x80xi32, #tpu.memory_space<vmem>> -> memref<80xi32, #tpu.memory_space<vmem>>
      %dma_wait3A_424 = arith.constant 0 : i32
      %dma_wait3A_425 = arith.constant 0 : i32
      %dma_wait3A_426 = tpu.memref_slice %arg2[%dma_wait3A_424, %dma_wait3A_425] : memref<10000x64xf32, #tpu.memory_space<hbm>> -> memref<10000x64xf32, #tpu.memory_space<hbm>>
      %dma_wait3A_427 = tpu.memref_slice %arg10[%dma_wait3A_416] : memref<5x!tpu.dma_semaphore, #tpu.memory_space<semaphore_mem>> -> memref<1x!tpu.dma_semaphore, #tpu.memory_space<semaphore_mem>>
      %dma_wait3A_428 = tpu.memref_squeeze %dma_wait3A_427 : memref<1x!tpu.dma_semaphore, #tpu.memory_space<semaphore_mem>> -> memref<!tpu.dma_semaphore, #tpu.memory_space<semaphore_mem>>
      tpu.wait_indirect_dma semaphore(%dma_wait3A_428 : memref<!tpu.dma_semaphore, #tpu.memory_space<semaphore_mem>>) src(%dma_wait3A_426 : memref<10000x64xf32, #tpu.memory_space<hbm>>) dst(%dma_wait3A_420 : memref<80x64xf32, #tpu.memory_space<vmem>>)
      %dma_start3A_429 = arith.constant 3 : i32
      %dma_start3A_430 = arith.constant 3 : i32
      %dma_start3A_431 = arith.constant 0 : i32
      %dma_start3A_432 = arith.constant 0 : i32
      %dma_start3A_433 = tpu.memref_slice %arg9[%dma_start3A_429, %dma_start3A_431, %dma_start3A_432] : memref<5x80x64xf32, #tpu.memory_space<vmem>> -> memref<1x80x64xf32, #tpu.memory_space<vmem>>
      %dma_start3A_434 = tpu.memref_squeeze %dma_start3A_433 : memref<1x80x64xf32, #tpu.memory_space<vmem>> -> memref<80x64xf32, #tpu.memory_space<vmem>>
      %dma_start3A_435 = arith.constant 0 : i32
      %dma_start3A_436 = tpu.memref_slice %arg8[%add3A_414, %dma_start3A_435] : memref<125x80xi32, #tpu.memory_space<vmem>> -> memref<1x80xi32, #tpu.memory_space<vmem>>
      %dma_start3A_437 = tpu.memref_squeeze %dma_start3A_436 : memref<1x80xi32, #tpu.memory_space<vmem>> -> memref<80xi32, #tpu.memory_space<vmem>>
      %dma_start3A_438 = arith.constant 0 : i32
      %dma_start3A_439 = arith.constant 0 : i32
      %dma_start3A_440 = tpu.memref_slice %arg6[%dma_start3A_438, %dma_start3A_439] : memref<10000x64xf32, #tpu.memory_space<vmem_shared>> -> memref<10000x64xf32, #tpu.memory_space<vmem_shared>>
      %dma_start3A_441 = tpu.memref_slice %arg11[%dma_start3A_430] : memref<5x!tpu.dma_semaphore, #tpu.memory_space<semaphore_mem>> -> memref<1x!tpu.dma_semaphore, #tpu.memory_space<semaphore_mem>>
      %dma_start3A_442 = tpu.memref_squeeze %dma_start3A_441 : memref<1x!tpu.dma_semaphore, #tpu.memory_space<semaphore_mem>> -> memref<!tpu.dma_semaphore, #tpu.memory_space<semaphore_mem>>
      tpu.enqueue_indirect_dma source(%dma_start3A_434 : memref<80x64xf32, #tpu.memory_space<vmem>>) target(%dma_start3A_440 : memref<10000x64xf32, #tpu.memory_space<vmem_shared>>) offsets(%dma_start3A_437 : memref<80xi32, #tpu.memory_space<vmem>>) semaphore(%dma_start3A_442 : memref<!tpu.dma_semaphore, #tpu.memory_space<semaphore_mem>>) {add = true}
      %mul3A_443 = arith.constant 5 : i32
      %mul3A_444 = arith.muli %scan3A_314, %mul3A_443 : i32
      %add3A_445 = arith.constant 4 : i32
      %add3A_446 = arith.addi %mul3A_444, %add3A_445 : i32
      %dma_wait3A_447 = arith.constant 4 : i32
      %dma_wait3A_448 = arith.constant 4 : i32
      %dma_wait3A_449 = arith.constant 0 : i32
      %dma_wait3A_450 = arith.constant 0 : i32
      %dma_wait3A_451 = tpu.memref_slice %arg9[%dma_wait3A_447, %dma_wait3A_449, %dma_wait3A_450] : memref<5x80x64xf32, #tpu.memory_space<vmem>> -> memref<1x80x64xf32, #tpu.memory_space<vmem>>
      %dma_wait3A_452 = tpu.memref_squeeze %dma_wait3A_451 : memref<1x80x64xf32, #tpu.memory_space<vmem>> -> memref<80x64xf32, #tpu.memory_space<vmem>>
      %dma_wait3A_453 = arith.constant 0 : i32
      %dma_wait3A_454 = tpu.memref_slice %arg7[%add3A_446, %dma_wait3A_453] : memref<125x80xi32, #tpu.memory_space<vmem>> -> memref<1x80xi32, #tpu.memory_space<vmem>>
      %dma_wait3A_455 = tpu.memref_squeeze %dma_wait3A_454 : memref<1x80xi32, #tpu.memory_space<vmem>> -> memref<80xi32, #tpu.memory_space<vmem>>
      %dma_wait3A_456 = arith.constant 0 : i32
      %dma_wait3A_457 = arith.constant 0 : i32
      %dma_wait3A_458 = tpu.memref_slice %arg2[%dma_wait3A_456, %dma_wait3A_457] : memref<10000x64xf32, #tpu.memory_space<hbm>> -> memref<10000x64xf32, #tpu.memory_space<hbm>>
      %dma_wait3A_459 = tpu.memref_slice %arg10[%dma_wait3A_448] : memref<5x!tpu.dma_semaphore, #tpu.memory_space<semaphore_mem>> -> memref<1x!tpu.dma_semaphore, #tpu.memory_space<semaphore_mem>>
      %dma_wait3A_460 = tpu.memref_squeeze %dma_wait3A_459 : memref<1x!tpu.dma_semaphore, #tpu.memory_space<semaphore_mem>> -> memref<!tpu.dma_semaphore, #tpu.memory_space<semaphore_mem>>
      tpu.wait_indirect_dma semaphore(%dma_wait3A_460 : memref<!tpu.dma_semaphore, #tpu.memory_space<semaphore_mem>>) src(%dma_wait3A_458 : memref<10000x64xf32, #tpu.memory_space<hbm>>) dst(%dma_wait3A_452 : memref<80x64xf32, #tpu.memory_space<vmem>>)
      %dma_start3A_461 = arith.constant 4 : i32
      %dma_start3A_462 = arith.constant 4 : i32
      %dma_start3A_463 = arith.constant 0 : i32
      %dma_start3A_464 = arith.constant 0 : i32
      %dma_start3A_465 = tpu.memref_slice %arg9[%dma_start3A_461, %dma_start3A_463, %dma_start3A_464] : memref<5x80x64xf32, #tpu.memory_space<vmem>> -> memref<1x80x64xf32, #tpu.memory_space<vmem>>
      %dma_start3A_466 = tpu.memref_squeeze %dma_start3A_465 : memref<1x80x64xf32, #tpu.memory_space<vmem>> -> memref<80x64xf32, #tpu.memory_space<vmem>>
      %dma_start3A_467 = arith.constant 0 : i32
      %dma_start3A_468 = tpu.memref_slice %arg8[%add3A_446, %dma_start3A_467] : memref<125x80xi32, #tpu.memory_space<vmem>> -> memref<1x80xi32, #tpu.memory_space<vmem>>
      %dma_start3A_469 = tpu.memref_squeeze %dma_start3A_468 : memref<1x80xi32, #tpu.memory_space<vmem>> -> memref<80xi32, #tpu.memory_space<vmem>>
      %dma_start3A_470 = arith.constant 0 : i32
      %dma_start3A_471 = arith.constant 0 : i32
      %dma_start3A_472 = tpu.memref_slice %arg6[%dma_start3A_470, %dma_start3A_471] : memref<10000x64xf32, #tpu.memory_space<vmem_shared>> -> memref<10000x64xf32, #tpu.memory_space<vmem_shared>>
      %dma_start3A_473 = tpu.memref_slice %arg11[%dma_start3A_462] : memref<5x!tpu.dma_semaphore, #tpu.memory_space<semaphore_mem>> -> memref<1x!tpu.dma_semaphore, #tpu.memory_space<semaphore_mem>>
      %dma_start3A_474 = tpu.memref_squeeze %dma_start3A_473 : memref<1x!tpu.dma_semaphore, #tpu.memory_space<semaphore_mem>> -> memref<!tpu.dma_semaphore, #tpu.memory_space<semaphore_mem>>
      tpu.enqueue_indirect_dma source(%dma_start3A_466 : memref<80x64xf32, #tpu.memory_space<vmem>>) target(%dma_start3A_472 : memref<10000x64xf32, #tpu.memory_space<vmem_shared>>) offsets(%dma_start3A_469 : memref<80xi32, #tpu.memory_space<vmem>>) semaphore(%dma_start3A_474 : memref<!tpu.dma_semaphore, #tpu.memory_space<semaphore_mem>>) {add = true}
      %dma_wait3A_475 = arith.constant 0 : i32
      %dma_wait3A_476 = arith.constant 0 : i32
      %dma_wait3A_477 = arith.constant 0 : i32
      %dma_wait3A_478 = arith.constant 0 : i32
      %dma_wait3A_479 = tpu.memref_slice %arg9[%dma_wait3A_475, %dma_wait3A_477, %dma_wait3A_478] : memref<5x80x64xf32, #tpu.memory_space<vmem>> -> memref<1x80x64xf32, #tpu.memory_space<vmem>>
      %dma_wait3A_480 = tpu.memref_squeeze %dma_wait3A_479 : memref<1x80x64xf32, #tpu.memory_space<vmem>> -> memref<80x64xf32, #tpu.memory_space<vmem>>
      %dma_wait3A_481 = arith.constant 0 : i32
      %dma_wait3A_482 = tpu.memref_slice %arg8[%add3A_318, %dma_wait3A_481] : memref<125x80xi32, #tpu.memory_space<vmem>> -> memref<1x80xi32, #tpu.memory_space<vmem>>
      %dma_wait3A_483 = tpu.memref_squeeze %dma_wait3A_482 : memref<1x80xi32, #tpu.memory_space<vmem>> -> memref<80xi32, #tpu.memory_space<vmem>>
      %dma_wait3A_484 = arith.constant 0 : i32
      %dma_wait3A_485 = arith.constant 0 : i32
      %dma_wait3A_486 = tpu.memref_slice %arg6[%dma_wait3A_484, %dma_wait3A_485] : memref<10000x64xf32, #tpu.memory_space<vmem_shared>> -> memref<10000x64xf32, #tpu.memory_space<vmem_shared>>
      %dma_wait3A_487 = tpu.memref_slice %arg11[%dma_wait3A_476] : memref<5x!tpu.dma_semaphore, #tpu.memory_space<semaphore_mem>> -> memref<1x!tpu.dma_semaphore, #tpu.memory_space<semaphore_mem>>
      %dma_wait3A_488 = tpu.memref_squeeze %dma_wait3A_487 : memref<1x!tpu.dma_semaphore, #tpu.memory_space<semaphore_mem>> -> memref<!tpu.dma_semaphore, #tpu.memory_space<semaphore_mem>>
      tpu.wait_indirect_dma semaphore(%dma_wait3A_488 : memref<!tpu.dma_semaphore, #tpu.memory_space<semaphore_mem>>) src(%dma_wait3A_480 : memref<80x64xf32, #tpu.memory_space<vmem>>) dst(%dma_wait3A_486 : memref<10000x64xf32, #tpu.memory_space<vmem_shared>>)
      %add3A_489 = arith.constant 1 : i32
      %add3A_490 = arith.addi %scan3A_314, %add3A_489 : i32
      %mul3A_491 = arith.constant 5 : i32
      %mul3A_492 = arith.muli %add3A_490, %mul3A_491 : i32
      %add3A_493 = arith.constant 0 : i32
      %add3A_494 = arith.addi %mul3A_492, %add3A_493 : i32
      %dma_start3A_495 = arith.constant 0 : i32
      %dma_start3A_496 = arith.constant 0 : i32
      %dma_start3A_497 = arith.constant 0 : i32
      %dma_start3A_498 = arith.constant 0 : i32
      %dma_start3A_499 = tpu.memref_slice %arg9[%dma_start3A_495, %dma_start3A_497, %dma_start3A_498] : memref<5x80x64xf32, #tpu.memory_space<vmem>> -> memref<1x80x64xf32, #tpu.memory_space<vmem>>
      %dma_start3A_500 = tpu.memref_squeeze %dma_start3A_499 : memref<1x80x64xf32, #tpu.memory_space<vmem>> -> memref<80x64xf32, #tpu.memory_space<vmem>>
      %dma_start3A_501 = arith.constant 0 : i32
      %dma_start3A_502 = tpu.memref_slice %arg7[%add3A_494, %dma_start3A_501] : memref<125x80xi32, #tpu.memory_space<vmem>> -> memref<1x80xi32, #tpu.memory_space<vmem>>
      %dma_start3A_503 = tpu.memref_squeeze %dma_start3A_502 : memref<1x80xi32, #tpu.memory_space<vmem>> -> memref<80xi32, #tpu.memory_space<vmem>>
      %dma_start3A_504 = arith.constant 0 : i32
      %dma_start3A_505 = arith.constant 0 : i32
      %dma_start3A_506 = tpu.memref_slice %arg2[%dma_start3A_504, %dma_start3A_505] : memref<10000x64xf32, #tpu.memory_space<hbm>> -> memref<10000x64xf32, #tpu.memory_space<hbm>>
      %dma_start3A_507 = tpu.memref_slice %arg10[%dma_start3A_496] : memref<5x!tpu.dma_semaphore, #tpu.memory_space<semaphore_mem>> -> memref<1x!tpu.dma_semaphore, #tpu.memory_space<semaphore_mem>>
      %dma_start3A_508 = tpu.memref_squeeze %dma_start3A_507 : memref<1x!tpu.dma_semaphore, #tpu.memory_space<semaphore_mem>> -> memref<!tpu.dma_semaphore, #tpu.memory_space<semaphore_mem>>
      tpu.enqueue_indirect_dma source(%dma_start3A_506 : memref<10000x64xf32, #tpu.memory_space<hbm>>) target(%dma_start3A_500 : memref<80x64xf32, #tpu.memory_space<vmem>>) offsets(%dma_start3A_503 : memref<80xi32, #tpu.memory_space<vmem>>) semaphore(%dma_start3A_508 : memref<!tpu.dma_semaphore, #tpu.memory_space<semaphore_mem>>)
      %dma_wait3A_509 = arith.constant 1 : i32
      %dma_wait3A_510 = arith.constant 1 : i32
      %dma_wait3A_511 = arith.constant 0 : i32
      %dma_wait3A_512 = arith.constant 0 : i32
      %dma_wait3A_513 = tpu.memref_slice %arg9[%dma_wait3A_509, %dma_wait3A_511, %dma_wait3A_512] : memref<5x80x64xf32, #tpu.memory_space<vmem>> -> memref<1x80x64xf32, #tpu.memory_space<vmem>>
      %dma_wait3A_514 = tpu.memref_squeeze %dma_wait3A_513 : memref<1x80x64xf32, #tpu.memory_space<vmem>> -> memref<80x64xf32, #tpu.memory_space<vmem>>
      %dma_wait3A_515 = arith.constant 0 : i32
      %dma_wait3A_516 = tpu.memref_slice %arg8[%add3A_350, %dma_wait3A_515] : memref<125x80xi32, #tpu.memory_space<vmem>> -> memref<1x80xi32, #tpu.memory_space<vmem>>
      %dma_wait3A_517 = tpu.memref_squeeze %dma_wait3A_516 : memref<1x80xi32, #tpu.memory_space<vmem>> -> memref<80xi32, #tpu.memory_space<vmem>>
      %dma_wait3A_518 = arith.constant 0 : i32
      %dma_wait3A_519 = arith.constant 0 : i32
      %dma_wait3A_520 = tpu.memref_slice %arg6[%dma_wait3A_518, %dma_wait3A_519] : memref<10000x64xf32, #tpu.memory_space<vmem_shared>> -> memref<10000x64xf32, #tpu.memory_space<vmem_shared>>
      %dma_wait3A_521 = tpu.memref_slice %arg11[%dma_wait3A_510] : memref<5x!tpu.dma_semaphore, #tpu.memory_space<semaphore_mem>> -> memref<1x!tpu.dma_semaphore, #tpu.memory_space<semaphore_mem>>
      %dma_wait3A_522 = tpu.memref_squeeze %dma_wait3A_521 : memref<1x!tpu.dma_semaphore, #tpu.memory_space<semaphore_mem>> -> memref<!tpu.dma_semaphore, #tpu.memory_space<semaphore_mem>>
      tpu.wait_indirect_dma semaphore(%dma_wait3A_522 : memref<!tpu.dma_semaphore, #tpu.memory_space<semaphore_mem>>) src(%dma_wait3A_514 : memref<80x64xf32, #tpu.memory_space<vmem>>) dst(%dma_wait3A_520 : memref<10000x64xf32, #tpu.memory_space<vmem_shared>>)
      %add3A_523 = arith.constant 1 : i32
      %add3A_524 = arith.addi %scan3A_314, %add3A_523 : i32
      %mul3A_525 = arith.constant 5 : i32
      %mul3A_526 = arith.muli %add3A_524, %mul3A_525 : i32
      %add3A_527 = arith.constant 1 : i32
      %add3A_528 = arith.addi %mul3A_526, %add3A_527 : i32
      %dma_start3A_529 = arith.constant 1 : i32
      %dma_start3A_530 = arith.constant 1 : i32
      %dma_start3A_531 = arith.constant 0 : i32
      %dma_start3A_532 = arith.constant 0 : i32
      %dma_start3A_533 = tpu.memref_slice %arg9[%dma_start3A_529, %dma_start3A_531, %dma_start3A_532] : memref<5x80x64xf32, #tpu.memory_space<vmem>> -> memref<1x80x64xf32, #tpu.memory_space<vmem>>
      %dma_start3A_534 = tpu.memref_squeeze %dma_start3A_533 : memref<1x80x64xf32, #tpu.memory_space<vmem>> -> memref<80x64xf32, #tpu.memory_space<vmem>>
      %dma_start3A_535 = arith.constant 0 : i32
      %dma_start3A_536 = tpu.memref_slice %arg7[%add3A_528, %dma_start3A_535] : memref<125x80xi32, #tpu.memory_space<vmem>> -> memref<1x80xi32, #tpu.memory_space<vmem>>
      %dma_start3A_537 = tpu.memref_squeeze %dma_start3A_536 : memref<1x80xi32, #tpu.memory_space<vmem>> -> memref<80xi32, #tpu.memory_space<vmem>>
      %dma_start3A_538 = arith.constant 0 : i32
      %dma_start3A_539 = arith.constant 0 : i32
      %dma_start3A_540 = tpu.memref_slice %arg2[%dma_start3A_538, %dma_start3A_539] : memref<10000x64xf32, #tpu.memory_space<hbm>> -> memref<10000x64xf32, #tpu.memory_space<hbm>>
      %dma_start3A_541 = tpu.memref_slice %arg10[%dma_start3A_530] : memref<5x!tpu.dma_semaphore, #tpu.memory_space<semaphore_mem>> -> memref<1x!tpu.dma_semaphore, #tpu.memory_space<semaphore_mem>>
      %dma_start3A_542 = tpu.memref_squeeze %dma_start3A_541 : memref<1x!tpu.dma_semaphore, #tpu.memory_space<semaphore_mem>> -> memref<!tpu.dma_semaphore, #tpu.memory_space<semaphore_mem>>
      tpu.enqueue_indirect_dma source(%dma_start3A_540 : memref<10000x64xf32, #tpu.memory_space<hbm>>) target(%dma_start3A_534 : memref<80x64xf32, #tpu.memory_space<vmem>>) offsets(%dma_start3A_537 : memref<80xi32, #tpu.memory_space<vmem>>) semaphore(%dma_start3A_542 : memref<!tpu.dma_semaphore, #tpu.memory_space<semaphore_mem>>)
      %dma_wait3A_543 = arith.constant 2 : i32
      %dma_wait3A_544 = arith.constant 2 : i32
      %dma_wait3A_545 = arith.constant 0 : i32
      %dma_wait3A_546 = arith.constant 0 : i32
      %dma_wait3A_547 = tpu.memref_slice %arg9[%dma_wait3A_543, %dma_wait3A_545, %dma_wait3A_546] : memref<5x80x64xf32, #tpu.memory_space<vmem>> -> memref<1x80x64xf32, #tpu.memory_space<vmem>>
      %dma_wait3A_548 = tpu.memref_squeeze %dma_wait3A_547 : memref<1x80x64xf32, #tpu.memory_space<vmem>> -> memref<80x64xf32, #tpu.memory_space<vmem>>
      %dma_wait3A_549 = arith.constant 0 : i32
      %dma_wait3A_550 = tpu.memref_slice %arg8[%add3A_382, %dma_wait3A_549] : memref<125x80xi32, #tpu.memory_space<vmem>> -> memref<1x80xi32, #tpu.memory_space<vmem>>
      %dma_wait3A_551 = tpu.memref_squeeze %dma_wait3A_550 : memref<1x80xi32, #tpu.memory_space<vmem>> -> memref<80xi32, #tpu.memory_space<vmem>>
      %dma_wait3A_552 = arith.constant 0 : i32
      %dma_wait3A_553 = arith.constant 0 : i32
      %dma_wait3A_554 = tpu.memref_slice %arg6[%dma_wait3A_552, %dma_wait3A_553] : memref<10000x64xf32, #tpu.memory_space<vmem_shared>> -> memref<10000x64xf32, #tpu.memory_space<vmem_shared>>
      %dma_wait3A_555 = tpu.memref_slice %arg11[%dma_wait3A_544] : memref<5x!tpu.dma_semaphore, #tpu.memory_space<semaphore_mem>> -> memref<1x!tpu.dma_semaphore, #tpu.memory_space<semaphore_mem>>
      %dma_wait3A_556 = tpu.memref_squeeze %dma_wait3A_555 : memref<1x!tpu.dma_semaphore, #tpu.memory_space<semaphore_mem>> -> memref<!tpu.dma_semaphore, #tpu.memory_space<semaphore_mem>>
      tpu.wait_indirect_dma semaphore(%dma_wait3A_556 : memref<!tpu.dma_semaphore, #tpu.memory_space<semaphore_mem>>) src(%dma_wait3A_548 : memref<80x64xf32, #tpu.memory_space<vmem>>) dst(%dma_wait3A_554 : memref<10000x64xf32, #tpu.memory_space<vmem_shared>>)
      %add3A_557 = arith.constant 1 : i32
      %add3A_558 = arith.addi %scan3A_314, %add3A_557 : i32
      %mul3A_559 = arith.constant 5 : i32
      %mul3A_560 = arith.muli %add3A_558, %mul3A_559 : i32
      %add3A_561 = arith.constant 2 : i32
      %add3A_562 = arith.addi %mul3A_560, %add3A_561 : i32
      %dma_start3A_563 = arith.constant 2 : i32
      %dma_start3A_564 = arith.constant 2 : i32
      %dma_start3A_565 = arith.constant 0 : i32
      %dma_start3A_566 = arith.constant 0 : i32
      %dma_start3A_567 = tpu.memref_slice %arg9[%dma_start3A_563, %dma_start3A_565, %dma_start3A_566] : memref<5x80x64xf32, #tpu.memory_space<vmem>> -> memref<1x80x64xf32, #tpu.memory_space<vmem>>
      %dma_start3A_568 = tpu.memref_squeeze %dma_start3A_567 : memref<1x80x64xf32, #tpu.memory_space<vmem>> -> memref<80x64xf32, #tpu.memory_space<vmem>>
      %dma_start3A_569 = arith.constant 0 : i32
      %dma_start3A_570 = tpu.memref_slice %arg7[%add3A_562, %dma_start3A_569] : memref<125x80xi32, #tpu.memory_space<vmem>> -> memref<1x80xi32, #tpu.memory_space<vmem>>
      %dma_start3A_571 = tpu.memref_squeeze %dma_start3A_570 : memref<1x80xi32, #tpu.memory_space<vmem>> -> memref<80xi32, #tpu.memory_space<vmem>>
      %dma_start3A_572 = arith.constant 0 : i32
      %dma_start3A_573 = arith.constant 0 : i32
      %dma_start3A_574 = tpu.memref_slice %arg2[%dma_start3A_572, %dma_start3A_573] : memref<10000x64xf32, #tpu.memory_space<hbm>> -> memref<10000x64xf32, #tpu.memory_space<hbm>>
      %dma_start3A_575 = tpu.memref_slice %arg10[%dma_start3A_564] : memref<5x!tpu.dma_semaphore, #tpu.memory_space<semaphore_mem>> -> memref<1x!tpu.dma_semaphore, #tpu.memory_space<semaphore_mem>>
      %dma_start3A_576 = tpu.memref_squeeze %dma_start3A_575 : memref<1x!tpu.dma_semaphore, #tpu.memory_space<semaphore_mem>> -> memref<!tpu.dma_semaphore, #tpu.memory_space<semaphore_mem>>
      tpu.enqueue_indirect_dma source(%dma_start3A_574 : memref<10000x64xf32, #tpu.memory_space<hbm>>) target(%dma_start3A_568 : memref<80x64xf32, #tpu.memory_space<vmem>>) offsets(%dma_start3A_571 : memref<80xi32, #tpu.memory_space<vmem>>) semaphore(%dma_start3A_576 : memref<!tpu.dma_semaphore, #tpu.memory_space<semaphore_mem>>)
      %dma_wait3A_577 = arith.constant 3 : i32
      %dma_wait3A_578 = arith.constant 3 : i32
      %dma_wait3A_579 = arith.constant 0 : i32
      %dma_wait3A_580 = arith.constant 0 : i32
      %dma_wait3A_581 = tpu.memref_slice %arg9[%dma_wait3A_577, %dma_wait3A_579, %dma_wait3A_580] : memref<5x80x64xf32, #tpu.memory_space<vmem>> -> memref<1x80x64xf32, #tpu.memory_space<vmem>>
      %dma_wait3A_582 = tpu.memref_squeeze %dma_wait3A_581 : memref<1x80x64xf32, #tpu.memory_space<vmem>> -> memref<80x64xf32, #tpu.memory_space<vmem>>
      %dma_wait3A_583 = arith.constant 0 : i32
      %dma_wait3A_584 = tpu.memref_slice %arg8[%add3A_414, %dma_wait3A_583] : memref<125x80xi32, #tpu.memory_space<vmem>> -> memref<1x80xi32, #tpu.memory_space<vmem>>
      %dma_wait3A_585 = tpu.memref_squeeze %dma_wait3A_584 : memref<1x80xi32, #tpu.memory_space<vmem>> -> memref<80xi32, #tpu.memory_space<vmem>>
      %dma_wait3A_586 = arith.constant 0 : i32
      %dma_wait3A_587 = arith.constant 0 : i32
      %dma_wait3A_588 = tpu.memref_slice %arg6[%dma_wait3A_586, %dma_wait3A_587] : memref<10000x64xf32, #tpu.memory_space<vmem_shared>> -> memref<10000x64xf32, #tpu.memory_space<vmem_shared>>
      %dma_wait3A_589 = tpu.memref_slice %arg11[%dma_wait3A_578] : memref<5x!tpu.dma_semaphore, #tpu.memory_space<semaphore_mem>> -> memref<1x!tpu.dma_semaphore, #tpu.memory_space<semaphore_mem>>
      %dma_wait3A_590 = tpu.memref_squeeze %dma_wait3A_589 : memref<1x!tpu.dma_semaphore, #tpu.memory_space<semaphore_mem>> -> memref<!tpu.dma_semaphore, #tpu.memory_space<semaphore_mem>>
      tpu.wait_indirect_dma semaphore(%dma_wait3A_590 : memref<!tpu.dma_semaphore, #tpu.memory_space<semaphore_mem>>) src(%dma_wait3A_582 : memref<80x64xf32, #tpu.memory_space<vmem>>) dst(%dma_wait3A_588 : memref<10000x64xf32, #tpu.memory_space<vmem_shared>>)
      %add3A_591 = arith.constant 1 : i32
      %add3A_592 = arith.addi %scan3A_314, %add3A_591 : i32
      %mul3A_593 = arith.constant 5 : i32
      %mul3A_594 = arith.muli %add3A_592, %mul3A_593 : i32
      %add3A_595 = arith.constant 3 : i32
      %add3A_596 = arith.addi %mul3A_594, %add3A_595 : i32
      %dma_start3A_597 = arith.constant 3 : i32
      %dma_start3A_598 = arith.constant 3 : i32
      %dma_start3A_599 = arith.constant 0 : i32
      %dma_start3A_600 = arith.constant 0 : i32
      %dma_start3A_601 = tpu.memref_slice %arg9[%dma_start3A_597, %dma_start3A_599, %dma_start3A_600] : memref<5x80x64xf32, #tpu.memory_space<vmem>> -> memref<1x80x64xf32, #tpu.memory_space<vmem>>
      %dma_start3A_602 = tpu.memref_squeeze %dma_start3A_601 : memref<1x80x64xf32, #tpu.memory_space<vmem>> -> memref<80x64xf32, #tpu.memory_space<vmem>>
      %dma_start3A_603 = arith.constant 0 : i32
      %dma_start3A_604 = tpu.memref_slice %arg7[%add3A_596, %dma_start3A_603] : memref<125x80xi32, #tpu.memory_space<vmem>> -> memref<1x80xi32, #tpu.memory_space<vmem>>
      %dma_start3A_605 = tpu.memref_squeeze %dma_start3A_604 : memref<1x80xi32, #tpu.memory_space<vmem>> -> memref<80xi32, #tpu.memory_space<vmem>>
      %dma_start3A_606 = arith.constant 0 : i32
      %dma_start3A_607 = arith.constant 0 : i32
      %dma_start3A_608 = tpu.memref_slice %arg2[%dma_start3A_606, %dma_start3A_607] : memref<10000x64xf32, #tpu.memory_space<hbm>> -> memref<10000x64xf32, #tpu.memory_space<hbm>>
      %dma_start3A_609 = tpu.memref_slice %arg10[%dma_start3A_598] : memref<5x!tpu.dma_semaphore, #tpu.memory_space<semaphore_mem>> -> memref<1x!tpu.dma_semaphore, #tpu.memory_space<semaphore_mem>>
      %dma_start3A_610 = tpu.memref_squeeze %dma_start3A_609 : memref<1x!tpu.dma_semaphore, #tpu.memory_space<semaphore_mem>> -> memref<!tpu.dma_semaphore, #tpu.memory_space<semaphore_mem>>
      tpu.enqueue_indirect_dma source(%dma_start3A_608 : memref<10000x64xf32, #tpu.memory_space<hbm>>) target(%dma_start3A_602 : memref<80x64xf32, #tpu.memory_space<vmem>>) offsets(%dma_start3A_605 : memref<80xi32, #tpu.memory_space<vmem>>) semaphore(%dma_start3A_610 : memref<!tpu.dma_semaphore, #tpu.memory_space<semaphore_mem>>)
      %dma_wait3A_611 = arith.constant 4 : i32
      %dma_wait3A_612 = arith.constant 4 : i32
      %dma_wait3A_613 = arith.constant 0 : i32
      %dma_wait3A_614 = arith.constant 0 : i32
      %dma_wait3A_615 = tpu.memref_slice %arg9[%dma_wait3A_611, %dma_wait3A_613, %dma_wait3A_614] : memref<5x80x64xf32, #tpu.memory_space<vmem>> -> memref<1x80x64xf32, #tpu.memory_space<vmem>>
      %dma_wait3A_616 = tpu.memref_squeeze %dma_wait3A_615 : memref<1x80x64xf32, #tpu.memory_space<vmem>> -> memref<80x64xf32, #tpu.memory_space<vmem>>
      %dma_wait3A_617 = arith.constant 0 : i32
      %dma_wait3A_618 = tpu.memref_slice %arg8[%add3A_446, %dma_wait3A_617] : memref<125x80xi32, #tpu.memory_space<vmem>> -> memref<1x80xi32, #tpu.memory_space<vmem>>
      %dma_wait3A_619 = tpu.memref_squeeze %dma_wait3A_618 : memref<1x80xi32, #tpu.memory_space<vmem>> -> memref<80xi32, #tpu.memory_space<vmem>>
      %dma_wait3A_620 = arith.constant 0 : i32
      %dma_wait3A_621 = arith.constant 0 : i32
      %dma_wait3A_622 = tpu.memref_slice %arg6[%dma_wait3A_620, %dma_wait3A_621] : memref<10000x64xf32, #tpu.memory_space<vmem_shared>> -> memref<10000x64xf32, #tpu.memory_space<vmem_shared>>
      %dma_wait3A_623 = tpu.memref_slice %arg11[%dma_wait3A_612] : memref<5x!tpu.dma_semaphore, #tpu.memory_space<semaphore_mem>> -> memref<1x!tpu.dma_semaphore, #tpu.memory_space<semaphore_mem>>
      %dma_wait3A_624 = tpu.memref_squeeze %dma_wait3A_623 : memref<1x!tpu.dma_semaphore, #tpu.memory_space<semaphore_mem>> -> memref<!tpu.dma_semaphore, #tpu.memory_space<semaphore_mem>>
      tpu.wait_indirect_dma semaphore(%dma_wait3A_624 : memref<!tpu.dma_semaphore, #tpu.memory_space<semaphore_mem>>) src(%dma_wait3A_616 : memref<80x64xf32, #tpu.memory_space<vmem>>) dst(%dma_wait3A_622 : memref<10000x64xf32, #tpu.memory_space<vmem_shared>>)
      %add3A_625 = arith.constant 1 : i32
      %add3A_626 = arith.addi %scan3A_314, %add3A_625 : i32
      %mul3A_627 = arith.constant 5 : i32
      %mul3A_628 = arith.muli %add3A_626, %mul3A_627 : i32
      %add3A_629 = arith.constant 4 : i32
      %add3A_630 = arith.addi %mul3A_628, %add3A_629 : i32
      %dma_start3A_631 = arith.constant 4 : i32
      %dma_start3A_632 = arith.constant 4 : i32
      %dma_start3A_633 = arith.constant 0 : i32
      %dma_start3A_634 = arith.constant 0 : i32
      %dma_start3A_635 = tpu.memref_slice %arg9[%dma_start3A_631, %dma_start3A_633, %dma_start3A_634] : memref<5x80x64xf32, #tpu.memory_space<vmem>> -> memref<1x80x64xf32, #tpu.memory_space<vmem>>
      %dma_start3A_636 = tpu.memref_squeeze %dma_start3A_635 : memref<1x80x64xf32, #tpu.memory_space<vmem>> -> memref<80x64xf32, #tpu.memory_space<vmem>>
      %dma_start3A_637 = arith.constant 0 : i32
      %dma_start3A_638 = tpu.memref_slice %arg7[%add3A_630, %dma_start3A_637] : memref<125x80xi32, #tpu.memory_space<vmem>> -> memref<1x80xi32, #tpu.memory_space<vmem>>
      %dma_start3A_639 = tpu.memref_squeeze %dma_start3A_638 : memref<1x80xi32, #tpu.memory_space<vmem>> -> memref<80xi32, #tpu.memory_space<vmem>>
      %dma_start3A_640 = arith.constant 0 : i32
      %dma_start3A_641 = arith.constant 0 : i32
      %dma_start3A_642 = tpu.memref_slice %arg2[%dma_start3A_640, %dma_start3A_641] : memref<10000x64xf32, #tpu.memory_space<hbm>> -> memref<10000x64xf32, #tpu.memory_space<hbm>>
      %dma_start3A_643 = tpu.memref_slice %arg10[%dma_start3A_632] : memref<5x!tpu.dma_semaphore, #tpu.memory_space<semaphore_mem>> -> memref<1x!tpu.dma_semaphore, #tpu.memory_space<semaphore_mem>>
      %dma_start3A_644 = tpu.memref_squeeze %dma_start3A_643 : memref<1x!tpu.dma_semaphore, #tpu.memory_space<semaphore_mem>> -> memref<!tpu.dma_semaphore, #tpu.memory_space<semaphore_mem>>
      tpu.enqueue_indirect_dma source(%dma_start3A_642 : memref<10000x64xf32, #tpu.memory_space<hbm>>) target(%dma_start3A_636 : memref<80x64xf32, #tpu.memory_space<vmem>>) offsets(%dma_start3A_639 : memref<80xi32, #tpu.memory_space<vmem>>) semaphore(%dma_start3A_644 : memref<!tpu.dma_semaphore, #tpu.memory_space<semaphore_mem>>)
    }
    %scan3A_83 = arith.constant 24 : i32
    %dma_wait3A = arith.constant 120 : i32
    %dma_wait3A_84 = arith.constant 0 : i32
    %dma_wait3A_85 = arith.constant 0 : i32
    %dma_wait3A_86 = arith.constant 0 : i32
    %dma_wait3A_87 = arith.constant 0 : i32
    %dma_wait3A_88 = tpu.memref_slice %arg9[%dma_wait3A_84, %dma_wait3A_86, %dma_wait3A_87] : memref<5x80x64xf32, #tpu.memory_space<vmem>> -> memref<1x80x64xf32, #tpu.memory_space<vmem>>
    %dma_wait3A_89 = tpu.memref_squeeze %dma_wait3A_88 : memref<1x80x64xf32, #tpu.memory_space<vmem>> -> memref<80x64xf32, #tpu.memory_space<vmem>>
    %dma_wait3A_90 = arith.constant 0 : i32
    %dma_wait3A_91 = tpu.memref_slice %arg7[%dma_wait3A, %dma_wait3A_90] : memref<125x80xi32, #tpu.memory_space<vmem>> -> memref<1x80xi32, #tpu.memory_space<vmem>>
    %dma_wait3A_92 = tpu.memref_squeeze %dma_wait3A_91 : memref<1x80xi32, #tpu.memory_space<vmem>> -> memref<80xi32, #tpu.memory_space<vmem>>
    %dma_wait3A_93 = arith.constant 0 : i32
    %dma_wait3A_94 = arith.constant 0 : i32
    %dma_wait3A_95 = tpu.memref_slice %arg2[%dma_wait3A_93, %dma_wait3A_94] : memref<10000x64xf32, #tpu.memory_space<hbm>> -> memref<10000x64xf32, #tpu.memory_space<hbm>>
    %dma_wait3A_96 = tpu.memref_slice %arg10[%dma_wait3A_85] : memref<5x!tpu.dma_semaphore, #tpu.memory_space<semaphore_mem>> -> memref<1x!tpu.dma_semaphore, #tpu.memory_space<semaphore_mem>>
    %dma_wait3A_97 = tpu.memref_squeeze %dma_wait3A_96 : memref<1x!tpu.dma_semaphore, #tpu.memory_space<semaphore_mem>> -> memref<!tpu.dma_semaphore, #tpu.memory_space<semaphore_mem>>
    tpu.wait_indirect_dma semaphore(%dma_wait3A_97 : memref<!tpu.dma_semaphore, #tpu.memory_space<semaphore_mem>>) src(%dma_wait3A_95 : memref<10000x64xf32, #tpu.memory_space<hbm>>) dst(%dma_wait3A_89 : memref<80x64xf32, #tpu.memory_space<vmem>>)
    %dma_start3A_98 = arith.constant 0 : i32
    %dma_start3A_99 = arith.constant 120 : i32
    %dma_start3A_100 = arith.constant 0 : i32
    %dma_start3A_101 = arith.constant 0 : i32
    %dma_start3A_102 = arith.constant 0 : i32
    %dma_start3A_103 = tpu.memref_slice %arg9[%dma_start3A_98, %dma_start3A_101, %dma_start3A_102] : memref<5x80x64xf32, #tpu.memory_space<vmem>> -> memref<1x80x64xf32, #tpu.memory_space<vmem>>
    %dma_start3A_104 = tpu.memref_squeeze %dma_start3A_103 : memref<1x80x64xf32, #tpu.memory_space<vmem>> -> memref<80x64xf32, #tpu.memory_space<vmem>>
    %dma_start3A_105 = arith.constant 0 : i32
    %dma_start3A_106 = tpu.memref_slice %arg8[%dma_start3A_99, %dma_start3A_105] : memref<125x80xi32, #tpu.memory_space<vmem>> -> memref<1x80xi32, #tpu.memory_space<vmem>>
    %dma_start3A_107 = tpu.memref_squeeze %dma_start3A_106 : memref<1x80xi32, #tpu.memory_space<vmem>> -> memref<80xi32, #tpu.memory_space<vmem>>
    %dma_start3A_108 = arith.constant 0 : i32
    %dma_start3A_109 = arith.constant 0 : i32
    %dma_start3A_110 = tpu.memref_slice %arg6[%dma_start3A_108, %dma_start3A_109] : memref<10000x64xf32, #tpu.memory_space<vmem_shared>> -> memref<10000x64xf32, #tpu.memory_space<vmem_shared>>
    %dma_start3A_111 = tpu.memref_slice %arg11[%dma_start3A_100] : memref<5x!tpu.dma_semaphore, #tpu.memory_space<semaphore_mem>> -> memref<1x!tpu.dma_semaphore, #tpu.memory_space<semaphore_mem>>
    %dma_start3A_112 = tpu.memref_squeeze %dma_start3A_111 : memref<1x!tpu.dma_semaphore, #tpu.memory_space<semaphore_mem>> -> memref<!tpu.dma_semaphore, #tpu.memory_space<semaphore_mem>>
    tpu.enqueue_indirect_dma source(%dma_start3A_104 : memref<80x64xf32, #tpu.memory_space<vmem>>) target(%dma_start3A_110 : memref<10000x64xf32, #tpu.memory_space<vmem_shared>>) offsets(%dma_start3A_107 : memref<80xi32, #tpu.memory_space<vmem>>) semaphore(%dma_start3A_112 : memref<!tpu.dma_semaphore, #tpu.memory_space<semaphore_mem>>) {add = true}
    %dma_wait3A_113 = arith.constant 121 : i32
    %dma_wait3A_114 = arith.constant 1 : i32
    %dma_wait3A_115 = arith.constant 1 : i32
    %dma_wait3A_116 = arith.constant 0 : i32
    %dma_wait3A_117 = arith.constant 0 : i32
    %dma_wait3A_118 = tpu.memref_slice %arg9[%dma_wait3A_114, %dma_wait3A_116, %dma_wait3A_117] : memref<5x80x64xf32, #tpu.memory_space<vmem>> -> memref<1x80x64xf32, #tpu.memory_space<vmem>>
    %dma_wait3A_119 = tpu.memref_squeeze %dma_wait3A_118 : memref<1x80x64xf32, #tpu.memory_space<vmem>> -> memref<80x64xf32, #tpu.memory_space<vmem>>
    %dma_wait3A_120 = arith.constant 0 : i32
    %dma_wait3A_121 = tpu.memref_slice %arg7[%dma_wait3A_113, %dma_wait3A_120] : memref<125x80xi32, #tpu.memory_space<vmem>> -> memref<1x80xi32, #tpu.memory_space<vmem>>
    %dma_wait3A_122 = tpu.memref_squeeze %dma_wait3A_121 : memref<1x80xi32, #tpu.memory_space<vmem>> -> memref<80xi32, #tpu.memory_space<vmem>>
    %dma_wait3A_123 = arith.constant 0 : i32
    %dma_wait3A_124 = arith.constant 0 : i32
    %dma_wait3A_125 = tpu.memref_slice %arg2[%dma_wait3A_123, %dma_wait3A_124] : memref<10000x64xf32, #tpu.memory_space<hbm>> -> memref<10000x64xf32, #tpu.memory_space<hbm>>
    %dma_wait3A_126 = tpu.memref_slice %arg10[%dma_wait3A_115] : memref<5x!tpu.dma_semaphore, #tpu.memory_space<semaphore_mem>> -> memref<1x!tpu.dma_semaphore, #tpu.memory_space<semaphore_mem>>
    %dma_wait3A_127 = tpu.memref_squeeze %dma_wait3A_126 : memref<1x!tpu.dma_semaphore, #tpu.memory_space<semaphore_mem>> -> memref<!tpu.dma_semaphore, #tpu.memory_space<semaphore_mem>>
    tpu.wait_indirect_dma semaphore(%dma_wait3A_127 : memref<!tpu.dma_semaphore, #tpu.memory_space<semaphore_mem>>) src(%dma_wait3A_125 : memref<10000x64xf32, #tpu.memory_space<hbm>>) dst(%dma_wait3A_119 : memref<80x64xf32, #tpu.memory_space<vmem>>)
    %dma_start3A_128 = arith.constant 1 : i32
    %dma_start3A_129 = arith.constant 121 : i32
    %dma_start3A_130 = arith.constant 1 : i32
    %dma_start3A_131 = arith.constant 0 : i32
    %dma_start3A_132 = arith.constant 0 : i32
    %dma_start3A_133 = tpu.memref_slice %arg9[%dma_start3A_128, %dma_start3A_131, %dma_start3A_132] : memref<5x80x64xf32, #tpu.memory_space<vmem>> -> memref<1x80x64xf32, #tpu.memory_space<vmem>>
    %dma_start3A_134 = tpu.memref_squeeze %dma_start3A_133 : memref<1x80x64xf32, #tpu.memory_space<vmem>> -> memref<80x64xf32, #tpu.memory_space<vmem>>
    %dma_start3A_135 = arith.constant 0 : i32
    %dma_start3A_136 = tpu.memref_slice %arg8[%dma_start3A_129, %dma_start3A_135] : memref<125x80xi32, #tpu.memory_space<vmem>> -> memref<1x80xi32, #tpu.memory_space<vmem>>
    %dma_start3A_137 = tpu.memref_squeeze %dma_start3A_136 : memref<1x80xi32, #tpu.memory_space<vmem>> -> memref<80xi32, #tpu.memory_space<vmem>>
    %dma_start3A_138 = arith.constant 0 : i32
    %dma_start3A_139 = arith.constant 0 : i32
    %dma_start3A_140 = tpu.memref_slice %arg6[%dma_start3A_138, %dma_start3A_139] : memref<10000x64xf32, #tpu.memory_space<vmem_shared>> -> memref<10000x64xf32, #tpu.memory_space<vmem_shared>>
    %dma_start3A_141 = tpu.memref_slice %arg11[%dma_start3A_130] : memref<5x!tpu.dma_semaphore, #tpu.memory_space<semaphore_mem>> -> memref<1x!tpu.dma_semaphore, #tpu.memory_space<semaphore_mem>>
    %dma_start3A_142 = tpu.memref_squeeze %dma_start3A_141 : memref<1x!tpu.dma_semaphore, #tpu.memory_space<semaphore_mem>> -> memref<!tpu.dma_semaphore, #tpu.memory_space<semaphore_mem>>
    tpu.enqueue_indirect_dma source(%dma_start3A_134 : memref<80x64xf32, #tpu.memory_space<vmem>>) target(%dma_start3A_140 : memref<10000x64xf32, #tpu.memory_space<vmem_shared>>) offsets(%dma_start3A_137 : memref<80xi32, #tpu.memory_space<vmem>>) semaphore(%dma_start3A_142 : memref<!tpu.dma_semaphore, #tpu.memory_space<semaphore_mem>>) {add = true}
    %dma_wait3A_143 = arith.constant 122 : i32
    %dma_wait3A_144 = arith.constant 2 : i32
    %dma_wait3A_145 = arith.constant 2 : i32
    %dma_wait3A_146 = arith.constant 0 : i32
    %dma_wait3A_147 = arith.constant 0 : i32
    %dma_wait3A_148 = tpu.memref_slice %arg9[%dma_wait3A_144, %dma_wait3A_146, %dma_wait3A_147] : memref<5x80x64xf32, #tpu.memory_space<vmem>> -> memref<1x80x64xf32, #tpu.memory_space<vmem>>
    %dma_wait3A_149 = tpu.memref_squeeze %dma_wait3A_148 : memref<1x80x64xf32, #tpu.memory_space<vmem>> -> memref<80x64xf32, #tpu.memory_space<vmem>>
    %dma_wait3A_150 = arith.constant 0 : i32
    %dma_wait3A_151 = tpu.memref_slice %arg7[%dma_wait3A_143, %dma_wait3A_150] : memref<125x80xi32, #tpu.memory_space<vmem>> -> memref<1x80xi32, #tpu.memory_space<vmem>>
    %dma_wait3A_152 = tpu.memref_squeeze %dma_wait3A_151 : memref<1x80xi32, #tpu.memory_space<vmem>> -> memref<80xi32, #tpu.memory_space<vmem>>
    %dma_wait3A_153 = arith.constant 0 : i32
    %dma_wait3A_154 = arith.constant 0 : i32
    %dma_wait3A_155 = tpu.memref_slice %arg2[%dma_wait3A_153, %dma_wait3A_154] : memref<10000x64xf32, #tpu.memory_space<hbm>> -> memref<10000x64xf32, #tpu.memory_space<hbm>>
    %dma_wait3A_156 = tpu.memref_slice %arg10[%dma_wait3A_145] : memref<5x!tpu.dma_semaphore, #tpu.memory_space<semaphore_mem>> -> memref<1x!tpu.dma_semaphore, #tpu.memory_space<semaphore_mem>>
    %dma_wait3A_157 = tpu.memref_squeeze %dma_wait3A_156 : memref<1x!tpu.dma_semaphore, #tpu.memory_space<semaphore_mem>> -> memref<!tpu.dma_semaphore, #tpu.memory_space<semaphore_mem>>
    tpu.wait_indirect_dma semaphore(%dma_wait3A_157 : memref<!tpu.dma_semaphore, #tpu.memory_space<semaphore_mem>>) src(%dma_wait3A_155 : memref<10000x64xf32, #tpu.memory_space<hbm>>) dst(%dma_wait3A_149 : memref<80x64xf32, #tpu.memory_space<vmem>>)
    %dma_start3A_158 = arith.constant 2 : i32
    %dma_start3A_159 = arith.constant 122 : i32
    %dma_start3A_160 = arith.constant 2 : i32
    %dma_start3A_161 = arith.constant 0 : i32
    %dma_start3A_162 = arith.constant 0 : i32
    %dma_start3A_163 = tpu.memref_slice %arg9[%dma_start3A_158, %dma_start3A_161, %dma_start3A_162] : memref<5x80x64xf32, #tpu.memory_space<vmem>> -> memref<1x80x64xf32, #tpu.memory_space<vmem>>
    %dma_start3A_164 = tpu.memref_squeeze %dma_start3A_163 : memref<1x80x64xf32, #tpu.memory_space<vmem>> -> memref<80x64xf32, #tpu.memory_space<vmem>>
    %dma_start3A_165 = arith.constant 0 : i32
    %dma_start3A_166 = tpu.memref_slice %arg8[%dma_start3A_159, %dma_start3A_165] : memref<125x80xi32, #tpu.memory_space<vmem>> -> memref<1x80xi32, #tpu.memory_space<vmem>>
    %dma_start3A_167 = tpu.memref_squeeze %dma_start3A_166 : memref<1x80xi32, #tpu.memory_space<vmem>> -> memref<80xi32, #tpu.memory_space<vmem>>
    %dma_start3A_168 = arith.constant 0 : i32
    %dma_start3A_169 = arith.constant 0 : i32
    %dma_start3A_170 = tpu.memref_slice %arg6[%dma_start3A_168, %dma_start3A_169] : memref<10000x64xf32, #tpu.memory_space<vmem_shared>> -> memref<10000x64xf32, #tpu.memory_space<vmem_shared>>
    %dma_start3A_171 = tpu.memref_slice %arg11[%dma_start3A_160] : memref<5x!tpu.dma_semaphore, #tpu.memory_space<semaphore_mem>> -> memref<1x!tpu.dma_semaphore, #tpu.memory_space<semaphore_mem>>
    %dma_start3A_172 = tpu.memref_squeeze %dma_start3A_171 : memref<1x!tpu.dma_semaphore, #tpu.memory_space<semaphore_mem>> -> memref<!tpu.dma_semaphore, #tpu.memory_space<semaphore_mem>>
    tpu.enqueue_indirect_dma source(%dma_start3A_164 : memref<80x64xf32, #tpu.memory_space<vmem>>) target(%dma_start3A_170 : memref<10000x64xf32, #tpu.memory_space<vmem_shared>>) offsets(%dma_start3A_167 : memref<80xi32, #tpu.memory_space<vmem>>) semaphore(%dma_start3A_172 : memref<!tpu.dma_semaphore, #tpu.memory_space<semaphore_mem>>) {add = true}
    %dma_wait3A_173 = arith.constant 123 : i32
    %dma_wait3A_174 = arith.constant 3 : i32
    %dma_wait3A_175 = arith.constant 3 : i32
    %dma_wait3A_176 = arith.constant 0 : i32
    %dma_wait3A_177 = arith.constant 0 : i32
    %dma_wait3A_178 = tpu.memref_slice %arg9[%dma_wait3A_174, %dma_wait3A_176, %dma_wait3A_177] : memref<5x80x64xf32, #tpu.memory_space<vmem>> -> memref<1x80x64xf32, #tpu.memory_space<vmem>>
    %dma_wait3A_179 = tpu.memref_squeeze %dma_wait3A_178 : memref<1x80x64xf32, #tpu.memory_space<vmem>> -> memref<80x64xf32, #tpu.memory_space<vmem>>
    %dma_wait3A_180 = arith.constant 0 : i32
    %dma_wait3A_181 = tpu.memref_slice %arg7[%dma_wait3A_173, %dma_wait3A_180] : memref<125x80xi32, #tpu.memory_space<vmem>> -> memref<1x80xi32, #tpu.memory_space<vmem>>
    %dma_wait3A_182 = tpu.memref_squeeze %dma_wait3A_181 : memref<1x80xi32, #tpu.memory_space<vmem>> -> memref<80xi32, #tpu.memory_space<vmem>>
    %dma_wait3A_183 = arith.constant 0 : i32
    %dma_wait3A_184 = arith.constant 0 : i32
    %dma_wait3A_185 = tpu.memref_slice %arg2[%dma_wait3A_183, %dma_wait3A_184] : memref<10000x64xf32, #tpu.memory_space<hbm>> -> memref<10000x64xf32, #tpu.memory_space<hbm>>
    %dma_wait3A_186 = tpu.memref_slice %arg10[%dma_wait3A_175] : memref<5x!tpu.dma_semaphore, #tpu.memory_space<semaphore_mem>> -> memref<1x!tpu.dma_semaphore, #tpu.memory_space<semaphore_mem>>
    %dma_wait3A_187 = tpu.memref_squeeze %dma_wait3A_186 : memref<1x!tpu.dma_semaphore, #tpu.memory_space<semaphore_mem>> -> memref<!tpu.dma_semaphore, #tpu.memory_space<semaphore_mem>>
    tpu.wait_indirect_dma semaphore(%dma_wait3A_187 : memref<!tpu.dma_semaphore, #tpu.memory_space<semaphore_mem>>) src(%dma_wait3A_185 : memref<10000x64xf32, #tpu.memory_space<hbm>>) dst(%dma_wait3A_179 : memref<80x64xf32, #tpu.memory_space<vmem>>)
    %dma_start3A_188 = arith.constant 3 : i32
    %dma_start3A_189 = arith.constant 123 : i32
    %dma_start3A_190 = arith.constant 3 : i32
    %dma_start3A_191 = arith.constant 0 : i32
    %dma_start3A_192 = arith.constant 0 : i32
    %dma_start3A_193 = tpu.memref_slice %arg9[%dma_start3A_188, %dma_start3A_191, %dma_start3A_192] : memref<5x80x64xf32, #tpu.memory_space<vmem>> -> memref<1x80x64xf32, #tpu.memory_space<vmem>>
    %dma_start3A_194 = tpu.memref_squeeze %dma_start3A_193 : memref<1x80x64xf32, #tpu.memory_space<vmem>> -> memref<80x64xf32, #tpu.memory_space<vmem>>
    %dma_start3A_195 = arith.constant 0 : i32
    %dma_start3A_196 = tpu.memref_slice %arg8[%dma_start3A_189, %dma_start3A_195] : memref<125x80xi32, #tpu.memory_space<vmem>> -> memref<1x80xi32, #tpu.memory_space<vmem>>
    %dma_start3A_197 = tpu.memref_squeeze %dma_start3A_196 : memref<1x80xi32, #tpu.memory_space<vmem>> -> memref<80xi32, #tpu.memory_space<vmem>>
    %dma_start3A_198 = arith.constant 0 : i32
    %dma_start3A_199 = arith.constant 0 : i32
    %dma_start3A_200 = tpu.memref_slice %arg6[%dma_start3A_198, %dma_start3A_199] : memref<10000x64xf32, #tpu.memory_space<vmem_shared>> -> memref<10000x64xf32, #tpu.memory_space<vmem_shared>>
    %dma_start3A_201 = tpu.memref_slice %arg11[%dma_start3A_190] : memref<5x!tpu.dma_semaphore, #tpu.memory_space<semaphore_mem>> -> memref<1x!tpu.dma_semaphore, #tpu.memory_space<semaphore_mem>>
    %dma_start3A_202 = tpu.memref_squeeze %dma_start3A_201 : memref<1x!tpu.dma_semaphore, #tpu.memory_space<semaphore_mem>> -> memref<!tpu.dma_semaphore, #tpu.memory_space<semaphore_mem>>
    tpu.enqueue_indirect_dma source(%dma_start3A_194 : memref<80x64xf32, #tpu.memory_space<vmem>>) target(%dma_start3A_200 : memref<10000x64xf32, #tpu.memory_space<vmem_shared>>) offsets(%dma_start3A_197 : memref<80xi32, #tpu.memory_space<vmem>>) semaphore(%dma_start3A_202 : memref<!tpu.dma_semaphore, #tpu.memory_space<semaphore_mem>>) {add = true}
    %dma_wait3A_203 = arith.constant 124 : i32
    %dma_wait3A_204 = arith.constant 4 : i32
    %dma_wait3A_205 = arith.constant 4 : i32
    %dma_wait3A_206 = arith.constant 0 : i32
    %dma_wait3A_207 = arith.constant 0 : i32
    %dma_wait3A_208 = tpu.memref_slice %arg9[%dma_wait3A_204, %dma_wait3A_206, %dma_wait3A_207] : memref<5x80x64xf32, #tpu.memory_space<vmem>> -> memref<1x80x64xf32, #tpu.memory_space<vmem>>
    %dma_wait3A_209 = tpu.memref_squeeze %dma_wait3A_208 : memref<1x80x64xf32, #tpu.memory_space<vmem>> -> memref<80x64xf32, #tpu.memory_space<vmem>>
    %dma_wait3A_210 = arith.constant 0 : i32
    %dma_wait3A_211 = tpu.memref_slice %arg7[%dma_wait3A_203, %dma_wait3A_210] : memref<125x80xi32, #tpu.memory_space<vmem>> -> memref<1x80xi32, #tpu.memory_space<vmem>>
    %dma_wait3A_212 = tpu.memref_squeeze %dma_wait3A_211 : memref<1x80xi32, #tpu.memory_space<vmem>> -> memref<80xi32, #tpu.memory_space<vmem>>
    %dma_wait3A_213 = arith.constant 0 : i32
    %dma_wait3A_214 = arith.constant 0 : i32
    %dma_wait3A_215 = tpu.memref_slice %arg2[%dma_wait3A_213, %dma_wait3A_214] : memref<10000x64xf32, #tpu.memory_space<hbm>> -> memref<10000x64xf32, #tpu.memory_space<hbm>>
    %dma_wait3A_216 = tpu.memref_slice %arg10[%dma_wait3A_205] : memref<5x!tpu.dma_semaphore, #tpu.memory_space<semaphore_mem>> -> memref<1x!tpu.dma_semaphore, #tpu.memory_space<semaphore_mem>>
    %dma_wait3A_217 = tpu.memref_squeeze %dma_wait3A_216 : memref<1x!tpu.dma_semaphore, #tpu.memory_space<semaphore_mem>> -> memref<!tpu.dma_semaphore, #tpu.memory_space<semaphore_mem>>
    tpu.wait_indirect_dma semaphore(%dma_wait3A_217 : memref<!tpu.dma_semaphore, #tpu.memory_space<semaphore_mem>>) src(%dma_wait3A_215 : memref<10000x64xf32, #tpu.memory_space<hbm>>) dst(%dma_wait3A_209 : memref<80x64xf32, #tpu.memory_space<vmem>>)
    %dma_start3A_218 = arith.constant 4 : i32
    %dma_start3A_219 = arith.constant 124 : i32
    %dma_start3A_220 = arith.constant 4 : i32
    %dma_start3A_221 = arith.constant 0 : i32
    %dma_start3A_222 = arith.constant 0 : i32
    %dma_start3A_223 = tpu.memref_slice %arg9[%dma_start3A_218, %dma_start3A_221, %dma_start3A_222] : memref<5x80x64xf32, #tpu.memory_space<vmem>> -> memref<1x80x64xf32, #tpu.memory_space<vmem>>
    %dma_start3A_224 = tpu.memref_squeeze %dma_start3A_223 : memref<1x80x64xf32, #tpu.memory_space<vmem>> -> memref<80x64xf32, #tpu.memory_space<vmem>>
    %dma_start3A_225 = arith.constant 0 : i32
    %dma_start3A_226 = tpu.memref_slice %arg8[%dma_start3A_219, %dma_start3A_225] : memref<125x80xi32, #tpu.memory_space<vmem>> -> memref<1x80xi32, #tpu.memory_space<vmem>>
    %dma_start3A_227 = tpu.memref_squeeze %dma_start3A_226 : memref<1x80xi32, #tpu.memory_space<vmem>> -> memref<80xi32, #tpu.memory_space<vmem>>
    %dma_start3A_228 = arith.constant 0 : i32
    %dma_start3A_229 = arith.constant 0 : i32
    %dma_start3A_230 = tpu.memref_slice %arg6[%dma_start3A_228, %dma_start3A_229] : memref<10000x64xf32, #tpu.memory_space<vmem_shared>> -> memref<10000x64xf32, #tpu.memory_space<vmem_shared>>
    %dma_start3A_231 = tpu.memref_slice %arg11[%dma_start3A_220] : memref<5x!tpu.dma_semaphore, #tpu.memory_space<semaphore_mem>> -> memref<1x!tpu.dma_semaphore, #tpu.memory_space<semaphore_mem>>
    %dma_start3A_232 = tpu.memref_squeeze %dma_start3A_231 : memref<1x!tpu.dma_semaphore, #tpu.memory_space<semaphore_mem>> -> memref<!tpu.dma_semaphore, #tpu.memory_space<semaphore_mem>>
    tpu.enqueue_indirect_dma source(%dma_start3A_224 : memref<80x64xf32, #tpu.memory_space<vmem>>) target(%dma_start3A_230 : memref<10000x64xf32, #tpu.memory_space<vmem_shared>>) offsets(%dma_start3A_227 : memref<80xi32, #tpu.memory_space<vmem>>) semaphore(%dma_start3A_232 : memref<!tpu.dma_semaphore, #tpu.memory_space<semaphore_mem>>) {add = true}
    %dma_wait3A_233 = arith.constant 0 : i32
    %dma_wait3A_234 = arith.constant 120 : i32
    %dma_wait3A_235 = arith.constant 0 : i32
    %dma_wait3A_236 = arith.constant 0 : i32
    %dma_wait3A_237 = arith.constant 0 : i32
    %dma_wait3A_238 = tpu.memref_slice %arg9[%dma_wait3A_233, %dma_wait3A_236, %dma_wait3A_237] : memref<5x80x64xf32, #tpu.memory_space<vmem>> -> memref<1x80x64xf32, #tpu.memory_space<vmem>>
    %dma_wait3A_239 = tpu.memref_squeeze %dma_wait3A_238 : memref<1x80x64xf32, #tpu.memory_space<vmem>> -> memref<80x64xf32, #tpu.memory_space<vmem>>
    %dma_wait3A_240 = arith.constant 0 : i32
    %dma_wait3A_241 = tpu.memref_slice %arg8[%dma_wait3A_234, %dma_wait3A_240] : memref<125x80xi32, #tpu.memory_space<vmem>> -> memref<1x80xi32, #tpu.memory_space<vmem>>
    %dma_wait3A_242 = tpu.memref_squeeze %dma_wait3A_241 : memref<1x80xi32, #tpu.memory_space<vmem>> -> memref<80xi32, #tpu.memory_space<vmem>>
    %dma_wait3A_243 = arith.constant 0 : i32
    %dma_wait3A_244 = arith.constant 0 : i32
    %dma_wait3A_245 = tpu.memref_slice %arg6[%dma_wait3A_243, %dma_wait3A_244] : memref<10000x64xf32, #tpu.memory_space<vmem_shared>> -> memref<10000x64xf32, #tpu.memory_space<vmem_shared>>
    %dma_wait3A_246 = tpu.memref_slice %arg11[%dma_wait3A_235] : memref<5x!tpu.dma_semaphore, #tpu.memory_space<semaphore_mem>> -> memref<1x!tpu.dma_semaphore, #tpu.memory_space<semaphore_mem>>
    %dma_wait3A_247 = tpu.memref_squeeze %dma_wait3A_246 : memref<1x!tpu.dma_semaphore, #tpu.memory_space<semaphore_mem>> -> memref<!tpu.dma_semaphore, #tpu.memory_space<semaphore_mem>>
    tpu.wait_indirect_dma semaphore(%dma_wait3A_247 : memref<!tpu.dma_semaphore, #tpu.memory_space<semaphore_mem>>) src(%dma_wait3A_239 : memref<80x64xf32, #tpu.memory_space<vmem>>) dst(%dma_wait3A_245 : memref<10000x64xf32, #tpu.memory_space<vmem_shared>>)
    %dma_wait3A_248 = arith.constant 1 : i32
    %dma_wait3A_249 = arith.constant 121 : i32
    %dma_wait3A_250 = arith.constant 1 : i32
    %dma_wait3A_251 = arith.constant 0 : i32
    %dma_wait3A_252 = arith.constant 0 : i32
    %dma_wait3A_253 = tpu.memref_slice %arg9[%dma_wait3A_248, %dma_wait3A_251, %dma_wait3A_252] : memref<5x80x64xf32, #tpu.memory_space<vmem>> -> memref<1x80x64xf32, #tpu.memory_space<vmem>>
    %dma_wait3A_254 = tpu.memref_squeeze %dma_wait3A_253 : memref<1x80x64xf32, #tpu.memory_space<vmem>> -> memref<80x64xf32, #tpu.memory_space<vmem>>
    %dma_wait3A_255 = arith.constant 0 : i32
    %dma_wait3A_256 = tpu.memref_slice %arg8[%dma_wait3A_249, %dma_wait3A_255] : memref<125x80xi32, #tpu.memory_space<vmem>> -> memref<1x80xi32, #tpu.memory_space<vmem>>
    %dma_wait3A_257 = tpu.memref_squeeze %dma_wait3A_256 : memref<1x80xi32, #tpu.memory_space<vmem>> -> memref<80xi32, #tpu.memory_space<vmem>>
    %dma_wait3A_258 = arith.constant 0 : i32
    %dma_wait3A_259 = arith.constant 0 : i32
    %dma_wait3A_260 = tpu.memref_slice %arg6[%dma_wait3A_258, %dma_wait3A_259] : memref<10000x64xf32, #tpu.memory_space<vmem_shared>> -> memref<10000x64xf32, #tpu.memory_space<vmem_shared>>
    %dma_wait3A_261 = tpu.memref_slice %arg11[%dma_wait3A_250] : memref<5x!tpu.dma_semaphore, #tpu.memory_space<semaphore_mem>> -> memref<1x!tpu.dma_semaphore, #tpu.memory_space<semaphore_mem>>
    %dma_wait3A_262 = tpu.memref_squeeze %dma_wait3A_261 : memref<1x!tpu.dma_semaphore, #tpu.memory_space<semaphore_mem>> -> memref<!tpu.dma_semaphore, #tpu.memory_space<semaphore_mem>>
    tpu.wait_indirect_dma semaphore(%dma_wait3A_262 : memref<!tpu.dma_semaphore, #tpu.memory_space<semaphore_mem>>) src(%dma_wait3A_254 : memref<80x64xf32, #tpu.memory_space<vmem>>) dst(%dma_wait3A_260 : memref<10000x64xf32, #tpu.memory_space<vmem_shared>>)
    %dma_wait3A_263 = arith.constant 2 : i32
    %dma_wait3A_264 = arith.constant 122 : i32
    %dma_wait3A_265 = arith.constant 2 : i32
    %dma_wait3A_266 = arith.constant 0 : i32
    %dma_wait3A_267 = arith.constant 0 : i32
    %dma_wait3A_268 = tpu.memref_slice %arg9[%dma_wait3A_263, %dma_wait3A_266, %dma_wait3A_267] : memref<5x80x64xf32, #tpu.memory_space<vmem>> -> memref<1x80x64xf32, #tpu.memory_space<vmem>>
    %dma_wait3A_269 = tpu.memref_squeeze %dma_wait3A_268 : memref<1x80x64xf32, #tpu.memory_space<vmem>> -> memref<80x64xf32, #tpu.memory_space<vmem>>
    %dma_wait3A_270 = arith.constant 0 : i32
    %dma_wait3A_271 = tpu.memref_slice %arg8[%dma_wait3A_264, %dma_wait3A_270] : memref<125x80xi32, #tpu.memory_space<vmem>> -> memref<1x80xi32, #tpu.memory_space<vmem>>
    %dma_wait3A_272 = tpu.memref_squeeze %dma_wait3A_271 : memref<1x80xi32, #tpu.memory_space<vmem>> -> memref<80xi32, #tpu.memory_space<vmem>>
    %dma_wait3A_273 = arith.constant 0 : i32
    %dma_wait3A_274 = arith.constant 0 : i32
    %dma_wait3A_275 = tpu.memref_slice %arg6[%dma_wait3A_273, %dma_wait3A_274] : memref<10000x64xf32, #tpu.memory_space<vmem_shared>> -> memref<10000x64xf32, #tpu.memory_space<vmem_shared>>
    %dma_wait3A_276 = tpu.memref_slice %arg11[%dma_wait3A_265] : memref<5x!tpu.dma_semaphore, #tpu.memory_space<semaphore_mem>> -> memref<1x!tpu.dma_semaphore, #tpu.memory_space<semaphore_mem>>
    %dma_wait3A_277 = tpu.memref_squeeze %dma_wait3A_276 : memref<1x!tpu.dma_semaphore, #tpu.memory_space<semaphore_mem>> -> memref<!tpu.dma_semaphore, #tpu.memory_space<semaphore_mem>>
    tpu.wait_indirect_dma semaphore(%dma_wait3A_277 : memref<!tpu.dma_semaphore, #tpu.memory_space<semaphore_mem>>) src(%dma_wait3A_269 : memref<80x64xf32, #tpu.memory_space<vmem>>) dst(%dma_wait3A_275 : memref<10000x64xf32, #tpu.memory_space<vmem_shared>>)
    %dma_wait3A_278 = arith.constant 3 : i32
    %dma_wait3A_279 = arith.constant 123 : i32
    %dma_wait3A_280 = arith.constant 3 : i32
    %dma_wait3A_281 = arith.constant 0 : i32
    %dma_wait3A_282 = arith.constant 0 : i32
    %dma_wait3A_283 = tpu.memref_slice %arg9[%dma_wait3A_278, %dma_wait3A_281, %dma_wait3A_282] : memref<5x80x64xf32, #tpu.memory_space<vmem>> -> memref<1x80x64xf32, #tpu.memory_space<vmem>>
    %dma_wait3A_284 = tpu.memref_squeeze %dma_wait3A_283 : memref<1x80x64xf32, #tpu.memory_space<vmem>> -> memref<80x64xf32, #tpu.memory_space<vmem>>
    %dma_wait3A_285 = arith.constant 0 : i32
    %dma_wait3A_286 = tpu.memref_slice %arg8[%dma_wait3A_279, %dma_wait3A_285] : memref<125x80xi32, #tpu.memory_space<vmem>> -> memref<1x80xi32, #tpu.memory_space<vmem>>
    %dma_wait3A_287 = tpu.memref_squeeze %dma_wait3A_286 : memref<1x80xi32, #tpu.memory_space<vmem>> -> memref<80xi32, #tpu.memory_space<vmem>>
    %dma_wait3A_288 = arith.constant 0 : i32
    %dma_wait3A_289 = arith.constant 0 : i32
    %dma_wait3A_290 = tpu.memref_slice %arg6[%dma_wait3A_288, %dma_wait3A_289] : memref<10000x64xf32, #tpu.memory_space<vmem_shared>> -> memref<10000x64xf32, #tpu.memory_space<vmem_shared>>
    %dma_wait3A_291 = tpu.memref_slice %arg11[%dma_wait3A_280] : memref<5x!tpu.dma_semaphore, #tpu.memory_space<semaphore_mem>> -> memref<1x!tpu.dma_semaphore, #tpu.memory_space<semaphore_mem>>
    %dma_wait3A_292 = tpu.memref_squeeze %dma_wait3A_291 : memref<1x!tpu.dma_semaphore, #tpu.memory_space<semaphore_mem>> -> memref<!tpu.dma_semaphore, #tpu.memory_space<semaphore_mem>>
    tpu.wait_indirect_dma semaphore(%dma_wait3A_292 : memref<!tpu.dma_semaphore, #tpu.memory_space<semaphore_mem>>) src(%dma_wait3A_284 : memref<80x64xf32, #tpu.memory_space<vmem>>) dst(%dma_wait3A_290 : memref<10000x64xf32, #tpu.memory_space<vmem_shared>>)
    %dma_wait3A_293 = arith.constant 4 : i32
    %dma_wait3A_294 = arith.constant 124 : i32
    %dma_wait3A_295 = arith.constant 4 : i32
    %dma_wait3A_296 = arith.constant 0 : i32
    %dma_wait3A_297 = arith.constant 0 : i32
    %dma_wait3A_298 = tpu.memref_slice %arg9[%dma_wait3A_293, %dma_wait3A_296, %dma_wait3A_297] : memref<5x80x64xf32, #tpu.memory_space<vmem>> -> memref<1x80x64xf32, #tpu.memory_space<vmem>>
    %dma_wait3A_299 = tpu.memref_squeeze %dma_wait3A_298 : memref<1x80x64xf32, #tpu.memory_space<vmem>> -> memref<80x64xf32, #tpu.memory_space<vmem>>
    %dma_wait3A_300 = arith.constant 0 : i32
    %dma_wait3A_301 = tpu.memref_slice %arg8[%dma_wait3A_294, %dma_wait3A_300] : memref<125x80xi32, #tpu.memory_space<vmem>> -> memref<1x80xi32, #tpu.memory_space<vmem>>
    %dma_wait3A_302 = tpu.memref_squeeze %dma_wait3A_301 : memref<1x80xi32, #tpu.memory_space<vmem>> -> memref<80xi32, #tpu.memory_space<vmem>>
    %dma_wait3A_303 = arith.constant 0 : i32
    %dma_wait3A_304 = arith.constant 0 : i32
    %dma_wait3A_305 = tpu.memref_slice %arg6[%dma_wait3A_303, %dma_wait3A_304] : memref<10000x64xf32, #tpu.memory_space<vmem_shared>> -> memref<10000x64xf32, #tpu.memory_space<vmem_shared>>
    %dma_wait3A_306 = tpu.memref_slice %arg11[%dma_wait3A_295] : memref<5x!tpu.dma_semaphore, #tpu.memory_space<semaphore_mem>> -> memref<1x!tpu.dma_semaphore, #tpu.memory_space<semaphore_mem>>
    %dma_wait3A_307 = tpu.memref_squeeze %dma_wait3A_306 : memref<1x!tpu.dma_semaphore, #tpu.memory_space<semaphore_mem>> -> memref<!tpu.dma_semaphore, #tpu.memory_space<semaphore_mem>>
    tpu.wait_indirect_dma semaphore(%dma_wait3A_307 : memref<!tpu.dma_semaphore, #tpu.memory_space<semaphore_mem>>) src(%dma_wait3A_299 : memref<80x64xf32, #tpu.memory_space<vmem>>) dst(%dma_wait3A_305 : memref<10000x64xf32, #tpu.memory_space<vmem_shared>>)
    %barrier3A_308 = arith.constant 0 : index
    tpu.barrier barrier_id(%barrier3A_308)
    "tpu.region"() ({
      %run_scoped3A = tpu.sem_alloc : memref<!tpu.dma_semaphore, #tpu.memory_space<semaphore_mem>>
      %dma_start3A_314 = arith.constant 0 : i32
      %dma_start3A_315 = tpu.memref_slice %arg5[%arg0, %mul3A_2, %dma_start3A_314] : memref<2x10000x64xf32, #tpu.memory_space<hbm>> -> memref<1x624x64xf32, #tpu.memory_space<hbm>>
      %dma_start3A_316 = tpu.memref_squeeze %dma_start3A_315 : memref<1x624x64xf32, #tpu.memory_space<hbm>> -> memref<624x64xf32, #tpu.memory_space<hbm>>
      %dma_start3A_317 = arith.constant 0 : i32
      %dma_start3A_318 = tpu.memref_slice %arg6[%mul3A_2, %dma_start3A_317] : memref<10000x64xf32, #tpu.memory_space<vmem_shared>> -> memref<624x64xf32, #tpu.memory_space<vmem_shared>>
      tpu.enqueue_dma source(%dma_start3A_318 : memref<624x64xf32, #tpu.memory_space<vmem_shared>>) target(%dma_start3A_316 : memref<624x64xf32, #tpu.memory_space<hbm>>) target_semaphore(%run_scoped3A : memref<!tpu.dma_semaphore, #tpu.memory_space<semaphore_mem>>)
      %dma_wait3A_319 = arith.constant 0 : i32
      %dma_wait3A_320 = tpu.memref_slice %arg5[%arg0, %mul3A_2, %dma_wait3A_319] : memref<2x10000x64xf32, #tpu.memory_space<hbm>> -> memref<1x624x64xf32, #tpu.memory_space<hbm>>
      %dma_wait3A_321 = tpu.memref_squeeze %dma_wait3A_320 : memref<1x624x64xf32, #tpu.memory_space<hbm>> -> memref<624x64xf32, #tpu.memory_space<hbm>>
      %dma_wait3A_322 = arith.constant 0 : i32
      %dma_wait3A_323 = tpu.memref_slice %arg6[%mul3A_2, %dma_wait3A_322] : memref<10000x64xf32, #tpu.memory_space<vmem_shared>> -> memref<624x64xf32, #tpu.memory_space<vmem_shared>>
      tpu.wait_dma2 semaphore(%run_scoped3A : memref<!tpu.dma_semaphore, #tpu.memory_space<semaphore_mem>>) src(%dma_wait3A_323 : memref<624x64xf32, #tpu.memory_space<vmem_shared>>) dst(%dma_wait3A_321 : memref<624x64xf32, #tpu.memory_space<hbm>>)
      tpu.yield
    }) : () -> ()
    %eq3A_309 = arith.constant 0 : i32
    %eq3A_310 = arith.cmpi eq, %arg1, %eq3A_309 : i32
    %convert_element_type3A_311 = arith.extui %eq3A_310 : i1 to i32
    %cond3A_312 = arith.constant 0 : i32
    %cond3A_313 = arith.cmpi ne, %convert_element_type3A_311, %cond3A_312 : i32
    scf.if %cond3A_313 {
      "tpu.region"() ({
        %run_scoped3A = tpu.sem_alloc : memref<!tpu.dma_semaphore, #tpu.memory_space<semaphore_mem>>
        %dma_start3A_314 = arith.constant 9984 : i32
        %dma_start3A_315 = arith.constant 0 : i32
        %dma_start3A_316 = tpu.memref_slice %arg5[%arg0, %dma_start3A_314, %dma_start3A_315] : memref<2x10000x64xf32, #tpu.memory_space<hbm>> -> memref<1x16x64xf32, #tpu.memory_space<hbm>>
        %dma_start3A_317 = tpu.memref_squeeze %dma_start3A_316 : memref<1x16x64xf32, #tpu.memory_space<hbm>> -> memref<16x64xf32, #tpu.memory_space<hbm>>
        %dma_start3A_318 = arith.constant 9984 : i32
        %dma_start3A_319 = arith.constant 0 : i32
        %dma_start3A_320 = tpu.memref_slice %arg6[%dma_start3A_318, %dma_start3A_319] : memref<10000x64xf32, #tpu.memory_space<vmem_shared>> -> memref<16x64xf32, #tpu.memory_space<vmem_shared>>
        tpu.enqueue_dma source(%dma_start3A_320 : memref<16x64xf32, #tpu.memory_space<vmem_shared>>) target(%dma_start3A_317 : memref<16x64xf32, #tpu.memory_space<hbm>>) target_semaphore(%run_scoped3A : memref<!tpu.dma_semaphore, #tpu.memory_space<semaphore_mem>>)
        %dma_wait3A_321 = arith.constant 9984 : i32
        %dma_wait3A_322 = arith.constant 0 : i32
        %dma_wait3A_323 = tpu.memref_slice %arg5[%arg0, %dma_wait3A_321, %dma_wait3A_322] : memref<2x10000x64xf32, #tpu.memory_space<hbm>> -> memref<1x16x64xf32, #tpu.memory_space<hbm>>
        %dma_wait3A_324 = tpu.memref_squeeze %dma_wait3A_323 : memref<1x16x64xf32, #tpu.memory_space<hbm>> -> memref<16x64xf32, #tpu.memory_space<hbm>>
        %dma_wait3A_325 = arith.constant 9984 : i32
        %dma_wait3A_326 = arith.constant 0 : i32
        %dma_wait3A_327 = tpu.memref_slice %arg6[%dma_wait3A_325, %dma_wait3A_326] : memref<10000x64xf32, #tpu.memory_space<vmem_shared>> -> memref<16x64xf32, #tpu.memory_space<vmem_shared>>
        tpu.wait_dma2 semaphore(%run_scoped3A : memref<!tpu.dma_semaphore, #tpu.memory_space<semaphore_mem>>) src(%dma_wait3A_327 : memref<16x64xf32, #tpu.memory_space<vmem_shared>>) dst(%dma_wait3A_324 : memref<16x64xf32, #tpu.memory_space<hbm>>)
        tpu.yield
      }) : () -> ()
    } else {
    }
    return
  }
}

#map = affine_map<(d0, d1) -> (0, 0)>
#map1 = affine_map<(d0, d1) -> (0, 0, 0)>
module attributes {stable_mosaic.version = 14 : i64} {
  func.func @body(%arg0: i32, %arg1: i32, %arg2: memref<10000x16xf32, #tpu.memory_space<hbm>>, %arg3: memref<80x16xf32, #tpu.memory_space<hbm>>, %arg4: memref<32x125x80xi32, #tpu.memory_space<hbm>>, %arg5: memref<2x10000x16xf32, #tpu.memory_space<hbm>>, %arg6: memref<10000x16xf32, #tpu.memory_space<vmem_shared>>, %arg7: memref<125x80xi32, #tpu.memory_space<vmem>>, %arg8: memref<80x16xf32, #tpu.memory_space<vmem>>, %arg9: memref<5x!tpu.dma_semaphore, #tpu.memory_space<semaphore_mem>>) attributes {dimension_semantics = [#tpu.dimension_semantics<core_parallel>, #tpu.dimension_semantics<subcore_parallel>], iteration_bounds = array<i64: 2, 16>, scalar_prefetch = 0 : i64, scratch_operands = 4 : i64, tpu.core_type = #tpu.core_type<sc_vector_subcore>, window_params = [{transform_indices = #map}, {transform_indices = #map}, {transform_indices = #map1}, {transform_indices = #map1}]} {
    %mul3A = arith.constant 16 : i32
    %mul3A_0 = arith.muli %arg0, %mul3A : i32
    %add3A = arith.addi %mul3A_0, %arg1 : i32
    %mul3A_1 = arith.constant 624 : i32
    %mul3A_2 = arith.muli %arg1, %mul3A_1 : i32
    "tpu.region"() ({
      %run_scoped3A = tpu.sem_alloc : memref<!tpu.dma_semaphore, #tpu.memory_space<semaphore_mem>>
      %dma_start3A = arith.constant 0 : i32
      %dma_start3A_16 = tpu.memref_slice %arg6[%mul3A_2, %dma_start3A] : memref<10000x16xf32, #tpu.memory_space<vmem_shared>> -> memref<624x16xf32, #tpu.memory_space<vmem_shared>>
      %dma_start3A_17 = arith.constant 0 : i32
      %dma_start3A_18 = tpu.memref_slice %arg2[%mul3A_2, %dma_start3A_17] : memref<10000x16xf32, #tpu.memory_space<hbm>> -> memref<624x16xf32, #tpu.memory_space<hbm>>
      tpu.enqueue_dma source(%dma_start3A_18 : memref<624x16xf32, #tpu.memory_space<hbm>>) target(%dma_start3A_16 : memref<624x16xf32, #tpu.memory_space<vmem_shared>>) target_semaphore(%run_scoped3A : memref<!tpu.dma_semaphore, #tpu.memory_space<semaphore_mem>>)
      %dma_wait3A = arith.constant 0 : i32
      %dma_wait3A_19 = tpu.memref_slice %arg6[%mul3A_2, %dma_wait3A] : memref<10000x16xf32, #tpu.memory_space<vmem_shared>> -> memref<624x16xf32, #tpu.memory_space<vmem_shared>>
      %dma_wait3A_20 = arith.constant 0 : i32
      %dma_wait3A_21 = tpu.memref_slice %arg2[%mul3A_2, %dma_wait3A_20] : memref<10000x16xf32, #tpu.memory_space<hbm>> -> memref<624x16xf32, #tpu.memory_space<hbm>>
      tpu.wait_dma2 semaphore(%run_scoped3A : memref<!tpu.dma_semaphore, #tpu.memory_space<semaphore_mem>>) src(%dma_wait3A_21 : memref<624x16xf32, #tpu.memory_space<hbm>>) dst(%dma_wait3A_19 : memref<624x16xf32, #tpu.memory_space<vmem_shared>>)
      tpu.yield
    }) : () -> ()
    %eq3A = arith.constant 0 : i32
    %eq3A_3 = arith.cmpi eq, %arg1, %eq3A : i32
    %convert_element_type3A = arith.extui %eq3A_3 : i1 to i32
    %cond3A = arith.constant 0 : i32
    %cond3A_4 = arith.cmpi ne, %convert_element_type3A, %cond3A : i32
    scf.if %cond3A_4 {
      "tpu.region"() ({
        %run_scoped3A = tpu.sem_alloc : memref<!tpu.dma_semaphore, #tpu.memory_space<semaphore_mem>>
        %dma_start3A = arith.constant 9984 : i32
        %dma_start3A_16 = arith.constant 0 : i32
        %dma_start3A_17 = tpu.memref_slice %arg6[%dma_start3A, %dma_start3A_16] : memref<10000x16xf32, #tpu.memory_space<vmem_shared>> -> memref<16x16xf32, #tpu.memory_space<vmem_shared>>
        %dma_start3A_18 = arith.constant 9984 : i32
        %dma_start3A_19 = arith.constant 0 : i32
        %dma_start3A_20 = tpu.memref_slice %arg2[%dma_start3A_18, %dma_start3A_19] : memref<10000x16xf32, #tpu.memory_space<hbm>> -> memref<16x16xf32, #tpu.memory_space<hbm>>
        tpu.enqueue_dma source(%dma_start3A_20 : memref<16x16xf32, #tpu.memory_space<hbm>>) target(%dma_start3A_17 : memref<16x16xf32, #tpu.memory_space<vmem_shared>>) target_semaphore(%run_scoped3A : memref<!tpu.dma_semaphore, #tpu.memory_space<semaphore_mem>>)
        %dma_wait3A = arith.constant 9984 : i32
        %dma_wait3A_21 = arith.constant 0 : i32
        %dma_wait3A_22 = tpu.memref_slice %arg6[%dma_wait3A, %dma_wait3A_21] : memref<10000x16xf32, #tpu.memory_space<vmem_shared>> -> memref<16x16xf32, #tpu.memory_space<vmem_shared>>
        %dma_wait3A_23 = arith.constant 9984 : i32
        %dma_wait3A_24 = arith.constant 0 : i32
        %dma_wait3A_25 = tpu.memref_slice %arg2[%dma_wait3A_23, %dma_wait3A_24] : memref<10000x16xf32, #tpu.memory_space<hbm>> -> memref<16x16xf32, #tpu.memory_space<hbm>>
        tpu.wait_dma2 semaphore(%run_scoped3A : memref<!tpu.dma_semaphore, #tpu.memory_space<semaphore_mem>>) src(%dma_wait3A_25 : memref<16x16xf32, #tpu.memory_space<hbm>>) dst(%dma_wait3A_22 : memref<16x16xf32, #tpu.memory_space<vmem_shared>>)
        tpu.yield
      }) : () -> ()
    } else {
    }
    "tpu.region"() ({
      %run_scoped3A = tpu.sem_alloc : memref<!tpu.dma_semaphore, #tpu.memory_space<semaphore_mem>>
      %dma_start3A = arith.constant 0 : i32
      %dma_start3A_16 = arith.constant 0 : i32
      %dma_start3A_17 = tpu.memref_slice %arg4[%add3A, %dma_start3A, %dma_start3A_16] : memref<32x125x80xi32, #tpu.memory_space<hbm>> -> memref<1x125x80xi32, #tpu.memory_space<hbm>>
      %dma_start3A_18 = tpu.memref_squeeze %dma_start3A_17 : memref<1x125x80xi32, #tpu.memory_space<hbm>> -> memref<125x80xi32, #tpu.memory_space<hbm>>
      %dma_start3A_19 = arith.constant 0 : i32
      %dma_start3A_20 = arith.constant 0 : i32
      %dma_start3A_21 = tpu.memref_slice %arg4[%add3A, %dma_start3A_19, %dma_start3A_20] : memref<32x125x80xi32, #tpu.memory_space<hbm>> -> memref<1x125x80xi32, #tpu.memory_space<hbm>>
      %dma_start3A_22 = tpu.memref_squeeze %dma_start3A_21 : memref<1x125x80xi32, #tpu.memory_space<hbm>> -> memref<125x80xi32, #tpu.memory_space<hbm>>
      tpu.enqueue_dma source(%dma_start3A_22 : memref<125x80xi32, #tpu.memory_space<hbm>>) target(%arg7 : memref<125x80xi32, #tpu.memory_space<vmem>>) target_semaphore(%run_scoped3A : memref<!tpu.dma_semaphore, #tpu.memory_space<semaphore_mem>>)
      %dma_wait3A = arith.constant 0 : i32
      %dma_wait3A_23 = arith.constant 0 : i32
      %dma_wait3A_24 = tpu.memref_slice %arg4[%add3A, %dma_wait3A, %dma_wait3A_23] : memref<32x125x80xi32, #tpu.memory_space<hbm>> -> memref<1x125x80xi32, #tpu.memory_space<hbm>>
      %dma_wait3A_25 = tpu.memref_squeeze %dma_wait3A_24 : memref<1x125x80xi32, #tpu.memory_space<hbm>> -> memref<125x80xi32, #tpu.memory_space<hbm>>
      %dma_wait3A_26 = arith.constant 0 : i32
      %dma_wait3A_27 = arith.constant 0 : i32
      %dma_wait3A_28 = tpu.memref_slice %arg4[%add3A, %dma_wait3A_26, %dma_wait3A_27] : memref<32x125x80xi32, #tpu.memory_space<hbm>> -> memref<1x125x80xi32, #tpu.memory_space<hbm>>
      %dma_wait3A_29 = tpu.memref_squeeze %dma_wait3A_28 : memref<1x125x80xi32, #tpu.memory_space<hbm>> -> memref<125x80xi32, #tpu.memory_space<hbm>>
      tpu.wait_dma2 semaphore(%run_scoped3A : memref<!tpu.dma_semaphore, #tpu.memory_space<semaphore_mem>>) src(%dma_wait3A_29 : memref<125x80xi32, #tpu.memory_space<hbm>>) dst(%arg7 : memref<125x80xi32, #tpu.memory_space<vmem>>)
      tpu.yield
    }) : () -> ()
    "tpu.region"() ({
      %run_scoped3A = tpu.sem_alloc : memref<!tpu.dma_semaphore, #tpu.memory_space<semaphore_mem>>
      tpu.enqueue_dma source(%arg3 : memref<80x16xf32, #tpu.memory_space<hbm>>) target(%arg8 : memref<80x16xf32, #tpu.memory_space<vmem>>) target_semaphore(%run_scoped3A : memref<!tpu.dma_semaphore, #tpu.memory_space<semaphore_mem>>)
      tpu.wait_dma2 semaphore(%run_scoped3A : memref<!tpu.dma_semaphore, #tpu.memory_space<semaphore_mem>>) src(%arg3 : memref<80x16xf32, #tpu.memory_space<hbm>>) dst(%arg8 : memref<80x16xf32, #tpu.memory_space<vmem>>)
      tpu.yield
    }) : () -> ()
    %barrier3A = arith.constant 0 : index
    tpu.barrier barrier_id(%barrier3A)
    %scan3A = arith.constant 0 : i32
    %scan3A_5 = arith.constant 0 : i32
    %scan3A_6 = arith.constant 25 : i32
    %scan3A_7 = arith.addi %scan3A_5, %scan3A_6 : i32
    %scan3A_8 = arith.constant 1 : i32
    scf.for %scan3A_16 = %scan3A_5 to %scan3A_7 step %scan3A_8  : i32 {
      %mul3A_17 = arith.constant 5 : i32
      %mul3A_18 = arith.muli %scan3A_16, %mul3A_17 : i32
      %add3A_19 = arith.constant 0 : i32
      %add3A_20 = arith.addi %mul3A_18, %add3A_19 : i32
      %dma_start3A = arith.constant 0 : i32
      %dma_start3A_21 = arith.constant 0 : i32
      %dma_start3A_22 = tpu.memref_slice %arg7[%add3A_20, %dma_start3A_21] : memref<125x80xi32, #tpu.memory_space<vmem>> -> memref<1x80xi32, #tpu.memory_space<vmem>>
      %dma_start3A_23 = tpu.memref_squeeze %dma_start3A_22 : memref<1x80xi32, #tpu.memory_space<vmem>> -> memref<80xi32, #tpu.memory_space<vmem>>
      %dma_start3A_24 = arith.constant 0 : i32
      %dma_start3A_25 = arith.constant 0 : i32
      %dma_start3A_26 = tpu.memref_slice %arg6[%dma_start3A_24, %dma_start3A_25] : memref<10000x16xf32, #tpu.memory_space<vmem_shared>> -> memref<10000x16xf32, #tpu.memory_space<vmem_shared>>
      %dma_start3A_27 = tpu.memref_slice %arg9[%dma_start3A] : memref<5x!tpu.dma_semaphore, #tpu.memory_space<semaphore_mem>> -> memref<1x!tpu.dma_semaphore, #tpu.memory_space<semaphore_mem>>
      %dma_start3A_28 = tpu.memref_squeeze %dma_start3A_27 : memref<1x!tpu.dma_semaphore, #tpu.memory_space<semaphore_mem>> -> memref<!tpu.dma_semaphore, #tpu.memory_space<semaphore_mem>>
      tpu.enqueue_indirect_dma source(%arg8 : memref<80x16xf32, #tpu.memory_space<vmem>>) target(%dma_start3A_26 : memref<10000x16xf32, #tpu.memory_space<vmem_shared>>) offsets(%dma_start3A_23 : memref<80xi32, #tpu.memory_space<vmem>>) semaphore(%dma_start3A_28 : memref<!tpu.dma_semaphore, #tpu.memory_space<semaphore_mem>>) {add = true}
      %mul3A_29 = arith.constant 5 : i32
      %mul3A_30 = arith.muli %scan3A_16, %mul3A_29 : i32
      %add3A_31 = arith.constant 1 : i32
      %add3A_32 = arith.addi %mul3A_30, %add3A_31 : i32
      %dma_start3A_33 = arith.constant 1 : i32
      %dma_start3A_34 = arith.constant 0 : i32
      %dma_start3A_35 = tpu.memref_slice %arg7[%add3A_32, %dma_start3A_34] : memref<125x80xi32, #tpu.memory_space<vmem>> -> memref<1x80xi32, #tpu.memory_space<vmem>>
      %dma_start3A_36 = tpu.memref_squeeze %dma_start3A_35 : memref<1x80xi32, #tpu.memory_space<vmem>> -> memref<80xi32, #tpu.memory_space<vmem>>
      %dma_start3A_37 = arith.constant 0 : i32
      %dma_start3A_38 = arith.constant 0 : i32
      %dma_start3A_39 = tpu.memref_slice %arg6[%dma_start3A_37, %dma_start3A_38] : memref<10000x16xf32, #tpu.memory_space<vmem_shared>> -> memref<10000x16xf32, #tpu.memory_space<vmem_shared>>
      %dma_start3A_40 = tpu.memref_slice %arg9[%dma_start3A_33] : memref<5x!tpu.dma_semaphore, #tpu.memory_space<semaphore_mem>> -> memref<1x!tpu.dma_semaphore, #tpu.memory_space<semaphore_mem>>
      %dma_start3A_41 = tpu.memref_squeeze %dma_start3A_40 : memref<1x!tpu.dma_semaphore, #tpu.memory_space<semaphore_mem>> -> memref<!tpu.dma_semaphore, #tpu.memory_space<semaphore_mem>>
      tpu.enqueue_indirect_dma source(%arg8 : memref<80x16xf32, #tpu.memory_space<vmem>>) target(%dma_start3A_39 : memref<10000x16xf32, #tpu.memory_space<vmem_shared>>) offsets(%dma_start3A_36 : memref<80xi32, #tpu.memory_space<vmem>>) semaphore(%dma_start3A_41 : memref<!tpu.dma_semaphore, #tpu.memory_space<semaphore_mem>>) {add = true}
      %mul3A_42 = arith.constant 5 : i32
      %mul3A_43 = arith.muli %scan3A_16, %mul3A_42 : i32
      %add3A_44 = arith.constant 2 : i32
      %add3A_45 = arith.addi %mul3A_43, %add3A_44 : i32
      %dma_start3A_46 = arith.constant 2 : i32
      %dma_start3A_47 = arith.constant 0 : i32
      %dma_start3A_48 = tpu.memref_slice %arg7[%add3A_45, %dma_start3A_47] : memref<125x80xi32, #tpu.memory_space<vmem>> -> memref<1x80xi32, #tpu.memory_space<vmem>>
      %dma_start3A_49 = tpu.memref_squeeze %dma_start3A_48 : memref<1x80xi32, #tpu.memory_space<vmem>> -> memref<80xi32, #tpu.memory_space<vmem>>
      %dma_start3A_50 = arith.constant 0 : i32
      %dma_start3A_51 = arith.constant 0 : i32
      %dma_start3A_52 = tpu.memref_slice %arg6[%dma_start3A_50, %dma_start3A_51] : memref<10000x16xf32, #tpu.memory_space<vmem_shared>> -> memref<10000x16xf32, #tpu.memory_space<vmem_shared>>
      %dma_start3A_53 = tpu.memref_slice %arg9[%dma_start3A_46] : memref<5x!tpu.dma_semaphore, #tpu.memory_space<semaphore_mem>> -> memref<1x!tpu.dma_semaphore, #tpu.memory_space<semaphore_mem>>
      %dma_start3A_54 = tpu.memref_squeeze %dma_start3A_53 : memref<1x!tpu.dma_semaphore, #tpu.memory_space<semaphore_mem>> -> memref<!tpu.dma_semaphore, #tpu.memory_space<semaphore_mem>>
      tpu.enqueue_indirect_dma source(%arg8 : memref<80x16xf32, #tpu.memory_space<vmem>>) target(%dma_start3A_52 : memref<10000x16xf32, #tpu.memory_space<vmem_shared>>) offsets(%dma_start3A_49 : memref<80xi32, #tpu.memory_space<vmem>>) semaphore(%dma_start3A_54 : memref<!tpu.dma_semaphore, #tpu.memory_space<semaphore_mem>>) {add = true}
      %mul3A_55 = arith.constant 5 : i32
      %mul3A_56 = arith.muli %scan3A_16, %mul3A_55 : i32
      %add3A_57 = arith.constant 3 : i32
      %add3A_58 = arith.addi %mul3A_56, %add3A_57 : i32
      %dma_start3A_59 = arith.constant 3 : i32
      %dma_start3A_60 = arith.constant 0 : i32
      %dma_start3A_61 = tpu.memref_slice %arg7[%add3A_58, %dma_start3A_60] : memref<125x80xi32, #tpu.memory_space<vmem>> -> memref<1x80xi32, #tpu.memory_space<vmem>>
      %dma_start3A_62 = tpu.memref_squeeze %dma_start3A_61 : memref<1x80xi32, #tpu.memory_space<vmem>> -> memref<80xi32, #tpu.memory_space<vmem>>
      %dma_start3A_63 = arith.constant 0 : i32
      %dma_start3A_64 = arith.constant 0 : i32
      %dma_start3A_65 = tpu.memref_slice %arg6[%dma_start3A_63, %dma_start3A_64] : memref<10000x16xf32, #tpu.memory_space<vmem_shared>> -> memref<10000x16xf32, #tpu.memory_space<vmem_shared>>
      %dma_start3A_66 = tpu.memref_slice %arg9[%dma_start3A_59] : memref<5x!tpu.dma_semaphore, #tpu.memory_space<semaphore_mem>> -> memref<1x!tpu.dma_semaphore, #tpu.memory_space<semaphore_mem>>
      %dma_start3A_67 = tpu.memref_squeeze %dma_start3A_66 : memref<1x!tpu.dma_semaphore, #tpu.memory_space<semaphore_mem>> -> memref<!tpu.dma_semaphore, #tpu.memory_space<semaphore_mem>>
      tpu.enqueue_indirect_dma source(%arg8 : memref<80x16xf32, #tpu.memory_space<vmem>>) target(%dma_start3A_65 : memref<10000x16xf32, #tpu.memory_space<vmem_shared>>) offsets(%dma_start3A_62 : memref<80xi32, #tpu.memory_space<vmem>>) semaphore(%dma_start3A_67 : memref<!tpu.dma_semaphore, #tpu.memory_space<semaphore_mem>>) {add = true}
      %mul3A_68 = arith.constant 5 : i32
      %mul3A_69 = arith.muli %scan3A_16, %mul3A_68 : i32
      %add3A_70 = arith.constant 4 : i32
      %add3A_71 = arith.addi %mul3A_69, %add3A_70 : i32
      %dma_start3A_72 = arith.constant 4 : i32
      %dma_start3A_73 = arith.constant 0 : i32
      %dma_start3A_74 = tpu.memref_slice %arg7[%add3A_71, %dma_start3A_73] : memref<125x80xi32, #tpu.memory_space<vmem>> -> memref<1x80xi32, #tpu.memory_space<vmem>>
      %dma_start3A_75 = tpu.memref_squeeze %dma_start3A_74 : memref<1x80xi32, #tpu.memory_space<vmem>> -> memref<80xi32, #tpu.memory_space<vmem>>
      %dma_start3A_76 = arith.constant 0 : i32
      %dma_start3A_77 = arith.constant 0 : i32
      %dma_start3A_78 = tpu.memref_slice %arg6[%dma_start3A_76, %dma_start3A_77] : memref<10000x16xf32, #tpu.memory_space<vmem_shared>> -> memref<10000x16xf32, #tpu.memory_space<vmem_shared>>
      %dma_start3A_79 = tpu.memref_slice %arg9[%dma_start3A_72] : memref<5x!tpu.dma_semaphore, #tpu.memory_space<semaphore_mem>> -> memref<1x!tpu.dma_semaphore, #tpu.memory_space<semaphore_mem>>
      %dma_start3A_80 = tpu.memref_squeeze %dma_start3A_79 : memref<1x!tpu.dma_semaphore, #tpu.memory_space<semaphore_mem>> -> memref<!tpu.dma_semaphore, #tpu.memory_space<semaphore_mem>>
      tpu.enqueue_indirect_dma source(%arg8 : memref<80x16xf32, #tpu.memory_space<vmem>>) target(%dma_start3A_78 : memref<10000x16xf32, #tpu.memory_space<vmem_shared>>) offsets(%dma_start3A_75 : memref<80xi32, #tpu.memory_space<vmem>>) semaphore(%dma_start3A_80 : memref<!tpu.dma_semaphore, #tpu.memory_space<semaphore_mem>>) {add = true}
      %dma_wait3A = arith.constant 0 : i32
      %dma_wait3A_81 = arith.constant 0 : i32
      %dma_wait3A_82 = tpu.memref_slice %arg7[%add3A_20, %dma_wait3A_81] : memref<125x80xi32, #tpu.memory_space<vmem>> -> memref<1x80xi32, #tpu.memory_space<vmem>>
      %dma_wait3A_83 = tpu.memref_squeeze %dma_wait3A_82 : memref<1x80xi32, #tpu.memory_space<vmem>> -> memref<80xi32, #tpu.memory_space<vmem>>
      %dma_wait3A_84 = arith.constant 0 : i32
      %dma_wait3A_85 = arith.constant 0 : i32
      %dma_wait3A_86 = tpu.memref_slice %arg6[%dma_wait3A_84, %dma_wait3A_85] : memref<10000x16xf32, #tpu.memory_space<vmem_shared>> -> memref<10000x16xf32, #tpu.memory_space<vmem_shared>>
      %dma_wait3A_87 = tpu.memref_slice %arg9[%dma_wait3A] : memref<5x!tpu.dma_semaphore, #tpu.memory_space<semaphore_mem>> -> memref<1x!tpu.dma_semaphore, #tpu.memory_space<semaphore_mem>>
      %dma_wait3A_88 = tpu.memref_squeeze %dma_wait3A_87 : memref<1x!tpu.dma_semaphore, #tpu.memory_space<semaphore_mem>> -> memref<!tpu.dma_semaphore, #tpu.memory_space<semaphore_mem>>
      tpu.wait_indirect_dma semaphore(%dma_wait3A_88 : memref<!tpu.dma_semaphore, #tpu.memory_space<semaphore_mem>>) src(%arg8 : memref<80x16xf32, #tpu.memory_space<vmem>>) dst(%dma_wait3A_86 : memref<10000x16xf32, #tpu.memory_space<vmem_shared>>)
      %dma_wait3A_89 = arith.constant 1 : i32
      %dma_wait3A_90 = arith.constant 0 : i32
      %dma_wait3A_91 = tpu.memref_slice %arg7[%add3A_32, %dma_wait3A_90] : memref<125x80xi32, #tpu.memory_space<vmem>> -> memref<1x80xi32, #tpu.memory_space<vmem>>
      %dma_wait3A_92 = tpu.memref_squeeze %dma_wait3A_91 : memref<1x80xi32, #tpu.memory_space<vmem>> -> memref<80xi32, #tpu.memory_space<vmem>>
      %dma_wait3A_93 = arith.constant 0 : i32
      %dma_wait3A_94 = arith.constant 0 : i32
      %dma_wait3A_95 = tpu.memref_slice %arg6[%dma_wait3A_93, %dma_wait3A_94] : memref<10000x16xf32, #tpu.memory_space<vmem_shared>> -> memref<10000x16xf32, #tpu.memory_space<vmem_shared>>
      %dma_wait3A_96 = tpu.memref_slice %arg9[%dma_wait3A_89] : memref<5x!tpu.dma_semaphore, #tpu.memory_space<semaphore_mem>> -> memref<1x!tpu.dma_semaphore, #tpu.memory_space<semaphore_mem>>
      %dma_wait3A_97 = tpu.memref_squeeze %dma_wait3A_96 : memref<1x!tpu.dma_semaphore, #tpu.memory_space<semaphore_mem>> -> memref<!tpu.dma_semaphore, #tpu.memory_space<semaphore_mem>>
      tpu.wait_indirect_dma semaphore(%dma_wait3A_97 : memref<!tpu.dma_semaphore, #tpu.memory_space<semaphore_mem>>) src(%arg8 : memref<80x16xf32, #tpu.memory_space<vmem>>) dst(%dma_wait3A_95 : memref<10000x16xf32, #tpu.memory_space<vmem_shared>>)
      %dma_wait3A_98 = arith.constant 2 : i32
      %dma_wait3A_99 = arith.constant 0 : i32
      %dma_wait3A_100 = tpu.memref_slice %arg7[%add3A_45, %dma_wait3A_99] : memref<125x80xi32, #tpu.memory_space<vmem>> -> memref<1x80xi32, #tpu.memory_space<vmem>>
      %dma_wait3A_101 = tpu.memref_squeeze %dma_wait3A_100 : memref<1x80xi32, #tpu.memory_space<vmem>> -> memref<80xi32, #tpu.memory_space<vmem>>
      %dma_wait3A_102 = arith.constant 0 : i32
      %dma_wait3A_103 = arith.constant 0 : i32
      %dma_wait3A_104 = tpu.memref_slice %arg6[%dma_wait3A_102, %dma_wait3A_103] : memref<10000x16xf32, #tpu.memory_space<vmem_shared>> -> memref<10000x16xf32, #tpu.memory_space<vmem_shared>>
      %dma_wait3A_105 = tpu.memref_slice %arg9[%dma_wait3A_98] : memref<5x!tpu.dma_semaphore, #tpu.memory_space<semaphore_mem>> -> memref<1x!tpu.dma_semaphore, #tpu.memory_space<semaphore_mem>>
      %dma_wait3A_106 = tpu.memref_squeeze %dma_wait3A_105 : memref<1x!tpu.dma_semaphore, #tpu.memory_space<semaphore_mem>> -> memref<!tpu.dma_semaphore, #tpu.memory_space<semaphore_mem>>
      tpu.wait_indirect_dma semaphore(%dma_wait3A_106 : memref<!tpu.dma_semaphore, #tpu.memory_space<semaphore_mem>>) src(%arg8 : memref<80x16xf32, #tpu.memory_space<vmem>>) dst(%dma_wait3A_104 : memref<10000x16xf32, #tpu.memory_space<vmem_shared>>)
      %dma_wait3A_107 = arith.constant 3 : i32
      %dma_wait3A_108 = arith.constant 0 : i32
      %dma_wait3A_109 = tpu.memref_slice %arg7[%add3A_58, %dma_wait3A_108] : memref<125x80xi32, #tpu.memory_space<vmem>> -> memref<1x80xi32, #tpu.memory_space<vmem>>
      %dma_wait3A_110 = tpu.memref_squeeze %dma_wait3A_109 : memref<1x80xi32, #tpu.memory_space<vmem>> -> memref<80xi32, #tpu.memory_space<vmem>>
      %dma_wait3A_111 = arith.constant 0 : i32
      %dma_wait3A_112 = arith.constant 0 : i32
      %dma_wait3A_113 = tpu.memref_slice %arg6[%dma_wait3A_111, %dma_wait3A_112] : memref<10000x16xf32, #tpu.memory_space<vmem_shared>> -> memref<10000x16xf32, #tpu.memory_space<vmem_shared>>
      %dma_wait3A_114 = tpu.memref_slice %arg9[%dma_wait3A_107] : memref<5x!tpu.dma_semaphore, #tpu.memory_space<semaphore_mem>> -> memref<1x!tpu.dma_semaphore, #tpu.memory_space<semaphore_mem>>
      %dma_wait3A_115 = tpu.memref_squeeze %dma_wait3A_114 : memref<1x!tpu.dma_semaphore, #tpu.memory_space<semaphore_mem>> -> memref<!tpu.dma_semaphore, #tpu.memory_space<semaphore_mem>>
      tpu.wait_indirect_dma semaphore(%dma_wait3A_115 : memref<!tpu.dma_semaphore, #tpu.memory_space<semaphore_mem>>) src(%arg8 : memref<80x16xf32, #tpu.memory_space<vmem>>) dst(%dma_wait3A_113 : memref<10000x16xf32, #tpu.memory_space<vmem_shared>>)
      %dma_wait3A_116 = arith.constant 4 : i32
      %dma_wait3A_117 = arith.constant 0 : i32
      %dma_wait3A_118 = tpu.memref_slice %arg7[%add3A_71, %dma_wait3A_117] : memref<125x80xi32, #tpu.memory_space<vmem>> -> memref<1x80xi32, #tpu.memory_space<vmem>>
      %dma_wait3A_119 = tpu.memref_squeeze %dma_wait3A_118 : memref<1x80xi32, #tpu.memory_space<vmem>> -> memref<80xi32, #tpu.memory_space<vmem>>
      %dma_wait3A_120 = arith.constant 0 : i32
      %dma_wait3A_121 = arith.constant 0 : i32
      %dma_wait3A_122 = tpu.memref_slice %arg6[%dma_wait3A_120, %dma_wait3A_121] : memref<10000x16xf32, #tpu.memory_space<vmem_shared>> -> memref<10000x16xf32, #tpu.memory_space<vmem_shared>>
      %dma_wait3A_123 = tpu.memref_slice %arg9[%dma_wait3A_116] : memref<5x!tpu.dma_semaphore, #tpu.memory_space<semaphore_mem>> -> memref<1x!tpu.dma_semaphore, #tpu.memory_space<semaphore_mem>>
      %dma_wait3A_124 = tpu.memref_squeeze %dma_wait3A_123 : memref<1x!tpu.dma_semaphore, #tpu.memory_space<semaphore_mem>> -> memref<!tpu.dma_semaphore, #tpu.memory_space<semaphore_mem>>
      tpu.wait_indirect_dma semaphore(%dma_wait3A_124 : memref<!tpu.dma_semaphore, #tpu.memory_space<semaphore_mem>>) src(%arg8 : memref<80x16xf32, #tpu.memory_space<vmem>>) dst(%dma_wait3A_122 : memref<10000x16xf32, #tpu.memory_space<vmem_shared>>)
    }
    %scan3A_9 = arith.constant 25 : i32
    %barrier3A_10 = arith.constant 0 : index
    tpu.barrier barrier_id(%barrier3A_10)
    "tpu.region"() ({
      %run_scoped3A = tpu.sem_alloc : memref<!tpu.dma_semaphore, #tpu.memory_space<semaphore_mem>>
      %dma_start3A = arith.constant 0 : i32
      %dma_start3A_16 = tpu.memref_slice %arg5[%arg0, %mul3A_2, %dma_start3A] : memref<2x10000x16xf32, #tpu.memory_space<hbm>> -> memref<1x624x16xf32, #tpu.memory_space<hbm>>
      %dma_start3A_17 = tpu.memref_squeeze %dma_start3A_16 : memref<1x624x16xf32, #tpu.memory_space<hbm>> -> memref<624x16xf32, #tpu.memory_space<hbm>>
      %dma_start3A_18 = arith.constant 0 : i32
      %dma_start3A_19 = tpu.memref_slice %arg6[%mul3A_2, %dma_start3A_18] : memref<10000x16xf32, #tpu.memory_space<vmem_shared>> -> memref<624x16xf32, #tpu.memory_space<vmem_shared>>
      tpu.enqueue_dma source(%dma_start3A_19 : memref<624x16xf32, #tpu.memory_space<vmem_shared>>) target(%dma_start3A_17 : memref<624x16xf32, #tpu.memory_space<hbm>>) target_semaphore(%run_scoped3A : memref<!tpu.dma_semaphore, #tpu.memory_space<semaphore_mem>>)
      %dma_wait3A = arith.constant 0 : i32
      %dma_wait3A_20 = tpu.memref_slice %arg5[%arg0, %mul3A_2, %dma_wait3A] : memref<2x10000x16xf32, #tpu.memory_space<hbm>> -> memref<1x624x16xf32, #tpu.memory_space<hbm>>
      %dma_wait3A_21 = tpu.memref_squeeze %dma_wait3A_20 : memref<1x624x16xf32, #tpu.memory_space<hbm>> -> memref<624x16xf32, #tpu.memory_space<hbm>>
      %dma_wait3A_22 = arith.constant 0 : i32
      %dma_wait3A_23 = tpu.memref_slice %arg6[%mul3A_2, %dma_wait3A_22] : memref<10000x16xf32, #tpu.memory_space<vmem_shared>> -> memref<624x16xf32, #tpu.memory_space<vmem_shared>>
      tpu.wait_dma2 semaphore(%run_scoped3A : memref<!tpu.dma_semaphore, #tpu.memory_space<semaphore_mem>>) src(%dma_wait3A_23 : memref<624x16xf32, #tpu.memory_space<vmem_shared>>) dst(%dma_wait3A_21 : memref<624x16xf32, #tpu.memory_space<hbm>>)
      tpu.yield
    }) : () -> ()
    %eq3A_11 = arith.constant 0 : i32
    %eq3A_12 = arith.cmpi eq, %arg1, %eq3A_11 : i32
    %convert_element_type3A_13 = arith.extui %eq3A_12 : i1 to i32
    %cond3A_14 = arith.constant 0 : i32
    %cond3A_15 = arith.cmpi ne, %convert_element_type3A_13, %cond3A_14 : i32
    scf.if %cond3A_15 {
      "tpu.region"() ({
        %run_scoped3A = tpu.sem_alloc : memref<!tpu.dma_semaphore, #tpu.memory_space<semaphore_mem>>
        %dma_start3A = arith.constant 9984 : i32
        %dma_start3A_16 = arith.constant 0 : i32
        %dma_start3A_17 = tpu.memref_slice %arg5[%arg0, %dma_start3A, %dma_start3A_16] : memref<2x10000x16xf32, #tpu.memory_space<hbm>> -> memref<1x16x16xf32, #tpu.memory_space<hbm>>
        %dma_start3A_18 = tpu.memref_squeeze %dma_start3A_17 : memref<1x16x16xf32, #tpu.memory_space<hbm>> -> memref<16x16xf32, #tpu.memory_space<hbm>>
        %dma_start3A_19 = arith.constant 9984 : i32
        %dma_start3A_20 = arith.constant 0 : i32
        %dma_start3A_21 = tpu.memref_slice %arg6[%dma_start3A_19, %dma_start3A_20] : memref<10000x16xf32, #tpu.memory_space<vmem_shared>> -> memref<16x16xf32, #tpu.memory_space<vmem_shared>>
        tpu.enqueue_dma source(%dma_start3A_21 : memref<16x16xf32, #tpu.memory_space<vmem_shared>>) target(%dma_start3A_18 : memref<16x16xf32, #tpu.memory_space<hbm>>) target_semaphore(%run_scoped3A : memref<!tpu.dma_semaphore, #tpu.memory_space<semaphore_mem>>)
        %dma_wait3A = arith.constant 9984 : i32
        %dma_wait3A_22 = arith.constant 0 : i32
        %dma_wait3A_23 = tpu.memref_slice %arg5[%arg0, %dma_wait3A, %dma_wait3A_22] : memref<2x10000x16xf32, #tpu.memory_space<hbm>> -> memref<1x16x16xf32, #tpu.memory_space<hbm>>
        %dma_wait3A_24 = tpu.memref_squeeze %dma_wait3A_23 : memref<1x16x16xf32, #tpu.memory_space<hbm>> -> memref<16x16xf32, #tpu.memory_space<hbm>>
        %dma_wait3A_25 = arith.constant 9984 : i32
        %dma_wait3A_26 = arith.constant 0 : i32
        %dma_wait3A_27 = tpu.memref_slice %arg6[%dma_wait3A_25, %dma_wait3A_26] : memref<10000x16xf32, #tpu.memory_space<vmem_shared>> -> memref<16x16xf32, #tpu.memory_space<vmem_shared>>
        tpu.wait_dma2 semaphore(%run_scoped3A : memref<!tpu.dma_semaphore, #tpu.memory_space<semaphore_mem>>) src(%dma_wait3A_27 : memref<16x16xf32, #tpu.memory_space<vmem_shared>>) dst(%dma_wait3A_24 : memref<16x16xf32, #tpu.memory_space<hbm>>)
        tpu.yield
      }) : () -> ()
    } else {
    }
    return
  }
}

#map = affine_map<(d0, d1) -> (0, 0)>
#map1 = affine_map<(d0, d1) -> (0, 0, 0)>
module attributes {stable_mosaic.version = 14 : i64} {
  func.func @body(%arg0: i32, %arg1: i32, %arg2: memref<10000x64xf32, #tpu.memory_space<hbm>>, %arg3: memref<32x125x80xi32, #tpu.memory_space<hbm>>, %arg4: memref<32x125x80xi32, #tpu.memory_space<hbm>>, %arg5: memref<2x10000x64xf32, #tpu.memory_space<hbm>>, %arg6: memref<10000x64xf32, #tpu.memory_space<vmem_shared>>, %arg7: memref<125x80xi32, #tpu.memory_space<vmem>>, %arg8: memref<125x80xi32, #tpu.memory_space<vmem>>, %arg9: memref<5x80x64xf32, #tpu.memory_space<vmem>>, %arg10: memref<5x!tpu.dma_semaphore, #tpu.memory_space<semaphore_mem>>, %arg11: memref<5x!tpu.dma_semaphore, #tpu.memory_space<semaphore_mem>>) attributes {dimension_semantics = [#tpu.dimension_semantics<core_parallel>, #tpu.dimension_semantics<subcore_parallel>], iteration_bounds = array<i64: 2, 16>, scalar_prefetch = 0 : i64, scratch_operands = 6 : i64, tpu.core_type = #tpu.core_type<sc_vector_subcore>, window_params = [{transform_indices = #map}, {transform_indices = #map1}, {transform_indices = #map1}, {transform_indices = #map1}]} {
    %mul3A = arith.constant 16 : i32
    %mul3A_0 = arith.muli %arg0, %mul3A : i32
    %add3A = arith.addi %mul3A_0, %arg1 : i32
    %mul3A_1 = arith.constant 624 : i32
    %mul3A_2 = arith.muli %arg1, %mul3A_1 : i32
    "tpu.region"() ({
      %run_scoped3A = tpu.sem_alloc : memref<!tpu.dma_semaphore, #tpu.memory_space<semaphore_mem>>
      %dma_start3A_314 = arith.constant 0 : i32
      %dma_start3A_315 = tpu.memref_slice %arg6[%mul3A_2, %dma_start3A_314] : memref<10000x64xf32, #tpu.memory_space<vmem_shared>> -> memref<624x64xf32, #tpu.memory_space<vmem_shared>>
      %dma_start3A_316 = arith.constant 0 : i32
      %dma_start3A_317 = tpu.memref_slice %arg2[%mul3A_2, %dma_start3A_316] : memref<10000x64xf32, #tpu.memory_space<hbm>> -> memref<624x64xf32, #tpu.memory_space<hbm>>
      tpu.enqueue_dma source(%dma_start3A_317 : memref<624x64xf32, #tpu.memory_space<hbm>>) target(%dma_start3A_315 : memref<624x64xf32, #tpu.memory_space<vmem_shared>>) target_semaphore(%run_scoped3A : memref<!tpu.dma_semaphore, #tpu.memory_space<semaphore_mem>>)
      %dma_wait3A_318 = arith.constant 0 : i32
      %dma_wait3A_319 = tpu.memref_slice %arg6[%mul3A_2, %dma_wait3A_318] : memref<10000x64xf32, #tpu.memory_space<vmem_shared>> -> memref<624x64xf32, #tpu.memory_space<vmem_shared>>
      %dma_wait3A_320 = arith.constant 0 : i32
      %dma_wait3A_321 = tpu.memref_slice %arg2[%mul3A_2, %dma_wait3A_320] : memref<10000x64xf32, #tpu.memory_space<hbm>> -> memref<624x64xf32, #tpu.memory_space<hbm>>
      tpu.wait_dma2 semaphore(%run_scoped3A : memref<!tpu.dma_semaphore, #tpu.memory_space<semaphore_mem>>) src(%dma_wait3A_321 : memref<624x64xf32, #tpu.memory_space<hbm>>) dst(%dma_wait3A_319 : memref<624x64xf32, #tpu.memory_space<vmem_shared>>)
      tpu.yield
    }) : () -> ()
    %eq3A = arith.constant 0 : i32
    %eq3A_3 = arith.cmpi eq, %arg1, %eq3A : i32
    %convert_element_type3A = arith.extui %eq3A_3 : i1 to i32
    %cond3A = arith.constant 0 : i32
    %cond3A_4 = arith.cmpi ne, %convert_element_type3A, %cond3A : i32
    scf.if %cond3A_4 {
      "tpu.region"() ({
        %run_scoped3A = tpu.sem_alloc : memref<!tpu.dma_semaphore, #tpu.memory_space<semaphore_mem>>
        %dma_start3A_314 = arith.constant 9984 : i32
        %dma_start3A_315 = arith.constant 0 : i32
        %dma_start3A_316 = tpu.memref_slice %arg6[%dma_start3A_314, %dma_start3A_315] : memref<10000x64xf32, #tpu.memory_space<vmem_shared>> -> memref<16x64xf32, #tpu.memory_space<vmem_shared>>
        %dma_start3A_317 = arith.constant 9984 : i32
        %dma_start3A_318 = arith.constant 0 : i32
        %dma_start3A_319 = tpu.memref_slice %arg2[%dma_start3A_317, %dma_start3A_318] : memref<10000x64xf32, #tpu.memory_space<hbm>> -> memref<16x64xf32, #tpu.memory_space<hbm>>
        tpu.enqueue_dma source(%dma_start3A_319 : memref<16x64xf32, #tpu.memory_space<hbm>>) target(%dma_start3A_316 : memref<16x64xf32, #tpu.memory_space<vmem_shared>>) target_semaphore(%run_scoped3A : memref<!tpu.dma_semaphore, #tpu.memory_space<semaphore_mem>>)
        %dma_wait3A_320 = arith.constant 9984 : i32
        %dma_wait3A_321 = arith.constant 0 : i32
        %dma_wait3A_322 = tpu.memref_slice %arg6[%dma_wait3A_320, %dma_wait3A_321] : memref<10000x64xf32, #tpu.memory_space<vmem_shared>> -> memref<16x64xf32, #tpu.memory_space<vmem_shared>>
        %dma_wait3A_323 = arith.constant 9984 : i32
        %dma_wait3A_324 = arith.constant 0 : i32
        %dma_wait3A_325 = tpu.memref_slice %arg2[%dma_wait3A_323, %dma_wait3A_324] : memref<10000x64xf32, #tpu.memory_space<hbm>> -> memref<16x64xf32, #tpu.memory_space<hbm>>
        tpu.wait_dma2 semaphore(%run_scoped3A : memref<!tpu.dma_semaphore, #tpu.memory_space<semaphore_mem>>) src(%dma_wait3A_325 : memref<16x64xf32, #tpu.memory_space<hbm>>) dst(%dma_wait3A_322 : memref<16x64xf32, #tpu.memory_space<vmem_shared>>)
        tpu.yield
      }) : () -> ()
    } else {
    }
    "tpu.region"() ({
      %run_scoped3A = tpu.sem_alloc : memref<!tpu.dma_semaphore, #tpu.memory_space<semaphore_mem>>
      %dma_start3A_314 = arith.constant 0 : i32
      %dma_start3A_315 = arith.constant 0 : i32
      %dma_start3A_316 = tpu.memref_slice %arg3[%add3A, %dma_start3A_314, %dma_start3A_315] : memref<32x125x80xi32, #tpu.memory_space<hbm>> -> memref<1x125x80xi32, #tpu.memory_space<hbm>>
      %dma_start3A_317 = tpu.memref_squeeze %dma_start3A_316 : memref<1x125x80xi32, #tpu.memory_space<hbm>> -> memref<125x80xi32, #tpu.memory_space<hbm>>
      %dma_start3A_318 = arith.constant 0 : i32
      %dma_start3A_319 = arith.constant 0 : i32
      %dma_start3A_320 = tpu.memref_slice %arg3[%add3A, %dma_start3A_318, %dma_start3A_319] : memref<32x125x80xi32, #tpu.memory_space<hbm>> -> memref<1x125x80xi32, #tpu.memory_space<hbm>>
      %dma_start3A_321 = tpu.memref_squeeze %dma_start3A_320 : memref<1x125x80xi32, #tpu.memory_space<hbm>> -> memref<125x80xi32, #tpu.memory_space<hbm>>
      tpu.enqueue_dma source(%dma_start3A_321 : memref<125x80xi32, #tpu.memory_space<hbm>>) target(%arg7 : memref<125x80xi32, #tpu.memory_space<vmem>>) target_semaphore(%run_scoped3A : memref<!tpu.dma_semaphore, #tpu.memory_space<semaphore_mem>>)
      %dma_wait3A_322 = arith.constant 0 : i32
      %dma_wait3A_323 = arith.constant 0 : i32
      %dma_wait3A_324 = tpu.memref_slice %arg3[%add3A, %dma_wait3A_322, %dma_wait3A_323] : memref<32x125x80xi32, #tpu.memory_space<hbm>> -> memref<1x125x80xi32, #tpu.memory_space<hbm>>
      %dma_wait3A_325 = tpu.memref_squeeze %dma_wait3A_324 : memref<1x125x80xi32, #tpu.memory_space<hbm>> -> memref<125x80xi32, #tpu.memory_space<hbm>>
      %dma_wait3A_326 = arith.constant 0 : i32
      %dma_wait3A_327 = arith.constant 0 : i32
      %dma_wait3A_328 = tpu.memref_slice %arg3[%add3A, %dma_wait3A_326, %dma_wait3A_327] : memref<32x125x80xi32, #tpu.memory_space<hbm>> -> memref<1x125x80xi32, #tpu.memory_space<hbm>>
      %dma_wait3A_329 = tpu.memref_squeeze %dma_wait3A_328 : memref<1x125x80xi32, #tpu.memory_space<hbm>> -> memref<125x80xi32, #tpu.memory_space<hbm>>
      tpu.wait_dma2 semaphore(%run_scoped3A : memref<!tpu.dma_semaphore, #tpu.memory_space<semaphore_mem>>) src(%dma_wait3A_329 : memref<125x80xi32, #tpu.memory_space<hbm>>) dst(%arg7 : memref<125x80xi32, #tpu.memory_space<vmem>>)
      tpu.yield
    }) : () -> ()
    "tpu.region"() ({
      %run_scoped3A = tpu.sem_alloc : memref<!tpu.dma_semaphore, #tpu.memory_space<semaphore_mem>>
      %dma_start3A_314 = arith.constant 0 : i32
      %dma_start3A_315 = arith.constant 0 : i32
      %dma_start3A_316 = tpu.memref_slice %arg4[%add3A, %dma_start3A_314, %dma_start3A_315] : memref<32x125x80xi32, #tpu.memory_space<hbm>> -> memref<1x125x80xi32, #tpu.memory_space<hbm>>
      %dma_start3A_317 = tpu.memref_squeeze %dma_start3A_316 : memref<1x125x80xi32, #tpu.memory_space<hbm>> -> memref<125x80xi32, #tpu.memory_space<hbm>>
      %dma_start3A_318 = arith.constant 0 : i32
      %dma_start3A_319 = arith.constant 0 : i32
      %dma_start3A_320 = tpu.memref_slice %arg4[%add3A, %dma_start3A_318, %dma_start3A_319] : memref<32x125x80xi32, #tpu.memory_space<hbm>> -> memref<1x125x80xi32, #tpu.memory_space<hbm>>
      %dma_start3A_321 = tpu.memref_squeeze %dma_start3A_320 : memref<1x125x80xi32, #tpu.memory_space<hbm>> -> memref<125x80xi32, #tpu.memory_space<hbm>>
      tpu.enqueue_dma source(%dma_start3A_321 : memref<125x80xi32, #tpu.memory_space<hbm>>) target(%arg8 : memref<125x80xi32, #tpu.memory_space<vmem>>) target_semaphore(%run_scoped3A : memref<!tpu.dma_semaphore, #tpu.memory_space<semaphore_mem>>)
      %dma_wait3A_322 = arith.constant 0 : i32
      %dma_wait3A_323 = arith.constant 0 : i32
      %dma_wait3A_324 = tpu.memref_slice %arg4[%add3A, %dma_wait3A_322, %dma_wait3A_323] : memref<32x125x80xi32, #tpu.memory_space<hbm>> -> memref<1x125x80xi32, #tpu.memory_space<hbm>>
      %dma_wait3A_325 = tpu.memref_squeeze %dma_wait3A_324 : memref<1x125x80xi32, #tpu.memory_space<hbm>> -> memref<125x80xi32, #tpu.memory_space<hbm>>
      %dma_wait3A_326 = arith.constant 0 : i32
      %dma_wait3A_327 = arith.constant 0 : i32
      %dma_wait3A_328 = tpu.memref_slice %arg4[%add3A, %dma_wait3A_326, %dma_wait3A_327] : memref<32x125x80xi32, #tpu.memory_space<hbm>> -> memref<1x125x80xi32, #tpu.memory_space<hbm>>
      %dma_wait3A_329 = tpu.memref_squeeze %dma_wait3A_328 : memref<1x125x80xi32, #tpu.memory_space<hbm>> -> memref<125x80xi32, #tpu.memory_space<hbm>>
      tpu.wait_dma2 semaphore(%run_scoped3A : memref<!tpu.dma_semaphore, #tpu.memory_space<semaphore_mem>>) src(%dma_wait3A_329 : memref<125x80xi32, #tpu.memory_space<hbm>>) dst(%arg8 : memref<125x80xi32, #tpu.memory_space<vmem>>)
      tpu.yield
    }) : () -> ()
    %dma_start3A = arith.constant 0 : i32
    %dma_start3A_5 = arith.constant 0 : i32
    %dma_start3A_6 = arith.constant 0 : i32
    %dma_start3A_7 = arith.constant 0 : i32
    %dma_start3A_8 = arith.constant 0 : i32
    %dma_start3A_9 = tpu.memref_slice %arg9[%dma_start3A_5, %dma_start3A_7, %dma_start3A_8] : memref<5x80x64xf32, #tpu.memory_space<vmem>> -> memref<1x80x64xf32, #tpu.memory_space<vmem>>
    %dma_start3A_10 = tpu.memref_squeeze %dma_start3A_9 : memref<1x80x64xf32, #tpu.memory_space<vmem>> -> memref<80x64xf32, #tpu.memory_space<vmem>>
    %dma_start3A_11 = arith.constant 0 : i32
    %dma_start3A_12 = tpu.memref_slice %arg7[%dma_start3A, %dma_start3A_11] : memref<125x80xi32, #tpu.memory_space<vmem>> -> memref<1x80xi32, #tpu.memory_space<vmem>>
    %dma_start3A_13 = tpu.memref_squeeze %dma_start3A_12 : memref<1x80xi32, #tpu.memory_space<vmem>> -> memref<80xi32, #tpu.memory_space<vmem>>
    %dma_start3A_14 = arith.constant 0 : i32
    %dma_start3A_15 = arith.constant 0 : i32
    %dma_start3A_16 = tpu.memref_slice %arg2[%dma_start3A_14, %dma_start3A_15] : memref<10000x64xf32, #tpu.memory_space<hbm>> -> memref<10000x64xf32, #tpu.memory_space<hbm>>
    %dma_start3A_17 = tpu.memref_slice %arg10[%dma_start3A_6] : memref<5x!tpu.dma_semaphore, #tpu.memory_space<semaphore_mem>> -> memref<1x!tpu.dma_semaphore, #tpu.memory_space<semaphore_mem>>
    %dma_start3A_18 = tpu.memref_squeeze %dma_start3A_17 : memref<1x!tpu.dma_semaphore, #tpu.memory_space<semaphore_mem>> -> memref<!tpu.dma_semaphore, #tpu.memory_space<semaphore_mem>>
    tpu.enqueue_indirect_dma source(%dma_start3A_16 : memref<10000x64xf32, #tpu.memory_space<hbm>>) target(%dma_start3A_10 : memref<80x64xf32, #tpu.memory_space<vmem>>) offsets(%dma_start3A_13 : memref<80xi32, #tpu.memory_space<vmem>>) semaphore(%dma_start3A_18 : memref<!tpu.dma_semaphore, #tpu.memory_space<semaphore_mem>>)
    %dma_start3A_19 = arith.constant 1 : i32
    %dma_start3A_20 = arith.constant 1 : i32
    %dma_start3A_21 = arith.constant 1 : i32
    %dma_start3A_22 = arith.constant 0 : i32
    %dma_start3A_23 = arith.constant 0 : i32
    %dma_start3A_24 = tpu.memref_slice %arg9[%dma_start3A_20, %dma_start3A_22, %dma_start3A_23] : memref<5x80x64xf32, #tpu.memory_space<vmem>> -> memref<1x80x64xf32, #tpu.memory_space<vmem>>
    %dma_start3A_25 = tpu.memref_squeeze %dma_start3A_24 : memref<1x80x64xf32, #tpu.memory_space<vmem>> -> memref<80x64xf32, #tpu.memory_space<vmem>>
    %dma_start3A_26 = arith.constant 0 : i32
    %dma_start3A_27 = tpu.memref_slice %arg7[%dma_start3A_19, %dma_start3A_26] : memref<125x80xi32, #tpu.memory_space<vmem>> -> memref<1x80xi32, #tpu.memory_space<vmem>>
    %dma_start3A_28 = tpu.memref_squeeze %dma_start3A_27 : memref<1x80xi32, #tpu.memory_space<vmem>> -> memref<80xi32, #tpu.memory_space<vmem>>
    %dma_start3A_29 = arith.constant 0 : i32
    %dma_start3A_30 = arith.constant 0 : i32
    %dma_start3A_31 = tpu.memref_slice %arg2[%dma_start3A_29, %dma_start3A_30] : memref<10000x64xf32, #tpu.memory_space<hbm>> -> memref<10000x64xf32, #tpu.memory_space<hbm>>
    %dma_start3A_32 = tpu.memref_slice %arg10[%dma_start3A_21] : memref<5x!tpu.dma_semaphore, #tpu.memory_space<semaphore_mem>> -> memref<1x!tpu.dma_semaphore, #tpu.memory_space<semaphore_mem>>
    %dma_start3A_33 = tpu.memref_squeeze %dma_start3A_32 : memref<1x!tpu.dma_semaphore, #tpu.memory_space<semaphore_mem>> -> memref<!tpu.dma_semaphore, #tpu.memory_space<semaphore_mem>>
    tpu.enqueue_indirect_dma source(%dma_start3A_31 : memref<10000x64xf32, #tpu.memory_space<hbm>>) target(%dma_start3A_25 : memref<80x64xf32, #tpu.memory_space<vmem>>) offsets(%dma_start3A_28 : memref<80xi32, #tpu.memory_space<vmem>>) semaphore(%dma_start3A_33 : memref<!tpu.dma_semaphore, #tpu.memory_space<semaphore_mem>>)
    %dma_start3A_34 = arith.constant 2 : i32
    %dma_start3A_35 = arith.constant 2 : i32
    %dma_start3A_36 = arith.constant 2 : i32
    %dma_start3A_37 = arith.constant 0 : i32
    %dma_start3A_38 = arith.constant 0 : i32
    %dma_start3A_39 = tpu.memref_slice %arg9[%dma_start3A_35, %dma_start3A_37, %dma_start3A_38] : memref<5x80x64xf32, #tpu.memory_space<vmem>> -> memref<1x80x64xf32, #tpu.memory_space<vmem>>
    %dma_start3A_40 = tpu.memref_squeeze %dma_start3A_39 : memref<1x80x64xf32, #tpu.memory_space<vmem>> -> memref<80x64xf32, #tpu.memory_space<vmem>>
    %dma_start3A_41 = arith.constant 0 : i32
    %dma_start3A_42 = tpu.memref_slice %arg7[%dma_start3A_34, %dma_start3A_41] : memref<125x80xi32, #tpu.memory_space<vmem>> -> memref<1x80xi32, #tpu.memory_space<vmem>>
    %dma_start3A_43 = tpu.memref_squeeze %dma_start3A_42 : memref<1x80xi32, #tpu.memory_space<vmem>> -> memref<80xi32, #tpu.memory_space<vmem>>
    %dma_start3A_44 = arith.constant 0 : i32
    %dma_start3A_45 = arith.constant 0 : i32
    %dma_start3A_46 = tpu.memref_slice %arg2[%dma_start3A_44, %dma_start3A_45] : memref<10000x64xf32, #tpu.memory_space<hbm>> -> memref<10000x64xf32, #tpu.memory_space<hbm>>
    %dma_start3A_47 = tpu.memref_slice %arg10[%dma_start3A_36] : memref<5x!tpu.dma_semaphore, #tpu.memory_space<semaphore_mem>> -> memref<1x!tpu.dma_semaphore, #tpu.memory_space<semaphore_mem>>
    %dma_start3A_48 = tpu.memref_squeeze %dma_start3A_47 : memref<1x!tpu.dma_semaphore, #tpu.memory_space<semaphore_mem>> -> memref<!tpu.dma_semaphore, #tpu.memory_space<semaphore_mem>>
    tpu.enqueue_indirect_dma source(%dma_start3A_46 : memref<10000x64xf32, #tpu.memory_space<hbm>>) target(%dma_start3A_40 : memref<80x64xf32, #tpu.memory_space<vmem>>) offsets(%dma_start3A_43 : memref<80xi32, #tpu.memory_space<vmem>>) semaphore(%dma_start3A_48 : memref<!tpu.dma_semaphore, #tpu.memory_space<semaphore_mem>>)
    %dma_start3A_49 = arith.constant 3 : i32
    %dma_start3A_50 = arith.constant 3 : i32
    %dma_start3A_51 = arith.constant 3 : i32
    %dma_start3A_52 = arith.constant 0 : i32
    %dma_start3A_53 = arith.constant 0 : i32
    %dma_start3A_54 = tpu.memref_slice %arg9[%dma_start3A_50, %dma_start3A_52, %dma_start3A_53] : memref<5x80x64xf32, #tpu.memory_space<vmem>> -> memref<1x80x64xf32, #tpu.memory_space<vmem>>
    %dma_start3A_55 = tpu.memref_squeeze %dma_start3A_54 : memref<1x80x64xf32, #tpu.memory_space<vmem>> -> memref<80x64xf32, #tpu.memory_space<vmem>>
    %dma_start3A_56 = arith.constant 0 : i32
    %dma_start3A_57 = tpu.memref_slice %arg7[%dma_start3A_49, %dma_start3A_56] : memref<125x80xi32, #tpu.memory_space<vmem>> -> memref<1x80xi32, #tpu.memory_space<vmem>>
    %dma_start3A_58 = tpu.memref_squeeze %dma_start3A_57 : memref<1x80xi32, #tpu.memory_space<vmem>> -> memref<80xi32, #tpu.memory_space<vmem>>
    %dma_start3A_59 = arith.constant 0 : i32
    %dma_start3A_60 = arith.constant 0 : i32
    %dma_start3A_61 = tpu.memref_slice %arg2[%dma_start3A_59, %dma_start3A_60] : memref<10000x64xf32, #tpu.memory_space<hbm>> -> memref<10000x64xf32, #tpu.memory_space<hbm>>
    %dma_start3A_62 = tpu.memref_slice %arg10[%dma_start3A_51] : memref<5x!tpu.dma_semaphore, #tpu.memory_space<semaphore_mem>> -> memref<1x!tpu.dma_semaphore, #tpu.memory_space<semaphore_mem>>
    %dma_start3A_63 = tpu.memref_squeeze %dma_start3A_62 : memref<1x!tpu.dma_semaphore, #tpu.memory_space<semaphore_mem>> -> memref<!tpu.dma_semaphore, #tpu.memory_space<semaphore_mem>>
    tpu.enqueue_indirect_dma source(%dma_start3A_61 : memref<10000x64xf32, #tpu.memory_space<hbm>>) target(%dma_start3A_55 : memref<80x64xf32, #tpu.memory_space<vmem>>) offsets(%dma_start3A_58 : memref<80xi32, #tpu.memory_space<vmem>>) semaphore(%dma_start3A_63 : memref<!tpu.dma_semaphore, #tpu.memory_space<semaphore_mem>>)
    %dma_start3A_64 = arith.constant 4 : i32
    %dma_start3A_65 = arith.constant 4 : i32
    %dma_start3A_66 = arith.constant 4 : i32
    %dma_start3A_67 = arith.constant 0 : i32
    %dma_start3A_68 = arith.constant 0 : i32
    %dma_start3A_69 = tpu.memref_slice %arg9[%dma_start3A_65, %dma_start3A_67, %dma_start3A_68] : memref<5x80x64xf32, #tpu.memory_space<vmem>> -> memref<1x80x64xf32, #tpu.memory_space<vmem>>
    %dma_start3A_70 = tpu.memref_squeeze %dma_start3A_69 : memref<1x80x64xf32, #tpu.memory_space<vmem>> -> memref<80x64xf32, #tpu.memory_space<vmem>>
    %dma_start3A_71 = arith.constant 0 : i32
    %dma_start3A_72 = tpu.memref_slice %arg7[%dma_start3A_64, %dma_start3A_71] : memref<125x80xi32, #tpu.memory_space<vmem>> -> memref<1x80xi32, #tpu.memory_space<vmem>>
    %dma_start3A_73 = tpu.memref_squeeze %dma_start3A_72 : memref<1x80xi32, #tpu.memory_space<vmem>> -> memref<80xi32, #tpu.memory_space<vmem>>
    %dma_start3A_74 = arith.constant 0 : i32
    %dma_start3A_75 = arith.constant 0 : i32
    %dma_start3A_76 = tpu.memref_slice %arg2[%dma_start3A_74, %dma_start3A_75] : memref<10000x64xf32, #tpu.memory_space<hbm>> -> memref<10000x64xf32, #tpu.memory_space<hbm>>
    %dma_start3A_77 = tpu.memref_slice %arg10[%dma_start3A_66] : memref<5x!tpu.dma_semaphore, #tpu.memory_space<semaphore_mem>> -> memref<1x!tpu.dma_semaphore, #tpu.memory_space<semaphore_mem>>
    %dma_start3A_78 = tpu.memref_squeeze %dma_start3A_77 : memref<1x!tpu.dma_semaphore, #tpu.memory_space<semaphore_mem>> -> memref<!tpu.dma_semaphore, #tpu.memory_space<semaphore_mem>>
    tpu.enqueue_indirect_dma source(%dma_start3A_76 : memref<10000x64xf32, #tpu.memory_space<hbm>>) target(%dma_start3A_70 : memref<80x64xf32, #tpu.memory_space<vmem>>) offsets(%dma_start3A_73 : memref<80xi32, #tpu.memory_space<vmem>>) semaphore(%dma_start3A_78 : memref<!tpu.dma_semaphore, #tpu.memory_space<semaphore_mem>>)
    %barrier3A = arith.constant 0 : index
    tpu.barrier barrier_id(%barrier3A)
    %scan3A = arith.constant 0 : i32
    %scan3A_79 = arith.constant 0 : i32
    %scan3A_80 = arith.constant 24 : i32
    %scan3A_81 = arith.addi %scan3A_79, %scan3A_80 : i32
    %scan3A_82 = arith.constant 1 : i32
    scf.for %scan3A_314 = %scan3A_79 to %scan3A_81 step %scan3A_82  : i32 {
      %mul3A_315 = arith.constant 5 : i32
      %mul3A_316 = arith.muli %scan3A_314, %mul3A_315 : i32
      %add3A_317 = arith.constant 0 : i32
      %add3A_318 = arith.addi %mul3A_316, %add3A_317 : i32
      %dma_wait3A_319 = arith.constant 0 : i32
      %dma_wait3A_320 = arith.constant 0 : i32
      %dma_wait3A_321 = arith.constant 0 : i32
      %dma_wait3A_322 = arith.constant 0 : i32
      %dma_wait3A_323 = tpu.memref_slice %arg9[%dma_wait3A_319, %dma_wait3A_321, %dma_wait3A_322] : memref<5x80x64xf32, #tpu.memory_space<vmem>> -> memref<1x80x64xf32, #tpu.memory_space<vmem>>
      %dma_wait3A_324 = tpu.memref_squeeze %dma_wait3A_323 : memref<1x80x64xf32, #tpu.memory_space<vmem>> -> memref<80x64xf32, #tpu.memory_space<vmem>>
      %dma_wait3A_325 = arith.constant 0 : i32
      %dma_wait3A_326 = tpu.memref_slice %arg7[%add3A_318, %dma_wait3A_325] : memref<125x80xi32, #tpu.memory_space<vmem>> -> memref<1x80xi32, #tpu.memory_space<vmem>>
      %dma_wait3A_327 = tpu.memref_squeeze %dma_wait3A_326 : memref<1x80xi32, #tpu.memory_space<vmem>> -> memref<80xi32, #tpu.memory_space<vmem>>
      %dma_wait3A_328 = arith.constant 0 : i32
      %dma_wait3A_329 = arith.constant 0 : i32
      %dma_wait3A_330 = tpu.memref_slice %arg2[%dma_wait3A_328, %dma_wait3A_329] : memref<10000x64xf32, #tpu.memory_space<hbm>> -> memref<10000x64xf32, #tpu.memory_space<hbm>>
      %dma_wait3A_331 = tpu.memref_slice %arg10[%dma_wait3A_320] : memref<5x!tpu.dma_semaphore, #tpu.memory_space<semaphore_mem>> -> memref<1x!tpu.dma_semaphore, #tpu.memory_space<semaphore_mem>>
      %dma_wait3A_332 = tpu.memref_squeeze %dma_wait3A_331 : memref<1x!tpu.dma_semaphore, #tpu.memory_space<semaphore_mem>> -> memref<!tpu.dma_semaphore, #tpu.memory_space<semaphore_mem>>
      tpu.wait_indirect_dma semaphore(%dma_wait3A_332 : memref<!tpu.dma_semaphore, #tpu.memory_space<semaphore_mem>>) src(%dma_wait3A_330 : memref<10000x64xf32, #tpu.memory_space<hbm>>) dst(%dma_wait3A_324 : memref<80x64xf32, #tpu.memory_space<vmem>>)
      %dma_start3A_333 = arith.constant 0 : i32
      %dma_start3A_334 = arith.constant 0 : i32
      %dma_start3A_335 = arith.constant 0 : i32
      %dma_start3A_336 = arith.constant 0 : i32
      %dma_start3A_337 = tpu.memref_slice %arg9[%dma_start3A_333, %dma_start3A_335, %dma_start3A_336] : memref<5x80x64xf32, #tpu.memory_space<vmem>> -> memref<1x80x64xf32, #tpu.memory_space<vmem>>
      %dma_start3A_338 = tpu.memref_squeeze %dma_start3A_337 : memref<1x80x64xf32, #tpu.memory_space<vmem>> -> memref<80x64xf32, #tpu.memory_space<vmem>>
      %dma_start3A_339 = arith.constant 0 : i32
      %dma_start3A_340 = tpu.memref_slice %arg8[%add3A_318, %dma_start3A_339] : memref<125x80xi32, #tpu.memory_space<vmem>> -> memref<1x80xi32, #tpu.memory_space<vmem>>
      %dma_start3A_341 = tpu.memref_squeeze %dma_start3A_340 : memref<1x80xi32, #tpu.memory_space<vmem>> -> memref<80xi32, #tpu.memory_space<vmem>>
      %dma_start3A_342 = arith.constant 0 : i32
      %dma_start3A_343 = arith.constant 0 : i32
      %dma_start3A_344 = tpu.memref_slice %arg6[%dma_start3A_342, %dma_start3A_343] : memref<10000x64xf32, #tpu.memory_space<vmem_shared>> -> memref<10000x64xf32, #tpu.memory_space<vmem_shared>>
      %dma_start3A_345 = tpu.memref_slice %arg11[%dma_start3A_334] : memref<5x!tpu.dma_semaphore, #tpu.memory_space<semaphore_mem>> -> memref<1x!tpu.dma_semaphore, #tpu.memory_space<semaphore_mem>>
      %dma_start3A_346 = tpu.memref_squeeze %dma_start3A_345 : memref<1x!tpu.dma_semaphore, #tpu.memory_space<semaphore_mem>> -> memref<!tpu.dma_semaphore, #tpu.memory_space<semaphore_mem>>
      tpu.enqueue_indirect_dma source(%dma_start3A_338 : memref<80x64xf32, #tpu.memory_space<vmem>>) target(%dma_start3A_344 : memref<10000x64xf32, #tpu.memory_space<vmem_shared>>) offsets(%dma_start3A_341 : memref<80xi32, #tpu.memory_space<vmem>>) semaphore(%dma_start3A_346 : memref<!tpu.dma_semaphore, #tpu.memory_space<semaphore_mem>>) {add = true}
      %mul3A_347 = arith.constant 5 : i32
      %mul3A_348 = arith.muli %scan3A_314, %mul3A_347 : i32
      %add3A_349 = arith.constant 1 : i32
      %add3A_350 = arith.addi %mul3A_348, %add3A_349 : i32
      %dma_wait3A_351 = arith.constant 1 : i32
      %dma_wait3A_352 = arith.constant 1 : i32
      %dma_wait3A_353 = arith.constant 0 : i32
      %dma_wait3A_354 = arith.constant 0 : i32
      %dma_wait3A_355 = tpu.memref_slice %arg9[%dma_wait3A_351, %dma_wait3A_353, %dma_wait3A_354] : memref<5x80x64xf32, #tpu.memory_space<vmem>> -> memref<1x80x64xf32, #tpu.memory_space<vmem>>
      %dma_wait3A_356 = tpu.memref_squeeze %dma_wait3A_355 : memref<1x80x64xf32, #tpu.memory_space<vmem>> -> memref<80x64xf32, #tpu.memory_space<vmem>>
      %dma_wait3A_357 = arith.constant 0 : i32
      %dma_wait3A_358 = tpu.memref_slice %arg7[%add3A_350, %dma_wait3A_357] : memref<125x80xi32, #tpu.memory_space<vmem>> -> memref<1x80xi32, #tpu.memory_space<vmem>>
      %dma_wait3A_359 = tpu.memref_squeeze %dma_wait3A_358 : memref<1x80xi32, #tpu.memory_space<vmem>> -> memref<80xi32, #tpu.memory_space<vmem>>
      %dma_wait3A_360 = arith.constant 0 : i32
      %dma_wait3A_361 = arith.constant 0 : i32
      %dma_wait3A_362 = tpu.memref_slice %arg2[%dma_wait3A_360, %dma_wait3A_361] : memref<10000x64xf32, #tpu.memory_space<hbm>> -> memref<10000x64xf32, #tpu.memory_space<hbm>>
      %dma_wait3A_363 = tpu.memref_slice %arg10[%dma_wait3A_352] : memref<5x!tpu.dma_semaphore, #tpu.memory_space<semaphore_mem>> -> memref<1x!tpu.dma_semaphore, #tpu.memory_space<semaphore_mem>>
      %dma_wait3A_364 = tpu.memref_squeeze %dma_wait3A_363 : memref<1x!tpu.dma_semaphore, #tpu.memory_space<semaphore_mem>> -> memref<!tpu.dma_semaphore, #tpu.memory_space<semaphore_mem>>
      tpu.wait_indirect_dma semaphore(%dma_wait3A_364 : memref<!tpu.dma_semaphore, #tpu.memory_space<semaphore_mem>>) src(%dma_wait3A_362 : memref<10000x64xf32, #tpu.memory_space<hbm>>) dst(%dma_wait3A_356 : memref<80x64xf32, #tpu.memory_space<vmem>>)
      %dma_start3A_365 = arith.constant 1 : i32
      %dma_start3A_366 = arith.constant 1 : i32
      %dma_start3A_367 = arith.constant 0 : i32
      %dma_start3A_368 = arith.constant 0 : i32
      %dma_start3A_369 = tpu.memref_slice %arg9[%dma_start3A_365, %dma_start3A_367, %dma_start3A_368] : memref<5x80x64xf32, #tpu.memory_space<vmem>> -> memref<1x80x64xf32, #tpu.memory_space<vmem>>
      %dma_start3A_370 = tpu.memref_squeeze %dma_start3A_369 : memref<1x80x64xf32, #tpu.memory_space<vmem>> -> memref<80x64xf32, #tpu.memory_space<vmem>>
      %dma_start3A_371 = arith.constant 0 : i32
      %dma_start3A_372 = tpu.memref_slice %arg8[%add3A_350, %dma_start3A_371] : memref<125x80xi32, #tpu.memory_space<vmem>> -> memref<1x80xi32, #tpu.memory_space<vmem>>
      %dma_start3A_373 = tpu.memref_squeeze %dma_start3A_372 : memref<1x80xi32, #tpu.memory_space<vmem>> -> memref<80xi32, #tpu.memory_space<vmem>>
      %dma_start3A_374 = arith.constant 0 : i32
      %dma_start3A_375 = arith.constant 0 : i32
      %dma_start3A_376 = tpu.memref_slice %arg6[%dma_start3A_374, %dma_start3A_375] : memref<10000x64xf32, #tpu.memory_space<vmem_shared>> -> memref<10000x64xf32, #tpu.memory_space<vmem_shared>>
      %dma_start3A_377 = tpu.memref_slice %arg11[%dma_start3A_366] : memref<5x!tpu.dma_semaphore, #tpu.memory_space<semaphore_mem>> -> memref<1x!tpu.dma_semaphore, #tpu.memory_space<semaphore_mem>>
      %dma_start3A_378 = tpu.memref_squeeze %dma_start3A_377 : memref<1x!tpu.dma_semaphore, #tpu.memory_space<semaphore_mem>> -> memref<!tpu.dma_semaphore, #tpu.memory_space<semaphore_mem>>
      tpu.enqueue_indirect_dma source(%dma_start3A_370 : memref<80x64xf32, #tpu.memory_space<vmem>>) target(%dma_start3A_376 : memref<10000x64xf32, #tpu.memory_space<vmem_shared>>) offsets(%dma_start3A_373 : memref<80xi32, #tpu.memory_space<vmem>>) semaphore(%dma_start3A_378 : memref<!tpu.dma_semaphore, #tpu.memory_space<semaphore_mem>>) {add = true}
      %mul3A_379 = arith.constant 5 : i32
      %mul3A_380 = arith.muli %scan3A_314, %mul3A_379 : i32
      %add3A_381 = arith.constant 2 : i32
      %add3A_382 = arith.addi %mul3A_380, %add3A_381 : i32
      %dma_wait3A_383 = arith.constant 2 : i32
      %dma_wait3A_384 = arith.constant 2 : i32
      %dma_wait3A_385 = arith.constant 0 : i32
      %dma_wait3A_386 = arith.constant 0 : i32
      %dma_wait3A_387 = tpu.memref_slice %arg9[%dma_wait3A_383, %dma_wait3A_385, %dma_wait3A_386] : memref<5x80x64xf32, #tpu.memory_space<vmem>> -> memref<1x80x64xf32, #tpu.memory_space<vmem>>
      %dma_wait3A_388 = tpu.memref_squeeze %dma_wait3A_387 : memref<1x80x64xf32, #tpu.memory_space<vmem>> -> memref<80x64xf32, #tpu.memory_space<vmem>>
      %dma_wait3A_389 = arith.constant 0 : i32
      %dma_wait3A_390 = tpu.memref_slice %arg7[%add3A_382, %dma_wait3A_389] : memref<125x80xi32, #tpu.memory_space<vmem>> -> memref<1x80xi32, #tpu.memory_space<vmem>>
      %dma_wait3A_391 = tpu.memref_squeeze %dma_wait3A_390 : memref<1x80xi32, #tpu.memory_space<vmem>> -> memref<80xi32, #tpu.memory_space<vmem>>
      %dma_wait3A_392 = arith.constant 0 : i32
      %dma_wait3A_393 = arith.constant 0 : i32
      %dma_wait3A_394 = tpu.memref_slice %arg2[%dma_wait3A_392, %dma_wait3A_393] : memref<10000x64xf32, #tpu.memory_space<hbm>> -> memref<10000x64xf32, #tpu.memory_space<hbm>>
      %dma_wait3A_395 = tpu.memref_slice %arg10[%dma_wait3A_384] : memref<5x!tpu.dma_semaphore, #tpu.memory_space<semaphore_mem>> -> memref<1x!tpu.dma_semaphore, #tpu.memory_space<semaphore_mem>>
      %dma_wait3A_396 = tpu.memref_squeeze %dma_wait3A_395 : memref<1x!tpu.dma_semaphore, #tpu.memory_space<semaphore_mem>> -> memref<!tpu.dma_semaphore, #tpu.memory_space<semaphore_mem>>
      tpu.wait_indirect_dma semaphore(%dma_wait3A_396 : memref<!tpu.dma_semaphore, #tpu.memory_space<semaphore_mem>>) src(%dma_wait3A_394 : memref<10000x64xf32, #tpu.memory_space<hbm>>) dst(%dma_wait3A_388 : memref<80x64xf32, #tpu.memory_space<vmem>>)
      %dma_start3A_397 = arith.constant 2 : i32
      %dma_start3A_398 = arith.constant 2 : i32
      %dma_start3A_399 = arith.constant 0 : i32
      %dma_start3A_400 = arith.constant 0 : i32
      %dma_start3A_401 = tpu.memref_slice %arg9[%dma_start3A_397, %dma_start3A_399, %dma_start3A_400] : memref<5x80x64xf32, #tpu.memory_space<vmem>> -> memref<1x80x64xf32, #tpu.memory_space<vmem>>
      %dma_start3A_402 = tpu.memref_squeeze %dma_start3A_401 : memref<1x80x64xf32, #tpu.memory_space<vmem>> -> memref<80x64xf32, #tpu.memory_space<vmem>>
      %dma_start3A_403 = arith.constant 0 : i32
      %dma_start3A_404 = tpu.memref_slice %arg8[%add3A_382, %dma_start3A_403] : memref<125x80xi32, #tpu.memory_space<vmem>> -> memref<1x80xi32, #tpu.memory_space<vmem>>
      %dma_start3A_405 = tpu.memref_squeeze %dma_start3A_404 : memref<1x80xi32, #tpu.memory_space<vmem>> -> memref<80xi32, #tpu.memory_space<vmem>>
      %dma_start3A_406 = arith.constant 0 : i32
      %dma_start3A_407 = arith.constant 0 : i32
      %dma_start3A_408 = tpu.memref_slice %arg6[%dma_start3A_406, %dma_start3A_407] : memref<10000x64xf32, #tpu.memory_space<vmem_shared>> -> memref<10000x64xf32, #tpu.memory_space<vmem_shared>>
      %dma_start3A_409 = tpu.memref_slice %arg11[%dma_start3A_398] : memref<5x!tpu.dma_semaphore, #tpu.memory_space<semaphore_mem>> -> memref<1x!tpu.dma_semaphore, #tpu.memory_space<semaphore_mem>>
      %dma_start3A_410 = tpu.memref_squeeze %dma_start3A_409 : memref<1x!tpu.dma_semaphore, #tpu.memory_space<semaphore_mem>> -> memref<!tpu.dma_semaphore, #tpu.memory_space<semaphore_mem>>
      tpu.enqueue_indirect_dma source(%dma_start3A_402 : memref<80x64xf32, #tpu.memory_space<vmem>>) target(%dma_start3A_408 : memref<10000x64xf32, #tpu.memory_space<vmem_shared>>) offsets(%dma_start3A_405 : memref<80xi32, #tpu.memory_space<vmem>>) semaphore(%dma_start3A_410 : memref<!tpu.dma_semaphore, #tpu.memory_space<semaphore_mem>>) {add = true}
      %mul3A_411 = arith.constant 5 : i32
      %mul3A_412 = arith.muli %scan3A_314, %mul3A_411 : i32
      %add3A_413 = arith.constant 3 : i32
      %add3A_414 = arith.addi %mul3A_412, %add3A_413 : i32
      %dma_wait3A_415 = arith.constant 3 : i32
      %dma_wait3A_416 = arith.constant 3 : i32
      %dma_wait3A_417 = arith.constant 0 : i32
      %dma_wait3A_418 = arith.constant 0 : i32
      %dma_wait3A_419 = tpu.memref_slice %arg9[%dma_wait3A_415, %dma_wait3A_417, %dma_wait3A_418] : memref<5x80x64xf32, #tpu.memory_space<vmem>> -> memref<1x80x64xf32, #tpu.memory_space<vmem>>
      %dma_wait3A_420 = tpu.memref_squeeze %dma_wait3A_419 : memref<1x80x64xf32, #tpu.memory_space<vmem>> -> memref<80x64xf32, #tpu.memory_space<vmem>>
      %dma_wait3A_421 = arith.constant 0 : i32
      %dma_wait3A_422 = tpu.memref_slice %arg7[%add3A_414, %dma_wait3A_421] : memref<125x80xi32, #tpu.memory_space<vmem>> -> memref<1x80xi32, #tpu.memory_space<vmem>>
      %dma_wait3A_423 = tpu.memref_squeeze %dma_wait3A_422 : memref<1x80xi32, #tpu.memory_space<vmem>> -> memref<80xi32, #tpu.memory_space<vmem>>
      %dma_wait3A_424 = arith.constant 0 : i32
      %dma_wait3A_425 = arith.constant 0 : i32
      %dma_wait3A_426 = tpu.memref_slice %arg2[%dma_wait3A_424, %dma_wait3A_425] : memref<10000x64xf32, #tpu.memory_space<hbm>> -> memref<10000x64xf32, #tpu.memory_space<hbm>>
      %dma_wait3A_427 = tpu.memref_slice %arg10[%dma_wait3A_416] : memref<5x!tpu.dma_semaphore, #tpu.memory_space<semaphore_mem>> -> memref<1x!tpu.dma_semaphore, #tpu.memory_space<semaphore_mem>>
      %dma_wait3A_428 = tpu.memref_squeeze %dma_wait3A_427 : memref<1x!tpu.dma_semaphore, #tpu.memory_space<semaphore_mem>> -> memref<!tpu.dma_semaphore, #tpu.memory_space<semaphore_mem>>
      tpu.wait_indirect_dma semaphore(%dma_wait3A_428 : memref<!tpu.dma_semaphore, #tpu.memory_space<semaphore_mem>>) src(%dma_wait3A_426 : memref<10000x64xf32, #tpu.memory_space<hbm>>) dst(%dma_wait3A_420 : memref<80x64xf32, #tpu.memory_space<vmem>>)
      %dma_start3A_429 = arith.constant 3 : i32
      %dma_start3A_430 = arith.constant 3 : i32
      %dma_start3A_431 = arith.constant 0 : i32
      %dma_start3A_432 = arith.constant 0 : i32
      %dma_start3A_433 = tpu.memref_slice %arg9[%dma_start3A_429, %dma_start3A_431, %dma_start3A_432] : memref<5x80x64xf32, #tpu.memory_space<vmem>> -> memref<1x80x64xf32, #tpu.memory_space<vmem>>
      %dma_start3A_434 = tpu.memref_squeeze %dma_start3A_433 : memref<1x80x64xf32, #tpu.memory_space<vmem>> -> memref<80x64xf32, #tpu.memory_space<vmem>>
      %dma_start3A_435 = arith.constant 0 : i32
      %dma_start3A_436 = tpu.memref_slice %arg8[%add3A_414, %dma_start3A_435] : memref<125x80xi32, #tpu.memory_space<vmem>> -> memref<1x80xi32, #tpu.memory_space<vmem>>
      %dma_start3A_437 = tpu.memref_squeeze %dma_start3A_436 : memref<1x80xi32, #tpu.memory_space<vmem>> -> memref<80xi32, #tpu.memory_space<vmem>>
      %dma_start3A_438 = arith.constant 0 : i32
      %dma_start3A_439 = arith.constant 0 : i32
      %dma_start3A_440 = tpu.memref_slice %arg6[%dma_start3A_438, %dma_start3A_439] : memref<10000x64xf32, #tpu.memory_space<vmem_shared>> -> memref<10000x64xf32, #tpu.memory_space<vmem_shared>>
      %dma_start3A_441 = tpu.memref_slice %arg11[%dma_start3A_430] : memref<5x!tpu.dma_semaphore, #tpu.memory_space<semaphore_mem>> -> memref<1x!tpu.dma_semaphore, #tpu.memory_space<semaphore_mem>>
      %dma_start3A_442 = tpu.memref_squeeze %dma_start3A_441 : memref<1x!tpu.dma_semaphore, #tpu.memory_space<semaphore_mem>> -> memref<!tpu.dma_semaphore, #tpu.memory_space<semaphore_mem>>
      tpu.enqueue_indirect_dma source(%dma_start3A_434 : memref<80x64xf32, #tpu.memory_space<vmem>>) target(%dma_start3A_440 : memref<10000x64xf32, #tpu.memory_space<vmem_shared>>) offsets(%dma_start3A_437 : memref<80xi32, #tpu.memory_space<vmem>>) semaphore(%dma_start3A_442 : memref<!tpu.dma_semaphore, #tpu.memory_space<semaphore_mem>>) {add = true}
      %mul3A_443 = arith.constant 5 : i32
      %mul3A_444 = arith.muli %scan3A_314, %mul3A_443 : i32
      %add3A_445 = arith.constant 4 : i32
      %add3A_446 = arith.addi %mul3A_444, %add3A_445 : i32
      %dma_wait3A_447 = arith.constant 4 : i32
      %dma_wait3A_448 = arith.constant 4 : i32
      %dma_wait3A_449 = arith.constant 0 : i32
      %dma_wait3A_450 = arith.constant 0 : i32
      %dma_wait3A_451 = tpu.memref_slice %arg9[%dma_wait3A_447, %dma_wait3A_449, %dma_wait3A_450] : memref<5x80x64xf32, #tpu.memory_space<vmem>> -> memref<1x80x64xf32, #tpu.memory_space<vmem>>
      %dma_wait3A_452 = tpu.memref_squeeze %dma_wait3A_451 : memref<1x80x64xf32, #tpu.memory_space<vmem>> -> memref<80x64xf32, #tpu.memory_space<vmem>>
      %dma_wait3A_453 = arith.constant 0 : i32
      %dma_wait3A_454 = tpu.memref_slice %arg7[%add3A_446, %dma_wait3A_453] : memref<125x80xi32, #tpu.memory_space<vmem>> -> memref<1x80xi32, #tpu.memory_space<vmem>>
      %dma_wait3A_455 = tpu.memref_squeeze %dma_wait3A_454 : memref<1x80xi32, #tpu.memory_space<vmem>> -> memref<80xi32, #tpu.memory_space<vmem>>
      %dma_wait3A_456 = arith.constant 0 : i32
      %dma_wait3A_457 = arith.constant 0 : i32
      %dma_wait3A_458 = tpu.memref_slice %arg2[%dma_wait3A_456, %dma_wait3A_457] : memref<10000x64xf32, #tpu.memory_space<hbm>> -> memref<10000x64xf32, #tpu.memory_space<hbm>>
      %dma_wait3A_459 = tpu.memref_slice %arg10[%dma_wait3A_448] : memref<5x!tpu.dma_semaphore, #tpu.memory_space<semaphore_mem>> -> memref<1x!tpu.dma_semaphore, #tpu.memory_space<semaphore_mem>>
      %dma_wait3A_460 = tpu.memref_squeeze %dma_wait3A_459 : memref<1x!tpu.dma_semaphore, #tpu.memory_space<semaphore_mem>> -> memref<!tpu.dma_semaphore, #tpu.memory_space<semaphore_mem>>
      tpu.wait_indirect_dma semaphore(%dma_wait3A_460 : memref<!tpu.dma_semaphore, #tpu.memory_space<semaphore_mem>>) src(%dma_wait3A_458 : memref<10000x64xf32, #tpu.memory_space<hbm>>) dst(%dma_wait3A_452 : memref<80x64xf32, #tpu.memory_space<vmem>>)
      %dma_start3A_461 = arith.constant 4 : i32
      %dma_start3A_462 = arith.constant 4 : i32
      %dma_start3A_463 = arith.constant 0 : i32
      %dma_start3A_464 = arith.constant 0 : i32
      %dma_start3A_465 = tpu.memref_slice %arg9[%dma_start3A_461, %dma_start3A_463, %dma_start3A_464] : memref<5x80x64xf32, #tpu.memory_space<vmem>> -> memref<1x80x64xf32, #tpu.memory_space<vmem>>
      %dma_start3A_466 = tpu.memref_squeeze %dma_start3A_465 : memref<1x80x64xf32, #tpu.memory_space<vmem>> -> memref<80x64xf32, #tpu.memory_space<vmem>>
      %dma_start3A_467 = arith.constant 0 : i32
      %dma_start3A_468 = tpu.memref_slice %arg8[%add3A_446, %dma_start3A_467] : memref<125x80xi32, #tpu.memory_space<vmem>> -> memref<1x80xi32, #tpu.memory_space<vmem>>
      %dma_start3A_469 = tpu.memref_squeeze %dma_start3A_468 : memref<1x80xi32, #tpu.memory_space<vmem>> -> memref<80xi32, #tpu.memory_space<vmem>>
      %dma_start3A_470 = arith.constant 0 : i32
      %dma_start3A_471 = arith.constant 0 : i32
      %dma_start3A_472 = tpu.memref_slice %arg6[%dma_start3A_470, %dma_start3A_471] : memref<10000x64xf32, #tpu.memory_space<vmem_shared>> -> memref<10000x64xf32, #tpu.memory_space<vmem_shared>>
      %dma_start3A_473 = tpu.memref_slice %arg11[%dma_start3A_462] : memref<5x!tpu.dma_semaphore, #tpu.memory_space<semaphore_mem>> -> memref<1x!tpu.dma_semaphore, #tpu.memory_space<semaphore_mem>>
      %dma_start3A_474 = tpu.memref_squeeze %dma_start3A_473 : memref<1x!tpu.dma_semaphore, #tpu.memory_space<semaphore_mem>> -> memref<!tpu.dma_semaphore, #tpu.memory_space<semaphore_mem>>
      tpu.enqueue_indirect_dma source(%dma_start3A_466 : memref<80x64xf32, #tpu.memory_space<vmem>>) target(%dma_start3A_472 : memref<10000x64xf32, #tpu.memory_space<vmem_shared>>) offsets(%dma_start3A_469 : memref<80xi32, #tpu.memory_space<vmem>>) semaphore(%dma_start3A_474 : memref<!tpu.dma_semaphore, #tpu.memory_space<semaphore_mem>>) {add = true}
      %dma_wait3A_475 = arith.constant 0 : i32
      %dma_wait3A_476 = arith.constant 0 : i32
      %dma_wait3A_477 = arith.constant 0 : i32
      %dma_wait3A_478 = arith.constant 0 : i32
      %dma_wait3A_479 = tpu.memref_slice %arg9[%dma_wait3A_475, %dma_wait3A_477, %dma_wait3A_478] : memref<5x80x64xf32, #tpu.memory_space<vmem>> -> memref<1x80x64xf32, #tpu.memory_space<vmem>>
      %dma_wait3A_480 = tpu.memref_squeeze %dma_wait3A_479 : memref<1x80x64xf32, #tpu.memory_space<vmem>> -> memref<80x64xf32, #tpu.memory_space<vmem>>
      %dma_wait3A_481 = arith.constant 0 : i32
      %dma_wait3A_482 = tpu.memref_slice %arg8[%add3A_318, %dma_wait3A_481] : memref<125x80xi32, #tpu.memory_space<vmem>> -> memref<1x80xi32, #tpu.memory_space<vmem>>
      %dma_wait3A_483 = tpu.memref_squeeze %dma_wait3A_482 : memref<1x80xi32, #tpu.memory_space<vmem>> -> memref<80xi32, #tpu.memory_space<vmem>>
      %dma_wait3A_484 = arith.constant 0 : i32
      %dma_wait3A_485 = arith.constant 0 : i32
      %dma_wait3A_486 = tpu.memref_slice %arg6[%dma_wait3A_484, %dma_wait3A_485] : memref<10000x64xf32, #tpu.memory_space<vmem_shared>> -> memref<10000x64xf32, #tpu.memory_space<vmem_shared>>
      %dma_wait3A_487 = tpu.memref_slice %arg11[%dma_wait3A_476] : memref<5x!tpu.dma_semaphore, #tpu.memory_space<semaphore_mem>> -> memref<1x!tpu.dma_semaphore, #tpu.memory_space<semaphore_mem>>
      %dma_wait3A_488 = tpu.memref_squeeze %dma_wait3A_487 : memref<1x!tpu.dma_semaphore, #tpu.memory_space<semaphore_mem>> -> memref<!tpu.dma_semaphore, #tpu.memory_space<semaphore_mem>>
      tpu.wait_indirect_dma semaphore(%dma_wait3A_488 : memref<!tpu.dma_semaphore, #tpu.memory_space<semaphore_mem>>) src(%dma_wait3A_480 : memref<80x64xf32, #tpu.memory_space<vmem>>) dst(%dma_wait3A_486 : memref<10000x64xf32, #tpu.memory_space<vmem_shared>>)
      %add3A_489 = arith.constant 1 : i32
      %add3A_490 = arith.addi %scan3A_314, %add3A_489 : i32
      %mul3A_491 = arith.constant 5 : i32
      %mul3A_492 = arith.muli %add3A_490, %mul3A_491 : i32
      %add3A_493 = arith.constant 0 : i32
      %add3A_494 = arith.addi %mul3A_492, %add3A_493 : i32
      %dma_start3A_495 = arith.constant 0 : i32
      %dma_start3A_496 = arith.constant 0 : i32
      %dma_start3A_497 = arith.constant 0 : i32
      %dma_start3A_498 = arith.constant 0 : i32
      %dma_start3A_499 = tpu.memref_slice %arg9[%dma_start3A_495, %dma_start3A_497, %dma_start3A_498] : memref<5x80x64xf32, #tpu.memory_space<vmem>> -> memref<1x80x64xf32, #tpu.memory_space<vmem>>
      %dma_start3A_500 = tpu.memref_squeeze %dma_start3A_499 : memref<1x80x64xf32, #tpu.memory_space<vmem>> -> memref<80x64xf32, #tpu.memory_space<vmem>>
      %dma_start3A_501 = arith.constant 0 : i32
      %dma_start3A_502 = tpu.memref_slice %arg7[%add3A_494, %dma_start3A_501] : memref<125x80xi32, #tpu.memory_space<vmem>> -> memref<1x80xi32, #tpu.memory_space<vmem>>
      %dma_start3A_503 = tpu.memref_squeeze %dma_start3A_502 : memref<1x80xi32, #tpu.memory_space<vmem>> -> memref<80xi32, #tpu.memory_space<vmem>>
      %dma_start3A_504 = arith.constant 0 : i32
      %dma_start3A_505 = arith.constant 0 : i32
      %dma_start3A_506 = tpu.memref_slice %arg2[%dma_start3A_504, %dma_start3A_505] : memref<10000x64xf32, #tpu.memory_space<hbm>> -> memref<10000x64xf32, #tpu.memory_space<hbm>>
      %dma_start3A_507 = tpu.memref_slice %arg10[%dma_start3A_496] : memref<5x!tpu.dma_semaphore, #tpu.memory_space<semaphore_mem>> -> memref<1x!tpu.dma_semaphore, #tpu.memory_space<semaphore_mem>>
      %dma_start3A_508 = tpu.memref_squeeze %dma_start3A_507 : memref<1x!tpu.dma_semaphore, #tpu.memory_space<semaphore_mem>> -> memref<!tpu.dma_semaphore, #tpu.memory_space<semaphore_mem>>
      tpu.enqueue_indirect_dma source(%dma_start3A_506 : memref<10000x64xf32, #tpu.memory_space<hbm>>) target(%dma_start3A_500 : memref<80x64xf32, #tpu.memory_space<vmem>>) offsets(%dma_start3A_503 : memref<80xi32, #tpu.memory_space<vmem>>) semaphore(%dma_start3A_508 : memref<!tpu.dma_semaphore, #tpu.memory_space<semaphore_mem>>)
      %dma_wait3A_509 = arith.constant 1 : i32
      %dma_wait3A_510 = arith.constant 1 : i32
      %dma_wait3A_511 = arith.constant 0 : i32
      %dma_wait3A_512 = arith.constant 0 : i32
      %dma_wait3A_513 = tpu.memref_slice %arg9[%dma_wait3A_509, %dma_wait3A_511, %dma_wait3A_512] : memref<5x80x64xf32, #tpu.memory_space<vmem>> -> memref<1x80x64xf32, #tpu.memory_space<vmem>>
      %dma_wait3A_514 = tpu.memref_squeeze %dma_wait3A_513 : memref<1x80x64xf32, #tpu.memory_space<vmem>> -> memref<80x64xf32, #tpu.memory_space<vmem>>
      %dma_wait3A_515 = arith.constant 0 : i32
      %dma_wait3A_516 = tpu.memref_slice %arg8[%add3A_350, %dma_wait3A_515] : memref<125x80xi32, #tpu.memory_space<vmem>> -> memref<1x80xi32, #tpu.memory_space<vmem>>
      %dma_wait3A_517 = tpu.memref_squeeze %dma_wait3A_516 : memref<1x80xi32, #tpu.memory_space<vmem>> -> memref<80xi32, #tpu.memory_space<vmem>>
      %dma_wait3A_518 = arith.constant 0 : i32
      %dma_wait3A_519 = arith.constant 0 : i32
      %dma_wait3A_520 = tpu.memref_slice %arg6[%dma_wait3A_518, %dma_wait3A_519] : memref<10000x64xf32, #tpu.memory_space<vmem_shared>> -> memref<10000x64xf32, #tpu.memory_space<vmem_shared>>
      %dma_wait3A_521 = tpu.memref_slice %arg11[%dma_wait3A_510] : memref<5x!tpu.dma_semaphore, #tpu.memory_space<semaphore_mem>> -> memref<1x!tpu.dma_semaphore, #tpu.memory_space<semaphore_mem>>
      %dma_wait3A_522 = tpu.memref_squeeze %dma_wait3A_521 : memref<1x!tpu.dma_semaphore, #tpu.memory_space<semaphore_mem>> -> memref<!tpu.dma_semaphore, #tpu.memory_space<semaphore_mem>>
      tpu.wait_indirect_dma semaphore(%dma_wait3A_522 : memref<!tpu.dma_semaphore, #tpu.memory_space<semaphore_mem>>) src(%dma_wait3A_514 : memref<80x64xf32, #tpu.memory_space<vmem>>) dst(%dma_wait3A_520 : memref<10000x64xf32, #tpu.memory_space<vmem_shared>>)
      %add3A_523 = arith.constant 1 : i32
      %add3A_524 = arith.addi %scan3A_314, %add3A_523 : i32
      %mul3A_525 = arith.constant 5 : i32
      %mul3A_526 = arith.muli %add3A_524, %mul3A_525 : i32
      %add3A_527 = arith.constant 1 : i32
      %add3A_528 = arith.addi %mul3A_526, %add3A_527 : i32
      %dma_start3A_529 = arith.constant 1 : i32
      %dma_start3A_530 = arith.constant 1 : i32
      %dma_start3A_531 = arith.constant 0 : i32
      %dma_start3A_532 = arith.constant 0 : i32
      %dma_start3A_533 = tpu.memref_slice %arg9[%dma_start3A_529, %dma_start3A_531, %dma_start3A_532] : memref<5x80x64xf32, #tpu.memory_space<vmem>> -> memref<1x80x64xf32, #tpu.memory_space<vmem>>
      %dma_start3A_534 = tpu.memref_squeeze %dma_start3A_533 : memref<1x80x64xf32, #tpu.memory_space<vmem>> -> memref<80x64xf32, #tpu.memory_space<vmem>>
      %dma_start3A_535 = arith.constant 0 : i32
      %dma_start3A_536 = tpu.memref_slice %arg7[%add3A_528, %dma_start3A_535] : memref<125x80xi32, #tpu.memory_space<vmem>> -> memref<1x80xi32, #tpu.memory_space<vmem>>
      %dma_start3A_537 = tpu.memref_squeeze %dma_start3A_536 : memref<1x80xi32, #tpu.memory_space<vmem>> -> memref<80xi32, #tpu.memory_space<vmem>>
      %dma_start3A_538 = arith.constant 0 : i32
      %dma_start3A_539 = arith.constant 0 : i32
      %dma_start3A_540 = tpu.memref_slice %arg2[%dma_start3A_538, %dma_start3A_539] : memref<10000x64xf32, #tpu.memory_space<hbm>> -> memref<10000x64xf32, #tpu.memory_space<hbm>>
      %dma_start3A_541 = tpu.memref_slice %arg10[%dma_start3A_530] : memref<5x!tpu.dma_semaphore, #tpu.memory_space<semaphore_mem>> -> memref<1x!tpu.dma_semaphore, #tpu.memory_space<semaphore_mem>>
      %dma_start3A_542 = tpu.memref_squeeze %dma_start3A_541 : memref<1x!tpu.dma_semaphore, #tpu.memory_space<semaphore_mem>> -> memref<!tpu.dma_semaphore, #tpu.memory_space<semaphore_mem>>
      tpu.enqueue_indirect_dma source(%dma_start3A_540 : memref<10000x64xf32, #tpu.memory_space<hbm>>) target(%dma_start3A_534 : memref<80x64xf32, #tpu.memory_space<vmem>>) offsets(%dma_start3A_537 : memref<80xi32, #tpu.memory_space<vmem>>) semaphore(%dma_start3A_542 : memref<!tpu.dma_semaphore, #tpu.memory_space<semaphore_mem>>)
      %dma_wait3A_543 = arith.constant 2 : i32
      %dma_wait3A_544 = arith.constant 2 : i32
      %dma_wait3A_545 = arith.constant 0 : i32
      %dma_wait3A_546 = arith.constant 0 : i32
      %dma_wait3A_547 = tpu.memref_slice %arg9[%dma_wait3A_543, %dma_wait3A_545, %dma_wait3A_546] : memref<5x80x64xf32, #tpu.memory_space<vmem>> -> memref<1x80x64xf32, #tpu.memory_space<vmem>>
      %dma_wait3A_548 = tpu.memref_squeeze %dma_wait3A_547 : memref<1x80x64xf32, #tpu.memory_space<vmem>> -> memref<80x64xf32, #tpu.memory_space<vmem>>
      %dma_wait3A_549 = arith.constant 0 : i32
      %dma_wait3A_550 = tpu.memref_slice %arg8[%add3A_382, %dma_wait3A_549] : memref<125x80xi32, #tpu.memory_space<vmem>> -> memref<1x80xi32, #tpu.memory_space<vmem>>
      %dma_wait3A_551 = tpu.memref_squeeze %dma_wait3A_550 : memref<1x80xi32, #tpu.memory_space<vmem>> -> memref<80xi32, #tpu.memory_space<vmem>>
      %dma_wait3A_552 = arith.constant 0 : i32
      %dma_wait3A_553 = arith.constant 0 : i32
      %dma_wait3A_554 = tpu.memref_slice %arg6[%dma_wait3A_552, %dma_wait3A_553] : memref<10000x64xf32, #tpu.memory_space<vmem_shared>> -> memref<10000x64xf32, #tpu.memory_space<vmem_shared>>
      %dma_wait3A_555 = tpu.memref_slice %arg11[%dma_wait3A_544] : memref<5x!tpu.dma_semaphore, #tpu.memory_space<semaphore_mem>> -> memref<1x!tpu.dma_semaphore, #tpu.memory_space<semaphore_mem>>
      %dma_wait3A_556 = tpu.memref_squeeze %dma_wait3A_555 : memref<1x!tpu.dma_semaphore, #tpu.memory_space<semaphore_mem>> -> memref<!tpu.dma_semaphore, #tpu.memory_space<semaphore_mem>>
      tpu.wait_indirect_dma semaphore(%dma_wait3A_556 : memref<!tpu.dma_semaphore, #tpu.memory_space<semaphore_mem>>) src(%dma_wait3A_548 : memref<80x64xf32, #tpu.memory_space<vmem>>) dst(%dma_wait3A_554 : memref<10000x64xf32, #tpu.memory_space<vmem_shared>>)
      %add3A_557 = arith.constant 1 : i32
      %add3A_558 = arith.addi %scan3A_314, %add3A_557 : i32
      %mul3A_559 = arith.constant 5 : i32
      %mul3A_560 = arith.muli %add3A_558, %mul3A_559 : i32
      %add3A_561 = arith.constant 2 : i32
      %add3A_562 = arith.addi %mul3A_560, %add3A_561 : i32
      %dma_start3A_563 = arith.constant 2 : i32
      %dma_start3A_564 = arith.constant 2 : i32
      %dma_start3A_565 = arith.constant 0 : i32
      %dma_start3A_566 = arith.constant 0 : i32
      %dma_start3A_567 = tpu.memref_slice %arg9[%dma_start3A_563, %dma_start3A_565, %dma_start3A_566] : memref<5x80x64xf32, #tpu.memory_space<vmem>> -> memref<1x80x64xf32, #tpu.memory_space<vmem>>
      %dma_start3A_568 = tpu.memref_squeeze %dma_start3A_567 : memref<1x80x64xf32, #tpu.memory_space<vmem>> -> memref<80x64xf32, #tpu.memory_space<vmem>>
      %dma_start3A_569 = arith.constant 0 : i32
      %dma_start3A_570 = tpu.memref_slice %arg7[%add3A_562, %dma_start3A_569] : memref<125x80xi32, #tpu.memory_space<vmem>> -> memref<1x80xi32, #tpu.memory_space<vmem>>
      %dma_start3A_571 = tpu.memref_squeeze %dma_start3A_570 : memref<1x80xi32, #tpu.memory_space<vmem>> -> memref<80xi32, #tpu.memory_space<vmem>>
      %dma_start3A_572 = arith.constant 0 : i32
      %dma_start3A_573 = arith.constant 0 : i32
      %dma_start3A_574 = tpu.memref_slice %arg2[%dma_start3A_572, %dma_start3A_573] : memref<10000x64xf32, #tpu.memory_space<hbm>> -> memref<10000x64xf32, #tpu.memory_space<hbm>>
      %dma_start3A_575 = tpu.memref_slice %arg10[%dma_start3A_564] : memref<5x!tpu.dma_semaphore, #tpu.memory_space<semaphore_mem>> -> memref<1x!tpu.dma_semaphore, #tpu.memory_space<semaphore_mem>>
      %dma_start3A_576 = tpu.memref_squeeze %dma_start3A_575 : memref<1x!tpu.dma_semaphore, #tpu.memory_space<semaphore_mem>> -> memref<!tpu.dma_semaphore, #tpu.memory_space<semaphore_mem>>
      tpu.enqueue_indirect_dma source(%dma_start3A_574 : memref<10000x64xf32, #tpu.memory_space<hbm>>) target(%dma_start3A_568 : memref<80x64xf32, #tpu.memory_space<vmem>>) offsets(%dma_start3A_571 : memref<80xi32, #tpu.memory_space<vmem>>) semaphore(%dma_start3A_576 : memref<!tpu.dma_semaphore, #tpu.memory_space<semaphore_mem>>)
      %dma_wait3A_577 = arith.constant 3 : i32
      %dma_wait3A_578 = arith.constant 3 : i32
      %dma_wait3A_579 = arith.constant 0 : i32
      %dma_wait3A_580 = arith.constant 0 : i32
      %dma_wait3A_581 = tpu.memref_slice %arg9[%dma_wait3A_577, %dma_wait3A_579, %dma_wait3A_580] : memref<5x80x64xf32, #tpu.memory_space<vmem>> -> memref<1x80x64xf32, #tpu.memory_space<vmem>>
      %dma_wait3A_582 = tpu.memref_squeeze %dma_wait3A_581 : memref<1x80x64xf32, #tpu.memory_space<vmem>> -> memref<80x64xf32, #tpu.memory_space<vmem>>
      %dma_wait3A_583 = arith.constant 0 : i32
      %dma_wait3A_584 = tpu.memref_slice %arg8[%add3A_414, %dma_wait3A_583] : memref<125x80xi32, #tpu.memory_space<vmem>> -> memref<1x80xi32, #tpu.memory_space<vmem>>
      %dma_wait3A_585 = tpu.memref_squeeze %dma_wait3A_584 : memref<1x80xi32, #tpu.memory_space<vmem>> -> memref<80xi32, #tpu.memory_space<vmem>>
      %dma_wait3A_586 = arith.constant 0 : i32
      %dma_wait3A_587 = arith.constant 0 : i32
      %dma_wait3A_588 = tpu.memref_slice %arg6[%dma_wait3A_586, %dma_wait3A_587] : memref<10000x64xf32, #tpu.memory_space<vmem_shared>> -> memref<10000x64xf32, #tpu.memory_space<vmem_shared>>
      %dma_wait3A_589 = tpu.memref_slice %arg11[%dma_wait3A_578] : memref<5x!tpu.dma_semaphore, #tpu.memory_space<semaphore_mem>> -> memref<1x!tpu.dma_semaphore, #tpu.memory_space<semaphore_mem>>
      %dma_wait3A_590 = tpu.memref_squeeze %dma_wait3A_589 : memref<1x!tpu.dma_semaphore, #tpu.memory_space<semaphore_mem>> -> memref<!tpu.dma_semaphore, #tpu.memory_space<semaphore_mem>>
      tpu.wait_indirect_dma semaphore(%dma_wait3A_590 : memref<!tpu.dma_semaphore, #tpu.memory_space<semaphore_mem>>) src(%dma_wait3A_582 : memref<80x64xf32, #tpu.memory_space<vmem>>) dst(%dma_wait3A_588 : memref<10000x64xf32, #tpu.memory_space<vmem_shared>>)
      %add3A_591 = arith.constant 1 : i32
      %add3A_592 = arith.addi %scan3A_314, %add3A_591 : i32
      %mul3A_593 = arith.constant 5 : i32
      %mul3A_594 = arith.muli %add3A_592, %mul3A_593 : i32
      %add3A_595 = arith.constant 3 : i32
      %add3A_596 = arith.addi %mul3A_594, %add3A_595 : i32
      %dma_start3A_597 = arith.constant 3 : i32
      %dma_start3A_598 = arith.constant 3 : i32
      %dma_start3A_599 = arith.constant 0 : i32
      %dma_start3A_600 = arith.constant 0 : i32
      %dma_start3A_601 = tpu.memref_slice %arg9[%dma_start3A_597, %dma_start3A_599, %dma_start3A_600] : memref<5x80x64xf32, #tpu.memory_space<vmem>> -> memref<1x80x64xf32, #tpu.memory_space<vmem>>
      %dma_start3A_602 = tpu.memref_squeeze %dma_start3A_601 : memref<1x80x64xf32, #tpu.memory_space<vmem>> -> memref<80x64xf32, #tpu.memory_space<vmem>>
      %dma_start3A_603 = arith.constant 0 : i32
      %dma_start3A_604 = tpu.memref_slice %arg7[%add3A_596, %dma_start3A_603] : memref<125x80xi32, #tpu.memory_space<vmem>> -> memref<1x80xi32, #tpu.memory_space<vmem>>
      %dma_start3A_605 = tpu.memref_squeeze %dma_start3A_604 : memref<1x80xi32, #tpu.memory_space<vmem>> -> memref<80xi32, #tpu.memory_space<vmem>>
      %dma_start3A_606 = arith.constant 0 : i32
      %dma_start3A_607 = arith.constant 0 : i32
      %dma_start3A_608 = tpu.memref_slice %arg2[%dma_start3A_606, %dma_start3A_607] : memref<10000x64xf32, #tpu.memory_space<hbm>> -> memref<10000x64xf32, #tpu.memory_space<hbm>>
      %dma_start3A_609 = tpu.memref_slice %arg10[%dma_start3A_598] : memref<5x!tpu.dma_semaphore, #tpu.memory_space<semaphore_mem>> -> memref<1x!tpu.dma_semaphore, #tpu.memory_space<semaphore_mem>>
      %dma_start3A_610 = tpu.memref_squeeze %dma_start3A_609 : memref<1x!tpu.dma_semaphore, #tpu.memory_space<semaphore_mem>> -> memref<!tpu.dma_semaphore, #tpu.memory_space<semaphore_mem>>
      tpu.enqueue_indirect_dma source(%dma_start3A_608 : memref<10000x64xf32, #tpu.memory_space<hbm>>) target(%dma_start3A_602 : memref<80x64xf32, #tpu.memory_space<vmem>>) offsets(%dma_start3A_605 : memref<80xi32, #tpu.memory_space<vmem>>) semaphore(%dma_start3A_610 : memref<!tpu.dma_semaphore, #tpu.memory_space<semaphore_mem>>)
      %dma_wait3A_611 = arith.constant 4 : i32
      %dma_wait3A_612 = arith.constant 4 : i32
      %dma_wait3A_613 = arith.constant 0 : i32
      %dma_wait3A_614 = arith.constant 0 : i32
      %dma_wait3A_615 = tpu.memref_slice %arg9[%dma_wait3A_611, %dma_wait3A_613, %dma_wait3A_614] : memref<5x80x64xf32, #tpu.memory_space<vmem>> -> memref<1x80x64xf32, #tpu.memory_space<vmem>>
      %dma_wait3A_616 = tpu.memref_squeeze %dma_wait3A_615 : memref<1x80x64xf32, #tpu.memory_space<vmem>> -> memref<80x64xf32, #tpu.memory_space<vmem>>
      %dma_wait3A_617 = arith.constant 0 : i32
      %dma_wait3A_618 = tpu.memref_slice %arg8[%add3A_446, %dma_wait3A_617] : memref<125x80xi32, #tpu.memory_space<vmem>> -> memref<1x80xi32, #tpu.memory_space<vmem>>
      %dma_wait3A_619 = tpu.memref_squeeze %dma_wait3A_618 : memref<1x80xi32, #tpu.memory_space<vmem>> -> memref<80xi32, #tpu.memory_space<vmem>>
      %dma_wait3A_620 = arith.constant 0 : i32
      %dma_wait3A_621 = arith.constant 0 : i32
      %dma_wait3A_622 = tpu.memref_slice %arg6[%dma_wait3A_620, %dma_wait3A_621] : memref<10000x64xf32, #tpu.memory_space<vmem_shared>> -> memref<10000x64xf32, #tpu.memory_space<vmem_shared>>
      %dma_wait3A_623 = tpu.memref_slice %arg11[%dma_wait3A_612] : memref<5x!tpu.dma_semaphore, #tpu.memory_space<semaphore_mem>> -> memref<1x!tpu.dma_semaphore, #tpu.memory_space<semaphore_mem>>
      %dma_wait3A_624 = tpu.memref_squeeze %dma_wait3A_623 : memref<1x!tpu.dma_semaphore, #tpu.memory_space<semaphore_mem>> -> memref<!tpu.dma_semaphore, #tpu.memory_space<semaphore_mem>>
      tpu.wait_indirect_dma semaphore(%dma_wait3A_624 : memref<!tpu.dma_semaphore, #tpu.memory_space<semaphore_mem>>) src(%dma_wait3A_616 : memref<80x64xf32, #tpu.memory_space<vmem>>) dst(%dma_wait3A_622 : memref<10000x64xf32, #tpu.memory_space<vmem_shared>>)
      %add3A_625 = arith.constant 1 : i32
      %add3A_626 = arith.addi %scan3A_314, %add3A_625 : i32
      %mul3A_627 = arith.constant 5 : i32
      %mul3A_628 = arith.muli %add3A_626, %mul3A_627 : i32
      %add3A_629 = arith.constant 4 : i32
      %add3A_630 = arith.addi %mul3A_628, %add3A_629 : i32
      %dma_start3A_631 = arith.constant 4 : i32
      %dma_start3A_632 = arith.constant 4 : i32
      %dma_start3A_633 = arith.constant 0 : i32
      %dma_start3A_634 = arith.constant 0 : i32
      %dma_start3A_635 = tpu.memref_slice %arg9[%dma_start3A_631, %dma_start3A_633, %dma_start3A_634] : memref<5x80x64xf32, #tpu.memory_space<vmem>> -> memref<1x80x64xf32, #tpu.memory_space<vmem>>
      %dma_start3A_636 = tpu.memref_squeeze %dma_start3A_635 : memref<1x80x64xf32, #tpu.memory_space<vmem>> -> memref<80x64xf32, #tpu.memory_space<vmem>>
      %dma_start3A_637 = arith.constant 0 : i32
      %dma_start3A_638 = tpu.memref_slice %arg7[%add3A_630, %dma_start3A_637] : memref<125x80xi32, #tpu.memory_space<vmem>> -> memref<1x80xi32, #tpu.memory_space<vmem>>
      %dma_start3A_639 = tpu.memref_squeeze %dma_start3A_638 : memref<1x80xi32, #tpu.memory_space<vmem>> -> memref<80xi32, #tpu.memory_space<vmem>>
      %dma_start3A_640 = arith.constant 0 : i32
      %dma_start3A_641 = arith.constant 0 : i32
      %dma_start3A_642 = tpu.memref_slice %arg2[%dma_start3A_640, %dma_start3A_641] : memref<10000x64xf32, #tpu.memory_space<hbm>> -> memref<10000x64xf32, #tpu.memory_space<hbm>>
      %dma_start3A_643 = tpu.memref_slice %arg10[%dma_start3A_632] : memref<5x!tpu.dma_semaphore, #tpu.memory_space<semaphore_mem>> -> memref<1x!tpu.dma_semaphore, #tpu.memory_space<semaphore_mem>>
      %dma_start3A_644 = tpu.memref_squeeze %dma_start3A_643 : memref<1x!tpu.dma_semaphore, #tpu.memory_space<semaphore_mem>> -> memref<!tpu.dma_semaphore, #tpu.memory_space<semaphore_mem>>
      tpu.enqueue_indirect_dma source(%dma_start3A_642 : memref<10000x64xf32, #tpu.memory_space<hbm>>) target(%dma_start3A_636 : memref<80x64xf32, #tpu.memory_space<vmem>>) offsets(%dma_start3A_639 : memref<80xi32, #tpu.memory_space<vmem>>) semaphore(%dma_start3A_644 : memref<!tpu.dma_semaphore, #tpu.memory_space<semaphore_mem>>)
    }
    %scan3A_83 = arith.constant 24 : i32
    %dma_wait3A = arith.constant 120 : i32
    %dma_wait3A_84 = arith.constant 0 : i32
    %dma_wait3A_85 = arith.constant 0 : i32
    %dma_wait3A_86 = arith.constant 0 : i32
    %dma_wait3A_87 = arith.constant 0 : i32
    %dma_wait3A_88 = tpu.memref_slice %arg9[%dma_wait3A_84, %dma_wait3A_86, %dma_wait3A_87] : memref<5x80x64xf32, #tpu.memory_space<vmem>> -> memref<1x80x64xf32, #tpu.memory_space<vmem>>
    %dma_wait3A_89 = tpu.memref_squeeze %dma_wait3A_88 : memref<1x80x64xf32, #tpu.memory_space<vmem>> -> memref<80x64xf32, #tpu.memory_space<vmem>>
    %dma_wait3A_90 = arith.constant 0 : i32
    %dma_wait3A_91 = tpu.memref_slice %arg7[%dma_wait3A, %dma_wait3A_90] : memref<125x80xi32, #tpu.memory_space<vmem>> -> memref<1x80xi32, #tpu.memory_space<vmem>>
    %dma_wait3A_92 = tpu.memref_squeeze %dma_wait3A_91 : memref<1x80xi32, #tpu.memory_space<vmem>> -> memref<80xi32, #tpu.memory_space<vmem>>
    %dma_wait3A_93 = arith.constant 0 : i32
    %dma_wait3A_94 = arith.constant 0 : i32
    %dma_wait3A_95 = tpu.memref_slice %arg2[%dma_wait3A_93, %dma_wait3A_94] : memref<10000x64xf32, #tpu.memory_space<hbm>> -> memref<10000x64xf32, #tpu.memory_space<hbm>>
    %dma_wait3A_96 = tpu.memref_slice %arg10[%dma_wait3A_85] : memref<5x!tpu.dma_semaphore, #tpu.memory_space<semaphore_mem>> -> memref<1x!tpu.dma_semaphore, #tpu.memory_space<semaphore_mem>>
    %dma_wait3A_97 = tpu.memref_squeeze %dma_wait3A_96 : memref<1x!tpu.dma_semaphore, #tpu.memory_space<semaphore_mem>> -> memref<!tpu.dma_semaphore, #tpu.memory_space<semaphore_mem>>
    tpu.wait_indirect_dma semaphore(%dma_wait3A_97 : memref<!tpu.dma_semaphore, #tpu.memory_space<semaphore_mem>>) src(%dma_wait3A_95 : memref<10000x64xf32, #tpu.memory_space<hbm>>) dst(%dma_wait3A_89 : memref<80x64xf32, #tpu.memory_space<vmem>>)
    %dma_start3A_98 = arith.constant 0 : i32
    %dma_start3A_99 = arith.constant 120 : i32
    %dma_start3A_100 = arith.constant 0 : i32
    %dma_start3A_101 = arith.constant 0 : i32
    %dma_start3A_102 = arith.constant 0 : i32
    %dma_start3A_103 = tpu.memref_slice %arg9[%dma_start3A_98, %dma_start3A_101, %dma_start3A_102] : memref<5x80x64xf32, #tpu.memory_space<vmem>> -> memref<1x80x64xf32, #tpu.memory_space<vmem>>
    %dma_start3A_104 = tpu.memref_squeeze %dma_start3A_103 : memref<1x80x64xf32, #tpu.memory_space<vmem>> -> memref<80x64xf32, #tpu.memory_space<vmem>>
    %dma_start3A_105 = arith.constant 0 : i32
    %dma_start3A_106 = tpu.memref_slice %arg8[%dma_start3A_99, %dma_start3A_105] : memref<125x80xi32, #tpu.memory_space<vmem>> -> memref<1x80xi32, #tpu.memory_space<vmem>>
    %dma_start3A_107 = tpu.memref_squeeze %dma_start3A_106 : memref<1x80xi32, #tpu.memory_space<vmem>> -> memref<80xi32, #tpu.memory_space<vmem>>
    %dma_start3A_108 = arith.constant 0 : i32
    %dma_start3A_109 = arith.constant 0 : i32
    %dma_start3A_110 = tpu.memref_slice %arg6[%dma_start3A_108, %dma_start3A_109] : memref<10000x64xf32, #tpu.memory_space<vmem_shared>> -> memref<10000x64xf32, #tpu.memory_space<vmem_shared>>
    %dma_start3A_111 = tpu.memref_slice %arg11[%dma_start3A_100] : memref<5x!tpu.dma_semaphore, #tpu.memory_space<semaphore_mem>> -> memref<1x!tpu.dma_semaphore, #tpu.memory_space<semaphore_mem>>
    %dma_start3A_112 = tpu.memref_squeeze %dma_start3A_111 : memref<1x!tpu.dma_semaphore, #tpu.memory_space<semaphore_mem>> -> memref<!tpu.dma_semaphore, #tpu.memory_space<semaphore_mem>>
    tpu.enqueue_indirect_dma source(%dma_start3A_104 : memref<80x64xf32, #tpu.memory_space<vmem>>) target(%dma_start3A_110 : memref<10000x64xf32, #tpu.memory_space<vmem_shared>>) offsets(%dma_start3A_107 : memref<80xi32, #tpu.memory_space<vmem>>) semaphore(%dma_start3A_112 : memref<!tpu.dma_semaphore, #tpu.memory_space<semaphore_mem>>) {add = true}
    %dma_wait3A_113 = arith.constant 121 : i32
    %dma_wait3A_114 = arith.constant 1 : i32
    %dma_wait3A_115 = arith.constant 1 : i32
    %dma_wait3A_116 = arith.constant 0 : i32
    %dma_wait3A_117 = arith.constant 0 : i32
    %dma_wait3A_118 = tpu.memref_slice %arg9[%dma_wait3A_114, %dma_wait3A_116, %dma_wait3A_117] : memref<5x80x64xf32, #tpu.memory_space<vmem>> -> memref<1x80x64xf32, #tpu.memory_space<vmem>>
    %dma_wait3A_119 = tpu.memref_squeeze %dma_wait3A_118 : memref<1x80x64xf32, #tpu.memory_space<vmem>> -> memref<80x64xf32, #tpu.memory_space<vmem>>
    %dma_wait3A_120 = arith.constant 0 : i32
    %dma_wait3A_121 = tpu.memref_slice %arg7[%dma_wait3A_113, %dma_wait3A_120] : memref<125x80xi32, #tpu.memory_space<vmem>> -> memref<1x80xi32, #tpu.memory_space<vmem>>
    %dma_wait3A_122 = tpu.memref_squeeze %dma_wait3A_121 : memref<1x80xi32, #tpu.memory_space<vmem>> -> memref<80xi32, #tpu.memory_space<vmem>>
    %dma_wait3A_123 = arith.constant 0 : i32
    %dma_wait3A_124 = arith.constant 0 : i32
    %dma_wait3A_125 = tpu.memref_slice %arg2[%dma_wait3A_123, %dma_wait3A_124] : memref<10000x64xf32, #tpu.memory_space<hbm>> -> memref<10000x64xf32, #tpu.memory_space<hbm>>
    %dma_wait3A_126 = tpu.memref_slice %arg10[%dma_wait3A_115] : memref<5x!tpu.dma_semaphore, #tpu.memory_space<semaphore_mem>> -> memref<1x!tpu.dma_semaphore, #tpu.memory_space<semaphore_mem>>
    %dma_wait3A_127 = tpu.memref_squeeze %dma_wait3A_126 : memref<1x!tpu.dma_semaphore, #tpu.memory_space<semaphore_mem>> -> memref<!tpu.dma_semaphore, #tpu.memory_space<semaphore_mem>>
    tpu.wait_indirect_dma semaphore(%dma_wait3A_127 : memref<!tpu.dma_semaphore, #tpu.memory_space<semaphore_mem>>) src(%dma_wait3A_125 : memref<10000x64xf32, #tpu.memory_space<hbm>>) dst(%dma_wait3A_119 : memref<80x64xf32, #tpu.memory_space<vmem>>)
    %dma_start3A_128 = arith.constant 1 : i32
    %dma_start3A_129 = arith.constant 121 : i32
    %dma_start3A_130 = arith.constant 1 : i32
    %dma_start3A_131 = arith.constant 0 : i32
    %dma_start3A_132 = arith.constant 0 : i32
    %dma_start3A_133 = tpu.memref_slice %arg9[%dma_start3A_128, %dma_start3A_131, %dma_start3A_132] : memref<5x80x64xf32, #tpu.memory_space<vmem>> -> memref<1x80x64xf32, #tpu.memory_space<vmem>>
    %dma_start3A_134 = tpu.memref_squeeze %dma_start3A_133 : memref<1x80x64xf32, #tpu.memory_space<vmem>> -> memref<80x64xf32, #tpu.memory_space<vmem>>
    %dma_start3A_135 = arith.constant 0 : i32
    %dma_start3A_136 = tpu.memref_slice %arg8[%dma_start3A_129, %dma_start3A_135] : memref<125x80xi32, #tpu.memory_space<vmem>> -> memref<1x80xi32, #tpu.memory_space<vmem>>
    %dma_start3A_137 = tpu.memref_squeeze %dma_start3A_136 : memref<1x80xi32, #tpu.memory_space<vmem>> -> memref<80xi32, #tpu.memory_space<vmem>>
    %dma_start3A_138 = arith.constant 0 : i32
    %dma_start3A_139 = arith.constant 0 : i32
    %dma_start3A_140 = tpu.memref_slice %arg6[%dma_start3A_138, %dma_start3A_139] : memref<10000x64xf32, #tpu.memory_space<vmem_shared>> -> memref<10000x64xf32, #tpu.memory_space<vmem_shared>>
    %dma_start3A_141 = tpu.memref_slice %arg11[%dma_start3A_130] : memref<5x!tpu.dma_semaphore, #tpu.memory_space<semaphore_mem>> -> memref<1x!tpu.dma_semaphore, #tpu.memory_space<semaphore_mem>>
    %dma_start3A_142 = tpu.memref_squeeze %dma_start3A_141 : memref<1x!tpu.dma_semaphore, #tpu.memory_space<semaphore_mem>> -> memref<!tpu.dma_semaphore, #tpu.memory_space<semaphore_mem>>
    tpu.enqueue_indirect_dma source(%dma_start3A_134 : memref<80x64xf32, #tpu.memory_space<vmem>>) target(%dma_start3A_140 : memref<10000x64xf32, #tpu.memory_space<vmem_shared>>) offsets(%dma_start3A_137 : memref<80xi32, #tpu.memory_space<vmem>>) semaphore(%dma_start3A_142 : memref<!tpu.dma_semaphore, #tpu.memory_space<semaphore_mem>>) {add = true}
    %dma_wait3A_143 = arith.constant 122 : i32
    %dma_wait3A_144 = arith.constant 2 : i32
    %dma_wait3A_145 = arith.constant 2 : i32
    %dma_wait3A_146 = arith.constant 0 : i32
    %dma_wait3A_147 = arith.constant 0 : i32
    %dma_wait3A_148 = tpu.memref_slice %arg9[%dma_wait3A_144, %dma_wait3A_146, %dma_wait3A_147] : memref<5x80x64xf32, #tpu.memory_space<vmem>> -> memref<1x80x64xf32, #tpu.memory_space<vmem>>
    %dma_wait3A_149 = tpu.memref_squeeze %dma_wait3A_148 : memref<1x80x64xf32, #tpu.memory_space<vmem>> -> memref<80x64xf32, #tpu.memory_space<vmem>>
    %dma_wait3A_150 = arith.constant 0 : i32
    %dma_wait3A_151 = tpu.memref_slice %arg7[%dma_wait3A_143, %dma_wait3A_150] : memref<125x80xi32, #tpu.memory_space<vmem>> -> memref<1x80xi32, #tpu.memory_space<vmem>>
    %dma_wait3A_152 = tpu.memref_squeeze %dma_wait3A_151 : memref<1x80xi32, #tpu.memory_space<vmem>> -> memref<80xi32, #tpu.memory_space<vmem>>
    %dma_wait3A_153 = arith.constant 0 : i32
    %dma_wait3A_154 = arith.constant 0 : i32
    %dma_wait3A_155 = tpu.memref_slice %arg2[%dma_wait3A_153, %dma_wait3A_154] : memref<10000x64xf32, #tpu.memory_space<hbm>> -> memref<10000x64xf32, #tpu.memory_space<hbm>>
    %dma_wait3A_156 = tpu.memref_slice %arg10[%dma_wait3A_145] : memref<5x!tpu.dma_semaphore, #tpu.memory_space<semaphore_mem>> -> memref<1x!tpu.dma_semaphore, #tpu.memory_space<semaphore_mem>>
    %dma_wait3A_157 = tpu.memref_squeeze %dma_wait3A_156 : memref<1x!tpu.dma_semaphore, #tpu.memory_space<semaphore_mem>> -> memref<!tpu.dma_semaphore, #tpu.memory_space<semaphore_mem>>
    tpu.wait_indirect_dma semaphore(%dma_wait3A_157 : memref<!tpu.dma_semaphore, #tpu.memory_space<semaphore_mem>>) src(%dma_wait3A_155 : memref<10000x64xf32, #tpu.memory_space<hbm>>) dst(%dma_wait3A_149 : memref<80x64xf32, #tpu.memory_space<vmem>>)
    %dma_start3A_158 = arith.constant 2 : i32
    %dma_start3A_159 = arith.constant 122 : i32
    %dma_start3A_160 = arith.constant 2 : i32
    %dma_start3A_161 = arith.constant 0 : i32
    %dma_start3A_162 = arith.constant 0 : i32
    %dma_start3A_163 = tpu.memref_slice %arg9[%dma_start3A_158, %dma_start3A_161, %dma_start3A_162] : memref<5x80x64xf32, #tpu.memory_space<vmem>> -> memref<1x80x64xf32, #tpu.memory_space<vmem>>
    %dma_start3A_164 = tpu.memref_squeeze %dma_start3A_163 : memref<1x80x64xf32, #tpu.memory_space<vmem>> -> memref<80x64xf32, #tpu.memory_space<vmem>>
    %dma_start3A_165 = arith.constant 0 : i32
    %dma_start3A_166 = tpu.memref_slice %arg8[%dma_start3A_159, %dma_start3A_165] : memref<125x80xi32, #tpu.memory_space<vmem>> -> memref<1x80xi32, #tpu.memory_space<vmem>>
    %dma_start3A_167 = tpu.memref_squeeze %dma_start3A_166 : memref<1x80xi32, #tpu.memory_space<vmem>> -> memref<80xi32, #tpu.memory_space<vmem>>
    %dma_start3A_168 = arith.constant 0 : i32
    %dma_start3A_169 = arith.constant 0 : i32
    %dma_start3A_170 = tpu.memref_slice %arg6[%dma_start3A_168, %dma_start3A_169] : memref<10000x64xf32, #tpu.memory_space<vmem_shared>> -> memref<10000x64xf32, #tpu.memory_space<vmem_shared>>
    %dma_start3A_171 = tpu.memref_slice %arg11[%dma_start3A_160] : memref<5x!tpu.dma_semaphore, #tpu.memory_space<semaphore_mem>> -> memref<1x!tpu.dma_semaphore, #tpu.memory_space<semaphore_mem>>
    %dma_start3A_172 = tpu.memref_squeeze %dma_start3A_171 : memref<1x!tpu.dma_semaphore, #tpu.memory_space<semaphore_mem>> -> memref<!tpu.dma_semaphore, #tpu.memory_space<semaphore_mem>>
    tpu.enqueue_indirect_dma source(%dma_start3A_164 : memref<80x64xf32, #tpu.memory_space<vmem>>) target(%dma_start3A_170 : memref<10000x64xf32, #tpu.memory_space<vmem_shared>>) offsets(%dma_start3A_167 : memref<80xi32, #tpu.memory_space<vmem>>) semaphore(%dma_start3A_172 : memref<!tpu.dma_semaphore, #tpu.memory_space<semaphore_mem>>) {add = true}
    %dma_wait3A_173 = arith.constant 123 : i32
    %dma_wait3A_174 = arith.constant 3 : i32
    %dma_wait3A_175 = arith.constant 3 : i32
    %dma_wait3A_176 = arith.constant 0 : i32
    %dma_wait3A_177 = arith.constant 0 : i32
    %dma_wait3A_178 = tpu.memref_slice %arg9[%dma_wait3A_174, %dma_wait3A_176, %dma_wait3A_177] : memref<5x80x64xf32, #tpu.memory_space<vmem>> -> memref<1x80x64xf32, #tpu.memory_space<vmem>>
    %dma_wait3A_179 = tpu.memref_squeeze %dma_wait3A_178 : memref<1x80x64xf32, #tpu.memory_space<vmem>> -> memref<80x64xf32, #tpu.memory_space<vmem>>
    %dma_wait3A_180 = arith.constant 0 : i32
    %dma_wait3A_181 = tpu.memref_slice %arg7[%dma_wait3A_173, %dma_wait3A_180] : memref<125x80xi32, #tpu.memory_space<vmem>> -> memref<1x80xi32, #tpu.memory_space<vmem>>
    %dma_wait3A_182 = tpu.memref_squeeze %dma_wait3A_181 : memref<1x80xi32, #tpu.memory_space<vmem>> -> memref<80xi32, #tpu.memory_space<vmem>>
    %dma_wait3A_183 = arith.constant 0 : i32
    %dma_wait3A_184 = arith.constant 0 : i32
    %dma_wait3A_185 = tpu.memref_slice %arg2[%dma_wait3A_183, %dma_wait3A_184] : memref<10000x64xf32, #tpu.memory_space<hbm>> -> memref<10000x64xf32, #tpu.memory_space<hbm>>
    %dma_wait3A_186 = tpu.memref_slice %arg10[%dma_wait3A_175] : memref<5x!tpu.dma_semaphore, #tpu.memory_space<semaphore_mem>> -> memref<1x!tpu.dma_semaphore, #tpu.memory_space<semaphore_mem>>
    %dma_wait3A_187 = tpu.memref_squeeze %dma_wait3A_186 : memref<1x!tpu.dma_semaphore, #tpu.memory_space<semaphore_mem>> -> memref<!tpu.dma_semaphore, #tpu.memory_space<semaphore_mem>>
    tpu.wait_indirect_dma semaphore(%dma_wait3A_187 : memref<!tpu.dma_semaphore, #tpu.memory_space<semaphore_mem>>) src(%dma_wait3A_185 : memref<10000x64xf32, #tpu.memory_space<hbm>>) dst(%dma_wait3A_179 : memref<80x64xf32, #tpu.memory_space<vmem>>)
    %dma_start3A_188 = arith.constant 3 : i32
    %dma_start3A_189 = arith.constant 123 : i32
    %dma_start3A_190 = arith.constant 3 : i32
    %dma_start3A_191 = arith.constant 0 : i32
    %dma_start3A_192 = arith.constant 0 : i32
    %dma_start3A_193 = tpu.memref_slice %arg9[%dma_start3A_188, %dma_start3A_191, %dma_start3A_192] : memref<5x80x64xf32, #tpu.memory_space<vmem>> -> memref<1x80x64xf32, #tpu.memory_space<vmem>>
    %dma_start3A_194 = tpu.memref_squeeze %dma_start3A_193 : memref<1x80x64xf32, #tpu.memory_space<vmem>> -> memref<80x64xf32, #tpu.memory_space<vmem>>
    %dma_start3A_195 = arith.constant 0 : i32
    %dma_start3A_196 = tpu.memref_slice %arg8[%dma_start3A_189, %dma_start3A_195] : memref<125x80xi32, #tpu.memory_space<vmem>> -> memref<1x80xi32, #tpu.memory_space<vmem>>
    %dma_start3A_197 = tpu.memref_squeeze %dma_start3A_196 : memref<1x80xi32, #tpu.memory_space<vmem>> -> memref<80xi32, #tpu.memory_space<vmem>>
    %dma_start3A_198 = arith.constant 0 : i32
    %dma_start3A_199 = arith.constant 0 : i32
    %dma_start3A_200 = tpu.memref_slice %arg6[%dma_start3A_198, %dma_start3A_199] : memref<10000x64xf32, #tpu.memory_space<vmem_shared>> -> memref<10000x64xf32, #tpu.memory_space<vmem_shared>>
    %dma_start3A_201 = tpu.memref_slice %arg11[%dma_start3A_190] : memref<5x!tpu.dma_semaphore, #tpu.memory_space<semaphore_mem>> -> memref<1x!tpu.dma_semaphore, #tpu.memory_space<semaphore_mem>>
    %dma_start3A_202 = tpu.memref_squeeze %dma_start3A_201 : memref<1x!tpu.dma_semaphore, #tpu.memory_space<semaphore_mem>> -> memref<!tpu.dma_semaphore, #tpu.memory_space<semaphore_mem>>
    tpu.enqueue_indirect_dma source(%dma_start3A_194 : memref<80x64xf32, #tpu.memory_space<vmem>>) target(%dma_start3A_200 : memref<10000x64xf32, #tpu.memory_space<vmem_shared>>) offsets(%dma_start3A_197 : memref<80xi32, #tpu.memory_space<vmem>>) semaphore(%dma_start3A_202 : memref<!tpu.dma_semaphore, #tpu.memory_space<semaphore_mem>>) {add = true}
    %dma_wait3A_203 = arith.constant 124 : i32
    %dma_wait3A_204 = arith.constant 4 : i32
    %dma_wait3A_205 = arith.constant 4 : i32
    %dma_wait3A_206 = arith.constant 0 : i32
    %dma_wait3A_207 = arith.constant 0 : i32
    %dma_wait3A_208 = tpu.memref_slice %arg9[%dma_wait3A_204, %dma_wait3A_206, %dma_wait3A_207] : memref<5x80x64xf32, #tpu.memory_space<vmem>> -> memref<1x80x64xf32, #tpu.memory_space<vmem>>
    %dma_wait3A_209 = tpu.memref_squeeze %dma_wait3A_208 : memref<1x80x64xf32, #tpu.memory_space<vmem>> -> memref<80x64xf32, #tpu.memory_space<vmem>>
    %dma_wait3A_210 = arith.constant 0 : i32
    %dma_wait3A_211 = tpu.memref_slice %arg7[%dma_wait3A_203, %dma_wait3A_210] : memref<125x80xi32, #tpu.memory_space<vmem>> -> memref<1x80xi32, #tpu.memory_space<vmem>>
    %dma_wait3A_212 = tpu.memref_squeeze %dma_wait3A_211 : memref<1x80xi32, #tpu.memory_space<vmem>> -> memref<80xi32, #tpu.memory_space<vmem>>
    %dma_wait3A_213 = arith.constant 0 : i32
    %dma_wait3A_214 = arith.constant 0 : i32
    %dma_wait3A_215 = tpu.memref_slice %arg2[%dma_wait3A_213, %dma_wait3A_214] : memref<10000x64xf32, #tpu.memory_space<hbm>> -> memref<10000x64xf32, #tpu.memory_space<hbm>>
    %dma_wait3A_216 = tpu.memref_slice %arg10[%dma_wait3A_205] : memref<5x!tpu.dma_semaphore, #tpu.memory_space<semaphore_mem>> -> memref<1x!tpu.dma_semaphore, #tpu.memory_space<semaphore_mem>>
    %dma_wait3A_217 = tpu.memref_squeeze %dma_wait3A_216 : memref<1x!tpu.dma_semaphore, #tpu.memory_space<semaphore_mem>> -> memref<!tpu.dma_semaphore, #tpu.memory_space<semaphore_mem>>
    tpu.wait_indirect_dma semaphore(%dma_wait3A_217 : memref<!tpu.dma_semaphore, #tpu.memory_space<semaphore_mem>>) src(%dma_wait3A_215 : memref<10000x64xf32, #tpu.memory_space<hbm>>) dst(%dma_wait3A_209 : memref<80x64xf32, #tpu.memory_space<vmem>>)
    %dma_start3A_218 = arith.constant 4 : i32
    %dma_start3A_219 = arith.constant 124 : i32
    %dma_start3A_220 = arith.constant 4 : i32
    %dma_start3A_221 = arith.constant 0 : i32
    %dma_start3A_222 = arith.constant 0 : i32
    %dma_start3A_223 = tpu.memref_slice %arg9[%dma_start3A_218, %dma_start3A_221, %dma_start3A_222] : memref<5x80x64xf32, #tpu.memory_space<vmem>> -> memref<1x80x64xf32, #tpu.memory_space<vmem>>
    %dma_start3A_224 = tpu.memref_squeeze %dma_start3A_223 : memref<1x80x64xf32, #tpu.memory_space<vmem>> -> memref<80x64xf32, #tpu.memory_space<vmem>>
    %dma_start3A_225 = arith.constant 0 : i32
    %dma_start3A_226 = tpu.memref_slice %arg8[%dma_start3A_219, %dma_start3A_225] : memref<125x80xi32, #tpu.memory_space<vmem>> -> memref<1x80xi32, #tpu.memory_space<vmem>>
    %dma_start3A_227 = tpu.memref_squeeze %dma_start3A_226 : memref<1x80xi32, #tpu.memory_space<vmem>> -> memref<80xi32, #tpu.memory_space<vmem>>
    %dma_start3A_228 = arith.constant 0 : i32
    %dma_start3A_229 = arith.constant 0 : i32
    %dma_start3A_230 = tpu.memref_slice %arg6[%dma_start3A_228, %dma_start3A_229] : memref<10000x64xf32, #tpu.memory_space<vmem_shared>> -> memref<10000x64xf32, #tpu.memory_space<vmem_shared>>
    %dma_start3A_231 = tpu.memref_slice %arg11[%dma_start3A_220] : memref<5x!tpu.dma_semaphore, #tpu.memory_space<semaphore_mem>> -> memref<1x!tpu.dma_semaphore, #tpu.memory_space<semaphore_mem>>
    %dma_start3A_232 = tpu.memref_squeeze %dma_start3A_231 : memref<1x!tpu.dma_semaphore, #tpu.memory_space<semaphore_mem>> -> memref<!tpu.dma_semaphore, #tpu.memory_space<semaphore_mem>>
    tpu.enqueue_indirect_dma source(%dma_start3A_224 : memref<80x64xf32, #tpu.memory_space<vmem>>) target(%dma_start3A_230 : memref<10000x64xf32, #tpu.memory_space<vmem_shared>>) offsets(%dma_start3A_227 : memref<80xi32, #tpu.memory_space<vmem>>) semaphore(%dma_start3A_232 : memref<!tpu.dma_semaphore, #tpu.memory_space<semaphore_mem>>) {add = true}
    %dma_wait3A_233 = arith.constant 0 : i32
    %dma_wait3A_234 = arith.constant 120 : i32
    %dma_wait3A_235 = arith.constant 0 : i32
    %dma_wait3A_236 = arith.constant 0 : i32
    %dma_wait3A_237 = arith.constant 0 : i32
    %dma_wait3A_238 = tpu.memref_slice %arg9[%dma_wait3A_233, %dma_wait3A_236, %dma_wait3A_237] : memref<5x80x64xf32, #tpu.memory_space<vmem>> -> memref<1x80x64xf32, #tpu.memory_space<vmem>>
    %dma_wait3A_239 = tpu.memref_squeeze %dma_wait3A_238 : memref<1x80x64xf32, #tpu.memory_space<vmem>> -> memref<80x64xf32, #tpu.memory_space<vmem>>
    %dma_wait3A_240 = arith.constant 0 : i32
    %dma_wait3A_241 = tpu.memref_slice %arg8[%dma_wait3A_234, %dma_wait3A_240] : memref<125x80xi32, #tpu.memory_space<vmem>> -> memref<1x80xi32, #tpu.memory_space<vmem>>
    %dma_wait3A_242 = tpu.memref_squeeze %dma_wait3A_241 : memref<1x80xi32, #tpu.memory_space<vmem>> -> memref<80xi32, #tpu.memory_space<vmem>>
    %dma_wait3A_243 = arith.constant 0 : i32
    %dma_wait3A_244 = arith.constant 0 : i32
    %dma_wait3A_245 = tpu.memref_slice %arg6[%dma_wait3A_243, %dma_wait3A_244] : memref<10000x64xf32, #tpu.memory_space<vmem_shared>> -> memref<10000x64xf32, #tpu.memory_space<vmem_shared>>
    %dma_wait3A_246 = tpu.memref_slice %arg11[%dma_wait3A_235] : memref<5x!tpu.dma_semaphore, #tpu.memory_space<semaphore_mem>> -> memref<1x!tpu.dma_semaphore, #tpu.memory_space<semaphore_mem>>
    %dma_wait3A_247 = tpu.memref_squeeze %dma_wait3A_246 : memref<1x!tpu.dma_semaphore, #tpu.memory_space<semaphore_mem>> -> memref<!tpu.dma_semaphore, #tpu.memory_space<semaphore_mem>>
    tpu.wait_indirect_dma semaphore(%dma_wait3A_247 : memref<!tpu.dma_semaphore, #tpu.memory_space<semaphore_mem>>) src(%dma_wait3A_239 : memref<80x64xf32, #tpu.memory_space<vmem>>) dst(%dma_wait3A_245 : memref<10000x64xf32, #tpu.memory_space<vmem_shared>>)
    %dma_wait3A_248 = arith.constant 1 : i32
    %dma_wait3A_249 = arith.constant 121 : i32
    %dma_wait3A_250 = arith.constant 1 : i32
    %dma_wait3A_251 = arith.constant 0 : i32
    %dma_wait3A_252 = arith.constant 0 : i32
    %dma_wait3A_253 = tpu.memref_slice %arg9[%dma_wait3A_248, %dma_wait3A_251, %dma_wait3A_252] : memref<5x80x64xf32, #tpu.memory_space<vmem>> -> memref<1x80x64xf32, #tpu.memory_space<vmem>>
    %dma_wait3A_254 = tpu.memref_squeeze %dma_wait3A_253 : memref<1x80x64xf32, #tpu.memory_space<vmem>> -> memref<80x64xf32, #tpu.memory_space<vmem>>
    %dma_wait3A_255 = arith.constant 0 : i32
    %dma_wait3A_256 = tpu.memref_slice %arg8[%dma_wait3A_249, %dma_wait3A_255] : memref<125x80xi32, #tpu.memory_space<vmem>> -> memref<1x80xi32, #tpu.memory_space<vmem>>
    %dma_wait3A_257 = tpu.memref_squeeze %dma_wait3A_256 : memref<1x80xi32, #tpu.memory_space<vmem>> -> memref<80xi32, #tpu.memory_space<vmem>>
    %dma_wait3A_258 = arith.constant 0 : i32
    %dma_wait3A_259 = arith.constant 0 : i32
    %dma_wait3A_260 = tpu.memref_slice %arg6[%dma_wait3A_258, %dma_wait3A_259] : memref<10000x64xf32, #tpu.memory_space<vmem_shared>> -> memref<10000x64xf32, #tpu.memory_space<vmem_shared>>
    %dma_wait3A_261 = tpu.memref_slice %arg11[%dma_wait3A_250] : memref<5x!tpu.dma_semaphore, #tpu.memory_space<semaphore_mem>> -> memref<1x!tpu.dma_semaphore, #tpu.memory_space<semaphore_mem>>
    %dma_wait3A_262 = tpu.memref_squeeze %dma_wait3A_261 : memref<1x!tpu.dma_semaphore, #tpu.memory_space<semaphore_mem>> -> memref<!tpu.dma_semaphore, #tpu.memory_space<semaphore_mem>>
    tpu.wait_indirect_dma semaphore(%dma_wait3A_262 : memref<!tpu.dma_semaphore, #tpu.memory_space<semaphore_mem>>) src(%dma_wait3A_254 : memref<80x64xf32, #tpu.memory_space<vmem>>) dst(%dma_wait3A_260 : memref<10000x64xf32, #tpu.memory_space<vmem_shared>>)
    %dma_wait3A_263 = arith.constant 2 : i32
    %dma_wait3A_264 = arith.constant 122 : i32
    %dma_wait3A_265 = arith.constant 2 : i32
    %dma_wait3A_266 = arith.constant 0 : i32
    %dma_wait3A_267 = arith.constant 0 : i32
    %dma_wait3A_268 = tpu.memref_slice %arg9[%dma_wait3A_263, %dma_wait3A_266, %dma_wait3A_267] : memref<5x80x64xf32, #tpu.memory_space<vmem>> -> memref<1x80x64xf32, #tpu.memory_space<vmem>>
    %dma_wait3A_269 = tpu.memref_squeeze %dma_wait3A_268 : memref<1x80x64xf32, #tpu.memory_space<vmem>> -> memref<80x64xf32, #tpu.memory_space<vmem>>
    %dma_wait3A_270 = arith.constant 0 : i32
    %dma_wait3A_271 = tpu.memref_slice %arg8[%dma_wait3A_264, %dma_wait3A_270] : memref<125x80xi32, #tpu.memory_space<vmem>> -> memref<1x80xi32, #tpu.memory_space<vmem>>
    %dma_wait3A_272 = tpu.memref_squeeze %dma_wait3A_271 : memref<1x80xi32, #tpu.memory_space<vmem>> -> memref<80xi32, #tpu.memory_space<vmem>>
    %dma_wait3A_273 = arith.constant 0 : i32
    %dma_wait3A_274 = arith.constant 0 : i32
    %dma_wait3A_275 = tpu.memref_slice %arg6[%dma_wait3A_273, %dma_wait3A_274] : memref<10000x64xf32, #tpu.memory_space<vmem_shared>> -> memref<10000x64xf32, #tpu.memory_space<vmem_shared>>
    %dma_wait3A_276 = tpu.memref_slice %arg11[%dma_wait3A_265] : memref<5x!tpu.dma_semaphore, #tpu.memory_space<semaphore_mem>> -> memref<1x!tpu.dma_semaphore, #tpu.memory_space<semaphore_mem>>
    %dma_wait3A_277 = tpu.memref_squeeze %dma_wait3A_276 : memref<1x!tpu.dma_semaphore, #tpu.memory_space<semaphore_mem>> -> memref<!tpu.dma_semaphore, #tpu.memory_space<semaphore_mem>>
    tpu.wait_indirect_dma semaphore(%dma_wait3A_277 : memref<!tpu.dma_semaphore, #tpu.memory_space<semaphore_mem>>) src(%dma_wait3A_269 : memref<80x64xf32, #tpu.memory_space<vmem>>) dst(%dma_wait3A_275 : memref<10000x64xf32, #tpu.memory_space<vmem_shared>>)
    %dma_wait3A_278 = arith.constant 3 : i32
    %dma_wait3A_279 = arith.constant 123 : i32
    %dma_wait3A_280 = arith.constant 3 : i32
    %dma_wait3A_281 = arith.constant 0 : i32
    %dma_wait3A_282 = arith.constant 0 : i32
    %dma_wait3A_283 = tpu.memref_slice %arg9[%dma_wait3A_278, %dma_wait3A_281, %dma_wait3A_282] : memref<5x80x64xf32, #tpu.memory_space<vmem>> -> memref<1x80x64xf32, #tpu.memory_space<vmem>>
    %dma_wait3A_284 = tpu.memref_squeeze %dma_wait3A_283 : memref<1x80x64xf32, #tpu.memory_space<vmem>> -> memref<80x64xf32, #tpu.memory_space<vmem>>
    %dma_wait3A_285 = arith.constant 0 : i32
    %dma_wait3A_286 = tpu.memref_slice %arg8[%dma_wait3A_279, %dma_wait3A_285] : memref<125x80xi32, #tpu.memory_space<vmem>> -> memref<1x80xi32, #tpu.memory_space<vmem>>
    %dma_wait3A_287 = tpu.memref_squeeze %dma_wait3A_286 : memref<1x80xi32, #tpu.memory_space<vmem>> -> memref<80xi32, #tpu.memory_space<vmem>>
    %dma_wait3A_288 = arith.constant 0 : i32
    %dma_wait3A_289 = arith.constant 0 : i32
    %dma_wait3A_290 = tpu.memref_slice %arg6[%dma_wait3A_288, %dma_wait3A_289] : memref<10000x64xf32, #tpu.memory_space<vmem_shared>> -> memref<10000x64xf32, #tpu.memory_space<vmem_shared>>
    %dma_wait3A_291 = tpu.memref_slice %arg11[%dma_wait3A_280] : memref<5x!tpu.dma_semaphore, #tpu.memory_space<semaphore_mem>> -> memref<1x!tpu.dma_semaphore, #tpu.memory_space<semaphore_mem>>
    %dma_wait3A_292 = tpu.memref_squeeze %dma_wait3A_291 : memref<1x!tpu.dma_semaphore, #tpu.memory_space<semaphore_mem>> -> memref<!tpu.dma_semaphore, #tpu.memory_space<semaphore_mem>>
    tpu.wait_indirect_dma semaphore(%dma_wait3A_292 : memref<!tpu.dma_semaphore, #tpu.memory_space<semaphore_mem>>) src(%dma_wait3A_284 : memref<80x64xf32, #tpu.memory_space<vmem>>) dst(%dma_wait3A_290 : memref<10000x64xf32, #tpu.memory_space<vmem_shared>>)
    %dma_wait3A_293 = arith.constant 4 : i32
    %dma_wait3A_294 = arith.constant 124 : i32
    %dma_wait3A_295 = arith.constant 4 : i32
    %dma_wait3A_296 = arith.constant 0 : i32
    %dma_wait3A_297 = arith.constant 0 : i32
    %dma_wait3A_298 = tpu.memref_slice %arg9[%dma_wait3A_293, %dma_wait3A_296, %dma_wait3A_297] : memref<5x80x64xf32, #tpu.memory_space<vmem>> -> memref<1x80x64xf32, #tpu.memory_space<vmem>>
    %dma_wait3A_299 = tpu.memref_squeeze %dma_wait3A_298 : memref<1x80x64xf32, #tpu.memory_space<vmem>> -> memref<80x64xf32, #tpu.memory_space<vmem>>
    %dma_wait3A_300 = arith.constant 0 : i32
    %dma_wait3A_301 = tpu.memref_slice %arg8[%dma_wait3A_294, %dma_wait3A_300] : memref<125x80xi32, #tpu.memory_space<vmem>> -> memref<1x80xi32, #tpu.memory_space<vmem>>
    %dma_wait3A_302 = tpu.memref_squeeze %dma_wait3A_301 : memref<1x80xi32, #tpu.memory_space<vmem>> -> memref<80xi32, #tpu.memory_space<vmem>>
    %dma_wait3A_303 = arith.constant 0 : i32
    %dma_wait3A_304 = arith.constant 0 : i32
    %dma_wait3A_305 = tpu.memref_slice %arg6[%dma_wait3A_303, %dma_wait3A_304] : memref<10000x64xf32, #tpu.memory_space<vmem_shared>> -> memref<10000x64xf32, #tpu.memory_space<vmem_shared>>
    %dma_wait3A_306 = tpu.memref_slice %arg11[%dma_wait3A_295] : memref<5x!tpu.dma_semaphore, #tpu.memory_space<semaphore_mem>> -> memref<1x!tpu.dma_semaphore, #tpu.memory_space<semaphore_mem>>
    %dma_wait3A_307 = tpu.memref_squeeze %dma_wait3A_306 : memref<1x!tpu.dma_semaphore, #tpu.memory_space<semaphore_mem>> -> memref<!tpu.dma_semaphore, #tpu.memory_space<semaphore_mem>>
    tpu.wait_indirect_dma semaphore(%dma_wait3A_307 : memref<!tpu.dma_semaphore, #tpu.memory_space<semaphore_mem>>) src(%dma_wait3A_299 : memref<80x64xf32, #tpu.memory_space<vmem>>) dst(%dma_wait3A_305 : memref<10000x64xf32, #tpu.memory_space<vmem_shared>>)
    %barrier3A_308 = arith.constant 0 : index
    tpu.barrier barrier_id(%barrier3A_308)
    "tpu.region"() ({
      %run_scoped3A = tpu.sem_alloc : memref<!tpu.dma_semaphore, #tpu.memory_space<semaphore_mem>>
      %dma_start3A_314 = arith.constant 0 : i32
      %dma_start3A_315 = tpu.memref_slice %arg5[%arg0, %mul3A_2, %dma_start3A_314] : memref<2x10000x64xf32, #tpu.memory_space<hbm>> -> memref<1x624x64xf32, #tpu.memory_space<hbm>>
      %dma_start3A_316 = tpu.memref_squeeze %dma_start3A_315 : memref<1x624x64xf32, #tpu.memory_space<hbm>> -> memref<624x64xf32, #tpu.memory_space<hbm>>
      %dma_start3A_317 = arith.constant 0 : i32
      %dma_start3A_318 = tpu.memref_slice %arg6[%mul3A_2, %dma_start3A_317] : memref<10000x64xf32, #tpu.memory_space<vmem_shared>> -> memref<624x64xf32, #tpu.memory_space<vmem_shared>>
      tpu.enqueue_dma source(%dma_start3A_318 : memref<624x64xf32, #tpu.memory_space<vmem_shared>>) target(%dma_start3A_316 : memref<624x64xf32, #tpu.memory_space<hbm>>) target_semaphore(%run_scoped3A : memref<!tpu.dma_semaphore, #tpu.memory_space<semaphore_mem>>)
      %dma_wait3A_319 = arith.constant 0 : i32
      %dma_wait3A_320 = tpu.memref_slice %arg5[%arg0, %mul3A_2, %dma_wait3A_319] : memref<2x10000x64xf32, #tpu.memory_space<hbm>> -> memref<1x624x64xf32, #tpu.memory_space<hbm>>
      %dma_wait3A_321 = tpu.memref_squeeze %dma_wait3A_320 : memref<1x624x64xf32, #tpu.memory_space<hbm>> -> memref<624x64xf32, #tpu.memory_space<hbm>>
      %dma_wait3A_322 = arith.constant 0 : i32
      %dma_wait3A_323 = tpu.memref_slice %arg6[%mul3A_2, %dma_wait3A_322] : memref<10000x64xf32, #tpu.memory_space<vmem_shared>> -> memref<624x64xf32, #tpu.memory_space<vmem_shared>>
      tpu.wait_dma2 semaphore(%run_scoped3A : memref<!tpu.dma_semaphore, #tpu.memory_space<semaphore_mem>>) src(%dma_wait3A_323 : memref<624x64xf32, #tpu.memory_space<vmem_shared>>) dst(%dma_wait3A_321 : memref<624x64xf32, #tpu.memory_space<hbm>>)
      tpu.yield
    }) : () -> ()
    %eq3A_309 = arith.constant 0 : i32
    %eq3A_310 = arith.cmpi eq, %arg1, %eq3A_309 : i32
    %convert_element_type3A_311 = arith.extui %eq3A_310 : i1 to i32
    %cond3A_312 = arith.constant 0 : i32
    %cond3A_313 = arith.cmpi ne, %convert_element_type3A_311, %cond3A_312 : i32
    scf.if %cond3A_313 {
      "tpu.region"() ({
        %run_scoped3A = tpu.sem_alloc : memref<!tpu.dma_semaphore, #tpu.memory_space<semaphore_mem>>
        %dma_start3A_314 = arith.constant 9984 : i32
        %dma_start3A_315 = arith.constant 0 : i32
        %dma_start3A_316 = tpu.memref_slice %arg5[%arg0, %dma_start3A_314, %dma_start3A_315] : memref<2x10000x64xf32, #tpu.memory_space<hbm>> -> memref<1x16x64xf32, #tpu.memory_space<hbm>>
        %dma_start3A_317 = tpu.memref_squeeze %dma_start3A_316 : memref<1x16x64xf32, #tpu.memory_space<hbm>> -> memref<16x64xf32, #tpu.memory_space<hbm>>
        %dma_start3A_318 = arith.constant 9984 : i32
        %dma_start3A_319 = arith.constant 0 : i32
        %dma_start3A_320 = tpu.memref_slice %arg6[%dma_start3A_318, %dma_start3A_319] : memref<10000x64xf32, #tpu.memory_space<vmem_shared>> -> memref<16x64xf32, #tpu.memory_space<vmem_shared>>
        tpu.enqueue_dma source(%dma_start3A_320 : memref<16x64xf32, #tpu.memory_space<vmem_shared>>) target(%dma_start3A_317 : memref<16x64xf32, #tpu.memory_space<hbm>>) target_semaphore(%run_scoped3A : memref<!tpu.dma_semaphore, #tpu.memory_space<semaphore_mem>>)
        %dma_wait3A_321 = arith.constant 9984 : i32
        %dma_wait3A_322 = arith.constant 0 : i32
        %dma_wait3A_323 = tpu.memref_slice %arg5[%arg0, %dma_wait3A_321, %dma_wait3A_322] : memref<2x10000x64xf32, #tpu.memory_space<hbm>> -> memref<1x16x64xf32, #tpu.memory_space<hbm>>
        %dma_wait3A_324 = tpu.memref_squeeze %dma_wait3A_323 : memref<1x16x64xf32, #tpu.memory_space<hbm>> -> memref<16x64xf32, #tpu.memory_space<hbm>>
        %dma_wait3A_325 = arith.constant 9984 : i32
        %dma_wait3A_326 = arith.constant 0 : i32
        %dma_wait3A_327 = tpu.memref_slice %arg6[%dma_wait3A_325, %dma_wait3A_326] : memref<10000x64xf32, #tpu.memory_space<vmem_shared>> -> memref<16x64xf32, #tpu.memory_space<vmem_shared>>
        tpu.wait_dma2 semaphore(%run_scoped3A : memref<!tpu.dma_semaphore, #tpu.memory_space<semaphore_mem>>) src(%dma_wait3A_327 : memref<16x64xf32, #tpu.memory_space<vmem_shared>>) dst(%dma_wait3A_324 : memref<16x64xf32, #tpu.memory_space<hbm>>)
        tpu.yield
      }) : () -> ()
    } else {
    }
    return
  }
}

#map = affine_map<(d0, d1) -> (0, 0)>
#map1 = affine_map<(d0, d1) -> (0, 0, 0)>
module attributes {stable_mosaic.version = 14 : i64} {
  func.func @body(%arg0: i32, %arg1: i32, %arg2: memref<10000x16xf32, #tpu.memory_space<hbm>>, %arg3: memref<32x125x80xi32, #tpu.memory_space<hbm>>, %arg4: memref<32x125x80xi32, #tpu.memory_space<hbm>>, %arg5: memref<2x10000x16xf32, #tpu.memory_space<hbm>>, %arg6: memref<10000x16xf32, #tpu.memory_space<vmem_shared>>, %arg7: memref<125x80xi32, #tpu.memory_space<vmem>>, %arg8: memref<125x80xi32, #tpu.memory_space<vmem>>, %arg9: memref<5x80x16xf32, #tpu.memory_space<vmem>>, %arg10: memref<5x!tpu.dma_semaphore, #tpu.memory_space<semaphore_mem>>, %arg11: memref<5x!tpu.dma_semaphore, #tpu.memory_space<semaphore_mem>>) attributes {dimension_semantics = [#tpu.dimension_semantics<core_parallel>, #tpu.dimension_semantics<subcore_parallel>], iteration_bounds = array<i64: 2, 16>, scalar_prefetch = 0 : i64, scratch_operands = 6 : i64, tpu.core_type = #tpu.core_type<sc_vector_subcore>, window_params = [{transform_indices = #map}, {transform_indices = #map1}, {transform_indices = #map1}, {transform_indices = #map1}]} {
    %mul3A = arith.constant 16 : i32
    %mul3A_0 = arith.muli %arg0, %mul3A : i32
    %add3A = arith.addi %mul3A_0, %arg1 : i32
    %mul3A_1 = arith.constant 624 : i32
    %mul3A_2 = arith.muli %arg1, %mul3A_1 : i32
    "tpu.region"() ({
      %run_scoped3A = tpu.sem_alloc : memref<!tpu.dma_semaphore, #tpu.memory_space<semaphore_mem>>
      %dma_start3A_314 = arith.constant 0 : i32
      %dma_start3A_315 = tpu.memref_slice %arg6[%mul3A_2, %dma_start3A_314] : memref<10000x16xf32, #tpu.memory_space<vmem_shared>> -> memref<624x16xf32, #tpu.memory_space<vmem_shared>>
      %dma_start3A_316 = arith.constant 0 : i32
      %dma_start3A_317 = tpu.memref_slice %arg2[%mul3A_2, %dma_start3A_316] : memref<10000x16xf32, #tpu.memory_space<hbm>> -> memref<624x16xf32, #tpu.memory_space<hbm>>
      tpu.enqueue_dma source(%dma_start3A_317 : memref<624x16xf32, #tpu.memory_space<hbm>>) target(%dma_start3A_315 : memref<624x16xf32, #tpu.memory_space<vmem_shared>>) target_semaphore(%run_scoped3A : memref<!tpu.dma_semaphore, #tpu.memory_space<semaphore_mem>>)
      %dma_wait3A_318 = arith.constant 0 : i32
      %dma_wait3A_319 = tpu.memref_slice %arg6[%mul3A_2, %dma_wait3A_318] : memref<10000x16xf32, #tpu.memory_space<vmem_shared>> -> memref<624x16xf32, #tpu.memory_space<vmem_shared>>
      %dma_wait3A_320 = arith.constant 0 : i32
      %dma_wait3A_321 = tpu.memref_slice %arg2[%mul3A_2, %dma_wait3A_320] : memref<10000x16xf32, #tpu.memory_space<hbm>> -> memref<624x16xf32, #tpu.memory_space<hbm>>
      tpu.wait_dma2 semaphore(%run_scoped3A : memref<!tpu.dma_semaphore, #tpu.memory_space<semaphore_mem>>) src(%dma_wait3A_321 : memref<624x16xf32, #tpu.memory_space<hbm>>) dst(%dma_wait3A_319 : memref<624x16xf32, #tpu.memory_space<vmem_shared>>)
      tpu.yield
    }) : () -> ()
    %eq3A = arith.constant 0 : i32
    %eq3A_3 = arith.cmpi eq, %arg1, %eq3A : i32
    %convert_element_type3A = arith.extui %eq3A_3 : i1 to i32
    %cond3A = arith.constant 0 : i32
    %cond3A_4 = arith.cmpi ne, %convert_element_type3A, %cond3A : i32
    scf.if %cond3A_4 {
      "tpu.region"() ({
        %run_scoped3A = tpu.sem_alloc : memref<!tpu.dma_semaphore, #tpu.memory_space<semaphore_mem>>
        %dma_start3A_314 = arith.constant 9984 : i32
        %dma_start3A_315 = arith.constant 0 : i32
        %dma_start3A_316 = tpu.memref_slice %arg6[%dma_start3A_314, %dma_start3A_315] : memref<10000x16xf32, #tpu.memory_space<vmem_shared>> -> memref<16x16xf32, #tpu.memory_space<vmem_shared>>
        %dma_start3A_317 = arith.constant 9984 : i32
        %dma_start3A_318 = arith.constant 0 : i32
        %dma_start3A_319 = tpu.memref_slice %arg2[%dma_start3A_317, %dma_start3A_318] : memref<10000x16xf32, #tpu.memory_space<hbm>> -> memref<16x16xf32, #tpu.memory_space<hbm>>
        tpu.enqueue_dma source(%dma_start3A_319 : memref<16x16xf32, #tpu.memory_space<hbm>>) target(%dma_start3A_316 : memref<16x16xf32, #tpu.memory_space<vmem_shared>>) target_semaphore(%run_scoped3A : memref<!tpu.dma_semaphore, #tpu.memory_space<semaphore_mem>>)
        %dma_wait3A_320 = arith.constant 9984 : i32
        %dma_wait3A_321 = arith.constant 0 : i32
        %dma_wait3A_322 = tpu.memref_slice %arg6[%dma_wait3A_320, %dma_wait3A_321] : memref<10000x16xf32, #tpu.memory_space<vmem_shared>> -> memref<16x16xf32, #tpu.memory_space<vmem_shared>>
        %dma_wait3A_323 = arith.constant 9984 : i32
        %dma_wait3A_324 = arith.constant 0 : i32
        %dma_wait3A_325 = tpu.memref_slice %arg2[%dma_wait3A_323, %dma_wait3A_324] : memref<10000x16xf32, #tpu.memory_space<hbm>> -> memref<16x16xf32, #tpu.memory_space<hbm>>
        tpu.wait_dma2 semaphore(%run_scoped3A : memref<!tpu.dma_semaphore, #tpu.memory_space<semaphore_mem>>) src(%dma_wait3A_325 : memref<16x16xf32, #tpu.memory_space<hbm>>) dst(%dma_wait3A_322 : memref<16x16xf32, #tpu.memory_space<vmem_shared>>)
        tpu.yield
      }) : () -> ()
    } else {
    }
    "tpu.region"() ({
      %run_scoped3A = tpu.sem_alloc : memref<!tpu.dma_semaphore, #tpu.memory_space<semaphore_mem>>
      %dma_start3A_314 = arith.constant 0 : i32
      %dma_start3A_315 = arith.constant 0 : i32
      %dma_start3A_316 = tpu.memref_slice %arg3[%add3A, %dma_start3A_314, %dma_start3A_315] : memref<32x125x80xi32, #tpu.memory_space<hbm>> -> memref<1x125x80xi32, #tpu.memory_space<hbm>>
      %dma_start3A_317 = tpu.memref_squeeze %dma_start3A_316 : memref<1x125x80xi32, #tpu.memory_space<hbm>> -> memref<125x80xi32, #tpu.memory_space<hbm>>
      %dma_start3A_318 = arith.constant 0 : i32
      %dma_start3A_319 = arith.constant 0 : i32
      %dma_start3A_320 = tpu.memref_slice %arg3[%add3A, %dma_start3A_318, %dma_start3A_319] : memref<32x125x80xi32, #tpu.memory_space<hbm>> -> memref<1x125x80xi32, #tpu.memory_space<hbm>>
      %dma_start3A_321 = tpu.memref_squeeze %dma_start3A_320 : memref<1x125x80xi32, #tpu.memory_space<hbm>> -> memref<125x80xi32, #tpu.memory_space<hbm>>
      tpu.enqueue_dma source(%dma_start3A_321 : memref<125x80xi32, #tpu.memory_space<hbm>>) target(%arg7 : memref<125x80xi32, #tpu.memory_space<vmem>>) target_semaphore(%run_scoped3A : memref<!tpu.dma_semaphore, #tpu.memory_space<semaphore_mem>>)
      %dma_wait3A_322 = arith.constant 0 : i32
      %dma_wait3A_323 = arith.constant 0 : i32
      %dma_wait3A_324 = tpu.memref_slice %arg3[%add3A, %dma_wait3A_322, %dma_wait3A_323] : memref<32x125x80xi32, #tpu.memory_space<hbm>> -> memref<1x125x80xi32, #tpu.memory_space<hbm>>
      %dma_wait3A_325 = tpu.memref_squeeze %dma_wait3A_324 : memref<1x125x80xi32, #tpu.memory_space<hbm>> -> memref<125x80xi32, #tpu.memory_space<hbm>>
      %dma_wait3A_326 = arith.constant 0 : i32
      %dma_wait3A_327 = arith.constant 0 : i32
      %dma_wait3A_328 = tpu.memref_slice %arg3[%add3A, %dma_wait3A_326, %dma_wait3A_327] : memref<32x125x80xi32, #tpu.memory_space<hbm>> -> memref<1x125x80xi32, #tpu.memory_space<hbm>>
      %dma_wait3A_329 = tpu.memref_squeeze %dma_wait3A_328 : memref<1x125x80xi32, #tpu.memory_space<hbm>> -> memref<125x80xi32, #tpu.memory_space<hbm>>
      tpu.wait_dma2 semaphore(%run_scoped3A : memref<!tpu.dma_semaphore, #tpu.memory_space<semaphore_mem>>) src(%dma_wait3A_329 : memref<125x80xi32, #tpu.memory_space<hbm>>) dst(%arg7 : memref<125x80xi32, #tpu.memory_space<vmem>>)
      tpu.yield
    }) : () -> ()
    "tpu.region"() ({
      %run_scoped3A = tpu.sem_alloc : memref<!tpu.dma_semaphore, #tpu.memory_space<semaphore_mem>>
      %dma_start3A_314 = arith.constant 0 : i32
      %dma_start3A_315 = arith.constant 0 : i32
      %dma_start3A_316 = tpu.memref_slice %arg4[%add3A, %dma_start3A_314, %dma_start3A_315] : memref<32x125x80xi32, #tpu.memory_space<hbm>> -> memref<1x125x80xi32, #tpu.memory_space<hbm>>
      %dma_start3A_317 = tpu.memref_squeeze %dma_start3A_316 : memref<1x125x80xi32, #tpu.memory_space<hbm>> -> memref<125x80xi32, #tpu.memory_space<hbm>>
      %dma_start3A_318 = arith.constant 0 : i32
      %dma_start3A_319 = arith.constant 0 : i32
      %dma_start3A_320 = tpu.memref_slice %arg4[%add3A, %dma_start3A_318, %dma_start3A_319] : memref<32x125x80xi32, #tpu.memory_space<hbm>> -> memref<1x125x80xi32, #tpu.memory_space<hbm>>
      %dma_start3A_321 = tpu.memref_squeeze %dma_start3A_320 : memref<1x125x80xi32, #tpu.memory_space<hbm>> -> memref<125x80xi32, #tpu.memory_space<hbm>>
      tpu.enqueue_dma source(%dma_start3A_321 : memref<125x80xi32, #tpu.memory_space<hbm>>) target(%arg8 : memref<125x80xi32, #tpu.memory_space<vmem>>) target_semaphore(%run_scoped3A : memref<!tpu.dma_semaphore, #tpu.memory_space<semaphore_mem>>)
      %dma_wait3A_322 = arith.constant 0 : i32
      %dma_wait3A_323 = arith.constant 0 : i32
      %dma_wait3A_324 = tpu.memref_slice %arg4[%add3A, %dma_wait3A_322, %dma_wait3A_323] : memref<32x125x80xi32, #tpu.memory_space<hbm>> -> memref<1x125x80xi32, #tpu.memory_space<hbm>>
      %dma_wait3A_325 = tpu.memref_squeeze %dma_wait3A_324 : memref<1x125x80xi32, #tpu.memory_space<hbm>> -> memref<125x80xi32, #tpu.memory_space<hbm>>
      %dma_wait3A_326 = arith.constant 0 : i32
      %dma_wait3A_327 = arith.constant 0 : i32
      %dma_wait3A_328 = tpu.memref_slice %arg4[%add3A, %dma_wait3A_326, %dma_wait3A_327] : memref<32x125x80xi32, #tpu.memory_space<hbm>> -> memref<1x125x80xi32, #tpu.memory_space<hbm>>
      %dma_wait3A_329 = tpu.memref_squeeze %dma_wait3A_328 : memref<1x125x80xi32, #tpu.memory_space<hbm>> -> memref<125x80xi32, #tpu.memory_space<hbm>>
      tpu.wait_dma2 semaphore(%run_scoped3A : memref<!tpu.dma_semaphore, #tpu.memory_space<semaphore_mem>>) src(%dma_wait3A_329 : memref<125x80xi32, #tpu.memory_space<hbm>>) dst(%arg8 : memref<125x80xi32, #tpu.memory_space<vmem>>)
      tpu.yield
    }) : () -> ()
    %dma_start3A = arith.constant 0 : i32
    %dma_start3A_5 = arith.constant 0 : i32
    %dma_start3A_6 = arith.constant 0 : i32
    %dma_start3A_7 = arith.constant 0 : i32
    %dma_start3A_8 = arith.constant 0 : i32
    %dma_start3A_9 = tpu.memref_slice %arg9[%dma_start3A_5, %dma_start3A_7, %dma_start3A_8] : memref<5x80x16xf32, #tpu.memory_space<vmem>> -> memref<1x80x16xf32, #tpu.memory_space<vmem>>
    %dma_start3A_10 = tpu.memref_squeeze %dma_start3A_9 : memref<1x80x16xf32, #tpu.memory_space<vmem>> -> memref<80x16xf32, #tpu.memory_space<vmem>>
    %dma_start3A_11 = arith.constant 0 : i32
    %dma_start3A_12 = tpu.memref_slice %arg7[%dma_start3A, %dma_start3A_11] : memref<125x80xi32, #tpu.memory_space<vmem>> -> memref<1x80xi32, #tpu.memory_space<vmem>>
    %dma_start3A_13 = tpu.memref_squeeze %dma_start3A_12 : memref<1x80xi32, #tpu.memory_space<vmem>> -> memref<80xi32, #tpu.memory_space<vmem>>
    %dma_start3A_14 = arith.constant 0 : i32
    %dma_start3A_15 = arith.constant 0 : i32
    %dma_start3A_16 = tpu.memref_slice %arg2[%dma_start3A_14, %dma_start3A_15] : memref<10000x16xf32, #tpu.memory_space<hbm>> -> memref<10000x16xf32, #tpu.memory_space<hbm>>
    %dma_start3A_17 = tpu.memref_slice %arg10[%dma_start3A_6] : memref<5x!tpu.dma_semaphore, #tpu.memory_space<semaphore_mem>> -> memref<1x!tpu.dma_semaphore, #tpu.memory_space<semaphore_mem>>
    %dma_start3A_18 = tpu.memref_squeeze %dma_start3A_17 : memref<1x!tpu.dma_semaphore, #tpu.memory_space<semaphore_mem>> -> memref<!tpu.dma_semaphore, #tpu.memory_space<semaphore_mem>>
    tpu.enqueue_indirect_dma source(%dma_start3A_16 : memref<10000x16xf32, #tpu.memory_space<hbm>>) target(%dma_start3A_10 : memref<80x16xf32, #tpu.memory_space<vmem>>) offsets(%dma_start3A_13 : memref<80xi32, #tpu.memory_space<vmem>>) semaphore(%dma_start3A_18 : memref<!tpu.dma_semaphore, #tpu.memory_space<semaphore_mem>>)
    %dma_start3A_19 = arith.constant 1 : i32
    %dma_start3A_20 = arith.constant 1 : i32
    %dma_start3A_21 = arith.constant 1 : i32
    %dma_start3A_22 = arith.constant 0 : i32
    %dma_start3A_23 = arith.constant 0 : i32
    %dma_start3A_24 = tpu.memref_slice %arg9[%dma_start3A_20, %dma_start3A_22, %dma_start3A_23] : memref<5x80x16xf32, #tpu.memory_space<vmem>> -> memref<1x80x16xf32, #tpu.memory_space<vmem>>
    %dma_start3A_25 = tpu.memref_squeeze %dma_start3A_24 : memref<1x80x16xf32, #tpu.memory_space<vmem>> -> memref<80x16xf32, #tpu.memory_space<vmem>>
    %dma_start3A_26 = arith.constant 0 : i32
    %dma_start3A_27 = tpu.memref_slice %arg7[%dma_start3A_19, %dma_start3A_26] : memref<125x80xi32, #tpu.memory_space<vmem>> -> memref<1x80xi32, #tpu.memory_space<vmem>>
    %dma_start3A_28 = tpu.memref_squeeze %dma_start3A_27 : memref<1x80xi32, #tpu.memory_space<vmem>> -> memref<80xi32, #tpu.memory_space<vmem>>
    %dma_start3A_29 = arith.constant 0 : i32
    %dma_start3A_30 = arith.constant 0 : i32
    %dma_start3A_31 = tpu.memref_slice %arg2[%dma_start3A_29, %dma_start3A_30] : memref<10000x16xf32, #tpu.memory_space<hbm>> -> memref<10000x16xf32, #tpu.memory_space<hbm>>
    %dma_start3A_32 = tpu.memref_slice %arg10[%dma_start3A_21] : memref<5x!tpu.dma_semaphore, #tpu.memory_space<semaphore_mem>> -> memref<1x!tpu.dma_semaphore, #tpu.memory_space<semaphore_mem>>
    %dma_start3A_33 = tpu.memref_squeeze %dma_start3A_32 : memref<1x!tpu.dma_semaphore, #tpu.memory_space<semaphore_mem>> -> memref<!tpu.dma_semaphore, #tpu.memory_space<semaphore_mem>>
    tpu.enqueue_indirect_dma source(%dma_start3A_31 : memref<10000x16xf32, #tpu.memory_space<hbm>>) target(%dma_start3A_25 : memref<80x16xf32, #tpu.memory_space<vmem>>) offsets(%dma_start3A_28 : memref<80xi32, #tpu.memory_space<vmem>>) semaphore(%dma_start3A_33 : memref<!tpu.dma_semaphore, #tpu.memory_space<semaphore_mem>>)
    %dma_start3A_34 = arith.constant 2 : i32
    %dma_start3A_35 = arith.constant 2 : i32
    %dma_start3A_36 = arith.constant 2 : i32
    %dma_start3A_37 = arith.constant 0 : i32
    %dma_start3A_38 = arith.constant 0 : i32
    %dma_start3A_39 = tpu.memref_slice %arg9[%dma_start3A_35, %dma_start3A_37, %dma_start3A_38] : memref<5x80x16xf32, #tpu.memory_space<vmem>> -> memref<1x80x16xf32, #tpu.memory_space<vmem>>
    %dma_start3A_40 = tpu.memref_squeeze %dma_start3A_39 : memref<1x80x16xf32, #tpu.memory_space<vmem>> -> memref<80x16xf32, #tpu.memory_space<vmem>>
    %dma_start3A_41 = arith.constant 0 : i32
    %dma_start3A_42 = tpu.memref_slice %arg7[%dma_start3A_34, %dma_start3A_41] : memref<125x80xi32, #tpu.memory_space<vmem>> -> memref<1x80xi32, #tpu.memory_space<vmem>>
    %dma_start3A_43 = tpu.memref_squeeze %dma_start3A_42 : memref<1x80xi32, #tpu.memory_space<vmem>> -> memref<80xi32, #tpu.memory_space<vmem>>
    %dma_start3A_44 = arith.constant 0 : i32
    %dma_start3A_45 = arith.constant 0 : i32
    %dma_start3A_46 = tpu.memref_slice %arg2[%dma_start3A_44, %dma_start3A_45] : memref<10000x16xf32, #tpu.memory_space<hbm>> -> memref<10000x16xf32, #tpu.memory_space<hbm>>
    %dma_start3A_47 = tpu.memref_slice %arg10[%dma_start3A_36] : memref<5x!tpu.dma_semaphore, #tpu.memory_space<semaphore_mem>> -> memref<1x!tpu.dma_semaphore, #tpu.memory_space<semaphore_mem>>
    %dma_start3A_48 = tpu.memref_squeeze %dma_start3A_47 : memref<1x!tpu.dma_semaphore, #tpu.memory_space<semaphore_mem>> -> memref<!tpu.dma_semaphore, #tpu.memory_space<semaphore_mem>>
    tpu.enqueue_indirect_dma source(%dma_start3A_46 : memref<10000x16xf32, #tpu.memory_space<hbm>>) target(%dma_start3A_40 : memref<80x16xf32, #tpu.memory_space<vmem>>) offsets(%dma_start3A_43 : memref<80xi32, #tpu.memory_space<vmem>>) semaphore(%dma_start3A_48 : memref<!tpu.dma_semaphore, #tpu.memory_space<semaphore_mem>>)
    %dma_start3A_49 = arith.constant 3 : i32
    %dma_start3A_50 = arith.constant 3 : i32
    %dma_start3A_51 = arith.constant 3 : i32
    %dma_start3A_52 = arith.constant 0 : i32
    %dma_start3A_53 = arith.constant 0 : i32
    %dma_start3A_54 = tpu.memref_slice %arg9[%dma_start3A_50, %dma_start3A_52, %dma_start3A_53] : memref<5x80x16xf32, #tpu.memory_space<vmem>> -> memref<1x80x16xf32, #tpu.memory_space<vmem>>
    %dma_start3A_55 = tpu.memref_squeeze %dma_start3A_54 : memref<1x80x16xf32, #tpu.memory_space<vmem>> -> memref<80x16xf32, #tpu.memory_space<vmem>>
    %dma_start3A_56 = arith.constant 0 : i32
    %dma_start3A_57 = tpu.memref_slice %arg7[%dma_start3A_49, %dma_start3A_56] : memref<125x80xi32, #tpu.memory_space<vmem>> -> memref<1x80xi32, #tpu.memory_space<vmem>>
    %dma_start3A_58 = tpu.memref_squeeze %dma_start3A_57 : memref<1x80xi32, #tpu.memory_space<vmem>> -> memref<80xi32, #tpu.memory_space<vmem>>
    %dma_start3A_59 = arith.constant 0 : i32
    %dma_start3A_60 = arith.constant 0 : i32
    %dma_start3A_61 = tpu.memref_slice %arg2[%dma_start3A_59, %dma_start3A_60] : memref<10000x16xf32, #tpu.memory_space<hbm>> -> memref<10000x16xf32, #tpu.memory_space<hbm>>
    %dma_start3A_62 = tpu.memref_slice %arg10[%dma_start3A_51] : memref<5x!tpu.dma_semaphore, #tpu.memory_space<semaphore_mem>> -> memref<1x!tpu.dma_semaphore, #tpu.memory_space<semaphore_mem>>
    %dma_start3A_63 = tpu.memref_squeeze %dma_start3A_62 : memref<1x!tpu.dma_semaphore, #tpu.memory_space<semaphore_mem>> -> memref<!tpu.dma_semaphore, #tpu.memory_space<semaphore_mem>>
    tpu.enqueue_indirect_dma source(%dma_start3A_61 : memref<10000x16xf32, #tpu.memory_space<hbm>>) target(%dma_start3A_55 : memref<80x16xf32, #tpu.memory_space<vmem>>) offsets(%dma_start3A_58 : memref<80xi32, #tpu.memory_space<vmem>>) semaphore(%dma_start3A_63 : memref<!tpu.dma_semaphore, #tpu.memory_space<semaphore_mem>>)
    %dma_start3A_64 = arith.constant 4 : i32
    %dma_start3A_65 = arith.constant 4 : i32
    %dma_start3A_66 = arith.constant 4 : i32
    %dma_start3A_67 = arith.constant 0 : i32
    %dma_start3A_68 = arith.constant 0 : i32
    %dma_start3A_69 = tpu.memref_slice %arg9[%dma_start3A_65, %dma_start3A_67, %dma_start3A_68] : memref<5x80x16xf32, #tpu.memory_space<vmem>> -> memref<1x80x16xf32, #tpu.memory_space<vmem>>
    %dma_start3A_70 = tpu.memref_squeeze %dma_start3A_69 : memref<1x80x16xf32, #tpu.memory_space<vmem>> -> memref<80x16xf32, #tpu.memory_space<vmem>>
    %dma_start3A_71 = arith.constant 0 : i32
    %dma_start3A_72 = tpu.memref_slice %arg7[%dma_start3A_64, %dma_start3A_71] : memref<125x80xi32, #tpu.memory_space<vmem>> -> memref<1x80xi32, #tpu.memory_space<vmem>>
    %dma_start3A_73 = tpu.memref_squeeze %dma_start3A_72 : memref<1x80xi32, #tpu.memory_space<vmem>> -> memref<80xi32, #tpu.memory_space<vmem>>
    %dma_start3A_74 = arith.constant 0 : i32
    %dma_start3A_75 = arith.constant 0 : i32
    %dma_start3A_76 = tpu.memref_slice %arg2[%dma_start3A_74, %dma_start3A_75] : memref<10000x16xf32, #tpu.memory_space<hbm>> -> memref<10000x16xf32, #tpu.memory_space<hbm>>
    %dma_start3A_77 = tpu.memref_slice %arg10[%dma_start3A_66] : memref<5x!tpu.dma_semaphore, #tpu.memory_space<semaphore_mem>> -> memref<1x!tpu.dma_semaphore, #tpu.memory_space<semaphore_mem>>
    %dma_start3A_78 = tpu.memref_squeeze %dma_start3A_77 : memref<1x!tpu.dma_semaphore, #tpu.memory_space<semaphore_mem>> -> memref<!tpu.dma_semaphore, #tpu.memory_space<semaphore_mem>>
    tpu.enqueue_indirect_dma source(%dma_start3A_76 : memref<10000x16xf32, #tpu.memory_space<hbm>>) target(%dma_start3A_70 : memref<80x16xf32, #tpu.memory_space<vmem>>) offsets(%dma_start3A_73 : memref<80xi32, #tpu.memory_space<vmem>>) semaphore(%dma_start3A_78 : memref<!tpu.dma_semaphore, #tpu.memory_space<semaphore_mem>>)
    %barrier3A = arith.constant 0 : index
    tpu.barrier barrier_id(%barrier3A)
    %scan3A = arith.constant 0 : i32
    %scan3A_79 = arith.constant 0 : i32
    %scan3A_80 = arith.constant 24 : i32
    %scan3A_81 = arith.addi %scan3A_79, %scan3A_80 : i32
    %scan3A_82 = arith.constant 1 : i32
    scf.for %scan3A_314 = %scan3A_79 to %scan3A_81 step %scan3A_82  : i32 {
      %mul3A_315 = arith.constant 5 : i32
      %mul3A_316 = arith.muli %scan3A_314, %mul3A_315 : i32
      %add3A_317 = arith.constant 0 : i32
      %add3A_318 = arith.addi %mul3A_316, %add3A_317 : i32
      %dma_wait3A_319 = arith.constant 0 : i32
      %dma_wait3A_320 = arith.constant 0 : i32
      %dma_wait3A_321 = arith.constant 0 : i32
      %dma_wait3A_322 = arith.constant 0 : i32
      %dma_wait3A_323 = tpu.memref_slice %arg9[%dma_wait3A_319, %dma_wait3A_321, %dma_wait3A_322] : memref<5x80x16xf32, #tpu.memory_space<vmem>> -> memref<1x80x16xf32, #tpu.memory_space<vmem>>
      %dma_wait3A_324 = tpu.memref_squeeze %dma_wait3A_323 : memref<1x80x16xf32, #tpu.memory_space<vmem>> -> memref<80x16xf32, #tpu.memory_space<vmem>>
      %dma_wait3A_325 = arith.constant 0 : i32
      %dma_wait3A_326 = tpu.memref_slice %arg7[%add3A_318, %dma_wait3A_325] : memref<125x80xi32, #tpu.memory_space<vmem>> -> memref<1x80xi32, #tpu.memory_space<vmem>>
      %dma_wait3A_327 = tpu.memref_squeeze %dma_wait3A_326 : memref<1x80xi32, #tpu.memory_space<vmem>> -> memref<80xi32, #tpu.memory_space<vmem>>
      %dma_wait3A_328 = arith.constant 0 : i32
      %dma_wait3A_329 = arith.constant 0 : i32
      %dma_wait3A_330 = tpu.memref_slice %arg2[%dma_wait3A_328, %dma_wait3A_329] : memref<10000x16xf32, #tpu.memory_space<hbm>> -> memref<10000x16xf32, #tpu.memory_space<hbm>>
      %dma_wait3A_331 = tpu.memref_slice %arg10[%dma_wait3A_320] : memref<5x!tpu.dma_semaphore, #tpu.memory_space<semaphore_mem>> -> memref<1x!tpu.dma_semaphore, #tpu.memory_space<semaphore_mem>>
      %dma_wait3A_332 = tpu.memref_squeeze %dma_wait3A_331 : memref<1x!tpu.dma_semaphore, #tpu.memory_space<semaphore_mem>> -> memref<!tpu.dma_semaphore, #tpu.memory_space<semaphore_mem>>
      tpu.wait_indirect_dma semaphore(%dma_wait3A_332 : memref<!tpu.dma_semaphore, #tpu.memory_space<semaphore_mem>>) src(%dma_wait3A_330 : memref<10000x16xf32, #tpu.memory_space<hbm>>) dst(%dma_wait3A_324 : memref<80x16xf32, #tpu.memory_space<vmem>>)
      %dma_start3A_333 = arith.constant 0 : i32
      %dma_start3A_334 = arith.constant 0 : i32
      %dma_start3A_335 = arith.constant 0 : i32
      %dma_start3A_336 = arith.constant 0 : i32
      %dma_start3A_337 = tpu.memref_slice %arg9[%dma_start3A_333, %dma_start3A_335, %dma_start3A_336] : memref<5x80x16xf32, #tpu.memory_space<vmem>> -> memref<1x80x16xf32, #tpu.memory_space<vmem>>
      %dma_start3A_338 = tpu.memref_squeeze %dma_start3A_337 : memref<1x80x16xf32, #tpu.memory_space<vmem>> -> memref<80x16xf32, #tpu.memory_space<vmem>>
      %dma_start3A_339 = arith.constant 0 : i32
      %dma_start3A_340 = tpu.memref_slice %arg8[%add3A_318, %dma_start3A_339] : memref<125x80xi32, #tpu.memory_space<vmem>> -> memref<1x80xi32, #tpu.memory_space<vmem>>
      %dma_start3A_341 = tpu.memref_squeeze %dma_start3A_340 : memref<1x80xi32, #tpu.memory_space<vmem>> -> memref<80xi32, #tpu.memory_space<vmem>>
      %dma_start3A_342 = arith.constant 0 : i32
      %dma_start3A_343 = arith.constant 0 : i32
      %dma_start3A_344 = tpu.memref_slice %arg6[%dma_start3A_342, %dma_start3A_343] : memref<10000x16xf32, #tpu.memory_space<vmem_shared>> -> memref<10000x16xf32, #tpu.memory_space<vmem_shared>>
      %dma_start3A_345 = tpu.memref_slice %arg11[%dma_start3A_334] : memref<5x!tpu.dma_semaphore, #tpu.memory_space<semaphore_mem>> -> memref<1x!tpu.dma_semaphore, #tpu.memory_space<semaphore_mem>>
      %dma_start3A_346 = tpu.memref_squeeze %dma_start3A_345 : memref<1x!tpu.dma_semaphore, #tpu.memory_space<semaphore_mem>> -> memref<!tpu.dma_semaphore, #tpu.memory_space<semaphore_mem>>
      tpu.enqueue_indirect_dma source(%dma_start3A_338 : memref<80x16xf32, #tpu.memory_space<vmem>>) target(%dma_start3A_344 : memref<10000x16xf32, #tpu.memory_space<vmem_shared>>) offsets(%dma_start3A_341 : memref<80xi32, #tpu.memory_space<vmem>>) semaphore(%dma_start3A_346 : memref<!tpu.dma_semaphore, #tpu.memory_space<semaphore_mem>>) {add = true}
      %mul3A_347 = arith.constant 5 : i32
      %mul3A_348 = arith.muli %scan3A_314, %mul3A_347 : i32
      %add3A_349 = arith.constant 1 : i32
      %add3A_350 = arith.addi %mul3A_348, %add3A_349 : i32
      %dma_wait3A_351 = arith.constant 1 : i32
      %dma_wait3A_352 = arith.constant 1 : i32
      %dma_wait3A_353 = arith.constant 0 : i32
      %dma_wait3A_354 = arith.constant 0 : i32
      %dma_wait3A_355 = tpu.memref_slice %arg9[%dma_wait3A_351, %dma_wait3A_353, %dma_wait3A_354] : memref<5x80x16xf32, #tpu.memory_space<vmem>> -> memref<1x80x16xf32, #tpu.memory_space<vmem>>
      %dma_wait3A_356 = tpu.memref_squeeze %dma_wait3A_355 : memref<1x80x16xf32, #tpu.memory_space<vmem>> -> memref<80x16xf32, #tpu.memory_space<vmem>>
      %dma_wait3A_357 = arith.constant 0 : i32
      %dma_wait3A_358 = tpu.memref_slice %arg7[%add3A_350, %dma_wait3A_357] : memref<125x80xi32, #tpu.memory_space<vmem>> -> memref<1x80xi32, #tpu.memory_space<vmem>>
      %dma_wait3A_359 = tpu.memref_squeeze %dma_wait3A_358 : memref<1x80xi32, #tpu.memory_space<vmem>> -> memref<80xi32, #tpu.memory_space<vmem>>
      %dma_wait3A_360 = arith.constant 0 : i32
      %dma_wait3A_361 = arith.constant 0 : i32
      %dma_wait3A_362 = tpu.memref_slice %arg2[%dma_wait3A_360, %dma_wait3A_361] : memref<10000x16xf32, #tpu.memory_space<hbm>> -> memref<10000x16xf32, #tpu.memory_space<hbm>>
      %dma_wait3A_363 = tpu.memref_slice %arg10[%dma_wait3A_352] : memref<5x!tpu.dma_semaphore, #tpu.memory_space<semaphore_mem>> -> memref<1x!tpu.dma_semaphore, #tpu.memory_space<semaphore_mem>>
      %dma_wait3A_364 = tpu.memref_squeeze %dma_wait3A_363 : memref<1x!tpu.dma_semaphore, #tpu.memory_space<semaphore_mem>> -> memref<!tpu.dma_semaphore, #tpu.memory_space<semaphore_mem>>
      tpu.wait_indirect_dma semaphore(%dma_wait3A_364 : memref<!tpu.dma_semaphore, #tpu.memory_space<semaphore_mem>>) src(%dma_wait3A_362 : memref<10000x16xf32, #tpu.memory_space<hbm>>) dst(%dma_wait3A_356 : memref<80x16xf32, #tpu.memory_space<vmem>>)
      %dma_start3A_365 = arith.constant 1 : i32
      %dma_start3A_366 = arith.constant 1 : i32
      %dma_start3A_367 = arith.constant 0 : i32
      %dma_start3A_368 = arith.constant 0 : i32
      %dma_start3A_369 = tpu.memref_slice %arg9[%dma_start3A_365, %dma_start3A_367, %dma_start3A_368] : memref<5x80x16xf32, #tpu.memory_space<vmem>> -> memref<1x80x16xf32, #tpu.memory_space<vmem>>
      %dma_start3A_370 = tpu.memref_squeeze %dma_start3A_369 : memref<1x80x16xf32, #tpu.memory_space<vmem>> -> memref<80x16xf32, #tpu.memory_space<vmem>>
      %dma_start3A_371 = arith.constant 0 : i32
      %dma_start3A_372 = tpu.memref_slice %arg8[%add3A_350, %dma_start3A_371] : memref<125x80xi32, #tpu.memory_space<vmem>> -> memref<1x80xi32, #tpu.memory_space<vmem>>
      %dma_start3A_373 = tpu.memref_squeeze %dma_start3A_372 : memref<1x80xi32, #tpu.memory_space<vmem>> -> memref<80xi32, #tpu.memory_space<vmem>>
      %dma_start3A_374 = arith.constant 0 : i32
      %dma_start3A_375 = arith.constant 0 : i32
      %dma_start3A_376 = tpu.memref_slice %arg6[%dma_start3A_374, %dma_start3A_375] : memref<10000x16xf32, #tpu.memory_space<vmem_shared>> -> memref<10000x16xf32, #tpu.memory_space<vmem_shared>>
      %dma_start3A_377 = tpu.memref_slice %arg11[%dma_start3A_366] : memref<5x!tpu.dma_semaphore, #tpu.memory_space<semaphore_mem>> -> memref<1x!tpu.dma_semaphore, #tpu.memory_space<semaphore_mem>>
      %dma_start3A_378 = tpu.memref_squeeze %dma_start3A_377 : memref<1x!tpu.dma_semaphore, #tpu.memory_space<semaphore_mem>> -> memref<!tpu.dma_semaphore, #tpu.memory_space<semaphore_mem>>
      tpu.enqueue_indirect_dma source(%dma_start3A_370 : memref<80x16xf32, #tpu.memory_space<vmem>>) target(%dma_start3A_376 : memref<10000x16xf32, #tpu.memory_space<vmem_shared>>) offsets(%dma_start3A_373 : memref<80xi32, #tpu.memory_space<vmem>>) semaphore(%dma_start3A_378 : memref<!tpu.dma_semaphore, #tpu.memory_space<semaphore_mem>>) {add = true}
      %mul3A_379 = arith.constant 5 : i32
      %mul3A_380 = arith.muli %scan3A_314, %mul3A_379 : i32
      %add3A_381 = arith.constant 2 : i32
      %add3A_382 = arith.addi %mul3A_380, %add3A_381 : i32
      %dma_wait3A_383 = arith.constant 2 : i32
      %dma_wait3A_384 = arith.constant 2 : i32
      %dma_wait3A_385 = arith.constant 0 : i32
      %dma_wait3A_386 = arith.constant 0 : i32
      %dma_wait3A_387 = tpu.memref_slice %arg9[%dma_wait3A_383, %dma_wait3A_385, %dma_wait3A_386] : memref<5x80x16xf32, #tpu.memory_space<vmem>> -> memref<1x80x16xf32, #tpu.memory_space<vmem>>
      %dma_wait3A_388 = tpu.memref_squeeze %dma_wait3A_387 : memref<1x80x16xf32, #tpu.memory_space<vmem>> -> memref<80x16xf32, #tpu.memory_space<vmem>>
      %dma_wait3A_389 = arith.constant 0 : i32
      %dma_wait3A_390 = tpu.memref_slice %arg7[%add3A_382, %dma_wait3A_389] : memref<125x80xi32, #tpu.memory_space<vmem>> -> memref<1x80xi32, #tpu.memory_space<vmem>>
      %dma_wait3A_391 = tpu.memref_squeeze %dma_wait3A_390 : memref<1x80xi32, #tpu.memory_space<vmem>> -> memref<80xi32, #tpu.memory_space<vmem>>
      %dma_wait3A_392 = arith.constant 0 : i32
      %dma_wait3A_393 = arith.constant 0 : i32
      %dma_wait3A_394 = tpu.memref_slice %arg2[%dma_wait3A_392, %dma_wait3A_393] : memref<10000x16xf32, #tpu.memory_space<hbm>> -> memref<10000x16xf32, #tpu.memory_space<hbm>>
      %dma_wait3A_395 = tpu.memref_slice %arg10[%dma_wait3A_384] : memref<5x!tpu.dma_semaphore, #tpu.memory_space<semaphore_mem>> -> memref<1x!tpu.dma_semaphore, #tpu.memory_space<semaphore_mem>>
      %dma_wait3A_396 = tpu.memref_squeeze %dma_wait3A_395 : memref<1x!tpu.dma_semaphore, #tpu.memory_space<semaphore_mem>> -> memref<!tpu.dma_semaphore, #tpu.memory_space<semaphore_mem>>
      tpu.wait_indirect_dma semaphore(%dma_wait3A_396 : memref<!tpu.dma_semaphore, #tpu.memory_space<semaphore_mem>>) src(%dma_wait3A_394 : memref<10000x16xf32, #tpu.memory_space<hbm>>) dst(%dma_wait3A_388 : memref<80x16xf32, #tpu.memory_space<vmem>>)
      %dma_start3A_397 = arith.constant 2 : i32
      %dma_start3A_398 = arith.constant 2 : i32
      %dma_start3A_399 = arith.constant 0 : i32
      %dma_start3A_400 = arith.constant 0 : i32
      %dma_start3A_401 = tpu.memref_slice %arg9[%dma_start3A_397, %dma_start3A_399, %dma_start3A_400] : memref<5x80x16xf32, #tpu.memory_space<vmem>> -> memref<1x80x16xf32, #tpu.memory_space<vmem>>
      %dma_start3A_402 = tpu.memref_squeeze %dma_start3A_401 : memref<1x80x16xf32, #tpu.memory_space<vmem>> -> memref<80x16xf32, #tpu.memory_space<vmem>>
      %dma_start3A_403 = arith.constant 0 : i32
      %dma_start3A_404 = tpu.memref_slice %arg8[%add3A_382, %dma_start3A_403] : memref<125x80xi32, #tpu.memory_space<vmem>> -> memref<1x80xi32, #tpu.memory_space<vmem>>
      %dma_start3A_405 = tpu.memref_squeeze %dma_start3A_404 : memref<1x80xi32, #tpu.memory_space<vmem>> -> memref<80xi32, #tpu.memory_space<vmem>>
      %dma_start3A_406 = arith.constant 0 : i32
      %dma_start3A_407 = arith.constant 0 : i32
      %dma_start3A_408 = tpu.memref_slice %arg6[%dma_start3A_406, %dma_start3A_407] : memref<10000x16xf32, #tpu.memory_space<vmem_shared>> -> memref<10000x16xf32, #tpu.memory_space<vmem_shared>>
      %dma_start3A_409 = tpu.memref_slice %arg11[%dma_start3A_398] : memref<5x!tpu.dma_semaphore, #tpu.memory_space<semaphore_mem>> -> memref<1x!tpu.dma_semaphore, #tpu.memory_space<semaphore_mem>>
      %dma_start3A_410 = tpu.memref_squeeze %dma_start3A_409 : memref<1x!tpu.dma_semaphore, #tpu.memory_space<semaphore_mem>> -> memref<!tpu.dma_semaphore, #tpu.memory_space<semaphore_mem>>
      tpu.enqueue_indirect_dma source(%dma_start3A_402 : memref<80x16xf32, #tpu.memory_space<vmem>>) target(%dma_start3A_408 : memref<10000x16xf32, #tpu.memory_space<vmem_shared>>) offsets(%dma_start3A_405 : memref<80xi32, #tpu.memory_space<vmem>>) semaphore(%dma_start3A_410 : memref<!tpu.dma_semaphore, #tpu.memory_space<semaphore_mem>>) {add = true}
      %mul3A_411 = arith.constant 5 : i32
      %mul3A_412 = arith.muli %scan3A_314, %mul3A_411 : i32
      %add3A_413 = arith.constant 3 : i32
      %add3A_414 = arith.addi %mul3A_412, %add3A_413 : i32
      %dma_wait3A_415 = arith.constant 3 : i32
      %dma_wait3A_416 = arith.constant 3 : i32
      %dma_wait3A_417 = arith.constant 0 : i32
      %dma_wait3A_418 = arith.constant 0 : i32
      %dma_wait3A_419 = tpu.memref_slice %arg9[%dma_wait3A_415, %dma_wait3A_417, %dma_wait3A_418] : memref<5x80x16xf32, #tpu.memory_space<vmem>> -> memref<1x80x16xf32, #tpu.memory_space<vmem>>
      %dma_wait3A_420 = tpu.memref_squeeze %dma_wait3A_419 : memref<1x80x16xf32, #tpu.memory_space<vmem>> -> memref<80x16xf32, #tpu.memory_space<vmem>>
      %dma_wait3A_421 = arith.constant 0 : i32
      %dma_wait3A_422 = tpu.memref_slice %arg7[%add3A_414, %dma_wait3A_421] : memref<125x80xi32, #tpu.memory_space<vmem>> -> memref<1x80xi32, #tpu.memory_space<vmem>>
      %dma_wait3A_423 = tpu.memref_squeeze %dma_wait3A_422 : memref<1x80xi32, #tpu.memory_space<vmem>> -> memref<80xi32, #tpu.memory_space<vmem>>
      %dma_wait3A_424 = arith.constant 0 : i32
      %dma_wait3A_425 = arith.constant 0 : i32
      %dma_wait3A_426 = tpu.memref_slice %arg2[%dma_wait3A_424, %dma_wait3A_425] : memref<10000x16xf32, #tpu.memory_space<hbm>> -> memref<10000x16xf32, #tpu.memory_space<hbm>>
      %dma_wait3A_427 = tpu.memref_slice %arg10[%dma_wait3A_416] : memref<5x!tpu.dma_semaphore, #tpu.memory_space<semaphore_mem>> -> memref<1x!tpu.dma_semaphore, #tpu.memory_space<semaphore_mem>>
      %dma_wait3A_428 = tpu.memref_squeeze %dma_wait3A_427 : memref<1x!tpu.dma_semaphore, #tpu.memory_space<semaphore_mem>> -> memref<!tpu.dma_semaphore, #tpu.memory_space<semaphore_mem>>
      tpu.wait_indirect_dma semaphore(%dma_wait3A_428 : memref<!tpu.dma_semaphore, #tpu.memory_space<semaphore_mem>>) src(%dma_wait3A_426 : memref<10000x16xf32, #tpu.memory_space<hbm>>) dst(%dma_wait3A_420 : memref<80x16xf32, #tpu.memory_space<vmem>>)
      %dma_start3A_429 = arith.constant 3 : i32
      %dma_start3A_430 = arith.constant 3 : i32
      %dma_start3A_431 = arith.constant 0 : i32
      %dma_start3A_432 = arith.constant 0 : i32
      %dma_start3A_433 = tpu.memref_slice %arg9[%dma_start3A_429, %dma_start3A_431, %dma_start3A_432] : memref<5x80x16xf32, #tpu.memory_space<vmem>> -> memref<1x80x16xf32, #tpu.memory_space<vmem>>
      %dma_start3A_434 = tpu.memref_squeeze %dma_start3A_433 : memref<1x80x16xf32, #tpu.memory_space<vmem>> -> memref<80x16xf32, #tpu.memory_space<vmem>>
      %dma_start3A_435 = arith.constant 0 : i32
      %dma_start3A_436 = tpu.memref_slice %arg8[%add3A_414, %dma_start3A_435] : memref<125x80xi32, #tpu.memory_space<vmem>> -> memref<1x80xi32, #tpu.memory_space<vmem>>
      %dma_start3A_437 = tpu.memref_squeeze %dma_start3A_436 : memref<1x80xi32, #tpu.memory_space<vmem>> -> memref<80xi32, #tpu.memory_space<vmem>>
      %dma_start3A_438 = arith.constant 0 : i32
      %dma_start3A_439 = arith.constant 0 : i32
      %dma_start3A_440 = tpu.memref_slice %arg6[%dma_start3A_438, %dma_start3A_439] : memref<10000x16xf32, #tpu.memory_space<vmem_shared>> -> memref<10000x16xf32, #tpu.memory_space<vmem_shared>>
      %dma_start3A_441 = tpu.memref_slice %arg11[%dma_start3A_430] : memref<5x!tpu.dma_semaphore, #tpu.memory_space<semaphore_mem>> -> memref<1x!tpu.dma_semaphore, #tpu.memory_space<semaphore_mem>>
      %dma_start3A_442 = tpu.memref_squeeze %dma_start3A_441 : memref<1x!tpu.dma_semaphore, #tpu.memory_space<semaphore_mem>> -> memref<!tpu.dma_semaphore, #tpu.memory_space<semaphore_mem>>
      tpu.enqueue_indirect_dma source(%dma_start3A_434 : memref<80x16xf32, #tpu.memory_space<vmem>>) target(%dma_start3A_440 : memref<10000x16xf32, #tpu.memory_space<vmem_shared>>) offsets(%dma_start3A_437 : memref<80xi32, #tpu.memory_space<vmem>>) semaphore(%dma_start3A_442 : memref<!tpu.dma_semaphore, #tpu.memory_space<semaphore_mem>>) {add = true}
      %mul3A_443 = arith.constant 5 : i32
      %mul3A_444 = arith.muli %scan3A_314, %mul3A_443 : i32
      %add3A_445 = arith.constant 4 : i32
      %add3A_446 = arith.addi %mul3A_444, %add3A_445 : i32
      %dma_wait3A_447 = arith.constant 4 : i32
      %dma_wait3A_448 = arith.constant 4 : i32
      %dma_wait3A_449 = arith.constant 0 : i32
      %dma_wait3A_450 = arith.constant 0 : i32
      %dma_wait3A_451 = tpu.memref_slice %arg9[%dma_wait3A_447, %dma_wait3A_449, %dma_wait3A_450] : memref<5x80x16xf32, #tpu.memory_space<vmem>> -> memref<1x80x16xf32, #tpu.memory_space<vmem>>
      %dma_wait3A_452 = tpu.memref_squeeze %dma_wait3A_451 : memref<1x80x16xf32, #tpu.memory_space<vmem>> -> memref<80x16xf32, #tpu.memory_space<vmem>>
      %dma_wait3A_453 = arith.constant 0 : i32
      %dma_wait3A_454 = tpu.memref_slice %arg7[%add3A_446, %dma_wait3A_453] : memref<125x80xi32, #tpu.memory_space<vmem>> -> memref<1x80xi32, #tpu.memory_space<vmem>>
      %dma_wait3A_455 = tpu.memref_squeeze %dma_wait3A_454 : memref<1x80xi32, #tpu.memory_space<vmem>> -> memref<80xi32, #tpu.memory_space<vmem>>
      %dma_wait3A_456 = arith.constant 0 : i32
      %dma_wait3A_457 = arith.constant 0 : i32
      %dma_wait3A_458 = tpu.memref_slice %arg2[%dma_wait3A_456, %dma_wait3A_457] : memref<10000x16xf32, #tpu.memory_space<hbm>> -> memref<10000x16xf32, #tpu.memory_space<hbm>>
      %dma_wait3A_459 = tpu.memref_slice %arg10[%dma_wait3A_448] : memref<5x!tpu.dma_semaphore, #tpu.memory_space<semaphore_mem>> -> memref<1x!tpu.dma_semaphore, #tpu.memory_space<semaphore_mem>>
      %dma_wait3A_460 = tpu.memref_squeeze %dma_wait3A_459 : memref<1x!tpu.dma_semaphore, #tpu.memory_space<semaphore_mem>> -> memref<!tpu.dma_semaphore, #tpu.memory_space<semaphore_mem>>
      tpu.wait_indirect_dma semaphore(%dma_wait3A_460 : memref<!tpu.dma_semaphore, #tpu.memory_space<semaphore_mem>>) src(%dma_wait3A_458 : memref<10000x16xf32, #tpu.memory_space<hbm>>) dst(%dma_wait3A_452 : memref<80x16xf32, #tpu.memory_space<vmem>>)
      %dma_start3A_461 = arith.constant 4 : i32
      %dma_start3A_462 = arith.constant 4 : i32
      %dma_start3A_463 = arith.constant 0 : i32
      %dma_start3A_464 = arith.constant 0 : i32
      %dma_start3A_465 = tpu.memref_slice %arg9[%dma_start3A_461, %dma_start3A_463, %dma_start3A_464] : memref<5x80x16xf32, #tpu.memory_space<vmem>> -> memref<1x80x16xf32, #tpu.memory_space<vmem>>
      %dma_start3A_466 = tpu.memref_squeeze %dma_start3A_465 : memref<1x80x16xf32, #tpu.memory_space<vmem>> -> memref<80x16xf32, #tpu.memory_space<vmem>>
      %dma_start3A_467 = arith.constant 0 : i32
      %dma_start3A_468 = tpu.memref_slice %arg8[%add3A_446, %dma_start3A_467] : memref<125x80xi32, #tpu.memory_space<vmem>> -> memref<1x80xi32, #tpu.memory_space<vmem>>
      %dma_start3A_469 = tpu.memref_squeeze %dma_start3A_468 : memref<1x80xi32, #tpu.memory_space<vmem>> -> memref<80xi32, #tpu.memory_space<vmem>>
      %dma_start3A_470 = arith.constant 0 : i32
      %dma_start3A_471 = arith.constant 0 : i32
      %dma_start3A_472 = tpu.memref_slice %arg6[%dma_start3A_470, %dma_start3A_471] : memref<10000x16xf32, #tpu.memory_space<vmem_shared>> -> memref<10000x16xf32, #tpu.memory_space<vmem_shared>>
      %dma_start3A_473 = tpu.memref_slice %arg11[%dma_start3A_462] : memref<5x!tpu.dma_semaphore, #tpu.memory_space<semaphore_mem>> -> memref<1x!tpu.dma_semaphore, #tpu.memory_space<semaphore_mem>>
      %dma_start3A_474 = tpu.memref_squeeze %dma_start3A_473 : memref<1x!tpu.dma_semaphore, #tpu.memory_space<semaphore_mem>> -> memref<!tpu.dma_semaphore, #tpu.memory_space<semaphore_mem>>
      tpu.enqueue_indirect_dma source(%dma_start3A_466 : memref<80x16xf32, #tpu.memory_space<vmem>>) target(%dma_start3A_472 : memref<10000x16xf32, #tpu.memory_space<vmem_shared>>) offsets(%dma_start3A_469 : memref<80xi32, #tpu.memory_space<vmem>>) semaphore(%dma_start3A_474 : memref<!tpu.dma_semaphore, #tpu.memory_space<semaphore_mem>>) {add = true}
      %dma_wait3A_475 = arith.constant 0 : i32
      %dma_wait3A_476 = arith.constant 0 : i32
      %dma_wait3A_477 = arith.constant 0 : i32
      %dma_wait3A_478 = arith.constant 0 : i32
      %dma_wait3A_479 = tpu.memref_slice %arg9[%dma_wait3A_475, %dma_wait3A_477, %dma_wait3A_478] : memref<5x80x16xf32, #tpu.memory_space<vmem>> -> memref<1x80x16xf32, #tpu.memory_space<vmem>>
      %dma_wait3A_480 = tpu.memref_squeeze %dma_wait3A_479 : memref<1x80x16xf32, #tpu.memory_space<vmem>> -> memref<80x16xf32, #tpu.memory_space<vmem>>
      %dma_wait3A_481 = arith.constant 0 : i32
      %dma_wait3A_482 = tpu.memref_slice %arg8[%add3A_318, %dma_wait3A_481] : memref<125x80xi32, #tpu.memory_space<vmem>> -> memref<1x80xi32, #tpu.memory_space<vmem>>
      %dma_wait3A_483 = tpu.memref_squeeze %dma_wait3A_482 : memref<1x80xi32, #tpu.memory_space<vmem>> -> memref<80xi32, #tpu.memory_space<vmem>>
      %dma_wait3A_484 = arith.constant 0 : i32
      %dma_wait3A_485 = arith.constant 0 : i32
      %dma_wait3A_486 = tpu.memref_slice %arg6[%dma_wait3A_484, %dma_wait3A_485] : memref<10000x16xf32, #tpu.memory_space<vmem_shared>> -> memref<10000x16xf32, #tpu.memory_space<vmem_shared>>
      %dma_wait3A_487 = tpu.memref_slice %arg11[%dma_wait3A_476] : memref<5x!tpu.dma_semaphore, #tpu.memory_space<semaphore_mem>> -> memref<1x!tpu.dma_semaphore, #tpu.memory_space<semaphore_mem>>
      %dma_wait3A_488 = tpu.memref_squeeze %dma_wait3A_487 : memref<1x!tpu.dma_semaphore, #tpu.memory_space<semaphore_mem>> -> memref<!tpu.dma_semaphore, #tpu.memory_space<semaphore_mem>>
      tpu.wait_indirect_dma semaphore(%dma_wait3A_488 : memref<!tpu.dma_semaphore, #tpu.memory_space<semaphore_mem>>) src(%dma_wait3A_480 : memref<80x16xf32, #tpu.memory_space<vmem>>) dst(%dma_wait3A_486 : memref<10000x16xf32, #tpu.memory_space<vmem_shared>>)
      %add3A_489 = arith.constant 1 : i32
      %add3A_490 = arith.addi %scan3A_314, %add3A_489 : i32
      %mul3A_491 = arith.constant 5 : i32
      %mul3A_492 = arith.muli %add3A_490, %mul3A_491 : i32
      %add3A_493 = arith.constant 0 : i32
      %add3A_494 = arith.addi %mul3A_492, %add3A_493 : i32
      %dma_start3A_495 = arith.constant 0 : i32
      %dma_start3A_496 = arith.constant 0 : i32
      %dma_start3A_497 = arith.constant 0 : i32
      %dma_start3A_498 = arith.constant 0 : i32
      %dma_start3A_499 = tpu.memref_slice %arg9[%dma_start3A_495, %dma_start3A_497, %dma_start3A_498] : memref<5x80x16xf32, #tpu.memory_space<vmem>> -> memref<1x80x16xf32, #tpu.memory_space<vmem>>
      %dma_start3A_500 = tpu.memref_squeeze %dma_start3A_499 : memref<1x80x16xf32, #tpu.memory_space<vmem>> -> memref<80x16xf32, #tpu.memory_space<vmem>>
      %dma_start3A_501 = arith.constant 0 : i32
      %dma_start3A_502 = tpu.memref_slice %arg7[%add3A_494, %dma_start3A_501] : memref<125x80xi32, #tpu.memory_space<vmem>> -> memref<1x80xi32, #tpu.memory_space<vmem>>
      %dma_start3A_503 = tpu.memref_squeeze %dma_start3A_502 : memref<1x80xi32, #tpu.memory_space<vmem>> -> memref<80xi32, #tpu.memory_space<vmem>>
      %dma_start3A_504 = arith.constant 0 : i32
      %dma_start3A_505 = arith.constant 0 : i32
      %dma_start3A_506 = tpu.memref_slice %arg2[%dma_start3A_504, %dma_start3A_505] : memref<10000x16xf32, #tpu.memory_space<hbm>> -> memref<10000x16xf32, #tpu.memory_space<hbm>>
      %dma_start3A_507 = tpu.memref_slice %arg10[%dma_start3A_496] : memref<5x!tpu.dma_semaphore, #tpu.memory_space<semaphore_mem>> -> memref<1x!tpu.dma_semaphore, #tpu.memory_space<semaphore_mem>>
      %dma_start3A_508 = tpu.memref_squeeze %dma_start3A_507 : memref<1x!tpu.dma_semaphore, #tpu.memory_space<semaphore_mem>> -> memref<!tpu.dma_semaphore, #tpu.memory_space<semaphore_mem>>
      tpu.enqueue_indirect_dma source(%dma_start3A_506 : memref<10000x16xf32, #tpu.memory_space<hbm>>) target(%dma_start3A_500 : memref<80x16xf32, #tpu.memory_space<vmem>>) offsets(%dma_start3A_503 : memref<80xi32, #tpu.memory_space<vmem>>) semaphore(%dma_start3A_508 : memref<!tpu.dma_semaphore, #tpu.memory_space<semaphore_mem>>)
      %dma_wait3A_509 = arith.constant 1 : i32
      %dma_wait3A_510 = arith.constant 1 : i32
      %dma_wait3A_511 = arith.constant 0 : i32
      %dma_wait3A_512 = arith.constant 0 : i32
      %dma_wait3A_513 = tpu.memref_slice %arg9[%dma_wait3A_509, %dma_wait3A_511, %dma_wait3A_512] : memref<5x80x16xf32, #tpu.memory_space<vmem>> -> memref<1x80x16xf32, #tpu.memory_space<vmem>>
      %dma_wait3A_514 = tpu.memref_squeeze %dma_wait3A_513 : memref<1x80x16xf32, #tpu.memory_space<vmem>> -> memref<80x16xf32, #tpu.memory_space<vmem>>
      %dma_wait3A_515 = arith.constant 0 : i32
      %dma_wait3A_516 = tpu.memref_slice %arg8[%add3A_350, %dma_wait3A_515] : memref<125x80xi32, #tpu.memory_space<vmem>> -> memref<1x80xi32, #tpu.memory_space<vmem>>
      %dma_wait3A_517 = tpu.memref_squeeze %dma_wait3A_516 : memref<1x80xi32, #tpu.memory_space<vmem>> -> memref<80xi32, #tpu.memory_space<vmem>>
      %dma_wait3A_518 = arith.constant 0 : i32
      %dma_wait3A_519 = arith.constant 0 : i32
      %dma_wait3A_520 = tpu.memref_slice %arg6[%dma_wait3A_518, %dma_wait3A_519] : memref<10000x16xf32, #tpu.memory_space<vmem_shared>> -> memref<10000x16xf32, #tpu.memory_space<vmem_shared>>
      %dma_wait3A_521 = tpu.memref_slice %arg11[%dma_wait3A_510] : memref<5x!tpu.dma_semaphore, #tpu.memory_space<semaphore_mem>> -> memref<1x!tpu.dma_semaphore, #tpu.memory_space<semaphore_mem>>
      %dma_wait3A_522 = tpu.memref_squeeze %dma_wait3A_521 : memref<1x!tpu.dma_semaphore, #tpu.memory_space<semaphore_mem>> -> memref<!tpu.dma_semaphore, #tpu.memory_space<semaphore_mem>>
      tpu.wait_indirect_dma semaphore(%dma_wait3A_522 : memref<!tpu.dma_semaphore, #tpu.memory_space<semaphore_mem>>) src(%dma_wait3A_514 : memref<80x16xf32, #tpu.memory_space<vmem>>) dst(%dma_wait3A_520 : memref<10000x16xf32, #tpu.memory_space<vmem_shared>>)
      %add3A_523 = arith.constant 1 : i32
      %add3A_524 = arith.addi %scan3A_314, %add3A_523 : i32
      %mul3A_525 = arith.constant 5 : i32
      %mul3A_526 = arith.muli %add3A_524, %mul3A_525 : i32
      %add3A_527 = arith.constant 1 : i32
      %add3A_528 = arith.addi %mul3A_526, %add3A_527 : i32
      %dma_start3A_529 = arith.constant 1 : i32
      %dma_start3A_530 = arith.constant 1 : i32
      %dma_start3A_531 = arith.constant 0 : i32
      %dma_start3A_532 = arith.constant 0 : i32
      %dma_start3A_533 = tpu.memref_slice %arg9[%dma_start3A_529, %dma_start3A_531, %dma_start3A_532] : memref<5x80x16xf32, #tpu.memory_space<vmem>> -> memref<1x80x16xf32, #tpu.memory_space<vmem>>
      %dma_start3A_534 = tpu.memref_squeeze %dma_start3A_533 : memref<1x80x16xf32, #tpu.memory_space<vmem>> -> memref<80x16xf32, #tpu.memory_space<vmem>>
      %dma_start3A_535 = arith.constant 0 : i32
      %dma_start3A_536 = tpu.memref_slice %arg7[%add3A_528, %dma_start3A_535] : memref<125x80xi32, #tpu.memory_space<vmem>> -> memref<1x80xi32, #tpu.memory_space<vmem>>
      %dma_start3A_537 = tpu.memref_squeeze %dma_start3A_536 : memref<1x80xi32, #tpu.memory_space<vmem>> -> memref<80xi32, #tpu.memory_space<vmem>>
      %dma_start3A_538 = arith.constant 0 : i32
      %dma_start3A_539 = arith.constant 0 : i32
      %dma_start3A_540 = tpu.memref_slice %arg2[%dma_start3A_538, %dma_start3A_539] : memref<10000x16xf32, #tpu.memory_space<hbm>> -> memref<10000x16xf32, #tpu.memory_space<hbm>>
      %dma_start3A_541 = tpu.memref_slice %arg10[%dma_start3A_530] : memref<5x!tpu.dma_semaphore, #tpu.memory_space<semaphore_mem>> -> memref<1x!tpu.dma_semaphore, #tpu.memory_space<semaphore_mem>>
      %dma_start3A_542 = tpu.memref_squeeze %dma_start3A_541 : memref<1x!tpu.dma_semaphore, #tpu.memory_space<semaphore_mem>> -> memref<!tpu.dma_semaphore, #tpu.memory_space<semaphore_mem>>
      tpu.enqueue_indirect_dma source(%dma_start3A_540 : memref<10000x16xf32, #tpu.memory_space<hbm>>) target(%dma_start3A_534 : memref<80x16xf32, #tpu.memory_space<vmem>>) offsets(%dma_start3A_537 : memref<80xi32, #tpu.memory_space<vmem>>) semaphore(%dma_start3A_542 : memref<!tpu.dma_semaphore, #tpu.memory_space<semaphore_mem>>)
      %dma_wait3A_543 = arith.constant 2 : i32
      %dma_wait3A_544 = arith.constant 2 : i32
      %dma_wait3A_545 = arith.constant 0 : i32
      %dma_wait3A_546 = arith.constant 0 : i32
      %dma_wait3A_547 = tpu.memref_slice %arg9[%dma_wait3A_543, %dma_wait3A_545, %dma_wait3A_546] : memref<5x80x16xf32, #tpu.memory_space<vmem>> -> memref<1x80x16xf32, #tpu.memory_space<vmem>>
      %dma_wait3A_548 = tpu.memref_squeeze %dma_wait3A_547 : memref<1x80x16xf32, #tpu.memory_space<vmem>> -> memref<80x16xf32, #tpu.memory_space<vmem>>
      %dma_wait3A_549 = arith.constant 0 : i32
      %dma_wait3A_550 = tpu.memref_slice %arg8[%add3A_382, %dma_wait3A_549] : memref<125x80xi32, #tpu.memory_space<vmem>> -> memref<1x80xi32, #tpu.memory_space<vmem>>
      %dma_wait3A_551 = tpu.memref_squeeze %dma_wait3A_550 : memref<1x80xi32, #tpu.memory_space<vmem>> -> memref<80xi32, #tpu.memory_space<vmem>>
      %dma_wait3A_552 = arith.constant 0 : i32
      %dma_wait3A_553 = arith.constant 0 : i32
      %dma_wait3A_554 = tpu.memref_slice %arg6[%dma_wait3A_552, %dma_wait3A_553] : memref<10000x16xf32, #tpu.memory_space<vmem_shared>> -> memref<10000x16xf32, #tpu.memory_space<vmem_shared>>
      %dma_wait3A_555 = tpu.memref_slice %arg11[%dma_wait3A_544] : memref<5x!tpu.dma_semaphore, #tpu.memory_space<semaphore_mem>> -> memref<1x!tpu.dma_semaphore, #tpu.memory_space<semaphore_mem>>
      %dma_wait3A_556 = tpu.memref_squeeze %dma_wait3A_555 : memref<1x!tpu.dma_semaphore, #tpu.memory_space<semaphore_mem>> -> memref<!tpu.dma_semaphore, #tpu.memory_space<semaphore_mem>>
      tpu.wait_indirect_dma semaphore(%dma_wait3A_556 : memref<!tpu.dma_semaphore, #tpu.memory_space<semaphore_mem>>) src(%dma_wait3A_548 : memref<80x16xf32, #tpu.memory_space<vmem>>) dst(%dma_wait3A_554 : memref<10000x16xf32, #tpu.memory_space<vmem_shared>>)
      %add3A_557 = arith.constant 1 : i32
      %add3A_558 = arith.addi %scan3A_314, %add3A_557 : i32
      %mul3A_559 = arith.constant 5 : i32
      %mul3A_560 = arith.muli %add3A_558, %mul3A_559 : i32
      %add3A_561 = arith.constant 2 : i32
      %add3A_562 = arith.addi %mul3A_560, %add3A_561 : i32
      %dma_start3A_563 = arith.constant 2 : i32
      %dma_start3A_564 = arith.constant 2 : i32
      %dma_start3A_565 = arith.constant 0 : i32
      %dma_start3A_566 = arith.constant 0 : i32
      %dma_start3A_567 = tpu.memref_slice %arg9[%dma_start3A_563, %dma_start3A_565, %dma_start3A_566] : memref<5x80x16xf32, #tpu.memory_space<vmem>> -> memref<1x80x16xf32, #tpu.memory_space<vmem>>
      %dma_start3A_568 = tpu.memref_squeeze %dma_start3A_567 : memref<1x80x16xf32, #tpu.memory_space<vmem>> -> memref<80x16xf32, #tpu.memory_space<vmem>>
      %dma_start3A_569 = arith.constant 0 : i32
      %dma_start3A_570 = tpu.memref_slice %arg7[%add3A_562, %dma_start3A_569] : memref<125x80xi32, #tpu.memory_space<vmem>> -> memref<1x80xi32, #tpu.memory_space<vmem>>
      %dma_start3A_571 = tpu.memref_squeeze %dma_start3A_570 : memref<1x80xi32, #tpu.memory_space<vmem>> -> memref<80xi32, #tpu.memory_space<vmem>>
      %dma_start3A_572 = arith.constant 0 : i32
      %dma_start3A_573 = arith.constant 0 : i32
      %dma_start3A_574 = tpu.memref_slice %arg2[%dma_start3A_572, %dma_start3A_573] : memref<10000x16xf32, #tpu.memory_space<hbm>> -> memref<10000x16xf32, #tpu.memory_space<hbm>>
      %dma_start3A_575 = tpu.memref_slice %arg10[%dma_start3A_564] : memref<5x!tpu.dma_semaphore, #tpu.memory_space<semaphore_mem>> -> memref<1x!tpu.dma_semaphore, #tpu.memory_space<semaphore_mem>>
      %dma_start3A_576 = tpu.memref_squeeze %dma_start3A_575 : memref<1x!tpu.dma_semaphore, #tpu.memory_space<semaphore_mem>> -> memref<!tpu.dma_semaphore, #tpu.memory_space<semaphore_mem>>
      tpu.enqueue_indirect_dma source(%dma_start3A_574 : memref<10000x16xf32, #tpu.memory_space<hbm>>) target(%dma_start3A_568 : memref<80x16xf32, #tpu.memory_space<vmem>>) offsets(%dma_start3A_571 : memref<80xi32, #tpu.memory_space<vmem>>) semaphore(%dma_start3A_576 : memref<!tpu.dma_semaphore, #tpu.memory_space<semaphore_mem>>)
      %dma_wait3A_577 = arith.constant 3 : i32
      %dma_wait3A_578 = arith.constant 3 : i32
      %dma_wait3A_579 = arith.constant 0 : i32
      %dma_wait3A_580 = arith.constant 0 : i32
      %dma_wait3A_581 = tpu.memref_slice %arg9[%dma_wait3A_577, %dma_wait3A_579, %dma_wait3A_580] : memref<5x80x16xf32, #tpu.memory_space<vmem>> -> memref<1x80x16xf32, #tpu.memory_space<vmem>>
      %dma_wait3A_582 = tpu.memref_squeeze %dma_wait3A_581 : memref<1x80x16xf32, #tpu.memory_space<vmem>> -> memref<80x16xf32, #tpu.memory_space<vmem>>
      %dma_wait3A_583 = arith.constant 0 : i32
      %dma_wait3A_584 = tpu.memref_slice %arg8[%add3A_414, %dma_wait3A_583] : memref<125x80xi32, #tpu.memory_space<vmem>> -> memref<1x80xi32, #tpu.memory_space<vmem>>
      %dma_wait3A_585 = tpu.memref_squeeze %dma_wait3A_584 : memref<1x80xi32, #tpu.memory_space<vmem>> -> memref<80xi32, #tpu.memory_space<vmem>>
      %dma_wait3A_586 = arith.constant 0 : i32
      %dma_wait3A_587 = arith.constant 0 : i32
      %dma_wait3A_588 = tpu.memref_slice %arg6[%dma_wait3A_586, %dma_wait3A_587] : memref<10000x16xf32, #tpu.memory_space<vmem_shared>> -> memref<10000x16xf32, #tpu.memory_space<vmem_shared>>
      %dma_wait3A_589 = tpu.memref_slice %arg11[%dma_wait3A_578] : memref<5x!tpu.dma_semaphore, #tpu.memory_space<semaphore_mem>> -> memref<1x!tpu.dma_semaphore, #tpu.memory_space<semaphore_mem>>
      %dma_wait3A_590 = tpu.memref_squeeze %dma_wait3A_589 : memref<1x!tpu.dma_semaphore, #tpu.memory_space<semaphore_mem>> -> memref<!tpu.dma_semaphore, #tpu.memory_space<semaphore_mem>>
      tpu.wait_indirect_dma semaphore(%dma_wait3A_590 : memref<!tpu.dma_semaphore, #tpu.memory_space<semaphore_mem>>) src(%dma_wait3A_582 : memref<80x16xf32, #tpu.memory_space<vmem>>) dst(%dma_wait3A_588 : memref<10000x16xf32, #tpu.memory_space<vmem_shared>>)
      %add3A_591 = arith.constant 1 : i32
      %add3A_592 = arith.addi %scan3A_314, %add3A_591 : i32
      %mul3A_593 = arith.constant 5 : i32
      %mul3A_594 = arith.muli %add3A_592, %mul3A_593 : i32
      %add3A_595 = arith.constant 3 : i32
      %add3A_596 = arith.addi %mul3A_594, %add3A_595 : i32
      %dma_start3A_597 = arith.constant 3 : i32
      %dma_start3A_598 = arith.constant 3 : i32
      %dma_start3A_599 = arith.constant 0 : i32
      %dma_start3A_600 = arith.constant 0 : i32
      %dma_start3A_601 = tpu.memref_slice %arg9[%dma_start3A_597, %dma_start3A_599, %dma_start3A_600] : memref<5x80x16xf32, #tpu.memory_space<vmem>> -> memref<1x80x16xf32, #tpu.memory_space<vmem>>
      %dma_start3A_602 = tpu.memref_squeeze %dma_start3A_601 : memref<1x80x16xf32, #tpu.memory_space<vmem>> -> memref<80x16xf32, #tpu.memory_space<vmem>>
      %dma_start3A_603 = arith.constant 0 : i32
      %dma_start3A_604 = tpu.memref_slice %arg7[%add3A_596, %dma_start3A_603] : memref<125x80xi32, #tpu.memory_space<vmem>> -> memref<1x80xi32, #tpu.memory_space<vmem>>
      %dma_start3A_605 = tpu.memref_squeeze %dma_start3A_604 : memref<1x80xi32, #tpu.memory_space<vmem>> -> memref<80xi32, #tpu.memory_space<vmem>>
      %dma_start3A_606 = arith.constant 0 : i32
      %dma_start3A_607 = arith.constant 0 : i32
      %dma_start3A_608 = tpu.memref_slice %arg2[%dma_start3A_606, %dma_start3A_607] : memref<10000x16xf32, #tpu.memory_space<hbm>> -> memref<10000x16xf32, #tpu.memory_space<hbm>>
      %dma_start3A_609 = tpu.memref_slice %arg10[%dma_start3A_598] : memref<5x!tpu.dma_semaphore, #tpu.memory_space<semaphore_mem>> -> memref<1x!tpu.dma_semaphore, #tpu.memory_space<semaphore_mem>>
      %dma_start3A_610 = tpu.memref_squeeze %dma_start3A_609 : memref<1x!tpu.dma_semaphore, #tpu.memory_space<semaphore_mem>> -> memref<!tpu.dma_semaphore, #tpu.memory_space<semaphore_mem>>
      tpu.enqueue_indirect_dma source(%dma_start3A_608 : memref<10000x16xf32, #tpu.memory_space<hbm>>) target(%dma_start3A_602 : memref<80x16xf32, #tpu.memory_space<vmem>>) offsets(%dma_start3A_605 : memref<80xi32, #tpu.memory_space<vmem>>) semaphore(%dma_start3A_610 : memref<!tpu.dma_semaphore, #tpu.memory_space<semaphore_mem>>)
      %dma_wait3A_611 = arith.constant 4 : i32
      %dma_wait3A_612 = arith.constant 4 : i32
      %dma_wait3A_613 = arith.constant 0 : i32
      %dma_wait3A_614 = arith.constant 0 : i32
      %dma_wait3A_615 = tpu.memref_slice %arg9[%dma_wait3A_611, %dma_wait3A_613, %dma_wait3A_614] : memref<5x80x16xf32, #tpu.memory_space<vmem>> -> memref<1x80x16xf32, #tpu.memory_space<vmem>>
      %dma_wait3A_616 = tpu.memref_squeeze %dma_wait3A_615 : memref<1x80x16xf32, #tpu.memory_space<vmem>> -> memref<80x16xf32, #tpu.memory_space<vmem>>
      %dma_wait3A_617 = arith.constant 0 : i32
      %dma_wait3A_618 = tpu.memref_slice %arg8[%add3A_446, %dma_wait3A_617] : memref<125x80xi32, #tpu.memory_space<vmem>> -> memref<1x80xi32, #tpu.memory_space<vmem>>
      %dma_wait3A_619 = tpu.memref_squeeze %dma_wait3A_618 : memref<1x80xi32, #tpu.memory_space<vmem>> -> memref<80xi32, #tpu.memory_space<vmem>>
      %dma_wait3A_620 = arith.constant 0 : i32
      %dma_wait3A_621 = arith.constant 0 : i32
      %dma_wait3A_622 = tpu.memref_slice %arg6[%dma_wait3A_620, %dma_wait3A_621] : memref<10000x16xf32, #tpu.memory_space<vmem_shared>> -> memref<10000x16xf32, #tpu.memory_space<vmem_shared>>
      %dma_wait3A_623 = tpu.memref_slice %arg11[%dma_wait3A_612] : memref<5x!tpu.dma_semaphore, #tpu.memory_space<semaphore_mem>> -> memref<1x!tpu.dma_semaphore, #tpu.memory_space<semaphore_mem>>
      %dma_wait3A_624 = tpu.memref_squeeze %dma_wait3A_623 : memref<1x!tpu.dma_semaphore, #tpu.memory_space<semaphore_mem>> -> memref<!tpu.dma_semaphore, #tpu.memory_space<semaphore_mem>>
      tpu.wait_indirect_dma semaphore(%dma_wait3A_624 : memref<!tpu.dma_semaphore, #tpu.memory_space<semaphore_mem>>) src(%dma_wait3A_616 : memref<80x16xf32, #tpu.memory_space<vmem>>) dst(%dma_wait3A_622 : memref<10000x16xf32, #tpu.memory_space<vmem_shared>>)
      %add3A_625 = arith.constant 1 : i32
      %add3A_626 = arith.addi %scan3A_314, %add3A_625 : i32
      %mul3A_627 = arith.constant 5 : i32
      %mul3A_628 = arith.muli %add3A_626, %mul3A_627 : i32
      %add3A_629 = arith.constant 4 : i32
      %add3A_630 = arith.addi %mul3A_628, %add3A_629 : i32
      %dma_start3A_631 = arith.constant 4 : i32
      %dma_start3A_632 = arith.constant 4 : i32
      %dma_start3A_633 = arith.constant 0 : i32
      %dma_start3A_634 = arith.constant 0 : i32
      %dma_start3A_635 = tpu.memref_slice %arg9[%dma_start3A_631, %dma_start3A_633, %dma_start3A_634] : memref<5x80x16xf32, #tpu.memory_space<vmem>> -> memref<1x80x16xf32, #tpu.memory_space<vmem>>
      %dma_start3A_636 = tpu.memref_squeeze %dma_start3A_635 : memref<1x80x16xf32, #tpu.memory_space<vmem>> -> memref<80x16xf32, #tpu.memory_space<vmem>>
      %dma_start3A_637 = arith.constant 0 : i32
      %dma_start3A_638 = tpu.memref_slice %arg7[%add3A_630, %dma_start3A_637] : memref<125x80xi32, #tpu.memory_space<vmem>> -> memref<1x80xi32, #tpu.memory_space<vmem>>
      %dma_start3A_639 = tpu.memref_squeeze %dma_start3A_638 : memref<1x80xi32, #tpu.memory_space<vmem>> -> memref<80xi32, #tpu.memory_space<vmem>>
      %dma_start3A_640 = arith.constant 0 : i32
      %dma_start3A_641 = arith.constant 0 : i32
      %dma_start3A_642 = tpu.memref_slice %arg2[%dma_start3A_640, %dma_start3A_641] : memref<10000x16xf32, #tpu.memory_space<hbm>> -> memref<10000x16xf32, #tpu.memory_space<hbm>>
      %dma_start3A_643 = tpu.memref_slice %arg10[%dma_start3A_632] : memref<5x!tpu.dma_semaphore, #tpu.memory_space<semaphore_mem>> -> memref<1x!tpu.dma_semaphore, #tpu.memory_space<semaphore_mem>>
      %dma_start3A_644 = tpu.memref_squeeze %dma_start3A_643 : memref<1x!tpu.dma_semaphore, #tpu.memory_space<semaphore_mem>> -> memref<!tpu.dma_semaphore, #tpu.memory_space<semaphore_mem>>
      tpu.enqueue_indirect_dma source(%dma_start3A_642 : memref<10000x16xf32, #tpu.memory_space<hbm>>) target(%dma_start3A_636 : memref<80x16xf32, #tpu.memory_space<vmem>>) offsets(%dma_start3A_639 : memref<80xi32, #tpu.memory_space<vmem>>) semaphore(%dma_start3A_644 : memref<!tpu.dma_semaphore, #tpu.memory_space<semaphore_mem>>)
    }
    %scan3A_83 = arith.constant 24 : i32
    %dma_wait3A = arith.constant 120 : i32
    %dma_wait3A_84 = arith.constant 0 : i32
    %dma_wait3A_85 = arith.constant 0 : i32
    %dma_wait3A_86 = arith.constant 0 : i32
    %dma_wait3A_87 = arith.constant 0 : i32
    %dma_wait3A_88 = tpu.memref_slice %arg9[%dma_wait3A_84, %dma_wait3A_86, %dma_wait3A_87] : memref<5x80x16xf32, #tpu.memory_space<vmem>> -> memref<1x80x16xf32, #tpu.memory_space<vmem>>
    %dma_wait3A_89 = tpu.memref_squeeze %dma_wait3A_88 : memref<1x80x16xf32, #tpu.memory_space<vmem>> -> memref<80x16xf32, #tpu.memory_space<vmem>>
    %dma_wait3A_90 = arith.constant 0 : i32
    %dma_wait3A_91 = tpu.memref_slice %arg7[%dma_wait3A, %dma_wait3A_90] : memref<125x80xi32, #tpu.memory_space<vmem>> -> memref<1x80xi32, #tpu.memory_space<vmem>>
    %dma_wait3A_92 = tpu.memref_squeeze %dma_wait3A_91 : memref<1x80xi32, #tpu.memory_space<vmem>> -> memref<80xi32, #tpu.memory_space<vmem>>
    %dma_wait3A_93 = arith.constant 0 : i32
    %dma_wait3A_94 = arith.constant 0 : i32
    %dma_wait3A_95 = tpu.memref_slice %arg2[%dma_wait3A_93, %dma_wait3A_94] : memref<10000x16xf32, #tpu.memory_space<hbm>> -> memref<10000x16xf32, #tpu.memory_space<hbm>>
    %dma_wait3A_96 = tpu.memref_slice %arg10[%dma_wait3A_85] : memref<5x!tpu.dma_semaphore, #tpu.memory_space<semaphore_mem>> -> memref<1x!tpu.dma_semaphore, #tpu.memory_space<semaphore_mem>>
    %dma_wait3A_97 = tpu.memref_squeeze %dma_wait3A_96 : memref<1x!tpu.dma_semaphore, #tpu.memory_space<semaphore_mem>> -> memref<!tpu.dma_semaphore, #tpu.memory_space<semaphore_mem>>
    tpu.wait_indirect_dma semaphore(%dma_wait3A_97 : memref<!tpu.dma_semaphore, #tpu.memory_space<semaphore_mem>>) src(%dma_wait3A_95 : memref<10000x16xf32, #tpu.memory_space<hbm>>) dst(%dma_wait3A_89 : memref<80x16xf32, #tpu.memory_space<vmem>>)
    %dma_start3A_98 = arith.constant 0 : i32
    %dma_start3A_99 = arith.constant 120 : i32
    %dma_start3A_100 = arith.constant 0 : i32
    %dma_start3A_101 = arith.constant 0 : i32
    %dma_start3A_102 = arith.constant 0 : i32
    %dma_start3A_103 = tpu.memref_slice %arg9[%dma_start3A_98, %dma_start3A_101, %dma_start3A_102] : memref<5x80x16xf32, #tpu.memory_space<vmem>> -> memref<1x80x16xf32, #tpu.memory_space<vmem>>
    %dma_start3A_104 = tpu.memref_squeeze %dma_start3A_103 : memref<1x80x16xf32, #tpu.memory_space<vmem>> -> memref<80x16xf32, #tpu.memory_space<vmem>>
    %dma_start3A_105 = arith.constant 0 : i32
    %dma_start3A_106 = tpu.memref_slice %arg8[%dma_start3A_99, %dma_start3A_105] : memref<125x80xi32, #tpu.memory_space<vmem>> -> memref<1x80xi32, #tpu.memory_space<vmem>>
    %dma_start3A_107 = tpu.memref_squeeze %dma_start3A_106 : memref<1x80xi32, #tpu.memory_space<vmem>> -> memref<80xi32, #tpu.memory_space<vmem>>
    %dma_start3A_108 = arith.constant 0 : i32
    %dma_start3A_109 = arith.constant 0 : i32
    %dma_start3A_110 = tpu.memref_slice %arg6[%dma_start3A_108, %dma_start3A_109] : memref<10000x16xf32, #tpu.memory_space<vmem_shared>> -> memref<10000x16xf32, #tpu.memory_space<vmem_shared>>
    %dma_start3A_111 = tpu.memref_slice %arg11[%dma_start3A_100] : memref<5x!tpu.dma_semaphore, #tpu.memory_space<semaphore_mem>> -> memref<1x!tpu.dma_semaphore, #tpu.memory_space<semaphore_mem>>
    %dma_start3A_112 = tpu.memref_squeeze %dma_start3A_111 : memref<1x!tpu.dma_semaphore, #tpu.memory_space<semaphore_mem>> -> memref<!tpu.dma_semaphore, #tpu.memory_space<semaphore_mem>>
    tpu.enqueue_indirect_dma source(%dma_start3A_104 : memref<80x16xf32, #tpu.memory_space<vmem>>) target(%dma_start3A_110 : memref<10000x16xf32, #tpu.memory_space<vmem_shared>>) offsets(%dma_start3A_107 : memref<80xi32, #tpu.memory_space<vmem>>) semaphore(%dma_start3A_112 : memref<!tpu.dma_semaphore, #tpu.memory_space<semaphore_mem>>) {add = true}
    %dma_wait3A_113 = arith.constant 121 : i32
    %dma_wait3A_114 = arith.constant 1 : i32
    %dma_wait3A_115 = arith.constant 1 : i32
    %dma_wait3A_116 = arith.constant 0 : i32
    %dma_wait3A_117 = arith.constant 0 : i32
    %dma_wait3A_118 = tpu.memref_slice %arg9[%dma_wait3A_114, %dma_wait3A_116, %dma_wait3A_117] : memref<5x80x16xf32, #tpu.memory_space<vmem>> -> memref<1x80x16xf32, #tpu.memory_space<vmem>>
    %dma_wait3A_119 = tpu.memref_squeeze %dma_wait3A_118 : memref<1x80x16xf32, #tpu.memory_space<vmem>> -> memref<80x16xf32, #tpu.memory_space<vmem>>
    %dma_wait3A_120 = arith.constant 0 : i32
    %dma_wait3A_121 = tpu.memref_slice %arg7[%dma_wait3A_113, %dma_wait3A_120] : memref<125x80xi32, #tpu.memory_space<vmem>> -> memref<1x80xi32, #tpu.memory_space<vmem>>
    %dma_wait3A_122 = tpu.memref_squeeze %dma_wait3A_121 : memref<1x80xi32, #tpu.memory_space<vmem>> -> memref<80xi32, #tpu.memory_space<vmem>>
    %dma_wait3A_123 = arith.constant 0 : i32
    %dma_wait3A_124 = arith.constant 0 : i32
    %dma_wait3A_125 = tpu.memref_slice %arg2[%dma_wait3A_123, %dma_wait3A_124] : memref<10000x16xf32, #tpu.memory_space<hbm>> -> memref<10000x16xf32, #tpu.memory_space<hbm>>
    %dma_wait3A_126 = tpu.memref_slice %arg10[%dma_wait3A_115] : memref<5x!tpu.dma_semaphore, #tpu.memory_space<semaphore_mem>> -> memref<1x!tpu.dma_semaphore, #tpu.memory_space<semaphore_mem>>
    %dma_wait3A_127 = tpu.memref_squeeze %dma_wait3A_126 : memref<1x!tpu.dma_semaphore, #tpu.memory_space<semaphore_mem>> -> memref<!tpu.dma_semaphore, #tpu.memory_space<semaphore_mem>>
    tpu.wait_indirect_dma semaphore(%dma_wait3A_127 : memref<!tpu.dma_semaphore, #tpu.memory_space<semaphore_mem>>) src(%dma_wait3A_125 : memref<10000x16xf32, #tpu.memory_space<hbm>>) dst(%dma_wait3A_119 : memref<80x16xf32, #tpu.memory_space<vmem>>)
    %dma_start3A_128 = arith.constant 1 : i32
    %dma_start3A_129 = arith.constant 121 : i32
    %dma_start3A_130 = arith.constant 1 : i32
    %dma_start3A_131 = arith.constant 0 : i32
    %dma_start3A_132 = arith.constant 0 : i32
    %dma_start3A_133 = tpu.memref_slice %arg9[%dma_start3A_128, %dma_start3A_131, %dma_start3A_132] : memref<5x80x16xf32, #tpu.memory_space<vmem>> -> memref<1x80x16xf32, #tpu.memory_space<vmem>>
    %dma_start3A_134 = tpu.memref_squeeze %dma_start3A_133 : memref<1x80x16xf32, #tpu.memory_space<vmem>> -> memref<80x16xf32, #tpu.memory_space<vmem>>
    %dma_start3A_135 = arith.constant 0 : i32
    %dma_start3A_136 = tpu.memref_slice %arg8[%dma_start3A_129, %dma_start3A_135] : memref<125x80xi32, #tpu.memory_space<vmem>> -> memref<1x80xi32, #tpu.memory_space<vmem>>
    %dma_start3A_137 = tpu.memref_squeeze %dma_start3A_136 : memref<1x80xi32, #tpu.memory_space<vmem>> -> memref<80xi32, #tpu.memory_space<vmem>>
    %dma_start3A_138 = arith.constant 0 : i32
    %dma_start3A_139 = arith.constant 0 : i32
    %dma_start3A_140 = tpu.memref_slice %arg6[%dma_start3A_138, %dma_start3A_139] : memref<10000x16xf32, #tpu.memory_space<vmem_shared>> -> memref<10000x16xf32, #tpu.memory_space<vmem_shared>>
    %dma_start3A_141 = tpu.memref_slice %arg11[%dma_start3A_130] : memref<5x!tpu.dma_semaphore, #tpu.memory_space<semaphore_mem>> -> memref<1x!tpu.dma_semaphore, #tpu.memory_space<semaphore_mem>>
    %dma_start3A_142 = tpu.memref_squeeze %dma_start3A_141 : memref<1x!tpu.dma_semaphore, #tpu.memory_space<semaphore_mem>> -> memref<!tpu.dma_semaphore, #tpu.memory_space<semaphore_mem>>
    tpu.enqueue_indirect_dma source(%dma_start3A_134 : memref<80x16xf32, #tpu.memory_space<vmem>>) target(%dma_start3A_140 : memref<10000x16xf32, #tpu.memory_space<vmem_shared>>) offsets(%dma_start3A_137 : memref<80xi32, #tpu.memory_space<vmem>>) semaphore(%dma_start3A_142 : memref<!tpu.dma_semaphore, #tpu.memory_space<semaphore_mem>>) {add = true}
    %dma_wait3A_143 = arith.constant 122 : i32
    %dma_wait3A_144 = arith.constant 2 : i32
    %dma_wait3A_145 = arith.constant 2 : i32
    %dma_wait3A_146 = arith.constant 0 : i32
    %dma_wait3A_147 = arith.constant 0 : i32
    %dma_wait3A_148 = tpu.memref_slice %arg9[%dma_wait3A_144, %dma_wait3A_146, %dma_wait3A_147] : memref<5x80x16xf32, #tpu.memory_space<vmem>> -> memref<1x80x16xf32, #tpu.memory_space<vmem>>
    %dma_wait3A_149 = tpu.memref_squeeze %dma_wait3A_148 : memref<1x80x16xf32, #tpu.memory_space<vmem>> -> memref<80x16xf32, #tpu.memory_space<vmem>>
    %dma_wait3A_150 = arith.constant 0 : i32
    %dma_wait3A_151 = tpu.memref_slice %arg7[%dma_wait3A_143, %dma_wait3A_150] : memref<125x80xi32, #tpu.memory_space<vmem>> -> memref<1x80xi32, #tpu.memory_space<vmem>>
    %dma_wait3A_152 = tpu.memref_squeeze %dma_wait3A_151 : memref<1x80xi32, #tpu.memory_space<vmem>> -> memref<80xi32, #tpu.memory_space<vmem>>
    %dma_wait3A_153 = arith.constant 0 : i32
    %dma_wait3A_154 = arith.constant 0 : i32
    %dma_wait3A_155 = tpu.memref_slice %arg2[%dma_wait3A_153, %dma_wait3A_154] : memref<10000x16xf32, #tpu.memory_space<hbm>> -> memref<10000x16xf32, #tpu.memory_space<hbm>>
    %dma_wait3A_156 = tpu.memref_slice %arg10[%dma_wait3A_145] : memref<5x!tpu.dma_semaphore, #tpu.memory_space<semaphore_mem>> -> memref<1x!tpu.dma_semaphore, #tpu.memory_space<semaphore_mem>>
    %dma_wait3A_157 = tpu.memref_squeeze %dma_wait3A_156 : memref<1x!tpu.dma_semaphore, #tpu.memory_space<semaphore_mem>> -> memref<!tpu.dma_semaphore, #tpu.memory_space<semaphore_mem>>
    tpu.wait_indirect_dma semaphore(%dma_wait3A_157 : memref<!tpu.dma_semaphore, #tpu.memory_space<semaphore_mem>>) src(%dma_wait3A_155 : memref<10000x16xf32, #tpu.memory_space<hbm>>) dst(%dma_wait3A_149 : memref<80x16xf32, #tpu.memory_space<vmem>>)
    %dma_start3A_158 = arith.constant 2 : i32
    %dma_start3A_159 = arith.constant 122 : i32
    %dma_start3A_160 = arith.constant 2 : i32
    %dma_start3A_161 = arith.constant 0 : i32
    %dma_start3A_162 = arith.constant 0 : i32
    %dma_start3A_163 = tpu.memref_slice %arg9[%dma_start3A_158, %dma_start3A_161, %dma_start3A_162] : memref<5x80x16xf32, #tpu.memory_space<vmem>> -> memref<1x80x16xf32, #tpu.memory_space<vmem>>
    %dma_start3A_164 = tpu.memref_squeeze %dma_start3A_163 : memref<1x80x16xf32, #tpu.memory_space<vmem>> -> memref<80x16xf32, #tpu.memory_space<vmem>>
    %dma_start3A_165 = arith.constant 0 : i32
    %dma_start3A_166 = tpu.memref_slice %arg8[%dma_start3A_159, %dma_start3A_165] : memref<125x80xi32, #tpu.memory_space<vmem>> -> memref<1x80xi32, #tpu.memory_space<vmem>>
    %dma_start3A_167 = tpu.memref_squeeze %dma_start3A_166 : memref<1x80xi32, #tpu.memory_space<vmem>> -> memref<80xi32, #tpu.memory_space<vmem>>
    %dma_start3A_168 = arith.constant 0 : i32
    %dma_start3A_169 = arith.constant 0 : i32
    %dma_start3A_170 = tpu.memref_slice %arg6[%dma_start3A_168, %dma_start3A_169] : memref<10000x16xf32, #tpu.memory_space<vmem_shared>> -> memref<10000x16xf32, #tpu.memory_space<vmem_shared>>
    %dma_start3A_171 = tpu.memref_slice %arg11[%dma_start3A_160] : memref<5x!tpu.dma_semaphore, #tpu.memory_space<semaphore_mem>> -> memref<1x!tpu.dma_semaphore, #tpu.memory_space<semaphore_mem>>
    %dma_start3A_172 = tpu.memref_squeeze %dma_start3A_171 : memref<1x!tpu.dma_semaphore, #tpu.memory_space<semaphore_mem>> -> memref<!tpu.dma_semaphore, #tpu.memory_space<semaphore_mem>>
    tpu.enqueue_indirect_dma source(%dma_start3A_164 : memref<80x16xf32, #tpu.memory_space<vmem>>) target(%dma_start3A_170 : memref<10000x16xf32, #tpu.memory_space<vmem_shared>>) offsets(%dma_start3A_167 : memref<80xi32, #tpu.memory_space<vmem>>) semaphore(%dma_start3A_172 : memref<!tpu.dma_semaphore, #tpu.memory_space<semaphore_mem>>) {add = true}
    %dma_wait3A_173 = arith.constant 123 : i32
    %dma_wait3A_174 = arith.constant 3 : i32
    %dma_wait3A_175 = arith.constant 3 : i32
    %dma_wait3A_176 = arith.constant 0 : i32
    %dma_wait3A_177 = arith.constant 0 : i32
    %dma_wait3A_178 = tpu.memref_slice %arg9[%dma_wait3A_174, %dma_wait3A_176, %dma_wait3A_177] : memref<5x80x16xf32, #tpu.memory_space<vmem>> -> memref<1x80x16xf32, #tpu.memory_space<vmem>>
    %dma_wait3A_179 = tpu.memref_squeeze %dma_wait3A_178 : memref<1x80x16xf32, #tpu.memory_space<vmem>> -> memref<80x16xf32, #tpu.memory_space<vmem>>
    %dma_wait3A_180 = arith.constant 0 : i32
    %dma_wait3A_181 = tpu.memref_slice %arg7[%dma_wait3A_173, %dma_wait3A_180] : memref<125x80xi32, #tpu.memory_space<vmem>> -> memref<1x80xi32, #tpu.memory_space<vmem>>
    %dma_wait3A_182 = tpu.memref_squeeze %dma_wait3A_181 : memref<1x80xi32, #tpu.memory_space<vmem>> -> memref<80xi32, #tpu.memory_space<vmem>>
    %dma_wait3A_183 = arith.constant 0 : i32
    %dma_wait3A_184 = arith.constant 0 : i32
    %dma_wait3A_185 = tpu.memref_slice %arg2[%dma_wait3A_183, %dma_wait3A_184] : memref<10000x16xf32, #tpu.memory_space<hbm>> -> memref<10000x16xf32, #tpu.memory_space<hbm>>
    %dma_wait3A_186 = tpu.memref_slice %arg10[%dma_wait3A_175] : memref<5x!tpu.dma_semaphore, #tpu.memory_space<semaphore_mem>> -> memref<1x!tpu.dma_semaphore, #tpu.memory_space<semaphore_mem>>
    %dma_wait3A_187 = tpu.memref_squeeze %dma_wait3A_186 : memref<1x!tpu.dma_semaphore, #tpu.memory_space<semaphore_mem>> -> memref<!tpu.dma_semaphore, #tpu.memory_space<semaphore_mem>>
    tpu.wait_indirect_dma semaphore(%dma_wait3A_187 : memref<!tpu.dma_semaphore, #tpu.memory_space<semaphore_mem>>) src(%dma_wait3A_185 : memref<10000x16xf32, #tpu.memory_space<hbm>>) dst(%dma_wait3A_179 : memref<80x16xf32, #tpu.memory_space<vmem>>)
    %dma_start3A_188 = arith.constant 3 : i32
    %dma_start3A_189 = arith.constant 123 : i32
    %dma_start3A_190 = arith.constant 3 : i32
    %dma_start3A_191 = arith.constant 0 : i32
    %dma_start3A_192 = arith.constant 0 : i32
    %dma_start3A_193 = tpu.memref_slice %arg9[%dma_start3A_188, %dma_start3A_191, %dma_start3A_192] : memref<5x80x16xf32, #tpu.memory_space<vmem>> -> memref<1x80x16xf32, #tpu.memory_space<vmem>>
    %dma_start3A_194 = tpu.memref_squeeze %dma_start3A_193 : memref<1x80x16xf32, #tpu.memory_space<vmem>> -> memref<80x16xf32, #tpu.memory_space<vmem>>
    %dma_start3A_195 = arith.constant 0 : i32
    %dma_start3A_196 = tpu.memref_slice %arg8[%dma_start3A_189, %dma_start3A_195] : memref<125x80xi32, #tpu.memory_space<vmem>> -> memref<1x80xi32, #tpu.memory_space<vmem>>
    %dma_start3A_197 = tpu.memref_squeeze %dma_start3A_196 : memref<1x80xi32, #tpu.memory_space<vmem>> -> memref<80xi32, #tpu.memory_space<vmem>>
    %dma_start3A_198 = arith.constant 0 : i32
    %dma_start3A_199 = arith.constant 0 : i32
    %dma_start3A_200 = tpu.memref_slice %arg6[%dma_start3A_198, %dma_start3A_199] : memref<10000x16xf32, #tpu.memory_space<vmem_shared>> -> memref<10000x16xf32, #tpu.memory_space<vmem_shared>>
    %dma_start3A_201 = tpu.memref_slice %arg11[%dma_start3A_190] : memref<5x!tpu.dma_semaphore, #tpu.memory_space<semaphore_mem>> -> memref<1x!tpu.dma_semaphore, #tpu.memory_space<semaphore_mem>>
    %dma_start3A_202 = tpu.memref_squeeze %dma_start3A_201 : memref<1x!tpu.dma_semaphore, #tpu.memory_space<semaphore_mem>> -> memref<!tpu.dma_semaphore, #tpu.memory_space<semaphore_mem>>
    tpu.enqueue_indirect_dma source(%dma_start3A_194 : memref<80x16xf32, #tpu.memory_space<vmem>>) target(%dma_start3A_200 : memref<10000x16xf32, #tpu.memory_space<vmem_shared>>) offsets(%dma_start3A_197 : memref<80xi32, #tpu.memory_space<vmem>>) semaphore(%dma_start3A_202 : memref<!tpu.dma_semaphore, #tpu.memory_space<semaphore_mem>>) {add = true}
    %dma_wait3A_203 = arith.constant 124 : i32
    %dma_wait3A_204 = arith.constant 4 : i32
    %dma_wait3A_205 = arith.constant 4 : i32
    %dma_wait3A_206 = arith.constant 0 : i32
    %dma_wait3A_207 = arith.constant 0 : i32
    %dma_wait3A_208 = tpu.memref_slice %arg9[%dma_wait3A_204, %dma_wait3A_206, %dma_wait3A_207] : memref<5x80x16xf32, #tpu.memory_space<vmem>> -> memref<1x80x16xf32, #tpu.memory_space<vmem>>
    %dma_wait3A_209 = tpu.memref_squeeze %dma_wait3A_208 : memref<1x80x16xf32, #tpu.memory_space<vmem>> -> memref<80x16xf32, #tpu.memory_space<vmem>>
    %dma_wait3A_210 = arith.constant 0 : i32
    %dma_wait3A_211 = tpu.memref_slice %arg7[%dma_wait3A_203, %dma_wait3A_210] : memref<125x80xi32, #tpu.memory_space<vmem>> -> memref<1x80xi32, #tpu.memory_space<vmem>>
    %dma_wait3A_212 = tpu.memref_squeeze %dma_wait3A_211 : memref<1x80xi32, #tpu.memory_space<vmem>> -> memref<80xi32, #tpu.memory_space<vmem>>
    %dma_wait3A_213 = arith.constant 0 : i32
    %dma_wait3A_214 = arith.constant 0 : i32
    %dma_wait3A_215 = tpu.memref_slice %arg2[%dma_wait3A_213, %dma_wait3A_214] : memref<10000x16xf32, #tpu.memory_space<hbm>> -> memref<10000x16xf32, #tpu.memory_space<hbm>>
    %dma_wait3A_216 = tpu.memref_slice %arg10[%dma_wait3A_205] : memref<5x!tpu.dma_semaphore, #tpu.memory_space<semaphore_mem>> -> memref<1x!tpu.dma_semaphore, #tpu.memory_space<semaphore_mem>>
    %dma_wait3A_217 = tpu.memref_squeeze %dma_wait3A_216 : memref<1x!tpu.dma_semaphore, #tpu.memory_space<semaphore_mem>> -> memref<!tpu.dma_semaphore, #tpu.memory_space<semaphore_mem>>
    tpu.wait_indirect_dma semaphore(%dma_wait3A_217 : memref<!tpu.dma_semaphore, #tpu.memory_space<semaphore_mem>>) src(%dma_wait3A_215 : memref<10000x16xf32, #tpu.memory_space<hbm>>) dst(%dma_wait3A_209 : memref<80x16xf32, #tpu.memory_space<vmem>>)
    %dma_start3A_218 = arith.constant 4 : i32
    %dma_start3A_219 = arith.constant 124 : i32
    %dma_start3A_220 = arith.constant 4 : i32
    %dma_start3A_221 = arith.constant 0 : i32
    %dma_start3A_222 = arith.constant 0 : i32
    %dma_start3A_223 = tpu.memref_slice %arg9[%dma_start3A_218, %dma_start3A_221, %dma_start3A_222] : memref<5x80x16xf32, #tpu.memory_space<vmem>> -> memref<1x80x16xf32, #tpu.memory_space<vmem>>
    %dma_start3A_224 = tpu.memref_squeeze %dma_start3A_223 : memref<1x80x16xf32, #tpu.memory_space<vmem>> -> memref<80x16xf32, #tpu.memory_space<vmem>>
    %dma_start3A_225 = arith.constant 0 : i32
    %dma_start3A_226 = tpu.memref_slice %arg8[%dma_start3A_219, %dma_start3A_225] : memref<125x80xi32, #tpu.memory_space<vmem>> -> memref<1x80xi32, #tpu.memory_space<vmem>>
    %dma_start3A_227 = tpu.memref_squeeze %dma_start3A_226 : memref<1x80xi32, #tpu.memory_space<vmem>> -> memref<80xi32, #tpu.memory_space<vmem>>
    %dma_start3A_228 = arith.constant 0 : i32
    %dma_start3A_229 = arith.constant 0 : i32
    %dma_start3A_230 = tpu.memref_slice %arg6[%dma_start3A_228, %dma_start3A_229] : memref<10000x16xf32, #tpu.memory_space<vmem_shared>> -> memref<10000x16xf32, #tpu.memory_space<vmem_shared>>
    %dma_start3A_231 = tpu.memref_slice %arg11[%dma_start3A_220] : memref<5x!tpu.dma_semaphore, #tpu.memory_space<semaphore_mem>> -> memref<1x!tpu.dma_semaphore, #tpu.memory_space<semaphore_mem>>
    %dma_start3A_232 = tpu.memref_squeeze %dma_start3A_231 : memref<1x!tpu.dma_semaphore, #tpu.memory_space<semaphore_mem>> -> memref<!tpu.dma_semaphore, #tpu.memory_space<semaphore_mem>>
    tpu.enqueue_indirect_dma source(%dma_start3A_224 : memref<80x16xf32, #tpu.memory_space<vmem>>) target(%dma_start3A_230 : memref<10000x16xf32, #tpu.memory_space<vmem_shared>>) offsets(%dma_start3A_227 : memref<80xi32, #tpu.memory_space<vmem>>) semaphore(%dma_start3A_232 : memref<!tpu.dma_semaphore, #tpu.memory_space<semaphore_mem>>) {add = true}
    %dma_wait3A_233 = arith.constant 0 : i32
    %dma_wait3A_234 = arith.constant 120 : i32
    %dma_wait3A_235 = arith.constant 0 : i32
    %dma_wait3A_236 = arith.constant 0 : i32
    %dma_wait3A_237 = arith.constant 0 : i32
    %dma_wait3A_238 = tpu.memref_slice %arg9[%dma_wait3A_233, %dma_wait3A_236, %dma_wait3A_237] : memref<5x80x16xf32, #tpu.memory_space<vmem>> -> memref<1x80x16xf32, #tpu.memory_space<vmem>>
    %dma_wait3A_239 = tpu.memref_squeeze %dma_wait3A_238 : memref<1x80x16xf32, #tpu.memory_space<vmem>> -> memref<80x16xf32, #tpu.memory_space<vmem>>
    %dma_wait3A_240 = arith.constant 0 : i32
    %dma_wait3A_241 = tpu.memref_slice %arg8[%dma_wait3A_234, %dma_wait3A_240] : memref<125x80xi32, #tpu.memory_space<vmem>> -> memref<1x80xi32, #tpu.memory_space<vmem>>
    %dma_wait3A_242 = tpu.memref_squeeze %dma_wait3A_241 : memref<1x80xi32, #tpu.memory_space<vmem>> -> memref<80xi32, #tpu.memory_space<vmem>>
    %dma_wait3A_243 = arith.constant 0 : i32
    %dma_wait3A_244 = arith.constant 0 : i32
    %dma_wait3A_245 = tpu.memref_slice %arg6[%dma_wait3A_243, %dma_wait3A_244] : memref<10000x16xf32, #tpu.memory_space<vmem_shared>> -> memref<10000x16xf32, #tpu.memory_space<vmem_shared>>
    %dma_wait3A_246 = tpu.memref_slice %arg11[%dma_wait3A_235] : memref<5x!tpu.dma_semaphore, #tpu.memory_space<semaphore_mem>> -> memref<1x!tpu.dma_semaphore, #tpu.memory_space<semaphore_mem>>
    %dma_wait3A_247 = tpu.memref_squeeze %dma_wait3A_246 : memref<1x!tpu.dma_semaphore, #tpu.memory_space<semaphore_mem>> -> memref<!tpu.dma_semaphore, #tpu.memory_space<semaphore_mem>>
    tpu.wait_indirect_dma semaphore(%dma_wait3A_247 : memref<!tpu.dma_semaphore, #tpu.memory_space<semaphore_mem>>) src(%dma_wait3A_239 : memref<80x16xf32, #tpu.memory_space<vmem>>) dst(%dma_wait3A_245 : memref<10000x16xf32, #tpu.memory_space<vmem_shared>>)
    %dma_wait3A_248 = arith.constant 1 : i32
    %dma_wait3A_249 = arith.constant 121 : i32
    %dma_wait3A_250 = arith.constant 1 : i32
    %dma_wait3A_251 = arith.constant 0 : i32
    %dma_wait3A_252 = arith.constant 0 : i32
    %dma_wait3A_253 = tpu.memref_slice %arg9[%dma_wait3A_248, %dma_wait3A_251, %dma_wait3A_252] : memref<5x80x16xf32, #tpu.memory_space<vmem>> -> memref<1x80x16xf32, #tpu.memory_space<vmem>>
    %dma_wait3A_254 = tpu.memref_squeeze %dma_wait3A_253 : memref<1x80x16xf32, #tpu.memory_space<vmem>> -> memref<80x16xf32, #tpu.memory_space<vmem>>
    %dma_wait3A_255 = arith.constant 0 : i32
    %dma_wait3A_256 = tpu.memref_slice %arg8[%dma_wait3A_249, %dma_wait3A_255] : memref<125x80xi32, #tpu.memory_space<vmem>> -> memref<1x80xi32, #tpu.memory_space<vmem>>
    %dma_wait3A_257 = tpu.memref_squeeze %dma_wait3A_256 : memref<1x80xi32, #tpu.memory_space<vmem>> -> memref<80xi32, #tpu.memory_space<vmem>>
    %dma_wait3A_258 = arith.constant 0 : i32
    %dma_wait3A_259 = arith.constant 0 : i32
    %dma_wait3A_260 = tpu.memref_slice %arg6[%dma_wait3A_258, %dma_wait3A_259] : memref<10000x16xf32, #tpu.memory_space<vmem_shared>> -> memref<10000x16xf32, #tpu.memory_space<vmem_shared>>
    %dma_wait3A_261 = tpu.memref_slice %arg11[%dma_wait3A_250] : memref<5x!tpu.dma_semaphore, #tpu.memory_space<semaphore_mem>> -> memref<1x!tpu.dma_semaphore, #tpu.memory_space<semaphore_mem>>
    %dma_wait3A_262 = tpu.memref_squeeze %dma_wait3A_261 : memref<1x!tpu.dma_semaphore, #tpu.memory_space<semaphore_mem>> -> memref<!tpu.dma_semaphore, #tpu.memory_space<semaphore_mem>>
    tpu.wait_indirect_dma semaphore(%dma_wait3A_262 : memref<!tpu.dma_semaphore, #tpu.memory_space<semaphore_mem>>) src(%dma_wait3A_254 : memref<80x16xf32, #tpu.memory_space<vmem>>) dst(%dma_wait3A_260 : memref<10000x16xf32, #tpu.memory_space<vmem_shared>>)
    %dma_wait3A_263 = arith.constant 2 : i32
    %dma_wait3A_264 = arith.constant 122 : i32
    %dma_wait3A_265 = arith.constant 2 : i32
    %dma_wait3A_266 = arith.constant 0 : i32
    %dma_wait3A_267 = arith.constant 0 : i32
    %dma_wait3A_268 = tpu.memref_slice %arg9[%dma_wait3A_263, %dma_wait3A_266, %dma_wait3A_267] : memref<5x80x16xf32, #tpu.memory_space<vmem>> -> memref<1x80x16xf32, #tpu.memory_space<vmem>>
    %dma_wait3A_269 = tpu.memref_squeeze %dma_wait3A_268 : memref<1x80x16xf32, #tpu.memory_space<vmem>> -> memref<80x16xf32, #tpu.memory_space<vmem>>
    %dma_wait3A_270 = arith.constant 0 : i32
    %dma_wait3A_271 = tpu.memref_slice %arg8[%dma_wait3A_264, %dma_wait3A_270] : memref<125x80xi32, #tpu.memory_space<vmem>> -> memref<1x80xi32, #tpu.memory_space<vmem>>
    %dma_wait3A_272 = tpu.memref_squeeze %dma_wait3A_271 : memref<1x80xi32, #tpu.memory_space<vmem>> -> memref<80xi32, #tpu.memory_space<vmem>>
    %dma_wait3A_273 = arith.constant 0 : i32
    %dma_wait3A_274 = arith.constant 0 : i32
    %dma_wait3A_275 = tpu.memref_slice %arg6[%dma_wait3A_273, %dma_wait3A_274] : memref<10000x16xf32, #tpu.memory_space<vmem_shared>> -> memref<10000x16xf32, #tpu.memory_space<vmem_shared>>
    %dma_wait3A_276 = tpu.memref_slice %arg11[%dma_wait3A_265] : memref<5x!tpu.dma_semaphore, #tpu.memory_space<semaphore_mem>> -> memref<1x!tpu.dma_semaphore, #tpu.memory_space<semaphore_mem>>
    %dma_wait3A_277 = tpu.memref_squeeze %dma_wait3A_276 : memref<1x!tpu.dma_semaphore, #tpu.memory_space<semaphore_mem>> -> memref<!tpu.dma_semaphore, #tpu.memory_space<semaphore_mem>>
    tpu.wait_indirect_dma semaphore(%dma_wait3A_277 : memref<!tpu.dma_semaphore, #tpu.memory_space<semaphore_mem>>) src(%dma_wait3A_269 : memref<80x16xf32, #tpu.memory_space<vmem>>) dst(%dma_wait3A_275 : memref<10000x16xf32, #tpu.memory_space<vmem_shared>>)
    %dma_wait3A_278 = arith.constant 3 : i32
    %dma_wait3A_279 = arith.constant 123 : i32
    %dma_wait3A_280 = arith.constant 3 : i32
    %dma_wait3A_281 = arith.constant 0 : i32
    %dma_wait3A_282 = arith.constant 0 : i32
    %dma_wait3A_283 = tpu.memref_slice %arg9[%dma_wait3A_278, %dma_wait3A_281, %dma_wait3A_282] : memref<5x80x16xf32, #tpu.memory_space<vmem>> -> memref<1x80x16xf32, #tpu.memory_space<vmem>>
    %dma_wait3A_284 = tpu.memref_squeeze %dma_wait3A_283 : memref<1x80x16xf32, #tpu.memory_space<vmem>> -> memref<80x16xf32, #tpu.memory_space<vmem>>
    %dma_wait3A_285 = arith.constant 0 : i32
    %dma_wait3A_286 = tpu.memref_slice %arg8[%dma_wait3A_279, %dma_wait3A_285] : memref<125x80xi32, #tpu.memory_space<vmem>> -> memref<1x80xi32, #tpu.memory_space<vmem>>
    %dma_wait3A_287 = tpu.memref_squeeze %dma_wait3A_286 : memref<1x80xi32, #tpu.memory_space<vmem>> -> memref<80xi32, #tpu.memory_space<vmem>>
    %dma_wait3A_288 = arith.constant 0 : i32
    %dma_wait3A_289 = arith.constant 0 : i32
    %dma_wait3A_290 = tpu.memref_slice %arg6[%dma_wait3A_288, %dma_wait3A_289] : memref<10000x16xf32, #tpu.memory_space<vmem_shared>> -> memref<10000x16xf32, #tpu.memory_space<vmem_shared>>
    %dma_wait3A_291 = tpu.memref_slice %arg11[%dma_wait3A_280] : memref<5x!tpu.dma_semaphore, #tpu.memory_space<semaphore_mem>> -> memref<1x!tpu.dma_semaphore, #tpu.memory_space<semaphore_mem>>
    %dma_wait3A_292 = tpu.memref_squeeze %dma_wait3A_291 : memref<1x!tpu.dma_semaphore, #tpu.memory_space<semaphore_mem>> -> memref<!tpu.dma_semaphore, #tpu.memory_space<semaphore_mem>>
    tpu.wait_indirect_dma semaphore(%dma_wait3A_292 : memref<!tpu.dma_semaphore, #tpu.memory_space<semaphore_mem>>) src(%dma_wait3A_284 : memref<80x16xf32, #tpu.memory_space<vmem>>) dst(%dma_wait3A_290 : memref<10000x16xf32, #tpu.memory_space<vmem_shared>>)
    %dma_wait3A_293 = arith.constant 4 : i32
    %dma_wait3A_294 = arith.constant 124 : i32
    %dma_wait3A_295 = arith.constant 4 : i32
    %dma_wait3A_296 = arith.constant 0 : i32
    %dma_wait3A_297 = arith.constant 0 : i32
    %dma_wait3A_298 = tpu.memref_slice %arg9[%dma_wait3A_293, %dma_wait3A_296, %dma_wait3A_297] : memref<5x80x16xf32, #tpu.memory_space<vmem>> -> memref<1x80x16xf32, #tpu.memory_space<vmem>>
    %dma_wait3A_299 = tpu.memref_squeeze %dma_wait3A_298 : memref<1x80x16xf32, #tpu.memory_space<vmem>> -> memref<80x16xf32, #tpu.memory_space<vmem>>
    %dma_wait3A_300 = arith.constant 0 : i32
    %dma_wait3A_301 = tpu.memref_slice %arg8[%dma_wait3A_294, %dma_wait3A_300] : memref<125x80xi32, #tpu.memory_space<vmem>> -> memref<1x80xi32, #tpu.memory_space<vmem>>
    %dma_wait3A_302 = tpu.memref_squeeze %dma_wait3A_301 : memref<1x80xi32, #tpu.memory_space<vmem>> -> memref<80xi32, #tpu.memory_space<vmem>>
    %dma_wait3A_303 = arith.constant 0 : i32
    %dma_wait3A_304 = arith.constant 0 : i32
    %dma_wait3A_305 = tpu.memref_slice %arg6[%dma_wait3A_303, %dma_wait3A_304] : memref<10000x16xf32, #tpu.memory_space<vmem_shared>> -> memref<10000x16xf32, #tpu.memory_space<vmem_shared>>
    %dma_wait3A_306 = tpu.memref_slice %arg11[%dma_wait3A_295] : memref<5x!tpu.dma_semaphore, #tpu.memory_space<semaphore_mem>> -> memref<1x!tpu.dma_semaphore, #tpu.memory_space<semaphore_mem>>
    %dma_wait3A_307 = tpu.memref_squeeze %dma_wait3A_306 : memref<1x!tpu.dma_semaphore, #tpu.memory_space<semaphore_mem>> -> memref<!tpu.dma_semaphore, #tpu.memory_space<semaphore_mem>>
    tpu.wait_indirect_dma semaphore(%dma_wait3A_307 : memref<!tpu.dma_semaphore, #tpu.memory_space<semaphore_mem>>) src(%dma_wait3A_299 : memref<80x16xf32, #tpu.memory_space<vmem>>) dst(%dma_wait3A_305 : memref<10000x16xf32, #tpu.memory_space<vmem_shared>>)
    %barrier3A_308 = arith.constant 0 : index
    tpu.barrier barrier_id(%barrier3A_308)
    "tpu.region"() ({
      %run_scoped3A = tpu.sem_alloc : memref<!tpu.dma_semaphore, #tpu.memory_space<semaphore_mem>>
      %dma_start3A_314 = arith.constant 0 : i32
      %dma_start3A_315 = tpu.memref_slice %arg5[%arg0, %mul3A_2, %dma_start3A_314] : memref<2x10000x16xf32, #tpu.memory_space<hbm>> -> memref<1x624x16xf32, #tpu.memory_space<hbm>>
      %dma_start3A_316 = tpu.memref_squeeze %dma_start3A_315 : memref<1x624x16xf32, #tpu.memory_space<hbm>> -> memref<624x16xf32, #tpu.memory_space<hbm>>
      %dma_start3A_317 = arith.constant 0 : i32
      %dma_start3A_318 = tpu.memref_slice %arg6[%mul3A_2, %dma_start3A_317] : memref<10000x16xf32, #tpu.memory_space<vmem_shared>> -> memref<624x16xf32, #tpu.memory_space<vmem_shared>>
      tpu.enqueue_dma source(%dma_start3A_318 : memref<624x16xf32, #tpu.memory_space<vmem_shared>>) target(%dma_start3A_316 : memref<624x16xf32, #tpu.memory_space<hbm>>) target_semaphore(%run_scoped3A : memref<!tpu.dma_semaphore, #tpu.memory_space<semaphore_mem>>)
      %dma_wait3A_319 = arith.constant 0 : i32
      %dma_wait3A_320 = tpu.memref_slice %arg5[%arg0, %mul3A_2, %dma_wait3A_319] : memref<2x10000x16xf32, #tpu.memory_space<hbm>> -> memref<1x624x16xf32, #tpu.memory_space<hbm>>
      %dma_wait3A_321 = tpu.memref_squeeze %dma_wait3A_320 : memref<1x624x16xf32, #tpu.memory_space<hbm>> -> memref<624x16xf32, #tpu.memory_space<hbm>>
      %dma_wait3A_322 = arith.constant 0 : i32
      %dma_wait3A_323 = tpu.memref_slice %arg6[%mul3A_2, %dma_wait3A_322] : memref<10000x16xf32, #tpu.memory_space<vmem_shared>> -> memref<624x16xf32, #tpu.memory_space<vmem_shared>>
      tpu.wait_dma2 semaphore(%run_scoped3A : memref<!tpu.dma_semaphore, #tpu.memory_space<semaphore_mem>>) src(%dma_wait3A_323 : memref<624x16xf32, #tpu.memory_space<vmem_shared>>) dst(%dma_wait3A_321 : memref<624x16xf32, #tpu.memory_space<hbm>>)
      tpu.yield
    }) : () -> ()
    %eq3A_309 = arith.constant 0 : i32
    %eq3A_310 = arith.cmpi eq, %arg1, %eq3A_309 : i32
    %convert_element_type3A_311 = arith.extui %eq3A_310 : i1 to i32
    %cond3A_312 = arith.constant 0 : i32
    %cond3A_313 = arith.cmpi ne, %convert_element_type3A_311, %cond3A_312 : i32
    scf.if %cond3A_313 {
      "tpu.region"() ({
        %run_scoped3A = tpu.sem_alloc : memref<!tpu.dma_semaphore, #tpu.memory_space<semaphore_mem>>
        %dma_start3A_314 = arith.constant 9984 : i32
        %dma_start3A_315 = arith.constant 0 : i32
        %dma_start3A_316 = tpu.memref_slice %arg5[%arg0, %dma_start3A_314, %dma_start3A_315] : memref<2x10000x16xf32, #tpu.memory_space<hbm>> -> memref<1x16x16xf32, #tpu.memory_space<hbm>>
        %dma_start3A_317 = tpu.memref_squeeze %dma_start3A_316 : memref<1x16x16xf32, #tpu.memory_space<hbm>> -> memref<16x16xf32, #tpu.memory_space<hbm>>
        %dma_start3A_318 = arith.constant 9984 : i32
        %dma_start3A_319 = arith.constant 0 : i32
        %dma_start3A_320 = tpu.memref_slice %arg6[%dma_start3A_318, %dma_start3A_319] : memref<10000x16xf32, #tpu.memory_space<vmem_shared>> -> memref<16x16xf32, #tpu.memory_space<vmem_shared>>
        tpu.enqueue_dma source(%dma_start3A_320 : memref<16x16xf32, #tpu.memory_space<vmem_shared>>) target(%dma_start3A_317 : memref<16x16xf32, #tpu.memory_space<hbm>>) target_semaphore(%run_scoped3A : memref<!tpu.dma_semaphore, #tpu.memory_space<semaphore_mem>>)
        %dma_wait3A_321 = arith.constant 9984 : i32
        %dma_wait3A_322 = arith.constant 0 : i32
        %dma_wait3A_323 = tpu.memref_slice %arg5[%arg0, %dma_wait3A_321, %dma_wait3A_322] : memref<2x10000x16xf32, #tpu.memory_space<hbm>> -> memref<1x16x16xf32, #tpu.memory_space<hbm>>
        %dma_wait3A_324 = tpu.memref_squeeze %dma_wait3A_323 : memref<1x16x16xf32, #tpu.memory_space<hbm>> -> memref<16x16xf32, #tpu.memory_space<hbm>>
        %dma_wait3A_325 = arith.constant 9984 : i32
        %dma_wait3A_326 = arith.constant 0 : i32
        %dma_wait3A_327 = tpu.memref_slice %arg6[%dma_wait3A_325, %dma_wait3A_326] : memref<10000x16xf32, #tpu.memory_space<vmem_shared>> -> memref<16x16xf32, #tpu.memory_space<vmem_shared>>
        tpu.wait_dma2 semaphore(%run_scoped3A : memref<!tpu.dma_semaphore, #tpu.memory_space<semaphore_mem>>) src(%dma_wait3A_327 : memref<16x16xf32, #tpu.memory_space<vmem_shared>>) dst(%dma_wait3A_324 : memref<16x16xf32, #tpu.memory_space<hbm>>)
        tpu.yield
      }) : () -> ()
    } else {
    }
    return
  }
}

module attributes {stable_mosaic.version = 14 : i64} {
  func.func @body(%arg0: i32, %arg1: memref<1000x128xf32, #tpu.memory_space<vmem>>, %arg2: memref<128x64xf32, #tpu.memory_space<vmem>>, %arg3: memref<1000x64xf32, #tpu.memory_space<vmem>>) attributes {dimension_semantics = [#tpu.dimension_semantics<arbitrary>], iteration_bounds = array<i64: 10>, scalar_prefetch = 0 : i64, scratch_operands = 0 : i64, tpu.core_type = #tpu.core_type<tc>, window_params = [{transform_indices = @transform_0, window_bounds = array<i64: 1000, 128>}, {pipeline_mode = #tpu.pipeline_mode<synchronous>, transform_indices = @transform_1, window_bounds = array<i64: 128, 64>}, {transform_indices = @transform_2, window_bounds = array<i64: 1000, 64>}]} {
    %get3A = arith.constant 0 : index
    %get3A_0 = arith.constant 0 : index
    %get3A_1 = vector.load %arg1[%get3A, %get3A_0] : memref<1000x128xf32, #tpu.memory_space<vmem>>, vector<1000x128xf32>
    %get3A_2 = arith.constant 0 : index
    %get3A_3 = arith.constant 0 : index
    %get3A_4 = vector.load %arg2[%get3A_2, %get3A_3] : memref<128x64xf32, #tpu.memory_space<vmem>>, vector<128x64xf32>
    %dot_general3A = arith.constant dense<0.000000e+00> : vector<1000x64xf32>
    %dot_general3A_5 = tpu.matmul %get3A_1, %get3A_4, %dot_general3A {dimension_numbers = #tpu.dot_dimension_numbers<[1], [0], [0], [1], [0, 0, 1, 1], [], []>, transpose_lhs_hint = false} : vector<1000x128xf32>, vector<128x64xf32>, vector<1000x64xf32> -> vector<1000x64xf32>
    %swap3A = arith.constant 0 : index
    %swap3A_6 = arith.constant 0 : index
    %swap3A_7 = vector.load %arg3[%swap3A, %swap3A_6] : memref<1000x64xf32, #tpu.memory_space<vmem>>, vector<1000x64xf32>
    tpu.vector_store %arg3[%swap3A, %swap3A_6], %dot_general3A_5 {strides = array<i32>} : memref<1000x64xf32, #tpu.memory_space<vmem>>, vector<1000x64xf32>,
    return
  }
  func.func @transform_0(%arg0: i32) -> (i32, i32) {
    %c0_i32 = arith.constant 0 : i32
    %c0_i32_0 = arith.constant 0 : i32
    return %arg0, %c0_i32 : i32, i32
  }
  func.func @transform_1(%arg0: i32) -> (i32, i32) {
    %c0_i32 = arith.constant 0 : i32
    %c0_i32_0 = arith.constant 0 : i32
    %c0_i32_1 = arith.constant 0 : i32
    return %c0_i32, %c0_i32_0 : i32, i32
  }
  func.func @transform_2(%arg0: i32) -> (i32, i32) {
    %c0_i32 = arith.constant 0 : i32
    %c0_i32_0 = arith.constant 0 : i32
    return %arg0, %c0_i32 : i32, i32
  }
}

module attributes {stable_mosaic.version = 14 : i64} {
  func.func @body(%arg0: i32, %arg1: memref<2x1000x16xf32, #tpu.memory_space<vmem>>, %arg2: memref<1000x64xf32, #tpu.memory_space<vmem>>, %arg3: memref<1000x64xf32, #tpu.memory_space<vmem>>, %arg4: memref<1000x1xf32, #tpu.memory_space<vmem>>) attributes {dimension_semantics = [#tpu.dimension_semantics<arbitrary>], iteration_bounds = array<i64: 10>, scalar_prefetch = 0 : i64, scratch_operands = 0 : i64, tpu.core_type = #tpu.core_type<tc>, window_params = [{transform_indices = @transform_0, window_bounds = array<i64: 2, 1000, 16>}, {transform_indices = @transform_1, window_bounds = array<i64: 1000, 64>}, {transform_indices = @transform_2, window_bounds = array<i64: 1000, 64>}, {transform_indices = @transform_3, window_bounds = array<i64: 1000, 1>}]} {
    %get3A = arith.constant 0 : index
    %get3A_0 = arith.constant 0 : index
    %get3A_1 = arith.constant 0 : index
    %get3A_2 = vector.load %arg1[%get3A, %get3A_0, %get3A_1] : memref<2x1000x16xf32, #tpu.memory_space<vmem>>, vector<1x1000x1xf32>
    %get3A_3 = vector.shape_cast %get3A_2 : vector<1x1000x1xf32> to vector<1000x1xf32>
    %get3A_4 = arith.constant 1 : index
    %get3A_5 = arith.constant 0 : index
    %get3A_6 = arith.constant 0 : index
    %get3A_7 = vector.load %arg1[%get3A_4, %get3A_5, %get3A_6] : memref<2x1000x16xf32, #tpu.memory_space<vmem>>, vector<1x1000x1xf32>
    %get3A_8 = vector.shape_cast %get3A_7 : vector<1x1000x1xf32> to vector<1000x1xf32>
    %add3A = arith.addf %get3A_3, %get3A_8 : vector<1000x1xf32>
    %sub3A = arith.constant 1.000000e+00 : f32
    %sub3A_9 = vector.broadcast %sub3A : f32 to vector<1000x1xf32>
    %sub3A_10 = arith.subf %add3A, %sub3A_9 : vector<1000x1xf32>
    %rsqrt3A = math.rsqrt %sub3A_10 : vector<1000x1xf32>
    %get3A_11 = arith.constant 0 : index
    %get3A_12 = arith.constant 0 : index
    %get3A_13 = vector.load %arg2[%get3A_11, %get3A_12] : memref<1000x64xf32, #tpu.memory_space<vmem>>, vector<1000x64xf32>
    %mul3A = vector.broadcast %rsqrt3A : vector<1000x1xf32> to vector<1000x64xf32>
    %mul3A_14 = arith.mulf %get3A_13, %mul3A : vector<1000x64xf32>
    %swap3A = arith.constant 0 : index
    %swap3A_15 = arith.constant 0 : index
    %swap3A_16 = vector.load %arg3[%swap3A, %swap3A_15] : memref<1000x64xf32, #tpu.memory_space<vmem>>, vector<1000x64xf32>
    tpu.vector_store %arg3[%swap3A, %swap3A_15], %mul3A_14 {strides = array<i32>} : memref<1000x64xf32, #tpu.memory_space<vmem>>, vector<1000x64xf32>,
    %swap3A_17 = arith.constant 0 : index
    %swap3A_18 = arith.constant 0 : index
    %swap3A_19 = vector.load %arg4[%swap3A_17, %swap3A_18] : memref<1000x1xf32, #tpu.memory_space<vmem>>, vector<1000x1xf32>
    tpu.vector_store %arg4[%swap3A_17, %swap3A_18], %rsqrt3A {strides = array<i32>} : memref<1000x1xf32, #tpu.memory_space<vmem>>, vector<1000x1xf32>,
    return
  }
  func.func @transform_0(%arg0: i32) -> (i32, i32, i32) {
    %c0_i32 = arith.constant 0 : i32
    %c0_i32_0 = arith.constant 0 : i32
    %c0_i32_1 = arith.constant 0 : i32
    return %c0_i32, %arg0, %c0_i32_0 : i32, i32, i32
  }
  func.func @transform_1(%arg0: i32) -> (i32, i32) {
    %c0_i32 = arith.constant 0 : i32
    %c0_i32_0 = arith.constant 0 : i32
    return %arg0, %c0_i32 : i32, i32
  }
  func.func @transform_2(%arg0: i32) -> (i32, i32) {
    %c0_i32 = arith.constant 0 : i32
    %c0_i32_0 = arith.constant 0 : i32
    return %arg0, %c0_i32 : i32, i32
  }
  func.func @transform_3(%arg0: i32) -> (i32, i32) {
    %c0_i32 = arith.constant 0 : i32
    %c0_i32_0 = arith.constant 0 : i32
    return %arg0, %c0_i32 : i32, i32
  }
}

module attributes {stable_mosaic.version = 14 : i64} {
  func.func @body(%arg0: i32, %arg1: memref<2x1000x64xf32, #tpu.memory_space<vmem>>, %arg2: memref<1000x64xf32, #tpu.memory_space<vmem>>, %arg3: memref<1000x1xf32, #tpu.memory_space<vmem>>, %arg4: memref<64x64xf32, #tpu.memory_space<vmem>>, %arg5: memref<1x64xf32, #tpu.memory_space<vmem>>, %arg6: memref<1000x64xf32, #tpu.memory_space<vmem>>) attributes {dimension_semantics = [#tpu.dimension_semantics<arbitrary>], iteration_bounds = array<i64: 10>, scalar_prefetch = 0 : i64, scratch_operands = 0 : i64, tpu.core_type = #tpu.core_type<tc>, window_params = [{transform_indices = @transform_0, window_bounds = array<i64: 2, 1000, 64>}, {transform_indices = @transform_1, window_bounds = array<i64: 1000, 64>}, {transform_indices = @transform_2, window_bounds = array<i64: 1000, 1>}, {pipeline_mode = #tpu.pipeline_mode<synchronous>, transform_indices = @transform_3, window_bounds = array<i64: 64, 64>}, {pipeline_mode = #tpu.pipeline_mode<synchronous>, transform_indices = @transform_4, window_bounds = array<i64: 1, 64>}, {transform_indices = @transform_5, window_bounds = array<i64: 1000, 64>}]} {
    %get3A = arith.constant 0 : index
    %get3A_0 = arith.constant 0 : index
    %get3A_1 = arith.constant 0 : index
    %get3A_2 = vector.load %arg1[%get3A, %get3A_0, %get3A_1] : memref<2x1000x64xf32, #tpu.memory_space<vmem>>, vector<1x1000x64xf32>
    %get3A_3 = vector.shape_cast %get3A_2 : vector<1x1000x64xf32> to vector<1000x64xf32>
    %get3A_4 = arith.constant 1 : index
    %get3A_5 = arith.constant 0 : index
    %get3A_6 = arith.constant 0 : index
    %get3A_7 = vector.load %arg1[%get3A_4, %get3A_5, %get3A_6] : memref<2x1000x64xf32, #tpu.memory_space<vmem>>, vector<1x1000x64xf32>
    %get3A_8 = vector.shape_cast %get3A_7 : vector<1x1000x64xf32> to vector<1000x64xf32>
    %add3A = arith.addf %get3A_3, %get3A_8 : vector<1000x64xf32>
    %get3A_9 = arith.constant 0 : index
    %get3A_10 = arith.constant 0 : index
    %get3A_11 = vector.load %arg2[%get3A_9, %get3A_10] : memref<1000x64xf32, #tpu.memory_space<vmem>>, vector<1000x64xf32>
    %sub3A = arith.subf %add3A, %get3A_11 : vector<1000x64xf32>
    %get3A_12 = arith.constant 0 : index
    %get3A_13 = arith.constant 0 : index
    %get3A_14 = vector.load %arg3[%get3A_12, %get3A_13] : memref<1000x1xf32, #tpu.memory_space<vmem>>, vector<1000x1xf32>
    %mul3A = vector.broadcast %get3A_14 : vector<1000x1xf32> to vector<1000x64xf32>
    %mul3A_15 = arith.mulf %sub3A, %mul3A : vector<1000x64xf32>
    %get3A_16 = arith.constant 0 : index
    %get3A_17 = arith.constant 0 : index
    %get3A_18 = vector.load %arg5[%get3A_16, %get3A_17] : memref<1x64xf32, #tpu.memory_space<vmem>>, vector<1x64xf32>
    %add3A_19 = vector.broadcast %get3A_18 : vector<1x64xf32> to vector<1000x64xf32>
    %add3A_20 = arith.addf %mul3A_15, %add3A_19 : vector<1000x64xf32>
    %max3A = arith.constant 0.000000e+00 : f32
    %max3A_21 = vector.broadcast %max3A : f32 to vector<1000x64xf32>
    %max3A_22 = arith.maximumf %add3A_20, %max3A_21 : vector<1000x64xf32>
    %get3A_23 = arith.constant 0 : index
    %get3A_24 = arith.constant 0 : index
    %get3A_25 = vector.load %arg4[%get3A_23, %get3A_24] : memref<64x64xf32, #tpu.memory_space<vmem>>, vector<64x64xf32>
    %dot_general3A = arith.constant dense<0.000000e+00> : vector<1000x64xf32>
    %dot_general3A_26 = tpu.matmul %max3A_22, %get3A_25, %dot_general3A {dimension_numbers = #tpu.dot_dimension_numbers<[1], [0], [0], [1], [0, 0, 1, 1], [], []>, transpose_lhs_hint = false} : vector<1000x64xf32>, vector<64x64xf32>, vector<1000x64xf32> -> vector<1000x64xf32>
    %get3A_27 = arith.constant 0 : index
    %get3A_28 = arith.constant 0 : index
    %get3A_29 = vector.load %arg3[%get3A_27, %get3A_28] : memref<1000x1xf32, #tpu.memory_space<vmem>>, vector<1000x1xf32>
    %mul3A_30 = vector.broadcast %get3A_29 : vector<1000x1xf32> to vector<1000x64xf32>
    %mul3A_31 = arith.mulf %dot_general3A_26, %mul3A_30 : vector<1000x64xf32>
    %swap3A = arith.constant 0 : index
    %swap3A_32 = arith.constant 0 : index
    %swap3A_33 = vector.load %arg6[%swap3A, %swap3A_32] : memref<1000x64xf32, #tpu.memory_space<vmem>>, vector<1000x64xf32>
    tpu.vector_store %arg6[%swap3A, %swap3A_32], %mul3A_31 {strides = array<i32>} : memref<1000x64xf32, #tpu.memory_space<vmem>>, vector<1000x64xf32>,
    return
  }
  func.func @transform_0(%arg0: i32) -> (i32, i32, i32) {
    %c0_i32 = arith.constant 0 : i32
    %c0_i32_0 = arith.constant 0 : i32
    %c0_i32_1 = arith.constant 0 : i32
    return %c0_i32, %arg0, %c0_i32_0 : i32, i32, i32
  }
  func.func @transform_1(%arg0: i32) -> (i32, i32) {
    %c0_i32 = arith.constant 0 : i32
    %c0_i32_0 = arith.constant 0 : i32
    return %arg0, %c0_i32 : i32, i32
  }
  func.func @transform_2(%arg0: i32) -> (i32, i32) {
    %c0_i32 = arith.constant 0 : i32
    %c0_i32_0 = arith.constant 0 : i32
    return %arg0, %c0_i32 : i32, i32
  }
  func.func @transform_3(%arg0: i32) -> (i32, i32) {
    %c0_i32 = arith.constant 0 : i32
    %c0_i32_0 = arith.constant 0 : i32
    %c0_i32_1 = arith.constant 0 : i32
    return %c0_i32, %c0_i32_0 : i32, i32
  }
  func.func @transform_4(%arg0: i32) -> (i32, i32) {
    %c0_i32 = arith.constant 0 : i32
    %c0_i32_0 = arith.constant 0 : i32
    %c0_i32_1 = arith.constant 0 : i32
    return %c0_i32, %c0_i32_0 : i32, i32
  }
  func.func @transform_5(%arg0: i32) -> (i32, i32) {
    %c0_i32 = arith.constant 0 : i32
    %c0_i32_0 = arith.constant 0 : i32
    return %arg0, %c0_i32 : i32, i32
  }
}

module attributes {stable_mosaic.version = 14 : i64} {
  func.func @body(%arg0: i32, %arg1: memref<2x1000x64xf32, #tpu.memory_space<vmem>>, %arg2: memref<1000x64xf32, #tpu.memory_space<vmem>>, %arg3: memref<1000x1xf32, #tpu.memory_space<vmem>>, %arg4: memref<64x16xf32, #tpu.memory_space<vmem>>, %arg5: memref<1x64xf32, #tpu.memory_space<vmem>>, %arg6: memref<1000x16xf32, #tpu.memory_space<vmem>>) attributes {dimension_semantics = [#tpu.dimension_semantics<arbitrary>], iteration_bounds = array<i64: 10>, scalar_prefetch = 0 : i64, scratch_operands = 0 : i64, tpu.core_type = #tpu.core_type<tc>, window_params = [{transform_indices = @transform_0, window_bounds = array<i64: 2, 1000, 64>}, {transform_indices = @transform_1, window_bounds = array<i64: 1000, 64>}, {transform_indices = @transform_2, window_bounds = array<i64: 1000, 1>}, {pipeline_mode = #tpu.pipeline_mode<synchronous>, transform_indices = @transform_3, window_bounds = array<i64: 64, 16>}, {pipeline_mode = #tpu.pipeline_mode<synchronous>, transform_indices = @transform_4, window_bounds = array<i64: 1, 64>}, {transform_indices = @transform_5, window_bounds = array<i64: 1000, 16>}]} {
    %get3A = arith.constant 0 : index
    %get3A_0 = arith.constant 0 : index
    %get3A_1 = arith.constant 0 : index
    %get3A_2 = vector.load %arg1[%get3A, %get3A_0, %get3A_1] : memref<2x1000x64xf32, #tpu.memory_space<vmem>>, vector<1x1000x64xf32>
    %get3A_3 = vector.shape_cast %get3A_2 : vector<1x1000x64xf32> to vector<1000x64xf32>
    %get3A_4 = arith.constant 1 : index
    %get3A_5 = arith.constant 0 : index
    %get3A_6 = arith.constant 0 : index
    %get3A_7 = vector.load %arg1[%get3A_4, %get3A_5, %get3A_6] : memref<2x1000x64xf32, #tpu.memory_space<vmem>>, vector<1x1000x64xf32>
    %get3A_8 = vector.shape_cast %get3A_7 : vector<1x1000x64xf32> to vector<1000x64xf32>
    %add3A = arith.addf %get3A_3, %get3A_8 : vector<1000x64xf32>
    %get3A_9 = arith.constant 0 : index
    %get3A_10 = arith.constant 0 : index
    %get3A_11 = vector.load %arg2[%get3A_9, %get3A_10] : memref<1000x64xf32, #tpu.memory_space<vmem>>, vector<1000x64xf32>
    %sub3A = arith.subf %add3A, %get3A_11 : vector<1000x64xf32>
    %get3A_12 = arith.constant 0 : index
    %get3A_13 = arith.constant 0 : index
    %get3A_14 = vector.load %arg3[%get3A_12, %get3A_13] : memref<1000x1xf32, #tpu.memory_space<vmem>>, vector<1000x1xf32>
    %mul3A = vector.broadcast %get3A_14 : vector<1000x1xf32> to vector<1000x64xf32>
    %mul3A_15 = arith.mulf %sub3A, %mul3A : vector<1000x64xf32>
    %get3A_16 = arith.constant 0 : index
    %get3A_17 = arith.constant 0 : index
    %get3A_18 = vector.load %arg5[%get3A_16, %get3A_17] : memref<1x64xf32, #tpu.memory_space<vmem>>, vector<1x64xf32>
    %add3A_19 = vector.broadcast %get3A_18 : vector<1x64xf32> to vector<1000x64xf32>
    %add3A_20 = arith.addf %mul3A_15, %add3A_19 : vector<1000x64xf32>
    %max3A = arith.constant 0.000000e+00 : f32
    %max3A_21 = vector.broadcast %max3A : f32 to vector<1000x64xf32>
    %max3A_22 = arith.maximumf %add3A_20, %max3A_21 : vector<1000x64xf32>
    %get3A_23 = arith.constant 0 : index
    %get3A_24 = arith.constant 0 : index
    %get3A_25 = vector.load %arg4[%get3A_23, %get3A_24] : memref<64x16xf32, #tpu.memory_space<vmem>>, vector<64x16xf32>
    %dot_general3A = arith.constant dense<0.000000e+00> : vector<1000x16xf32>
    %dot_general3A_26 = tpu.matmul %max3A_22, %get3A_25, %dot_general3A {dimension_numbers = #tpu.dot_dimension_numbers<[1], [0], [0], [1], [0, 0, 1, 1], [], []>, transpose_lhs_hint = false} : vector<1000x64xf32>, vector<64x16xf32>, vector<1000x16xf32> -> vector<1000x16xf32>
    %get3A_27 = arith.constant 0 : index
    %get3A_28 = arith.constant 0 : index
    %get3A_29 = vector.load %arg3[%get3A_27, %get3A_28] : memref<1000x1xf32, #tpu.memory_space<vmem>>, vector<1000x1xf32>
    %mul3A_30 = vector.broadcast %get3A_29 : vector<1000x1xf32> to vector<1000x16xf32>
    %mul3A_31 = arith.mulf %dot_general3A_26, %mul3A_30 : vector<1000x16xf32>
    %swap3A = arith.constant 0 : index
    %swap3A_32 = arith.constant 0 : index
    %swap3A_33 = vector.load %arg6[%swap3A, %swap3A_32] : memref<1000x16xf32, #tpu.memory_space<vmem>>, vector<1000x16xf32>
    tpu.vector_store %arg6[%swap3A, %swap3A_32], %mul3A_31 {strides = array<i32>} : memref<1000x16xf32, #tpu.memory_space<vmem>>, vector<1000x16xf32>,
    return
  }
  func.func @transform_0(%arg0: i32) -> (i32, i32, i32) {
    %c0_i32 = arith.constant 0 : i32
    %c0_i32_0 = arith.constant 0 : i32
    %c0_i32_1 = arith.constant 0 : i32
    return %c0_i32, %arg0, %c0_i32_0 : i32, i32, i32
  }
  func.func @transform_1(%arg0: i32) -> (i32, i32) {
    %c0_i32 = arith.constant 0 : i32
    %c0_i32_0 = arith.constant 0 : i32
    return %arg0, %c0_i32 : i32, i32
  }
  func.func @transform_2(%arg0: i32) -> (i32, i32) {
    %c0_i32 = arith.constant 0 : i32
    %c0_i32_0 = arith.constant 0 : i32
    return %arg0, %c0_i32 : i32, i32
  }
  func.func @transform_3(%arg0: i32) -> (i32, i32) {
    %c0_i32 = arith.constant 0 : i32
    %c0_i32_0 = arith.constant 0 : i32
    %c0_i32_1 = arith.constant 0 : i32
    return %c0_i32, %c0_i32_0 : i32, i32
  }
  func.func @transform_4(%arg0: i32) -> (i32, i32) {
    %c0_i32 = arith.constant 0 : i32
    %c0_i32_0 = arith.constant 0 : i32
    %c0_i32_1 = arith.constant 0 : i32
    return %c0_i32, %c0_i32_0 : i32, i32
  }
  func.func @transform_5(%arg0: i32) -> (i32, i32) {
    %c0_i32 = arith.constant 0 : i32
    %c0_i32_0 = arith.constant 0 : i32
    return %arg0, %c0_i32 : i32, i32
  }
}

module attributes {stable_mosaic.version = 14 : i64} {
  func.func @body(%arg0: i32, %arg1: memref<2x1000x16xf32, #tpu.memory_space<vmem>>, %arg2: memref<1000x16xf32, #tpu.memory_space<vmem>>, %arg3: memref<1000x1xf32, #tpu.memory_space<vmem>>, %arg4: memref<1x1xf32, #tpu.memory_space<vmem>>, %arg5: memref<1000x1xf32, #tpu.memory_space<vmem>>) attributes {dimension_semantics = [#tpu.dimension_semantics<arbitrary>], iteration_bounds = array<i64: 10>, scalar_prefetch = 0 : i64, scratch_operands = 0 : i64, tpu.core_type = #tpu.core_type<tc>, window_params = [{transform_indices = @transform_0, window_bounds = array<i64: 2, 1000, 16>}, {transform_indices = @transform_1, window_bounds = array<i64: 1000, 16>}, {transform_indices = @transform_2, window_bounds = array<i64: 1000, 1>}, {pipeline_mode = #tpu.pipeline_mode<synchronous>, transform_indices = @transform_3, window_bounds = array<i64: 1, 1>}, {transform_indices = @transform_4, window_bounds = array<i64: 1000, 1>}]} {
    %get3A = arith.constant 0 : index
    %get3A_0 = arith.constant 0 : index
    %get3A_1 = arith.constant 0 : index
    %get3A_2 = vector.load %arg1[%get3A, %get3A_0, %get3A_1] : memref<2x1000x16xf32, #tpu.memory_space<vmem>>, vector<1x1000x16xf32>
    %get3A_3 = vector.shape_cast %get3A_2 : vector<1x1000x16xf32> to vector<1000x16xf32>
    %get3A_4 = arith.constant 1 : index
    %get3A_5 = arith.constant 0 : index
    %get3A_6 = arith.constant 0 : index
    %get3A_7 = vector.load %arg1[%get3A_4, %get3A_5, %get3A_6] : memref<2x1000x16xf32, #tpu.memory_space<vmem>>, vector<1x1000x16xf32>
    %get3A_8 = vector.shape_cast %get3A_7 : vector<1x1000x16xf32> to vector<1000x16xf32>
    %add3A = arith.addf %get3A_3, %get3A_8 : vector<1000x16xf32>
    %get3A_9 = arith.constant 0 : index
    %get3A_10 = arith.constant 0 : index
    %get3A_11 = vector.load %arg2[%get3A_9, %get3A_10] : memref<1000x16xf32, #tpu.memory_space<vmem>>, vector<1000x16xf32>
    %sub3A = arith.subf %add3A, %get3A_11 : vector<1000x16xf32>
    %slice3A = vector.extract_strided_slice %sub3A {offsets = [0, 0], sizes = [1000, 1], strides = [1, 1]} : vector<1000x16xf32> to vector<1000x1xf32>
    %get3A_12 = arith.constant 0 : index
    %get3A_13 = arith.constant 0 : index
    %get3A_14 = vector.load %arg3[%get3A_12, %get3A_13] : memref<1000x1xf32, #tpu.memory_space<vmem>>, vector<1000x1xf32>
    %mul3A = arith.mulf %slice3A, %get3A_14 : vector<1000x1xf32>
    %get3A_15 = arith.constant 0 : index
    %get3A_16 = arith.constant 0 : index
    %get3A_17 = vector.load %arg4[%get3A_15, %get3A_16] : memref<1x1xf32, #tpu.memory_space<vmem>>, vector<1x1xf32>
    %add3A_18 = vector.broadcast %get3A_17 : vector<1x1xf32> to vector<1000x1xf32>
    %add3A_19 = arith.addf %mul3A, %add3A_18 : vector<1000x1xf32>
    %swap3A = arith.constant 0 : index
    %swap3A_20 = arith.constant 0 : index
    %swap3A_21 = vector.load %arg5[%swap3A, %swap3A_20] : memref<1000x1xf32, #tpu.memory_space<vmem>>, vector<1000x1xf32>
    tpu.vector_store %arg5[%swap3A, %swap3A_20], %add3A_19 {strides = array<i32>} : memref<1000x1xf32, #tpu.memory_space<vmem>>, vector<1000x1xf32>,
    return
  }
  func.func @transform_0(%arg0: i32) -> (i32, i32, i32) {
    %c0_i32 = arith.constant 0 : i32
    %c0_i32_0 = arith.constant 0 : i32
    %c0_i32_1 = arith.constant 0 : i32
    return %c0_i32, %arg0, %c0_i32_0 : i32, i32, i32
  }
  func.func @transform_1(%arg0: i32) -> (i32, i32) {
    %c0_i32 = arith.constant 0 : i32
    %c0_i32_0 = arith.constant 0 : i32
    return %arg0, %c0_i32 : i32, i32
  }
  func.func @transform_2(%arg0: i32) -> (i32, i32) {
    %c0_i32 = arith.constant 0 : i32
    %c0_i32_0 = arith.constant 0 : i32
    return %arg0, %c0_i32 : i32, i32
  }
  func.func @transform_3(%arg0: i32) -> (i32, i32) {
    %c0_i32 = arith.constant 0 : i32
    %c0_i32_0 = arith.constant 0 : i32
    %c0_i32_1 = arith.constant 0 : i32
    return %c0_i32, %c0_i32_0 : i32, i32
  }
  func.func @transform_4(%arg0: i32) -> (i32, i32) {
    %c0_i32 = arith.constant 0 : i32
    %c0_i32_0 = arith.constant 0 : i32
    return %arg0, %c0_i32 : i32, i32
  }
}

</mosaic_0001>

<sc_bundles>
// kernel: closed_call.13.cloned.1.call-start
scs
__scs_entry_jumppad:
0x0: {  	(pc) =	sbr.rel $0x88, $3  }
0x1: {  	(tag) =	ssettag $0x0;
	lr =	simm.s32 $0x1  }
0x2: {  	[smem:$0x3F99] =	sst lr;
	_ =	strace $0xD0000000  }
0x3: {  	_ = 	snop  }
0x4: {  	_ = 	snop  }
0x5: {  	_ = 	snop  }
0x6: {  	_ = 	snop  }
0x7: {  	_ = 	snop  }
__scs_overlays_trampoline_lowered:
0x8: {  	[smem:$0x3FA8] =	sst s0  }
0x9: {  	[smem:$0x3FA9] =	sst s1  }
0xa: {  	[smem:$0x3FAA] =	sst s2  }
0xb: {  	[smem:$0x3FAB] =	sst s3  }
0xc: {  	[smem:$0x3FAC] =	sst s4  }
0xd: {  	[smem:$0x3FAD] =	sst s5  }
0xe: {  	[smem:$0x3FAE] =	sst s6  }
0xf: {  	[smem:$0x3FAF] =	sst s7  }
0x10: {  	[smem:$0x3FB0] =	sst s8  }
0x11: {  	[smem:$0x3FB1] =	sst s9;
	s0 =	simm.s32 @!p0 $0x0  }
0x12: {  	s1 =	sld [smem:$0x3F97];
	s0 =	simm.s32 @p0 $0x1  }
0x13: {  	[smem:$0x3FB2] =	sst s0;
	s0 =	simm.s32 @!p1 $0x0  }
0x14: {  	s2 =	sld [smem:$0x3F96];
	s0 =	simm.s32 @p1 $0x1  }
0x15: {  	[smem:$0x3FB3] =	sst s0;
	s0 =	simm.s32 @!p2 $0x0  }
0x16: {  	s3 =	sld [smem:$0x3FDB];
	s0 =	simm.s32 @p2 $0x1  }
0x17: {  	s4 =	simm.s32 $0x1BF5;
	[smem:$0x3FB5] =	sst s0  }
0x18: {  	s0 =	sld [smem:$0x3F98];
	_ =	swait.ge [sflag:s4], $0x0  }
0x19: {  	s7 =	sld [smem:$0x3F99]  }
0x1a: {  	s8 =	sadd.s32 $0xFFFFE003, lr  }
0x1b: {  	s9 =	sadd.s32 $0xFFFFFEF7, lr;
	s5 =	simm.s32 $0xFFFFFFFF;
	p2 =	slt.u32 s8, $0xFFFFF086  }
0x1c: {  	p1 =	slt.u32 s9, $0xF7A;
	s5 =	simm.s32 @!p2 $0x0  }
0x1d: {  	s5 =	simm.s32 @p1 $0x1;
	p0 =	seq.s32 s7, s2  }
0x1e: {  	s7 =	smul.u32 @!p0 $0xF7A, s2;
	p2 =	seq.s32 @!p0 s5, $0x0  }
0x1f: {  	s9 =	smul.u32 $0xF7A, s1;
	s8 =	simm.s32 @!p0 $0x1BF5;
	p2 =	por !p2, p0  }
0x20: {  	[sflag:s8] =	ssyncset.s32 @!p0 $0xFFFFF086;
	s6 =	sadd.s32 @!p0 s3, s7;
	s7 =	simm.s32 @!p0 $0x108  }
0x21: {  	s3 =	sadd.s32 s3, s9;
	s6 =	sadd.s32 @!p0 $0x88, s6;
	s7 =	simm.s32 @p2 $0x1082  }
0x22: {  	[simem:s7], [sflag:s8] =	dma.local @!p0 [hbm:s6], $0xF7A  }
0x23: {  	s9 =	sor.u32 $0xD0000000, s2;
	s6 =	simm.s32 $0x108;
	_ =	swait.ge @!p0 [sflag:s8], $0x0  }
0x24: {  	s3 =	sadd.s32 $0x88, s3;
	s6 =	simm.s32 @!p1 $0x1082;
	[sflag:s4] =	ssyncset.s32 $0xFFFFF086  }
0x25: {  	[simem:s6], [sflag:s4] =	dma.local [hbm:s3], $0xF7A  }
0x26: {  	[smem:$0x3F99] =	sst s1;
	(tag) =	ssettag s2;
	_ =	strace s9  }
0x27: {  	s1 =	sld [smem:$0x3FA9]  }
0x28: {  	s2 =	sld [smem:$0x3FAA]  }
0x29: {  	s4 =	sld [smem:$0x3FAC]  }
0x2a: {  	p0 =	seq.s32 s5, $0x0;
	s5 =	sld [smem:$0x3FAD]  }
0x2b: {  	s6 =	sld [smem:$0x3FAE]  }
0x2c: {  	s7 =	sld [smem:$0x3FAF]  }
0x2d: {  	s3 =	simm.s32 $0x108;
	s8 =	sld [smem:$0x3FB0]  }
0x2e: {  	s3 =	simm.s32 @!p0 $0x1082;
	s9 =	sld [smem:$0x3FB1]  }
0x2f: {  	lr =	sadd.s32 s0, s3;
	s0 =	sld [smem:$0x3FA8]  }
0x30: {  	s3 =	sld [smem:$0x3FAB]  }
0x31: {  	[smem:$0x3FB4] =	sst s10  }
0x32: {  	s10 =	sld [smem:$0x3FB2];
	_ =	sdelay $0x3  }
0x33: {  	p0 =	seq.s32 s10, $0x1;
	s10 =	sld [smem:$0x3FB4];
	_ =	sdelay $0x3  }
0x34: {  	[smem:$0x3FB4] =	sst s10  }
0x35: {  	s10 =	sld [smem:$0x3FB3];
	_ =	sdelay $0x3  }
0x36: {  	p1 =	seq.s32 s10, $0x1;
	s10 =	sld [smem:$0x3FB4];
	_ =	sdelay $0x3  }
0x37: {  	[smem:$0x3FB4] =	sst s10  }
0x38: {  	s10 =	sld [smem:$0x3FB5]  }
0x39: {  	_ = 	snop;
	(pc) =	sbr.ind lr, $3  }
0x3a: {  	_ = 	snop  }
0x3b: {  	_ = 	snop  }
0x3c: {  	p2 =	seq.s32 s10, $0x1;
	s10 =	sld [smem:$0x3FB4]  }
0x3d: {  	_ =	shalt  }
0x3e: {  	_ =	shalt  }
0x3f: {  	_ =	shalt  }
0x40: {  	_ =	shalt  }
0x41: {  	_ =	shalt  }
0x42: {  	_ =	shalt  }
0x43: {  	_ =	shalt  }
0x44: {  	_ =	shalt  }
0x45: {  	_ =	shalt  }
0x46: {  	_ =	shalt  }
0x47: {  	_ =	shalt  }
0x48: {  	_ =	shalt  }
0x49: {  	_ =	shalt  }
0x4a: {  	_ =	shalt  }
0x4b: {  	_ =	shalt  }
0x4c: {  	_ =	shalt  }
0x4d: {  	_ =	shalt  }
0x4e: {  	_ =	shalt  }
0x4f: {  	_ =	shalt  }
0x50: {  	_ =	shalt  }
0x51: {  	_ =	shalt  }
0x52: {  	_ =	shalt  }
0x53: {  	_ =	shalt  }
0x54: {  	_ =	shalt  }
0x55: {  	_ =	shalt  }
0x56: {  	_ =	shalt  }
0x57: {  	_ =	shalt  }
0x58: {  	_ =	shalt  }
0x59: {  	_ =	shalt  }
0x5a: {  	_ =	shalt  }
0x5b: {  	_ =	shalt  }
0x5c: {  	_ =	shalt  }
0x5d: {  	_ =	shalt  }
0x5e: {  	_ =	shalt  }
0x5f: {  	_ =	shalt  }
0x60: {  	_ =	shalt  }
0x61: {  	_ =	shalt  }
0x62: {  	_ =	shalt  }
0x63: {  	_ =	shalt  }
0x64: {  	_ =	shalt  }
0x65: {  	_ =	shalt  }
0x66: {  	_ =	shalt  }
0x67: {  	_ =	shalt  }
0x68: {  	_ =	shalt  }
0x69: {  	_ =	shalt  }
0x6a: {  	_ =	shalt  }
0x6b: {  	_ =	shalt  }
0x6c: {  	_ =	shalt  }
0x6d: {  	_ =	shalt  }
0x6e: {  	_ =	shalt  }
0x6f: {  	_ =	shalt  }
0x70: {  	_ =	shalt  }
0x71: {  	_ =	shalt  }
0x72: {  	_ =	shalt  }
0x73: {  	_ =	shalt  }
0x74: {  	_ =	shalt  }
0x75: {  	_ =	shalt  }
0x76: {  	_ =	shalt  }
0x77: {  	_ =	shalt  }
0x78: {  	_ =	shalt  }
0x79: {  	_ =	shalt  }
0x7a: {  	_ =	shalt  }
0x7b: {  	_ =	shalt  }
0x7c: {  	_ =	shalt  }
0x7d: {  	_ =	shalt  }
0x7e: {  	_ =	shalt  }
0x7f: {  	_ =	shalt  }
0x80: {  	_ =	shalt  }
0x81: {  	_ =	shalt  }
0x82: {  	_ =	shalt  }
0x83: {  	_ =	shalt  }
0x84: {  	_ =	shalt  }
0x85: {  	_ =	shalt  }
0x86: {  	_ =	shalt  }
0x87: {  	_ =	shalt  }
.Lfunc_end0:
.L_simem_size_0:
called_computation_lowered:
.L_overlay_start_0:
0x88: {  	s2 =	sld [smem:$0x3FD9]  }
0x89: {  	s3 =	sld [smem:$0x3FFE];
	_ =	sdelay $0x1  }
0x8a: {  	s1 =	srdreg.scid  }
0x8b: {  	s0 =	sand.u32 $0x1, s1  }
0x8c: {  	s16 =	sshll.u32 s0, $0xA;
	s2 =	sadd.s32 s3, s2  }
0x8d: {  	s2 =	sadd.s32 s2, s16  }
0x8e: {  	[smem:$0x3FC0] =	sst s2  }
0x8f: {  	_ = 	snop  }
0x90: {  	(tm) =	ssettm $0x1  }
0x91: {  	s17 =	sld [smem:$0x3FFB];
	_ =	sdelay $0x3  }
0x92: {  	_ =	strace s17  }
0x93: {  	s2 =	sld [smem:$0x3FFC];
	_ =	sdelay $0x3  }
0x94: {  	_ =	strace s2  }
0x95: {  	s2 =	sld [smem:$0x3FFD];
	_ =	sdelay $0x3  }
0x96: {  	_ =	strace s2  }
0x97: {  	_ =	strace $0x8FFFFFFF  }
0x98: {  	s18 =	sld [smem:$0x3FDB];
	_ =	sdelay $0x1  }
0x99: {  	s19 =	simm.s32 $_scs_section_size  }
0x9a: {  	s4 =	simm.s32 $_size__tile_overlayer_lowered;
	s5 =	simm.s32 $_tile_overlayer_lowered  }
0x9b: {  	s22 =	simm.s32 $0x1BFF;
	s21 =	sshll.u32 s5, $0x1;
	s2 =	sadd.s32 s19, s18  }
0x9c: {  	s6 =	simm.s32 $0x0;
	s20 =	sshll.u32 s4, $0x1;
	s4 =	sadd.s32 s21, s2  }
0x9d: {  	[timem:s6], [sflag:s22] =	dma.local [hbm:s4], s20  }
0x9e: {  	_ =	swait.ge [sflag:s22], s20  }
0x9f: {  	s3 =	ssub.s32 $0x0, s20;
	[sflag:s22] =	ssyncset.done $0x0  }
0xa0: {  	[sflag:s22] =	ssyncadd.s32 s3;
	_ =	sdelay $0x1  }
0xa1: {  	s23 =	simm.s32 $0x1B8B  }
0xa2: {  	_ =	swait.ge [sflag:s23], $0x1  }
0xa3: {  	[sflag:s23] =	ssyncset.done $0x0  }
0xa4: {  	s25 =	simm.s32 $0x1B8E;
	s24 =	sld [smem:$0x3FFE];
	[sflag:s23] =	ssyncadd.s32 $0xFFFFFFFF  }
0xa5: {  	s26 =	simm.s32 $execute0_lowered;
	[smem:$0x3FD2] =	sst s25  }
0xa6: {  	s4 =	sshll.u32 s26, $0x1;
	_ =	strace $0x8000004F;
	[dreg:$0x1] =	wrdreg $0xFFFFFFFF  }
0xa7: {  	s28 =	simm.s32 $_size_execute0_lowered;
	s2 =	sadd.s32 s2, s4;
	[dreg:$0x0] =	wrdreg $0x0  }
0xa8: {  	s4 =	sshll.u32 s28, $0x1;
	[dreg:$0x2] =	wrdreg s2  }
0xa9: {  	[dreg:$0x3] =	wrdreg s4  }
0xaa: {  	[dreg:$0x4] =	wrdreg $0xC0  }
0xab: {  	_ =	task [dreg:s6], $0x5FFFF  }
0xac: {  	[dreg:$0x1] =	wrdreg $0xFFFFFFFF  }
0xad: {  	[dreg:$0x0] =	wrdreg $0x60  }
0xae: {  	[dreg:$0x2] =	wrdreg s24  }
0xaf: {  	[dreg:$0x3] =	wrdreg $0x0  }
0xb0: {  	[dreg:$0x4] =	wrdreg $0x9  }
0xb1: {  	_ =	task.clear_ibuf [dreg:s6], $0x5FFFF;
	_ =	strace $0x9000004F  }
0xb2: {  	s29 =	simm.s32 $0x9;
	_ =	strace $0x80000051  }
0xb3: {  	_ =	swait.ge [sflag:s29], $0x1  }
0xb4: {  	[sflag:s29] =	ssyncadd.s32 $0xFFFFFFFF  }
0xb5: {  	_ =	strace $0x90000051  }
0xb6: {  	_ =	sfence  }
0xb7: {  	s30 =	sld [smem:$0x0];
	_ =	sdelay $0x2  }
0xb8: {  	s31 =	sshll.u32 s1, $0xD;
	s1 =	sshrl.u32 s1, $0x2  }
0xb9: {  	s3 =	sand.u32 $0x4000, s31;
	s1 =	sadd.s32 s1, s30  }
0xba: {  	s0 =	sor.u32 s3, s0;
	s1 =	sshll.u32 s1, $0x11  }
0xbb: {  	s0 =	sor.u32 s1, s0  }
0xbc: {  	s0 =	sadd.s32 $0x8F2B, s0  }
0xbd: {  	[sflag:s0] =	ssyncadd.remote.s32 $0x1  }
0xbe: {  	_ =	sfence.sel $0xFFFF  }
0xbf: {  	[dreg:$0x0] =	wrdreg $0xFFFFFFFF;
	(pc) =	sbr.abs _section_cstart, $3  }
0xc0: {  	[dreg:$0x1] =	wrdreg $0xFFFFFFFF  }
0xc1: {  	_ =	task.clear_ibuf [dreg:s6], $0x2FFFF;
	_ =	strace $0x9FFFFFFF  }
0xc2: {  	(tm) =	ssettm $0x7FFFFFFF  }
0xc3: {  	_ =	shalt  }
tec
execute0_lowered:
.L_overlay_start_1:
0x0: {  	(tag) =	ssettag $0x1  }
0x1: {  	s2 =	rddreg [dreg:$0x0]  }
0x2: {  	s0 =	srdreg.scid;
	s1 =	rddreg [dreg:$0x1]  }
0x3: {  	s4 =	stileid.u32;
	s5 =	simm.s32 $0x0;
	s13 =	simm.s32 $0xB  }
0x4: {  	s15 =	simm.s32 $0x9C40;
	s17 =	simm.s32 $0x50;
	s18 =	simm.s32 $0xEA60  }
0x5: {  	s20 =	simm.s32 $0xFE60;
	s28 =	simm.s32 $0x1;
	s29 =	simm.s32 $0x2  }
0x6: {  	s30 =	simm.s32 $0x3;
	s31 =	simm.s32 $0x4;
	s16 =	simm.s32 $0x6  }
0x7: {  	s19 =	simm.s32 $0x7;
	s21 =	simm.s32 $0x8;
	s0 =	sand.u32 $0x1, s0  }
0x8: {  	[smem:$0x7FF] =	sst s5;
	s7 =	smul.u32 $0x9C00, s4;
	s9 =	sadd.s32 $0x70E00, s2  }
0x9: {  	s10 =	sshll.u32 s4, $0x6;
	s14 =	sadd.s32 $0x9C000, s1;
	p0 =	sne.s32 s4, $0x0  }
0xa: {  	s3 =	sshll.u32 s0, $0x4;
	_ =	strace $0x80000050;
	s6 =	ssub.s32 $0x2, s0  }
0xb: {  	s0 =	smul.u32 $0x9C400, s0;
	s14 =	sshrl.u32 @!p0 s14, $0x3;
	s3 =	sor.u32 s4, s3  }
0xc: {  	s23 =	sshrl.u32 s6, $0x1;
	s12 =	sadd.s32 s7, s1;
	s24 =	sshrl.u32 s7, $0x3  }
0xd: {  	s22 =	smul.u32 $0x4E2, s3;
	s3 =	sadd.s32 $0x29E00, s2;
	s6 =	ssub.s32 s6, s23  }
0xe: {  	s25 =	sadd.s32 s7, s0;
	s0 =	sshrl.u32 s0, $0x3;
	s12 =	sshrl.u32 s12, $0x3  }
0xf: {  	s23 =	simm.s32 $0x9;
	s5 =	sadd.s32 s3, s24;
	s0 =	sadd.s32 s9, s0  }
0x10: {  	s11 =	smax.u32 s6, $0x1;
	s24 =	simm.s32 $0x12660;
	s8 =	sadd.s32 s22, s2  }
0x11: {  	[dreg:$0x3] =	wrdreg s5;
	s5 =	sor.u32 $0x1C0B, s10;
	s2 =	sadd.s32 $0x3D600, s2  }
0x12: {  	s10 =	sadd.s32 $0x13800, s0;
	s22 =	simm.s32 $0x11260;
	s0 =	simm.s32 $0x5  }
0x13: {  	[dreg:$0x4] =	wrdreg s2;
	s26 =	sadd.s32 $0x16200, s8;
	s2 =	sshrl.u32 s25, $0x3  }
0x14: {  	s8 =	sadd.s32 $0x20000, s8;
	s25 =	simm.s32 $0xA;
	[dreg:$0x5] =	wrdreg s26  }
0x15: {  	s9 =	sadd.s32 s9, s2;
	s26 =	simm.s32 $0x13A60;
	s2 =	simm.s32 $0x0  }
.LBB2_1:
0x16: {  	s4 =	rddreg [dreg:$0x3]  }
0x17: {  	[spmem:s12], [sflag:s5] =	dma.local [hbm:s4], $0x1380  }
0x18: {  	_ =	swait.ge [sflag:s13], $0x1380  }
0x19: {  	[sflag:s13] =	ssyncset.done $0x0  }
0x1a: {  	s4 =	rddreg [dreg:$0x4];
	[sflag:s13] =	ssyncadd.s32 $0xFFFFEC80  }
0x1b: {  	[spmem:s14], [sflag:s5] =	dma.local @!p0 [hbm:s4], $0x80  }
0x1c: {  	s4 =	simm.s32 @!p0 $0xB  }
0x1d: {  	_ =	swait.ge @!p0 [sflag:s4], $0x80  }
0x1e: {  	[sflag:s4] =	ssyncset.done @!p0 $0x0  }
0x1f: {  	s6 =	rddreg [dreg:$0x5];
	[sflag:s4] =	ssyncadd.s32 @!p0 $0xFFFFFF80;
	s4 =	simm.s32 $0x0  }
0x20: {  	[tilespmem:s15], [sflag:$0xB] =	stream.linear.gather [hbm4b:s6+s4], $0x2710, $0x38;
	[tilespmem:$0x14E60] =	vst v63  }
0x21: {  	_ =	swait.ge [sflag:s13], $0x2710  }
0x22: {  	[sflag:s13] =	ssyncset.done $0x0  }
0x23: {  	s7 =	simm.s32 $0xC350;
	[sflag:s13] =	ssyncadd.s32 $0xFFFFD8F0  }
0x24: {  	[tilespmem:s7], [sflag:$0xB] =	stream.linear.gather [hbm4b:s8+s4], $0x2710, $0x38;
	[tilespmem:$0x14E60] =	vst v63  }
0x25: {  	_ =	swait.ge [sflag:s13], $0x2710  }
0x26: {  	[sflag:s13] =	ssyncset.done $0x0  }
0x27: {  	[sflag:s13] =	ssyncadd.s32 $0xFFFFD8F0  }
0x28: {  	[tilespmem:s18], [sflag:$0x1] =	stream.indirect.gather [hbm4b:s3+s17], $0x40, s15, s17, $0xb8;
	[tilespmem:$0x14E60] =	vst v63  }
0x29: {  	s7 =	simm.s32 $0x9C90  }
0x2a: {  	[tilespmem:s20], [sflag:$0x2] =	stream.indirect.gather [hbm4b:s3+s17], $0x40, s7, s17, $0xb8;
	[tilespmem:$0x14E60] =	vst v63  }
0x2b: {  	s6 =	simm.s32 $0x9CE0  }
0x2c: {  	[tilespmem:s22], [sflag:$0x3] =	stream.indirect.gather [hbm4b:s3+s17], $0x40, s6, s17, $0xb8;
	[tilespmem:$0x14E60] =	vst v63  }
0x2d: {  	s7 =	simm.s32 $0x9D30  }
0x2e: {  	[tilespmem:s24], [sflag:$0x4] =	stream.indirect.gather [hbm4b:s3+s17], $0x40, s7, s17, $0xb8;
	[tilespmem:$0x14E60] =	vst v63  }
0x2f: {  	s6 =	simm.s32 $0x9D80  }
0x30: {  	[tilespmem:s26], [sflag:$0x5] =	stream.indirect.gather [hbm4b:s3+s17], $0x40, s6, s17, $0xb8;
	[tilespmem:$0x14E60] =	vst v63  }
0x31: {  	[bflag:$0x0] =	sbarrier.arrive $0xFFFF  }
0x32: {  	_ =	swait.ge [sflag:s28], $0x1400  }
0x33: {  	[sflag:s28] =	ssyncset.done $0x0  }
0x34: {  	s7 =	simm.s32 $0xC350;
	[sflag:s28] =	ssyncadd.s32 $0xFFFFEC00  }
0x35: {  	[spmem:s1] =	stream.indirect.scatter.add.f32 [tilespmem:s18], [sflag:$0x6], $0x40, s7, s17, $0xb8;
	[tilespmem:$0x14E60] =	vst v63  }
0x36: {  	_ =	swait.ge [sflag:s29], $0x1400  }
0x37: {  	[sflag:s29] =	ssyncset.done $0x0  }
0x38: {  	s6 =	simm.s32 $0xC3A0;
	[sflag:s29] =	ssyncadd.s32 $0xFFFFEC00  }
0x39: {  	[spmem:s1] =	stream.indirect.scatter.add.f32 [tilespmem:s20], [sflag:$0x7], $0x40, s6, s17, $0xb8;
	[tilespmem:$0x14E60] =	vst v63  }
0x3a: {  	_ =	swait.ge [sflag:s30], $0x1400  }
0x3b: {  	[sflag:s30] =	ssyncset.done $0x0  }
0x3c: {  	s7 =	simm.s32 $0xC3F0;
	[sflag:s30] =	ssyncadd.s32 $0xFFFFEC00  }
0x3d: {  	[spmem:s1] =	stream.indirect.scatter.add.f32 [tilespmem:s22], [sflag:$0x8], $0x40, s7, s17, $0xb8;
	[tilespmem:$0x14E60] =	vst v63  }
0x3e: {  	_ =	swait.ge [sflag:s31], $0x1400  }
0x3f: {  	[sflag:s31] =	ssyncset.done $0x0  }
0x40: {  	s6 =	simm.s32 $0xC440;
	[sflag:s31] =	ssyncadd.s32 $0xFFFFEC00  }
0x41: {  	[spmem:s1] =	stream.indirect.scatter.add.f32 [tilespmem:s24], [sflag:$0x9], $0x40, s6, s17, $0xb8;
	[tilespmem:$0x14E60] =	vst v63  }
0x42: {  	_ =	swait.ge [sflag:s0], $0x1400  }
0x43: {  	[sflag:s0] =	ssyncset.done $0x0  }
0x44: {  	s7 =	simm.s32 $0xC490;
	[sflag:s0] =	ssyncadd.s32 $0xFFFFEC00  }
0x45: {  	[spmem:s1] =	stream.indirect.scatter.add.f32 [tilespmem:s26], [sflag:$0xA], $0x40, s7, s17, $0xb8;
	[tilespmem:$0x14E60] =	vst v63  }
0x46: {  	_ =	swait.ge [sflag:s16], $0x1400  }
0x47: {  	[sflag:s16] =	ssyncset.done $0x0  }
0x48: {  	s6 =	simm.s32 $0x9DD0;
	[sflag:s16] =	ssyncadd.s32 $0xFFFFEC00  }
0x49: {  	[tilespmem:s18], [sflag:$0x1] =	stream.indirect.gather [hbm4b:s3+s17], $0x40, s6, s17, $0xb8;
	[tilespmem:$0x14E60] =	vst v63  }
0x4a: {  	_ =	swait.ge [sflag:s19], $0x1400  }
0x4b: {  	[sflag:s19] =	ssyncset.done $0x0  }
0x4c: {  	s7 =	simm.s32 $0x9E20;
	[sflag:s19] =	ssyncadd.s32 $0xFFFFEC00  }
0x4d: {  	[tilespmem:s20], [sflag:$0x2] =	stream.indirect.gather [hbm4b:s3+s17], $0x40, s7, s17, $0xb8;
	[tilespmem:$0x14E60] =	vst v63  }
0x4e: {  	_ =	swait.ge [sflag:s21], $0x1400  }
0x4f: {  	[sflag:s21] =	ssyncset.done $0x0  }
0x50: {  	s6 =	simm.s32 $0x9E70;
	[sflag:s21] =	ssyncadd.s32 $0xFFFFEC00  }
0x51: {  	[tilespmem:s22], [sflag:$0x3] =	stream.indirect.gather [hbm4b:s3+s17], $0x40, s6, s17, $0xb8;
	[tilespmem:$0x14E60] =	vst v63  }
0x52: {  	_ =	swait.ge [sflag:s23], $0x1400  }
0x53: {  	[sflag:s23] =	ssyncset.done $0x0  }
0x54: {  	s7 =	simm.s32 $0x9EC0;
	[sflag:s23] =	ssyncadd.s32 $0xFFFFEC00  }
0x55: {  	[tilespmem:s24], [sflag:$0x4] =	stream.indirect.gather [hbm4b:s3+s17], $0x40, s7, s17, $0xb8;
	[tilespmem:$0x14E60] =	vst v63  }
0x56: {  	_ =	swait.ge [sflag:s25], $0x1400  }
0x57: {  	[sflag:s25] =	ssyncset.done $0x0  }
0x58: {  	s4 =	simm.s32 $0x640;
	s6 =	simm.s32 $0x9F10;
	[sflag:s25] =	ssyncadd.s32 $0xFFFFEC00  }
.LBB2_2:
0x59: {  	[tilespmem:s26], [sflag:$0x5] =	stream.indirect.gather [hbm4b:s3+s17], $0x40, s6, s17, $0xb8;
	[tilespmem:$0x14E60] =	vst v63  }
0x5a: {  	s6 =	smov.u32 s4  }
0x5b: {  	p1 =	sne.s32 s4, $0x8FC0;
	s4 =	sadd.s32 $0x640, s4;
	_ =	swait.ge [sflag:s28], $0x1400  }
0x5c: {  	s6 =	sshra.s32 s6, $0x2;
	[sflag:s28] =	ssyncset.done $0x0  }
0x5d: {  	s7 =	sadd.s32 $0xC350, s6;
	[sflag:s28] =	ssyncadd.s32 $0xFFFFEC00  }
0x5e: {  	[spmem:s1] =	stream.indirect.scatter.add.f32 [tilespmem:s18], [sflag:$0x6], $0x40, s7, s17, $0xb8;
	[tilespmem:$0x14E60] =	vst v63  }
0x5f: {  	_ =	swait.ge [sflag:s29], $0x1400  }
0x60: {  	[sflag:s29] =	ssyncset.done $0x0  }
0x61: {  	s7 =	sadd.s32 $0xC3A0, s6;
	[sflag:s29] =	ssyncadd.s32 $0xFFFFEC00  }
0x62: {  	[spmem:s1] =	stream.indirect.scatter.add.f32 [tilespmem:s20], [sflag:$0x7], $0x40, s7, s17, $0xb8;
	[tilespmem:$0x14E60] =	vst v63  }
0x63: {  	_ =	swait.ge [sflag:s30], $0x1400  }
0x64: {  	[sflag:s30] =	ssyncset.done $0x0  }
0x65: {  	s7 =	sadd.s32 $0xC3F0, s6;
	[sflag:s30] =	ssyncadd.s32 $0xFFFFEC00  }
0x66: {  	[spmem:s1] =	stream.indirect.scatter.add.f32 [tilespmem:s22], [sflag:$0x8], $0x40, s7, s17, $0xb8;
	[tilespmem:$0x14E60] =	vst v63  }
0x67: {  	_ =	swait.ge [sflag:s31], $0x1400  }
0x68: {  	[sflag:s31] =	ssyncset.done $0x0  }
0x69: {  	s7 =	sadd.s32 $0xC440, s6;
	[sflag:s31] =	ssyncadd.s32 $0xFFFFEC00  }
0x6a: {  	[spmem:s1] =	stream.indirect.scatter.add.f32 [tilespmem:s24], [sflag:$0x9], $0x40, s7, s17, $0xb8;
	[tilespmem:$0x14E60] =	vst v63  }
0x6b: {  	_ =	swait.ge [sflag:s0], $0x1400  }
0x6c: {  	[sflag:s0] =	ssyncset.done $0x0  }
0x6d: {  	s7 =	sadd.s32 $0xC490, s6;
	[sflag:s0] =	ssyncadd.s32 $0xFFFFEC00  }
0x6e: {  	[spmem:s1] =	stream.indirect.scatter.add.f32 [tilespmem:s26], [sflag:$0xA], $0x40, s7, s17, $0xb8;
	[tilespmem:$0x14E60] =	vst v63  }
0x6f: {  	_ =	swait.ge [sflag:s16], $0x1400  }
0x70: {  	[sflag:s16] =	ssyncset.done $0x0  }
0x71: {  	s7 =	sadd.s32 $0x9DD0, s6;
	[sflag:s16] =	ssyncadd.s32 $0xFFFFEC00  }
0x72: {  	[tilespmem:s18], [sflag:$0x1] =	stream.indirect.gather [hbm4b:s3+s17], $0x40, s7, s17, $0xb8;
	[tilespmem:$0x14E60] =	vst v63  }
0x73: {  	_ =	swait.ge [sflag:s19], $0x1400  }
0x74: {  	[sflag:s19] =	ssyncset.done $0x0  }
0x75: {  	s7 =	sadd.s32 $0x9E20, s6;
	[sflag:s19] =	ssyncadd.s32 $0xFFFFEC00  }
0x76: {  	[tilespmem:s20], [sflag:$0x2] =	stream.indirect.gather [hbm4b:s3+s17], $0x40, s7, s17, $0xb8;
	[tilespmem:$0x14E60] =	vst v63  }
0x77: {  	_ =	swait.ge [sflag:s21], $0x1400  }
0x78: {  	[sflag:s21] =	ssyncset.done $0x0  }
0x79: {  	s7 =	sadd.s32 $0x9E70, s6;
	[sflag:s21] =	ssyncadd.s32 $0xFFFFEC00  }
0x7a: {  	[tilespmem:s22], [sflag:$0x3] =	stream.indirect.gather [hbm4b:s3+s17], $0x40, s7, s17, $0xb8;
	[tilespmem:$0x14E60] =	vst v63  }
0x7b: {  	_ =	swait.ge [sflag:s23], $0x1400  }
0x7c: {  	[sflag:s23] =	ssyncset.done $0x0  }
.Ltmp0:
0x7d: {  	s7 =	sadd.s32 $0x9EC0, s6;
	[sflag:s23] =	ssyncadd.s32 $0xFFFFEC00;
	(pc) =	sbr.rel @p1 .LBB2_2-.Ltmp0, $4  }
0x7e: {  	[tilespmem:s24], [sflag:$0x4] =	stream.indirect.gather [hbm4b:s3+s17], $0x40, s7, s17, $0xb8;
	[tilespmem:$0x14E60] =	vst v63  }
0x7f: {  	_ =	swait.ge [sflag:s25], $0x1400  }
0x80: {  	[sflag:s25] =	ssyncset.done $0x0  }
0x81: {  	s6 =	sadd.s32 $0x9F10, s6;
	[sflag:s25] =	ssyncadd.s32 $0xFFFFEC00  }
0x82: {  	[tilespmem:s26], [sflag:$0x5] =	stream.indirect.gather [hbm4b:s3+s17], $0x40, s6, s17, $0xb8;
	[tilespmem:$0x14E60] =	vst v63  }
0x83: {  	_ =	swait.ge [sflag:s28], $0x1400  }
0x84: {  	[sflag:s28] =	ssyncset.done $0x0  }
0x85: {  	s4 =	simm.s32 $0xE8D0;
	[sflag:s28] =	ssyncadd.s32 $0xFFFFEC00  }
0x86: {  	[spmem:s1] =	stream.indirect.scatter.add.f32 [tilespmem:s18], [sflag:$0x6], $0x40, s4, s17, $0xb8;
	[tilespmem:$0x14E60] =	vst v63  }
0x87: {  	_ =	swait.ge [sflag:s29], $0x1400  }
0x88: {  	[sflag:s29] =	ssyncset.done $0x0  }
0x89: {  	s6 =	simm.s32 $0xE920;
	[sflag:s29] =	ssyncadd.s32 $0xFFFFEC00  }
0x8a: {  	[spmem:s1] =	stream.indirect.scatter.add.f32 [tilespmem:s20], [sflag:$0x7], $0x40, s6, s17, $0xb8;
	[tilespmem:$0x14E60] =	vst v63  }
0x8b: {  	_ =	swait.ge [sflag:s30], $0x1400  }
0x8c: {  	[sflag:s30] =	ssyncset.done $0x0  }
0x8d: {  	s7 =	simm.s32 $0xE970;
	[sflag:s30] =	ssyncadd.s32 $0xFFFFEC00  }
0x8e: {  	[spmem:s1] =	stream.indirect.scatter.add.f32 [tilespmem:s22], [sflag:$0x8], $0x40, s7, s17, $0xb8;
	[tilespmem:$0x14E60] =	vst v63  }
0x8f: {  	_ =	swait.ge [sflag:s31], $0x1400  }
0x90: {  	[sflag:s31] =	ssyncset.done $0x0  }
0x91: {  	s6 =	simm.s32 $0xE9C0;
	[sflag:s31] =	ssyncadd.s32 $0xFFFFEC00  }
0x92: {  	[spmem:s1] =	stream.indirect.scatter.add.f32 [tilespmem:s24], [sflag:$0x9], $0x40, s6, s17, $0xb8;
	[tilespmem:$0x14E60] =	vst v63  }
0x93: {  	_ =	swait.ge [sflag:s0], $0x1400  }
0x94: {  	[sflag:s0] =	ssyncset.done $0x0  }
0x95: {  	s7 =	simm.s32 $0xEA10;
	[sflag:s0] =	ssyncadd.s32 $0xFFFFEC00  }
0x96: {  	[spmem:s1] =	stream.indirect.scatter.add.f32 [tilespmem:s26], [sflag:$0xA], $0x40, s7, s17, $0xb8;
	[tilespmem:$0x14E60] =	vst v63  }
0x97: {  	_ =	swait.ge [sflag:s16], $0x1400  }
0x98: {  	[sflag:s16] =	ssyncset.done $0x0  }
0x99: {  	[sflag:s16] =	ssyncadd.s32 $0xFFFFEC00  }
0x9a: {  	_ =	swait.ge [sflag:s19], $0x1400  }
0x9b: {  	[sflag:s19] =	ssyncset.done $0x0  }
0x9c: {  	[sflag:s19] =	ssyncadd.s32 $0xFFFFEC00  }
0x9d: {  	_ =	swait.ge [sflag:s21], $0x1400  }
0x9e: {  	[sflag:s21] =	ssyncset.done $0x0  }
0x9f: {  	[sflag:s21] =	ssyncadd.s32 $0xFFFFEC00  }
0xa0: {  	_ =	swait.ge [sflag:s23], $0x1400  }
0xa1: {  	[sflag:s23] =	ssyncset.done $0x0  }
0xa2: {  	[sflag:s23] =	ssyncadd.s32 $0xFFFFEC00  }
0xa3: {  	_ =	swait.ge [sflag:s25], $0x1400  }
0xa4: {  	[sflag:s25] =	ssyncset.done $0x0  }
0xa5: {  	[sflag:s25] =	ssyncadd.s32 $0xFFFFEC00  }
0xa6: {  	[bflag:$0x0] =	sbarrier.arrive $0xFFFF  }
0xa7: {  	[hbm:s9], [sflag:s5] =	dma.local [spmem:s12], $0x1380  }
0xa8: {  	s2 =	sadd.s32 $0x1, s2;
	_ =	swait.ge [sflag:s13], $0x1380  }
0xa9: {  	p1 =	sne.s32 s2, s11;
	[sflag:s13] =	ssyncset.done $0x0  }
.Ltmp1:
0xaa: {  	s4 =	simm.s32 @!p0 $0xB;
	[sflag:s13] =	ssyncadd.s32 $0xFFFFEC80;
	(pc) =	sbr.rel @p1 .LBB2_1-.Ltmp1, $4  }
0xab: {  	[hbm:s10], [sflag:s5] =	dma.local @!p0 [spmem:s14], $0x80  }
0xac: {  	_ =	swait.ge @!p0 [sflag:s4], $0x80  }
0xad: {  	[sflag:s4] =	ssyncset.done @!p0 $0x0  }
0xae: {  	[sflag:s4] =	ssyncadd.s32 @!p0 $0xFFFFFF80  }
0xaf: {  	_ =	sfence.sel $0x180000  }
0xb0: {  	[bflag:$0x0] =	sbarrier.arrive $0xFFFF  }
0xb1: {  	_ =	strace $0x90000050  }
0xb2: {  	[bflag:$0x2] =	sbarrier.arrive $0xFFFF  }
0xb3: {  	s0 =	rddreg [dreg:$0x2]  }
0xb4: {  	s0 =	sadd.s32 @!p0 $0x100000, s0  }
0xb5: {  	[sflag:s0] =	ssyncadd.tile.s32 @!p0 $0x1;
	_ =	shalt  }
.Lfunc_end2:
_tile_overlayer_lowered:
.L_overlay_start_2:
0xb6: {  	(tag) =	ssettag $0x2  }
0xb7: {  	s0 =	rddreg [dreg:$0x0];
	s2 =	stileid.u32  }
0xb8: {  	s1 =	rddreg [dreg:$0x1];
	p0 =	sne.s32 s2, $0x0  }
0xb9: {  	s3 =	rddreg [dreg:$0x2];
	[bflag:$0x3] =	sbarrier.arrive $0xFFFF;
	s2 =	simm.s32 @!p0 $0x1C0B  }
0xba: {  	[timem:s3], [sflag:s2] =	dma.local @!p0 [hbm:s0], s1  }
0xbb: {  	s0 =	simm.s32 @!p0 $0xB  }
0xbc: {  	_ =	swait.ge @!p0 [sflag:s0], s1  }
0xbd: {  	s1 =	ssub.s32 @!p0 $0x0, s1;
	[sflag:s0] =	ssyncset.done @!p0 $0x0  }
0xbe: {  	[sflag:s0] =	ssyncadd.s32 @!p0 s1  }
0xbf: {  	[bflag:$0x3] =	sbarrier.arrive $0xFFFF  }
0xc0: {  	_ =	shalt  }

// kernel: kernel.12.cloned.1.call-start
scs
__scs_entry_jumppad:
0x0: {  	(pc) =	sbr.rel $0x88, $3  }
0x1: {  	(tag) =	ssettag $0x0;
	lr =	simm.s32 $0x1  }
0x2: {  	[smem:$0x3F99] =	sst lr;
	_ =	strace $0xD0000000  }
0x3: {  	_ = 	snop  }
0x4: {  	_ = 	snop  }
0x5: {  	_ = 	snop  }
0x6: {  	_ = 	snop  }
0x7: {  	_ = 	snop  }
__scs_overlays_trampoline_lowered:
0x8: {  	[smem:$0x3FA8] =	sst s0  }
0x9: {  	[smem:$0x3FA9] =	sst s1  }
0xa: {  	[smem:$0x3FAA] =	sst s2  }
0xb: {  	[smem:$0x3FAB] =	sst s3  }
0xc: {  	[smem:$0x3FAC] =	sst s4  }
0xd: {  	[smem:$0x3FAD] =	sst s5  }
0xe: {  	[smem:$0x3FAE] =	sst s6  }
0xf: {  	[smem:$0x3FAF] =	sst s7  }
0x10: {  	[smem:$0x3FB0] =	sst s8  }
0x11: {  	[smem:$0x3FB1] =	sst s9;
	s0 =	simm.s32 @!p0 $0x0  }
0x12: {  	s1 =	sld [smem:$0x3F97];
	s0 =	simm.s32 @p0 $0x1  }
0x13: {  	[smem:$0x3FB2] =	sst s0;
	s0 =	simm.s32 @!p1 $0x0  }
0x14: {  	s2 =	sld [smem:$0x3F96];
	s0 =	simm.s32 @p1 $0x1  }
0x15: {  	[smem:$0x3FB3] =	sst s0;
	s0 =	simm.s32 @!p2 $0x0  }
0x16: {  	s3 =	sld [smem:$0x3FDB];
	s0 =	simm.s32 @p2 $0x1  }
0x17: {  	s4 =	simm.s32 $0x1BF5;
	[smem:$0x3FB5] =	sst s0  }
0x18: {  	s0 =	sld [smem:$0x3F98];
	_ =	swait.ge [sflag:s4], $0x0  }
0x19: {  	s7 =	sld [smem:$0x3F99]  }
0x1a: {  	s8 =	sadd.s32 $0xFFFFE003, lr  }
0x1b: {  	s9 =	sadd.s32 $0xFFFFFEF7, lr;
	s5 =	simm.s32 $0xFFFFFFFF;
	p2 =	slt.u32 s8, $0xFFFFF086  }
0x1c: {  	p1 =	slt.u32 s9, $0xF7A;
	s5 =	simm.s32 @!p2 $0x0  }
0x1d: {  	s5 =	simm.s32 @p1 $0x1;
	p0 =	seq.s32 s7, s2  }
0x1e: {  	s7 =	smul.u32 @!p0 $0xF7A, s2;
	p2 =	seq.s32 @!p0 s5, $0x0  }
0x1f: {  	s9 =	smul.u32 $0xF7A, s1;
	s8 =	simm.s32 @!p0 $0x1BF5;
	p2 =	por !p2, p0  }
0x20: {  	[sflag:s8] =	ssyncset.s32 @!p0 $0xFFFFF086;
	s6 =	sadd.s32 @!p0 s3, s7;
	s7 =	simm.s32 @!p0 $0x108  }
0x21: {  	s3 =	sadd.s32 s3, s9;
	s6 =	sadd.s32 @!p0 $0x88, s6;
	s7 =	simm.s32 @p2 $0x1082  }
0x22: {  	[simem:s7], [sflag:s8] =	dma.local @!p0 [hbm:s6], $0xF7A  }
0x23: {  	s9 =	sor.u32 $0xD0000000, s2;
	s6 =	simm.s32 $0x108;
	_ =	swait.ge @!p0 [sflag:s8], $0x0  }
0x24: {  	s3 =	sadd.s32 $0x88, s3;
	s6 =	simm.s32 @!p1 $0x1082;
	[sflag:s4] =	ssyncset.s32 $0xFFFFF086  }
0x25: {  	[simem:s6], [sflag:s4] =	dma.local [hbm:s3], $0xF7A  }
0x26: {  	[smem:$0x3F99] =	sst s1;
	(tag) =	ssettag s2;
	_ =	strace s9  }
0x27: {  	s1 =	sld [smem:$0x3FA9]  }
0x28: {  	s2 =	sld [smem:$0x3FAA]  }
0x29: {  	s4 =	sld [smem:$0x3FAC]  }
0x2a: {  	p0 =	seq.s32 s5, $0x0;
	s5 =	sld [smem:$0x3FAD]  }
0x2b: {  	s6 =	sld [smem:$0x3FAE]  }
0x2c: {  	s7 =	sld [smem:$0x3FAF]  }
0x2d: {  	s3 =	simm.s32 $0x108;
	s8 =	sld [smem:$0x3FB0]  }
0x2e: {  	s3 =	simm.s32 @!p0 $0x1082;
	s9 =	sld [smem:$0x3FB1]  }
0x2f: {  	lr =	sadd.s32 s0, s3;
	s0 =	sld [smem:$0x3FA8]  }
0x30: {  	s3 =	sld [smem:$0x3FAB]  }
0x31: {  	[smem:$0x3FB4] =	sst s10  }
0x32: {  	s10 =	sld [smem:$0x3FB2];
	_ =	sdelay $0x3  }
0x33: {  	p0 =	seq.s32 s10, $0x1;
	s10 =	sld [smem:$0x3FB4];
	_ =	sdelay $0x3  }
0x34: {  	[smem:$0x3FB4] =	sst s10  }
0x35: {  	s10 =	sld [smem:$0x3FB3];
	_ =	sdelay $0x3  }
0x36: {  	p1 =	seq.s32 s10, $0x1;
	s10 =	sld [smem:$0x3FB4];
	_ =	sdelay $0x3  }
0x37: {  	[smem:$0x3FB4] =	sst s10  }
0x38: {  	s10 =	sld [smem:$0x3FB5]  }
0x39: {  	_ = 	snop;
	(pc) =	sbr.ind lr, $3  }
0x3a: {  	_ = 	snop  }
0x3b: {  	_ = 	snop  }
0x3c: {  	p2 =	seq.s32 s10, $0x1;
	s10 =	sld [smem:$0x3FB4]  }
0x3d: {  	_ =	shalt  }
0x3e: {  	_ =	shalt  }
0x3f: {  	_ =	shalt  }
0x40: {  	_ =	shalt  }
0x41: {  	_ =	shalt  }
0x42: {  	_ =	shalt  }
0x43: {  	_ =	shalt  }
0x44: {  	_ =	shalt  }
0x45: {  	_ =	shalt  }
0x46: {  	_ =	shalt  }
0x47: {  	_ =	shalt  }
0x48: {  	_ =	shalt  }
0x49: {  	_ =	shalt  }
0x4a: {  	_ =	shalt  }
0x4b: {  	_ =	shalt  }
0x4c: {  	_ =	shalt  }
0x4d: {  	_ =	shalt  }
0x4e: {  	_ =	shalt  }
0x4f: {  	_ =	shalt  }
0x50: {  	_ =	shalt  }
0x51: {  	_ =	shalt  }
0x52: {  	_ =	shalt  }
0x53: {  	_ =	shalt  }
0x54: {  	_ =	shalt  }
0x55: {  	_ =	shalt  }
0x56: {  	_ =	shalt  }
0x57: {  	_ =	shalt  }
0x58: {  	_ =	shalt  }
0x59: {  	_ =	shalt  }
0x5a: {  	_ =	shalt  }
0x5b: {  	_ =	shalt  }
0x5c: {  	_ =	shalt  }
0x5d: {  	_ =	shalt  }
0x5e: {  	_ =	shalt  }
0x5f: {  	_ =	shalt  }
0x60: {  	_ =	shalt  }
0x61: {  	_ =	shalt  }
0x62: {  	_ =	shalt  }
0x63: {  	_ =	shalt  }
0x64: {  	_ =	shalt  }
0x65: {  	_ =	shalt  }
0x66: {  	_ =	shalt  }
0x67: {  	_ =	shalt  }
0x68: {  	_ =	shalt  }
0x69: {  	_ =	shalt  }
0x6a: {  	_ =	shalt  }
0x6b: {  	_ =	shalt  }
0x6c: {  	_ =	shalt  }
0x6d: {  	_ =	shalt  }
0x6e: {  	_ =	shalt  }
0x6f: {  	_ =	shalt  }
0x70: {  	_ =	shalt  }
0x71: {  	_ =	shalt  }
0x72: {  	_ =	shalt  }
0x73: {  	_ =	shalt  }
0x74: {  	_ =	shalt  }
0x75: {  	_ =	shalt  }
0x76: {  	_ =	shalt  }
0x77: {  	_ =	shalt  }
0x78: {  	_ =	shalt  }
0x79: {  	_ =	shalt  }
0x7a: {  	_ =	shalt  }
0x7b: {  	_ =	shalt  }
0x7c: {  	_ =	shalt  }
0x7d: {  	_ =	shalt  }
0x7e: {  	_ =	shalt  }
0x7f: {  	_ =	shalt  }
0x80: {  	_ =	shalt  }
0x81: {  	_ =	shalt  }
0x82: {  	_ =	shalt  }
0x83: {  	_ =	shalt  }
0x84: {  	_ =	shalt  }
0x85: {  	_ =	shalt  }
0x86: {  	_ =	shalt  }
0x87: {  	_ =	shalt  }
.Lfunc_end0:
.L_simem_size_0:
called_computation.2_lowered:
.L_overlay_start_0:
0x88: {  	s2 =	sld [smem:$0x3FD9]  }
0x89: {  	s3 =	sld [smem:$0x3FFE];
	_ =	sdelay $0x1  }
0x8a: {  	s1 =	srdreg.scid  }
0x8b: {  	s0 =	sand.u32 $0x1, s1  }
0x8c: {  	s16 =	sshll.u32 s0, $0xA;
	s2 =	sadd.s32 s3, s2  }
0x8d: {  	s2 =	sadd.s32 s2, s16  }
0x8e: {  	[smem:$0x3FC0] =	sst s2  }
0x8f: {  	_ = 	snop  }
0x90: {  	(tm) =	ssettm $0x1  }
0x91: {  	s17 =	sld [smem:$0x3FFB];
	_ =	sdelay $0x3  }
0x92: {  	_ =	strace s17  }
0x93: {  	s2 =	sld [smem:$0x3FFC];
	_ =	sdelay $0x3  }
0x94: {  	_ =	strace s2  }
0x95: {  	s2 =	sld [smem:$0x3FFD];
	_ =	sdelay $0x3  }
0x96: {  	_ =	strace s2  }
0x97: {  	_ =	strace $0x8FFFFFFF  }
0x98: {  	s18 =	sld [smem:$0x3FDB];
	_ =	sdelay $0x1  }
0x99: {  	s19 =	simm.s32 $_scs_section_size  }
0x9a: {  	s4 =	simm.s32 $_size__tile_overlayer_lowered;
	s5 =	simm.s32 $_tile_overlayer_lowered  }
0x9b: {  	s22 =	simm.s32 $0x1BFF;
	s21 =	sshll.u32 s5, $0x1;
	s2 =	sadd.s32 s19, s18  }
0x9c: {  	s6 =	simm.s32 $0x0;
	s20 =	sshll.u32 s4, $0x1;
	s4 =	sadd.s32 s21, s2  }
0x9d: {  	[timem:s6], [sflag:s22] =	dma.local [hbm:s4], s20  }
0x9e: {  	_ =	swait.ge [sflag:s22], s20  }
0x9f: {  	s3 =	ssub.s32 $0x0, s20;
	[sflag:s22] =	ssyncset.done $0x0  }
0xa0: {  	[sflag:s22] =	ssyncadd.s32 s3;
	_ =	sdelay $0x1  }
0xa1: {  	s23 =	simm.s32 $0x1B8B  }
0xa2: {  	_ =	swait.ge [sflag:s23], $0x1  }
0xa3: {  	[sflag:s23] =	ssyncset.done $0x0  }
0xa4: {  	s25 =	simm.s32 $0x1B8E;
	s24 =	sld [smem:$0x3FFE];
	[sflag:s23] =	ssyncadd.s32 $0xFFFFFFFF  }
0xa5: {  	s26 =	simm.s32 $execute0_lowered;
	[smem:$0x3FD2] =	sst s25  }
0xa6: {  	s4 =	sshll.u32 s26, $0x1;
	_ =	strace $0x80000049;
	[dreg:$0x1] =	wrdreg $0xFFFFFFFF  }
0xa7: {  	s28 =	simm.s32 $_size_execute0_lowered;
	s2 =	sadd.s32 s2, s4;
	[dreg:$0x0] =	wrdreg $0x0  }
0xa8: {  	s4 =	sshll.u32 s28, $0x1;
	[dreg:$0x2] =	wrdreg s2  }
0xa9: {  	[dreg:$0x3] =	wrdreg s4  }
0xaa: {  	[dreg:$0x4] =	wrdreg $0xC0  }
0xab: {  	_ =	task [dreg:s6], $0x5FFFF  }
0xac: {  	[dreg:$0x1] =	wrdreg $0xFFFFFFFF  }
0xad: {  	[dreg:$0x0] =	wrdreg $0x60  }
0xae: {  	[dreg:$0x2] =	wrdreg s24  }
0xaf: {  	[dreg:$0x3] =	wrdreg $0x0  }
0xb0: {  	[dreg:$0x4] =	wrdreg $0x9  }
0xb1: {  	_ =	task.clear_ibuf [dreg:s6], $0x5FFFF;
	_ =	strace $0x90000049  }
0xb2: {  	s29 =	simm.s32 $0x9;
	_ =	strace $0x8000004B  }
0xb3: {  	_ =	swait.ge [sflag:s29], $0x1  }
0xb4: {  	[sflag:s29] =	ssyncadd.s32 $0xFFFFFFFF  }
0xb5: {  	_ =	strace $0x9000004B  }
0xb6: {  	_ =	sfence  }
0xb7: {  	s30 =	sld [smem:$0x0];
	_ =	sdelay $0x2  }
0xb8: {  	s31 =	sshll.u32 s1, $0xD;
	s1 =	sshrl.u32 s1, $0x2  }
0xb9: {  	s3 =	sand.u32 $0x4000, s31;
	s1 =	sadd.s32 s1, s30  }
0xba: {  	s0 =	sor.u32 s3, s0;
	s1 =	sshll.u32 s1, $0x11  }
0xbb: {  	s0 =	sor.u32 s1, s0  }
0xbc: {  	s0 =	sadd.s32 $0x8F2B, s0  }
0xbd: {  	[sflag:s0] =	ssyncadd.remote.s32 $0x1  }
0xbe: {  	_ =	sfence.sel $0xFFFF  }
0xbf: {  	[dreg:$0x0] =	wrdreg $0xFFFFFFFF;
	(pc) =	sbr.abs _section_cstart, $3  }
0xc0: {  	[dreg:$0x1] =	wrdreg $0xFFFFFFFF  }
0xc1: {  	_ =	task.clear_ibuf [dreg:s6], $0x2FFFF;
	_ =	strace $0x9FFFFFFF  }
0xc2: {  	(tm) =	ssettm $0x7FFFFFFF  }
0xc3: {  	_ =	shalt  }
tec
execute0_lowered:
.L_overlay_start_1:
0x0: {  	(tag) =	ssettag $0x1  }
0x1: {  	s2 =	rddreg [dreg:$0x0]  }
0x2: {  	s0 =	srdreg.scid;
	s1 =	rddreg [dreg:$0x1]  }
0x3: {  	s4 =	stileid.u32;
	s5 =	simm.s32 $0x0;
	s13 =	simm.s32 $0xB  }
0x4: {  	s15 =	simm.s32 $0x9C40;
	s17 =	simm.s32 $0x50;
	s18 =	simm.s32 $0xEA60  }
0x5: {  	s20 =	simm.s32 $0xFE60;
	s28 =	simm.s32 $0x1;
	s29 =	simm.s32 $0x2  }
0x6: {  	s30 =	simm.s32 $0x3;
	s31 =	simm.s32 $0x4;
	s16 =	simm.s32 $0x6  }
0x7: {  	s19 =	simm.s32 $0x7;
	s21 =	simm.s32 $0x8;
	s0 =	sand.u32 $0x1, s0  }
0x8: {  	[smem:$0x7FF] =	sst s5;
	s7 =	smul.u32 $0x9C00, s4;
	s9 =	sadd.s32 $0x29C00, s2  }
0x9: {  	s10 =	sshll.u32 s4, $0x6;
	s14 =	sadd.s32 $0x9C000, s1;
	p0 =	sne.s32 s4, $0x0  }
0xa: {  	s3 =	sshll.u32 s0, $0x4;
	_ =	strace $0x8000004A;
	s6 =	ssub.s32 $0x2, s0  }
0xb: {  	s0 =	smul.u32 $0x9C400, s0;
	s14 =	sshrl.u32 @!p0 s14, $0x3;
	s3 =	sor.u32 s4, s3  }
0xc: {  	s23 =	sshrl.u32 s6, $0x1;
	s12 =	sadd.s32 s7, s1;
	s24 =	sshrl.u32 s7, $0x3  }
0xd: {  	s22 =	smul.u32 $0x4E2, s3;
	s3 =	sadd.s32 $0x16200, s2;
	s6 =	ssub.s32 s6, s23  }
0xe: {  	s25 =	sadd.s32 s7, s0;
	s0 =	sshrl.u32 s0, $0x3;
	s12 =	sshrl.u32 s12, $0x3  }
0xf: {  	s23 =	simm.s32 $0x9;
	s5 =	sadd.s32 s3, s24;
	s0 =	sadd.s32 s9, s0  }
0x10: {  	s11 =	smax.u32 s6, $0x1;
	s24 =	simm.s32 $0x12660;
	s8 =	sadd.s32 s22, s2  }
0x11: {  	[dreg:$0x3] =	wrdreg s5;
	s5 =	sor.u32 $0x1C0B, s10;
	s2 =	sadd.s32 $0x29A00, s2  }
0x12: {  	s10 =	sadd.s32 $0x13800, s0;
	s22 =	simm.s32 $0x11260;
	s0 =	simm.s32 $0x5  }
0x13: {  	[dreg:$0x4] =	wrdreg s2;
	s26 =	sadd.s32 $0x2600, s8;
	s2 =	sshrl.u32 s25, $0x3  }
0x14: {  	s8 =	sadd.s32 $0xC400, s8;
	s25 =	simm.s32 $0xA;
	[dreg:$0x5] =	wrdreg s26  }
0x15: {  	s9 =	sadd.s32 s9, s2;
	s26 =	simm.s32 $0x13A60;
	s2 =	simm.s32 $0x0  }
.LBB2_1:
0x16: {  	s4 =	rddreg [dreg:$0x3]  }
0x17: {  	[spmem:s12], [sflag:s5] =	dma.local [hbm:s4], $0x1380  }
0x18: {  	_ =	swait.ge [sflag:s13], $0x1380  }
0x19: {  	[sflag:s13] =	ssyncset.done $0x0  }
0x1a: {  	s4 =	rddreg [dreg:$0x4];
	[sflag:s13] =	ssyncadd.s32 $0xFFFFEC80  }
0x1b: {  	[spmem:s14], [sflag:s5] =	dma.local @!p0 [hbm:s4], $0x80  }
0x1c: {  	s4 =	simm.s32 @!p0 $0xB  }
0x1d: {  	_ =	swait.ge @!p0 [sflag:s4], $0x80  }
0x1e: {  	[sflag:s4] =	ssyncset.done @!p0 $0x0  }
0x1f: {  	s6 =	rddreg [dreg:$0x5];
	[sflag:s4] =	ssyncadd.s32 @!p0 $0xFFFFFF80;
	s4 =	simm.s32 $0x0  }
0x20: {  	[tilespmem:s15], [sflag:$0xB] =	stream.linear.gather [hbm4b:s6+s4], $0x2710, $0x38;
	[tilespmem:$0x14E60] =	vst v63  }
0x21: {  	_ =	swait.ge [sflag:s13], $0x2710  }
0x22: {  	[sflag:s13] =	ssyncset.done $0x0  }
0x23: {  	s7 =	simm.s32 $0xC350;
	[sflag:s13] =	ssyncadd.s32 $0xFFFFD8F0  }
0x24: {  	[tilespmem:s7], [sflag:$0xB] =	stream.linear.gather [hbm4b:s8+s4], $0x2710, $0x38;
	[tilespmem:$0x14E60] =	vst v63  }
0x25: {  	_ =	swait.ge [sflag:s13], $0x2710  }
0x26: {  	[sflag:s13] =	ssyncset.done $0x0  }
0x27: {  	[sflag:s13] =	ssyncadd.s32 $0xFFFFD8F0  }
0x28: {  	[tilespmem:s18], [sflag:$0x1] =	stream.indirect.gather [hbm4b:s3+s17], $0x40, s15, s17, $0xb8;
	[tilespmem:$0x14E60] =	vst v63  }
0x29: {  	s7 =	simm.s32 $0x9C90  }
0x2a: {  	[tilespmem:s20], [sflag:$0x2] =	stream.indirect.gather [hbm4b:s3+s17], $0x40, s7, s17, $0xb8;
	[tilespmem:$0x14E60] =	vst v63  }
0x2b: {  	s6 =	simm.s32 $0x9CE0  }
0x2c: {  	[tilespmem:s22], [sflag:$0x3] =	stream.indirect.gather [hbm4b:s3+s17], $0x40, s6, s17, $0xb8;
	[tilespmem:$0x14E60] =	vst v63  }
0x2d: {  	s7 =	simm.s32 $0x9D30  }
0x2e: {  	[tilespmem:s24], [sflag:$0x4] =	stream.indirect.gather [hbm4b:s3+s17], $0x40, s7, s17, $0xb8;
	[tilespmem:$0x14E60] =	vst v63  }
0x2f: {  	s6 =	simm.s32 $0x9D80  }
0x30: {  	[tilespmem:s26], [sflag:$0x5] =	stream.indirect.gather [hbm4b:s3+s17], $0x40, s6, s17, $0xb8;
	[tilespmem:$0x14E60] =	vst v63  }
0x31: {  	[bflag:$0x0] =	sbarrier.arrive $0xFFFF  }
0x32: {  	_ =	swait.ge [sflag:s28], $0x1400  }
0x33: {  	[sflag:s28] =	ssyncset.done $0x0  }
0x34: {  	s7 =	simm.s32 $0xC350;
	[sflag:s28] =	ssyncadd.s32 $0xFFFFEC00  }
0x35: {  	[spmem:s1] =	stream.indirect.scatter.add.f32 [tilespmem:s18], [sflag:$0x6], $0x40, s7, s17, $0xb8;
	[tilespmem:$0x14E60] =	vst v63  }
0x36: {  	_ =	swait.ge [sflag:s29], $0x1400  }
0x37: {  	[sflag:s29] =	ssyncset.done $0x0  }
0x38: {  	s6 =	simm.s32 $0xC3A0;
	[sflag:s29] =	ssyncadd.s32 $0xFFFFEC00  }
0x39: {  	[spmem:s1] =	stream.indirect.scatter.add.f32 [tilespmem:s20], [sflag:$0x7], $0x40, s6, s17, $0xb8;
	[tilespmem:$0x14E60] =	vst v63  }
0x3a: {  	_ =	swait.ge [sflag:s30], $0x1400  }
0x3b: {  	[sflag:s30] =	ssyncset.done $0x0  }
0x3c: {  	s7 =	simm.s32 $0xC3F0;
	[sflag:s30] =	ssyncadd.s32 $0xFFFFEC00  }
0x3d: {  	[spmem:s1] =	stream.indirect.scatter.add.f32 [tilespmem:s22], [sflag:$0x8], $0x40, s7, s17, $0xb8;
	[tilespmem:$0x14E60] =	vst v63  }
0x3e: {  	_ =	swait.ge [sflag:s31], $0x1400  }
0x3f: {  	[sflag:s31] =	ssyncset.done $0x0  }
0x40: {  	s6 =	simm.s32 $0xC440;
	[sflag:s31] =	ssyncadd.s32 $0xFFFFEC00  }
0x41: {  	[spmem:s1] =	stream.indirect.scatter.add.f32 [tilespmem:s24], [sflag:$0x9], $0x40, s6, s17, $0xb8;
	[tilespmem:$0x14E60] =	vst v63  }
0x42: {  	_ =	swait.ge [sflag:s0], $0x1400  }
0x43: {  	[sflag:s0] =	ssyncset.done $0x0  }
0x44: {  	s7 =	simm.s32 $0xC490;
	[sflag:s0] =	ssyncadd.s32 $0xFFFFEC00  }
0x45: {  	[spmem:s1] =	stream.indirect.scatter.add.f32 [tilespmem:s26], [sflag:$0xA], $0x40, s7, s17, $0xb8;
	[tilespmem:$0x14E60] =	vst v63  }
0x46: {  	_ =	swait.ge [sflag:s16], $0x1400  }
0x47: {  	[sflag:s16] =	ssyncset.done $0x0  }
0x48: {  	s6 =	simm.s32 $0x9DD0;
	[sflag:s16] =	ssyncadd.s32 $0xFFFFEC00  }
0x49: {  	[tilespmem:s18], [sflag:$0x1] =	stream.indirect.gather [hbm4b:s3+s17], $0x40, s6, s17, $0xb8;
	[tilespmem:$0x14E60] =	vst v63  }
0x4a: {  	_ =	swait.ge [sflag:s19], $0x1400  }
0x4b: {  	[sflag:s19] =	ssyncset.done $0x0  }
0x4c: {  	s7 =	simm.s32 $0x9E20;
	[sflag:s19] =	ssyncadd.s32 $0xFFFFEC00  }
0x4d: {  	[tilespmem:s20], [sflag:$0x2] =	stream.indirect.gather [hbm4b:s3+s17], $0x40, s7, s17, $0xb8;
	[tilespmem:$0x14E60] =	vst v63  }
0x4e: {  	_ =	swait.ge [sflag:s21], $0x1400  }
0x4f: {  	[sflag:s21] =	ssyncset.done $0x0  }
0x50: {  	s6 =	simm.s32 $0x9E70;
	[sflag:s21] =	ssyncadd.s32 $0xFFFFEC00  }
0x51: {  	[tilespmem:s22], [sflag:$0x3] =	stream.indirect.gather [hbm4b:s3+s17], $0x40, s6, s17, $0xb8;
	[tilespmem:$0x14E60] =	vst v63  }
0x52: {  	_ =	swait.ge [sflag:s23], $0x1400  }
0x53: {  	[sflag:s23] =	ssyncset.done $0x0  }
0x54: {  	s7 =	simm.s32 $0x9EC0;
	[sflag:s23] =	ssyncadd.s32 $0xFFFFEC00  }
0x55: {  	[tilespmem:s24], [sflag:$0x4] =	stream.indirect.gather [hbm4b:s3+s17], $0x40, s7, s17, $0xb8;
	[tilespmem:$0x14E60] =	vst v63  }
0x56: {  	_ =	swait.ge [sflag:s25], $0x1400  }
0x57: {  	[sflag:s25] =	ssyncset.done $0x0  }
0x58: {  	s4 =	simm.s32 $0x640;
	s6 =	simm.s32 $0x9F10;
	[sflag:s25] =	ssyncadd.s32 $0xFFFFEC00  }
.LBB2_2:
0x59: {  	[tilespmem:s26], [sflag:$0x5] =	stream.indirect.gather [hbm4b:s3+s17], $0x40, s6, s17, $0xb8;
	[tilespmem:$0x14E60] =	vst v63  }
0x5a: {  	s6 =	smov.u32 s4  }
0x5b: {  	p1 =	sne.s32 s4, $0x8FC0;
	s4 =	sadd.s32 $0x640, s4;
	_ =	swait.ge [sflag:s28], $0x1400  }
0x5c: {  	s6 =	sshra.s32 s6, $0x2;
	[sflag:s28] =	ssyncset.done $0x0  }
0x5d: {  	s7 =	sadd.s32 $0xC350, s6;
	[sflag:s28] =	ssyncadd.s32 $0xFFFFEC00  }
0x5e: {  	[spmem:s1] =	stream.indirect.scatter.add.f32 [tilespmem:s18], [sflag:$0x6], $0x40, s7, s17, $0xb8;
	[tilespmem:$0x14E60] =	vst v63  }
0x5f: {  	_ =	swait.ge [sflag:s29], $0x1400  }
0x60: {  	[sflag:s29] =	ssyncset.done $0x0  }
0x61: {  	s7 =	sadd.s32 $0xC3A0, s6;
	[sflag:s29] =	ssyncadd.s32 $0xFFFFEC00  }
0x62: {  	[spmem:s1] =	stream.indirect.scatter.add.f32 [tilespmem:s20], [sflag:$0x7], $0x40, s7, s17, $0xb8;
	[tilespmem:$0x14E60] =	vst v63  }
0x63: {  	_ =	swait.ge [sflag:s30], $0x1400  }
0x64: {  	[sflag:s30] =	ssyncset.done $0x0  }
0x65: {  	s7 =	sadd.s32 $0xC3F0, s6;
	[sflag:s30] =	ssyncadd.s32 $0xFFFFEC00  }
0x66: {  	[spmem:s1] =	stream.indirect.scatter.add.f32 [tilespmem:s22], [sflag:$0x8], $0x40, s7, s17, $0xb8;
	[tilespmem:$0x14E60] =	vst v63  }
0x67: {  	_ =	swait.ge [sflag:s31], $0x1400  }
0x68: {  	[sflag:s31] =	ssyncset.done $0x0  }
0x69: {  	s7 =	sadd.s32 $0xC440, s6;
	[sflag:s31] =	ssyncadd.s32 $0xFFFFEC00  }
0x6a: {  	[spmem:s1] =	stream.indirect.scatter.add.f32 [tilespmem:s24], [sflag:$0x9], $0x40, s7, s17, $0xb8;
	[tilespmem:$0x14E60] =	vst v63  }
0x6b: {  	_ =	swait.ge [sflag:s0], $0x1400  }
0x6c: {  	[sflag:s0] =	ssyncset.done $0x0  }
0x6d: {  	s7 =	sadd.s32 $0xC490, s6;
	[sflag:s0] =	ssyncadd.s32 $0xFFFFEC00  }
0x6e: {  	[spmem:s1] =	stream.indirect.scatter.add.f32 [tilespmem:s26], [sflag:$0xA], $0x40, s7, s17, $0xb8;
	[tilespmem:$0x14E60] =	vst v63  }
0x6f: {  	_ =	swait.ge [sflag:s16], $0x1400  }
0x70: {  	[sflag:s16] =	ssyncset.done $0x0  }
0x71: {  	s7 =	sadd.s32 $0x9DD0, s6;
	[sflag:s16] =	ssyncadd.s32 $0xFFFFEC00  }
0x72: {  	[tilespmem:s18], [sflag:$0x1] =	stream.indirect.gather [hbm4b:s3+s17], $0x40, s7, s17, $0xb8;
	[tilespmem:$0x14E60] =	vst v63  }
0x73: {  	_ =	swait.ge [sflag:s19], $0x1400  }
0x74: {  	[sflag:s19] =	ssyncset.done $0x0  }
0x75: {  	s7 =	sadd.s32 $0x9E20, s6;
	[sflag:s19] =	ssyncadd.s32 $0xFFFFEC00  }
0x76: {  	[tilespmem:s20], [sflag:$0x2] =	stream.indirect.gather [hbm4b:s3+s17], $0x40, s7, s17, $0xb8;
	[tilespmem:$0x14E60] =	vst v63  }
0x77: {  	_ =	swait.ge [sflag:s21], $0x1400  }
0x78: {  	[sflag:s21] =	ssyncset.done $0x0  }
0x79: {  	s7 =	sadd.s32 $0x9E70, s6;
	[sflag:s21] =	ssyncadd.s32 $0xFFFFEC00  }
0x7a: {  	[tilespmem:s22], [sflag:$0x3] =	stream.indirect.gather [hbm4b:s3+s17], $0x40, s7, s17, $0xb8;
	[tilespmem:$0x14E60] =	vst v63  }
0x7b: {  	_ =	swait.ge [sflag:s23], $0x1400  }
0x7c: {  	[sflag:s23] =	ssyncset.done $0x0  }
.Ltmp0:
0x7d: {  	s7 =	sadd.s32 $0x9EC0, s6;
	[sflag:s23] =	ssyncadd.s32 $0xFFFFEC00;
	(pc) =	sbr.rel @p1 .LBB2_2-.Ltmp0, $4  }
0x7e: {  	[tilespmem:s24], [sflag:$0x4] =	stream.indirect.gather [hbm4b:s3+s17], $0x40, s7, s17, $0xb8;
	[tilespmem:$0x14E60] =	vst v63  }
0x7f: {  	_ =	swait.ge [sflag:s25], $0x1400  }
0x80: {  	[sflag:s25] =	ssyncset.done $0x0  }
0x81: {  	s6 =	sadd.s32 $0x9F10, s6;
	[sflag:s25] =	ssyncadd.s32 $0xFFFFEC00  }
0x82: {  	[tilespmem:s26], [sflag:$0x5] =	stream.indirect.gather [hbm4b:s3+s17], $0x40, s6, s17, $0xb8;
	[tilespmem:$0x14E60] =	vst v63  }
0x83: {  	_ =	swait.ge [sflag:s28], $0x1400  }
0x84: {  	[sflag:s28] =	ssyncset.done $0x0  }
0x85: {  	s4 =	simm.s32 $0xE8D0;
	[sflag:s28] =	ssyncadd.s32 $0xFFFFEC00  }
0x86: {  	[spmem:s1] =	stream.indirect.scatter.add.f32 [tilespmem:s18], [sflag:$0x6], $0x40, s4, s17, $0xb8;
	[tilespmem:$0x14E60] =	vst v63  }
0x87: {  	_ =	swait.ge [sflag:s29], $0x1400  }
0x88: {  	[sflag:s29] =	ssyncset.done $0x0  }
0x89: {  	s6 =	simm.s32 $0xE920;
	[sflag:s29] =	ssyncadd.s32 $0xFFFFEC00  }
0x8a: {  	[spmem:s1] =	stream.indirect.scatter.add.f32 [tilespmem:s20], [sflag:$0x7], $0x40, s6, s17, $0xb8;
	[tilespmem:$0x14E60] =	vst v63  }
0x8b: {  	_ =	swait.ge [sflag:s30], $0x1400  }
0x8c: {  	[sflag:s30] =	ssyncset.done $0x0  }
0x8d: {  	s7 =	simm.s32 $0xE970;
	[sflag:s30] =	ssyncadd.s32 $0xFFFFEC00  }
0x8e: {  	[spmem:s1] =	stream.indirect.scatter.add.f32 [tilespmem:s22], [sflag:$0x8], $0x40, s7, s17, $0xb8;
	[tilespmem:$0x14E60] =	vst v63  }
0x8f: {  	_ =	swait.ge [sflag:s31], $0x1400  }
0x90: {  	[sflag:s31] =	ssyncset.done $0x0  }
0x91: {  	s6 =	simm.s32 $0xE9C0;
	[sflag:s31] =	ssyncadd.s32 $0xFFFFEC00  }
0x92: {  	[spmem:s1] =	stream.indirect.scatter.add.f32 [tilespmem:s24], [sflag:$0x9], $0x40, s6, s17, $0xb8;
	[tilespmem:$0x14E60] =	vst v63  }
0x93: {  	_ =	swait.ge [sflag:s0], $0x1400  }
0x94: {  	[sflag:s0] =	ssyncset.done $0x0  }
0x95: {  	s7 =	simm.s32 $0xEA10;
	[sflag:s0] =	ssyncadd.s32 $0xFFFFEC00  }
0x96: {  	[spmem:s1] =	stream.indirect.scatter.add.f32 [tilespmem:s26], [sflag:$0xA], $0x40, s7, s17, $0xb8;
	[tilespmem:$0x14E60] =	vst v63  }
0x97: {  	_ =	swait.ge [sflag:s16], $0x1400  }
0x98: {  	[sflag:s16] =	ssyncset.done $0x0  }
0x99: {  	[sflag:s16] =	ssyncadd.s32 $0xFFFFEC00  }
0x9a: {  	_ =	swait.ge [sflag:s19], $0x1400  }
0x9b: {  	[sflag:s19] =	ssyncset.done $0x0  }
0x9c: {  	[sflag:s19] =	ssyncadd.s32 $0xFFFFEC00  }
0x9d: {  	_ =	swait.ge [sflag:s21], $0x1400  }
0x9e: {  	[sflag:s21] =	ssyncset.done $0x0  }
0x9f: {  	[sflag:s21] =	ssyncadd.s32 $0xFFFFEC00  }
0xa0: {  	_ =	swait.ge [sflag:s23], $0x1400  }
0xa1: {  	[sflag:s23] =	ssyncset.done $0x0  }
0xa2: {  	[sflag:s23] =	ssyncadd.s32 $0xFFFFEC00  }
0xa3: {  	_ =	swait.ge [sflag:s25], $0x1400  }
0xa4: {  	[sflag:s25] =	ssyncset.done $0x0  }
0xa5: {  	[sflag:s25] =	ssyncadd.s32 $0xFFFFEC00  }
0xa6: {  	[bflag:$0x0] =	sbarrier.arrive $0xFFFF  }
0xa7: {  	[hbm:s9], [sflag:s5] =	dma.local [spmem:s12], $0x1380  }
0xa8: {  	s2 =	sadd.s32 $0x1, s2;
	_ =	swait.ge [sflag:s13], $0x1380  }
0xa9: {  	p1 =	sne.s32 s2, s11;
	[sflag:s13] =	ssyncset.done $0x0  }
.Ltmp1:
0xaa: {  	s4 =	simm.s32 @!p0 $0xB;
	[sflag:s13] =	ssyncadd.s32 $0xFFFFEC80;
	(pc) =	sbr.rel @p1 .LBB2_1-.Ltmp1, $4  }
0xab: {  	[hbm:s10], [sflag:s5] =	dma.local @!p0 [spmem:s14], $0x80  }
0xac: {  	_ =	swait.ge @!p0 [sflag:s4], $0x80  }
0xad: {  	[sflag:s4] =	ssyncset.done @!p0 $0x0  }
0xae: {  	[sflag:s4] =	ssyncadd.s32 @!p0 $0xFFFFFF80  }
0xaf: {  	_ =	sfence.sel $0x180000  }
0xb0: {  	[bflag:$0x0] =	sbarrier.arrive $0xFFFF  }
0xb1: {  	_ =	strace $0x9000004A  }
0xb2: {  	[bflag:$0x2] =	sbarrier.arrive $0xFFFF  }
0xb3: {  	s0 =	rddreg [dreg:$0x2]  }
0xb4: {  	s0 =	sadd.s32 @!p0 $0x100000, s0  }
0xb5: {  	[sflag:s0] =	ssyncadd.tile.s32 @!p0 $0x1;
	_ =	shalt  }
.Lfunc_end2:
_tile_overlayer_lowered:
.L_overlay_start_2:
0xb6: {  	(tag) =	ssettag $0x2  }
0xb7: {  	s0 =	rddreg [dreg:$0x0];
	s2 =	stileid.u32  }
0xb8: {  	s1 =	rddreg [dreg:$0x1];
	p0 =	sne.s32 s2, $0x0  }
0xb9: {  	s3 =	rddreg [dreg:$0x2];
	[bflag:$0x3] =	sbarrier.arrive $0xFFFF;
	s2 =	simm.s32 @!p0 $0x1C0B  }
0xba: {  	[timem:s3], [sflag:s2] =	dma.local @!p0 [hbm:s0], s1  }
0xbb: {  	s0 =	simm.s32 @!p0 $0xB  }
0xbc: {  	_ =	swait.ge @!p0 [sflag:s0], s1  }
0xbd: {  	s1 =	ssub.s32 @!p0 $0x0, s1;
	[sflag:s0] =	ssyncset.done @!p0 $0x0  }
0xbe: {  	[sflag:s0] =	ssyncadd.s32 @!p0 s1  }
0xbf: {  	[bflag:$0x3] =	sbarrier.arrive $0xFFFF  }
0xc0: {  	_ =	shalt  }

// kernel: kernel.15.cloned.1.call-start
scs
__scs_entry_jumppad:
0x0: {  	(pc) =	sbr.rel $0x88, $3  }
0x1: {  	(tag) =	ssettag $0x0;
	lr =	simm.s32 $0x1  }
0x2: {  	[smem:$0x3F99] =	sst lr;
	_ =	strace $0xD0000000  }
0x3: {  	_ = 	snop  }
0x4: {  	_ = 	snop  }
0x5: {  	_ = 	snop  }
0x6: {  	_ = 	snop  }
0x7: {  	_ = 	snop  }
__scs_overlays_trampoline_lowered:
0x8: {  	[smem:$0x3FA8] =	sst s0  }
0x9: {  	[smem:$0x3FA9] =	sst s1  }
0xa: {  	[smem:$0x3FAA] =	sst s2  }
0xb: {  	[smem:$0x3FAB] =	sst s3  }
0xc: {  	[smem:$0x3FAC] =	sst s4  }
0xd: {  	[smem:$0x3FAD] =	sst s5  }
0xe: {  	[smem:$0x3FAE] =	sst s6  }
0xf: {  	[smem:$0x3FAF] =	sst s7  }
0x10: {  	[smem:$0x3FB0] =	sst s8  }
0x11: {  	[smem:$0x3FB1] =	sst s9;
	s0 =	simm.s32 @!p0 $0x0  }
0x12: {  	s1 =	sld [smem:$0x3F97];
	s0 =	simm.s32 @p0 $0x1  }
0x13: {  	[smem:$0x3FB2] =	sst s0;
	s0 =	simm.s32 @!p1 $0x0  }
0x14: {  	s2 =	sld [smem:$0x3F96];
	s0 =	simm.s32 @p1 $0x1  }
0x15: {  	[smem:$0x3FB3] =	sst s0;
	s0 =	simm.s32 @!p2 $0x0  }
0x16: {  	s3 =	sld [smem:$0x3FDB];
	s0 =	simm.s32 @p2 $0x1  }
0x17: {  	s4 =	simm.s32 $0x1BF5;
	[smem:$0x3FB5] =	sst s0  }
0x18: {  	s0 =	sld [smem:$0x3F98];
	_ =	swait.ge [sflag:s4], $0x0  }
0x19: {  	s7 =	sld [smem:$0x3F99]  }
0x1a: {  	s8 =	sadd.s32 $0xFFFFE003, lr  }
0x1b: {  	s9 =	sadd.s32 $0xFFFFFEF7, lr;
	s5 =	simm.s32 $0xFFFFFFFF;
	p2 =	slt.u32 s8, $0xFFFFF086  }
0x1c: {  	p1 =	slt.u32 s9, $0xF7A;
	s5 =	simm.s32 @!p2 $0x0  }
0x1d: {  	s5 =	simm.s32 @p1 $0x1;
	p0 =	seq.s32 s7, s2  }
0x1e: {  	s7 =	smul.u32 @!p0 $0xF7A, s2;
	p2 =	seq.s32 @!p0 s5, $0x0  }
0x1f: {  	s9 =	smul.u32 $0xF7A, s1;
	s8 =	simm.s32 @!p0 $0x1BF5;
	p2 =	por !p2, p0  }
0x20: {  	[sflag:s8] =	ssyncset.s32 @!p0 $0xFFFFF086;
	s6 =	sadd.s32 @!p0 s3, s7;
	s7 =	simm.s32 @!p0 $0x108  }
0x21: {  	s3 =	sadd.s32 s3, s9;
	s6 =	sadd.s32 @!p0 $0x88, s6;
	s7 =	simm.s32 @p2 $0x1082  }
0x22: {  	[simem:s7], [sflag:s8] =	dma.local @!p0 [hbm:s6], $0xF7A  }
0x23: {  	s9 =	sor.u32 $0xD0000000, s2;
	s6 =	simm.s32 $0x108;
	_ =	swait.ge @!p0 [sflag:s8], $0x0  }
0x24: {  	s3 =	sadd.s32 $0x88, s3;
	s6 =	simm.s32 @!p1 $0x1082;
	[sflag:s4] =	ssyncset.s32 $0xFFFFF086  }
0x25: {  	[simem:s6], [sflag:s4] =	dma.local [hbm:s3], $0xF7A  }
0x26: {  	[smem:$0x3F99] =	sst s1;
	(tag) =	ssettag s2;
	_ =	strace s9  }
0x27: {  	s1 =	sld [smem:$0x3FA9]  }
0x28: {  	s2 =	sld [smem:$0x3FAA]  }
0x29: {  	s4 =	sld [smem:$0x3FAC]  }
0x2a: {  	p0 =	seq.s32 s5, $0x0;
	s5 =	sld [smem:$0x3FAD]  }
0x2b: {  	s6 =	sld [smem:$0x3FAE]  }
0x2c: {  	s7 =	sld [smem:$0x3FAF]  }
0x2d: {  	s3 =	simm.s32 $0x108;
	s8 =	sld [smem:$0x3FB0]  }
0x2e: {  	s3 =	simm.s32 @!p0 $0x1082;
	s9 =	sld [smem:$0x3FB1]  }
0x2f: {  	lr =	sadd.s32 s0, s3;
	s0 =	sld [smem:$0x3FA8]  }
0x30: {  	s3 =	sld [smem:$0x3FAB]  }
0x31: {  	[smem:$0x3FB4] =	sst s10  }
0x32: {  	s10 =	sld [smem:$0x3FB2];
	_ =	sdelay $0x3  }
0x33: {  	p0 =	seq.s32 s10, $0x1;
	s10 =	sld [smem:$0x3FB4];
	_ =	sdelay $0x3  }
0x34: {  	[smem:$0x3FB4] =	sst s10  }
0x35: {  	s10 =	sld [smem:$0x3FB3];
	_ =	sdelay $0x3  }
0x36: {  	p1 =	seq.s32 s10, $0x1;
	s10 =	sld [smem:$0x3FB4];
	_ =	sdelay $0x3  }
0x37: {  	[smem:$0x3FB4] =	sst s10  }
0x38: {  	s10 =	sld [smem:$0x3FB5]  }
0x39: {  	_ = 	snop;
	(pc) =	sbr.ind lr, $3  }
0x3a: {  	_ = 	snop  }
0x3b: {  	_ = 	snop  }
0x3c: {  	p2 =	seq.s32 s10, $0x1;
	s10 =	sld [smem:$0x3FB4]  }
0x3d: {  	_ =	shalt  }
0x3e: {  	_ =	shalt  }
0x3f: {  	_ =	shalt  }
0x40: {  	_ =	shalt  }
0x41: {  	_ =	shalt  }
0x42: {  	_ =	shalt  }
0x43: {  	_ =	shalt  }
0x44: {  	_ =	shalt  }
0x45: {  	_ =	shalt  }
0x46: {  	_ =	shalt  }
0x47: {  	_ =	shalt  }
0x48: {  	_ =	shalt  }
0x49: {  	_ =	shalt  }
0x4a: {  	_ =	shalt  }
0x4b: {  	_ =	shalt  }
0x4c: {  	_ =	shalt  }
0x4d: {  	_ =	shalt  }
0x4e: {  	_ =	shalt  }
0x4f: {  	_ =	shalt  }
0x50: {  	_ =	shalt  }
0x51: {  	_ =	shalt  }
0x52: {  	_ =	shalt  }
0x53: {  	_ =	shalt  }
0x54: {  	_ =	shalt  }
0x55: {  	_ =	shalt  }
0x56: {  	_ =	shalt  }
0x57: {  	_ =	shalt  }
0x58: {  	_ =	shalt  }
0x59: {  	_ =	shalt  }
0x5a: {  	_ =	shalt  }
0x5b: {  	_ =	shalt  }
0x5c: {  	_ =	shalt  }
0x5d: {  	_ =	shalt  }
0x5e: {  	_ =	shalt  }
0x5f: {  	_ =	shalt  }
0x60: {  	_ =	shalt  }
0x61: {  	_ =	shalt  }
0x62: {  	_ =	shalt  }
0x63: {  	_ =	shalt  }
0x64: {  	_ =	shalt  }
0x65: {  	_ =	shalt  }
0x66: {  	_ =	shalt  }
0x67: {  	_ =	shalt  }
0x68: {  	_ =	shalt  }
0x69: {  	_ =	shalt  }
0x6a: {  	_ =	shalt  }
0x6b: {  	_ =	shalt  }
0x6c: {  	_ =	shalt  }
0x6d: {  	_ =	shalt  }
0x6e: {  	_ =	shalt  }
0x6f: {  	_ =	shalt  }
0x70: {  	_ =	shalt  }
0x71: {  	_ =	shalt  }
0x72: {  	_ =	shalt  }
0x73: {  	_ =	shalt  }
0x74: {  	_ =	shalt  }
0x75: {  	_ =	shalt  }
0x76: {  	_ =	shalt  }
0x77: {  	_ =	shalt  }
0x78: {  	_ =	shalt  }
0x79: {  	_ =	shalt  }
0x7a: {  	_ =	shalt  }
0x7b: {  	_ =	shalt  }
0x7c: {  	_ =	shalt  }
0x7d: {  	_ =	shalt  }
0x7e: {  	_ =	shalt  }
0x7f: {  	_ =	shalt  }
0x80: {  	_ =	shalt  }
0x81: {  	_ =	shalt  }
0x82: {  	_ =	shalt  }
0x83: {  	_ =	shalt  }
0x84: {  	_ =	shalt  }
0x85: {  	_ =	shalt  }
0x86: {  	_ =	shalt  }
0x87: {  	_ =	shalt  }
.Lfunc_end0:
.L_simem_size_0:
called_computation.3_lowered:
.L_overlay_start_0:
0x88: {  	s2 =	sld [smem:$0x3FD9]  }
0x89: {  	s3 =	sld [smem:$0x3FFE];
	_ =	sdelay $0x1  }
0x8a: {  	s1 =	srdreg.scid  }
0x8b: {  	s0 =	sand.u32 $0x1, s1  }
0x8c: {  	s16 =	sshll.u32 s0, $0xA;
	s2 =	sadd.s32 s3, s2  }
0x8d: {  	s2 =	sadd.s32 s2, s16  }
0x8e: {  	[smem:$0x3FC0] =	sst s2  }
0x8f: {  	_ = 	snop  }
0x90: {  	(tm) =	ssettm $0x1  }
0x91: {  	s17 =	sld [smem:$0x3FFB];
	_ =	sdelay $0x3  }
0x92: {  	_ =	strace s17  }
0x93: {  	s2 =	sld [smem:$0x3FFC];
	_ =	sdelay $0x3  }
0x94: {  	_ =	strace s2  }
0x95: {  	s2 =	sld [smem:$0x3FFD];
	_ =	sdelay $0x3  }
0x96: {  	_ =	strace s2  }
0x97: {  	_ =	strace $0x8FFFFFFF  }
0x98: {  	s18 =	sld [smem:$0x3FDB];
	_ =	sdelay $0x1  }
0x99: {  	s19 =	simm.s32 $_scs_section_size  }
0x9a: {  	s4 =	simm.s32 $_size__tile_overlayer_lowered;
	s5 =	simm.s32 $_tile_overlayer_lowered  }
0x9b: {  	s22 =	simm.s32 $0x1BFF;
	s21 =	sshll.u32 s5, $0x1;
	s2 =	sadd.s32 s19, s18  }
0x9c: {  	s6 =	simm.s32 $0x0;
	s20 =	sshll.u32 s4, $0x1;
	s4 =	sadd.s32 s21, s2  }
0x9d: {  	[timem:s6], [sflag:s22] =	dma.local [hbm:s4], s20  }
0x9e: {  	_ =	swait.ge [sflag:s22], s20  }
0x9f: {  	s3 =	ssub.s32 $0x0, s20;
	[sflag:s22] =	ssyncset.done $0x0  }
0xa0: {  	[sflag:s22] =	ssyncadd.s32 s3;
	_ =	sdelay $0x1  }
0xa1: {  	s23 =	simm.s32 $0x1B8B  }
0xa2: {  	_ =	swait.ge [sflag:s23], $0x1  }
0xa3: {  	[sflag:s23] =	ssyncset.done $0x0  }
0xa4: {  	s25 =	simm.s32 $0x1B8E;
	s24 =	sld [smem:$0x3FFE];
	[sflag:s23] =	ssyncadd.s32 $0xFFFFFFFF  }
0xa5: {  	s26 =	simm.s32 $execute0_lowered;
	[smem:$0x3FD2] =	sst s25  }
0xa6: {  	s4 =	sshll.u32 s26, $0x1;
	_ =	strace $0x8000004C;
	[dreg:$0x1] =	wrdreg $0xFFFFFFFF  }
0xa7: {  	s28 =	simm.s32 $_size_execute0_lowered;
	s2 =	sadd.s32 s2, s4;
	[dreg:$0x0] =	wrdreg $0x0  }
0xa8: {  	s4 =	sshll.u32 s28, $0x1;
	[dreg:$0x2] =	wrdreg s2  }
0xa9: {  	[dreg:$0x3] =	wrdreg s4  }
0xaa: {  	[dreg:$0x4] =	wrdreg $0xC0  }
0xab: {  	_ =	task [dreg:s6], $0x5FFFF  }
0xac: {  	[dreg:$0x1] =	wrdreg $0xFFFFFFFF  }
0xad: {  	[dreg:$0x0] =	wrdreg $0x60  }
0xae: {  	[dreg:$0x2] =	wrdreg s24  }
0xaf: {  	[dreg:$0x3] =	wrdreg $0x0  }
0xb0: {  	[dreg:$0x4] =	wrdreg $0x9  }
0xb1: {  	_ =	task.clear_ibuf [dreg:s6], $0x5FFFF;
	_ =	strace $0x9000004C  }
0xb2: {  	s29 =	simm.s32 $0x9;
	_ =	strace $0x8000004E  }
0xb3: {  	_ =	swait.ge [sflag:s29], $0x1  }
0xb4: {  	[sflag:s29] =	ssyncadd.s32 $0xFFFFFFFF  }
0xb5: {  	_ =	strace $0x9000004E  }
0xb6: {  	_ =	sfence  }
0xb7: {  	s30 =	sld [smem:$0x0];
	_ =	sdelay $0x2  }
0xb8: {  	s31 =	sshll.u32 s1, $0xD;
	s1 =	sshrl.u32 s1, $0x2  }
0xb9: {  	s3 =	sand.u32 $0x4000, s31;
	s1 =	sadd.s32 s1, s30  }
0xba: {  	s0 =	sor.u32 s3, s0;
	s1 =	sshll.u32 s1, $0x11  }
0xbb: {  	s0 =	sor.u32 s1, s0  }
0xbc: {  	s0 =	sadd.s32 $0x8F2B, s0  }
0xbd: {  	[sflag:s0] =	ssyncadd.remote.s32 $0x1  }
0xbe: {  	_ =	sfence.sel $0xFFFF  }
0xbf: {  	[dreg:$0x0] =	wrdreg $0xFFFFFFFF;
	(pc) =	sbr.abs _section_cstart, $3  }
0xc0: {  	[dreg:$0x1] =	wrdreg $0xFFFFFFFF  }
0xc1: {  	_ =	task.clear_ibuf [dreg:s6], $0x2FFFF;
	_ =	strace $0x9FFFFFFF  }
0xc2: {  	(tm) =	ssettm $0x7FFFFFFF  }
0xc3: {  	_ =	shalt  }
tec
execute0_lowered:
.L_overlay_start_1:
0x0: {  	(tag) =	ssettag $0x1  }
0x1: {  	s2 =	rddreg [dreg:$0x0]  }
0x2: {  	s0 =	srdreg.scid;
	s1 =	rddreg [dreg:$0x1]  }
0x3: {  	s4 =	stileid.u32;
	s5 =	simm.s32 $0x0;
	s13 =	simm.s32 $0xB  }
0x4: {  	s15 =	simm.s32 $0x2710;
	s17 =	simm.s32 $0x50;
	s18 =	simm.s32 $0x7530  }
0x5: {  	s20 =	simm.s32 $0x7A30;
	s28 =	simm.s32 $0x1;
	s29 =	simm.s32 $0x2  }
0x6: {  	s30 =	simm.s32 $0x3;
	s31 =	simm.s32 $0x4;
	s16 =	simm.s32 $0x6  }
0x7: {  	s19 =	simm.s32 $0x7;
	s21 =	simm.s32 $0x8;
	s0 =	sand.u32 $0x1, s0  }
0x8: {  	[smem:$0x7FF] =	sst s5;
	s7 =	smul.u32 $0x2700, s4;
	s9 =	sadd.s32 $0x1B200, s2  }
0x9: {  	s10 =	sshll.u32 s4, $0x6;
	s14 =	sadd.s32 $0x27000, s1;
	p0 =	sne.s32 s4, $0x0  }
0xa: {  	s3 =	sshll.u32 s0, $0x4;
	_ =	strace $0x8000004D;
	s6 =	ssub.s32 $0x2, s0  }
0xb: {  	s0 =	smul.u32 $0x27100, s0;
	s14 =	sshrl.u32 @!p0 s14, $0x3;
	s3 =	sor.u32 s4, s3  }
0xc: {  	s23 =	sshrl.u32 s6, $0x1;
	s12 =	sadd.s32 s7, s1;
	s24 =	sshrl.u32 s7, $0x3  }
0xd: {  	s22 =	smul.u32 $0x4E2, s3;
	s3 =	sadd.s32 $0x16200, s2;
	s6 =	ssub.s32 s6, s23  }
0xe: {  	s25 =	sadd.s32 s7, s0;
	s0 =	sshrl.u32 s0, $0x3;
	s12 =	sshrl.u32 s12, $0x3  }
0xf: {  	s23 =	simm.s32 $0x9;
	s5 =	sadd.s32 s3, s24;
	s0 =	sadd.s32 s9, s0  }
0x10: {  	s11 =	smax.u32 s6, $0x1;
	s24 =	simm.s32 $0x8430;
	s8 =	sadd.s32 s22, s2  }
0x11: {  	[dreg:$0x3] =	wrdreg s5;
	s5 =	sor.u32 $0x1C0B, s10;
	s2 =	sadd.s32 $0x1B000, s2  }
0x12: {  	s10 =	sadd.s32 $0x4E00, s0;
	s22 =	simm.s32 $0x7F30;
	s0 =	simm.s32 $0x5  }
0x13: {  	[dreg:$0x4] =	wrdreg s2;
	s26 =	sadd.s32 $0x2600, s8;
	s2 =	sshrl.u32 s25, $0x3  }
0x14: {  	s8 =	sadd.s32 $0xC400, s8;
	s25 =	simm.s32 $0xA;
	[dreg:$0x5] =	wrdreg s26  }
0x15: {  	s9 =	sadd.s32 s9, s2;
	s26 =	simm.s32 $0x8930;
	s2 =	simm.s32 $0x0  }
.LBB2_1:
0x16: {  	s4 =	rddreg [dreg:$0x3]  }
0x17: {  	[spmem:s12], [sflag:s5] =	dma.local [hbm:s4], $0x4E0  }
0x18: {  	_ =	swait.ge [sflag:s13], $0x4E0  }
0x19: {  	[sflag:s13] =	ssyncset.done $0x0  }
0x1a: {  	s4 =	rddreg [dreg:$0x4];
	[sflag:s13] =	ssyncadd.s32 $0xFFFFFB20  }
0x1b: {  	[spmem:s14], [sflag:s5] =	dma.local @!p0 [hbm:s4], $0x20  }
0x1c: {  	s4 =	simm.s32 @!p0 $0xB  }
0x1d: {  	_ =	swait.ge @!p0 [sflag:s4], $0x20  }
0x1e: {  	[sflag:s4] =	ssyncset.done @!p0 $0x0  }
0x1f: {  	s6 =	rddreg [dreg:$0x5];
	[sflag:s4] =	ssyncadd.s32 @!p0 $0xFFFFFFE0;
	s4 =	simm.s32 $0x0  }
0x20: {  	[tilespmem:s15], [sflag:$0xB] =	stream.linear.gather [hbm4b:s6+s4], $0x2710, $0x38;
	[tilespmem:$0x8E30] =	vst v63  }
0x21: {  	_ =	swait.ge [sflag:s13], $0x2710  }
0x22: {  	[sflag:s13] =	ssyncset.done $0x0  }
0x23: {  	s7 =	simm.s32 $0x4E20;
	[sflag:s13] =	ssyncadd.s32 $0xFFFFD8F0  }
0x24: {  	[tilespmem:s7], [sflag:$0xB] =	stream.linear.gather [hbm4b:s8+s4], $0x2710, $0x38;
	[tilespmem:$0x8E30] =	vst v63  }
0x25: {  	_ =	swait.ge [sflag:s13], $0x2710  }
0x26: {  	[sflag:s13] =	ssyncset.done $0x0  }
0x27: {  	[sflag:s13] =	ssyncadd.s32 $0xFFFFD8F0  }
0x28: {  	[tilespmem:s18], [sflag:$0x1] =	stream.indirect.gather [hbm4b:s3+s17], $0x10, s15, s17, $0xb8;
	[tilespmem:$0x8E30] =	vst v63  }
0x29: {  	s7 =	simm.s32 $0x2760  }
0x2a: {  	[tilespmem:s20], [sflag:$0x2] =	stream.indirect.gather [hbm4b:s3+s17], $0x10, s7, s17, $0xb8;
	[tilespmem:$0x8E30] =	vst v63  }
0x2b: {  	s6 =	simm.s32 $0x27B0  }
0x2c: {  	[tilespmem:s22], [sflag:$0x3] =	stream.indirect.gather [hbm4b:s3+s17], $0x10, s6, s17, $0xb8;
	[tilespmem:$0x8E30] =	vst v63  }
0x2d: {  	s7 =	simm.s32 $0x2800  }
0x2e: {  	[tilespmem:s24], [sflag:$0x4] =	stream.indirect.gather [hbm4b:s3+s17], $0x10, s7, s17, $0xb8;
	[tilespmem:$0x8E30] =	vst v63  }
0x2f: {  	s6 =	simm.s32 $0x2850  }
0x30: {  	[tilespmem:s26], [sflag:$0x5] =	stream.indirect.gather [hbm4b:s3+s17], $0x10, s6, s17, $0xb8;
	[tilespmem:$0x8E30] =	vst v63  }
0x31: {  	[bflag:$0x0] =	sbarrier.arrive $0xFFFF  }
0x32: {  	_ =	swait.ge [sflag:s28], $0x500  }
0x33: {  	[sflag:s28] =	ssyncset.done $0x0  }
0x34: {  	s7 =	simm.s32 $0x4E20;
	[sflag:s28] =	ssyncadd.s32 $0xFFFFFB00  }
0x35: {  	[spmem:s1] =	stream.indirect.scatter.add.f32 [tilespmem:s18], [sflag:$0x6], $0x10, s7, s17, $0xb8;
	[tilespmem:$0x8E30] =	vst v63  }
0x36: {  	_ =	swait.ge [sflag:s29], $0x500  }
0x37: {  	[sflag:s29] =	ssyncset.done $0x0  }
0x38: {  	s6 =	simm.s32 $0x4E70;
	[sflag:s29] =	ssyncadd.s32 $0xFFFFFB00  }
0x39: {  	[spmem:s1] =	stream.indirect.scatter.add.f32 [tilespmem:s20], [sflag:$0x7], $0x10, s6, s17, $0xb8;
	[tilespmem:$0x8E30] =	vst v63  }
0x3a: {  	_ =	swait.ge [sflag:s30], $0x500  }
0x3b: {  	[sflag:s30] =	ssyncset.done $0x0  }
0x3c: {  	s7 =	simm.s32 $0x4EC0;
	[sflag:s30] =	ssyncadd.s32 $0xFFFFFB00  }
0x3d: {  	[spmem:s1] =	stream.indirect.scatter.add.f32 [tilespmem:s22], [sflag:$0x8], $0x10, s7, s17, $0xb8;
	[tilespmem:$0x8E30] =	vst v63  }
0x3e: {  	_ =	swait.ge [sflag:s31], $0x500  }
0x3f: {  	[sflag:s31] =	ssyncset.done $0x0  }
0x40: {  	s6 =	simm.s32 $0x4F10;
	[sflag:s31] =	ssyncadd.s32 $0xFFFFFB00  }
0x41: {  	[spmem:s1] =	stream.indirect.scatter.add.f32 [tilespmem:s24], [sflag:$0x9], $0x10, s6, s17, $0xb8;
	[tilespmem:$0x8E30] =	vst v63  }
0x42: {  	_ =	swait.ge [sflag:s0], $0x500  }
0x43: {  	[sflag:s0] =	ssyncset.done $0x0  }
0x44: {  	s7 =	simm.s32 $0x4F60;
	[sflag:s0] =	ssyncadd.s32 $0xFFFFFB00  }
0x45: {  	[spmem:s1] =	stream.indirect.scatter.add.f32 [tilespmem:s26], [sflag:$0xA], $0x10, s7, s17, $0xb8;
	[tilespmem:$0x8E30] =	vst v63  }
0x46: {  	_ =	swait.ge [sflag:s16], $0x500  }
0x47: {  	[sflag:s16] =	ssyncset.done $0x0  }
0x48: {  	s6 =	simm.s32 $0x28A0;
	[sflag:s16] =	ssyncadd.s32 $0xFFFFFB00  }
0x49: {  	[tilespmem:s18], [sflag:$0x1] =	stream.indirect.gather [hbm4b:s3+s17], $0x10, s6, s17, $0xb8;
	[tilespmem:$0x8E30] =	vst v63  }
0x4a: {  	_ =	swait.ge [sflag:s19], $0x500  }
0x4b: {  	[sflag:s19] =	ssyncset.done $0x0  }
0x4c: {  	s7 =	simm.s32 $0x28F0;
	[sflag:s19] =	ssyncadd.s32 $0xFFFFFB00  }
0x4d: {  	[tilespmem:s20], [sflag:$0x2] =	stream.indirect.gather [hbm4b:s3+s17], $0x10, s7, s17, $0xb8;
	[tilespmem:$0x8E30] =	vst v63  }
0x4e: {  	_ =	swait.ge [sflag:s21], $0x500  }
0x4f: {  	[sflag:s21] =	ssyncset.done $0x0  }
0x50: {  	s6 =	simm.s32 $0x2940;
	[sflag:s21] =	ssyncadd.s32 $0xFFFFFB00  }
0x51: {  	[tilespmem:s22], [sflag:$0x3] =	stream.indirect.gather [hbm4b:s3+s17], $0x10, s6, s17, $0xb8;
	[tilespmem:$0x8E30] =	vst v63  }
0x52: {  	_ =	swait.ge [sflag:s23], $0x500  }
0x53: {  	[sflag:s23] =	ssyncset.done $0x0  }
0x54: {  	s7 =	simm.s32 $0x2990;
	[sflag:s23] =	ssyncadd.s32 $0xFFFFFB00  }
0x55: {  	[tilespmem:s24], [sflag:$0x4] =	stream.indirect.gather [hbm4b:s3+s17], $0x10, s7, s17, $0xb8;
	[tilespmem:$0x8E30] =	vst v63  }
0x56: {  	_ =	swait.ge [sflag:s25], $0x500  }
0x57: {  	[sflag:s25] =	ssyncset.done $0x0  }
0x58: {  	s4 =	simm.s32 $0x640;
	s6 =	simm.s32 $0x29E0;
	[sflag:s25] =	ssyncadd.s32 $0xFFFFFB00  }
.LBB2_2:
0x59: {  	[tilespmem:s26], [sflag:$0x5] =	stream.indirect.gather [hbm4b:s3+s17], $0x10, s6, s17, $0xb8;
	[tilespmem:$0x8E30] =	vst v63  }
0x5a: {  	s6 =	smov.u32 s4  }
0x5b: {  	p1 =	sne.s32 s4, $0x8FC0;
	s4 =	sadd.s32 $0x640, s4;
	_ =	swait.ge [sflag:s28], $0x500  }
0x5c: {  	s6 =	sshra.s32 s6, $0x2;
	[sflag:s28] =	ssyncset.done $0x0  }
0x5d: {  	s7 =	sadd.s32 $0x4E20, s6;
	[sflag:s28] =	ssyncadd.s32 $0xFFFFFB00  }
0x5e: {  	[spmem:s1] =	stream.indirect.scatter.add.f32 [tilespmem:s18], [sflag:$0x6], $0x10, s7, s17, $0xb8;
	[tilespmem:$0x8E30] =	vst v63  }
0x5f: {  	_ =	swait.ge [sflag:s29], $0x500  }
0x60: {  	[sflag:s29] =	ssyncset.done $0x0  }
0x61: {  	s7 =	sadd.s32 $0x4E70, s6;
	[sflag:s29] =	ssyncadd.s32 $0xFFFFFB00  }
0x62: {  	[spmem:s1] =	stream.indirect.scatter.add.f32 [tilespmem:s20], [sflag:$0x7], $0x10, s7, s17, $0xb8;
	[tilespmem:$0x8E30] =	vst v63  }
0x63: {  	_ =	swait.ge [sflag:s30], $0x500  }
0x64: {  	[sflag:s30] =	ssyncset.done $0x0  }
0x65: {  	s7 =	sadd.s32 $0x4EC0, s6;
	[sflag:s30] =	ssyncadd.s32 $0xFFFFFB00  }
0x66: {  	[spmem:s1] =	stream.indirect.scatter.add.f32 [tilespmem:s22], [sflag:$0x8], $0x10, s7, s17, $0xb8;
	[tilespmem:$0x8E30] =	vst v63  }
0x67: {  	_ =	swait.ge [sflag:s31], $0x500  }
0x68: {  	[sflag:s31] =	ssyncset.done $0x0  }
0x69: {  	s7 =	sadd.s32 $0x4F10, s6;
	[sflag:s31] =	ssyncadd.s32 $0xFFFFFB00  }
0x6a: {  	[spmem:s1] =	stream.indirect.scatter.add.f32 [tilespmem:s24], [sflag:$0x9], $0x10, s7, s17, $0xb8;
	[tilespmem:$0x8E30] =	vst v63  }
0x6b: {  	_ =	swait.ge [sflag:s0], $0x500  }
0x6c: {  	[sflag:s0] =	ssyncset.done $0x0  }
0x6d: {  	s7 =	sadd.s32 $0x4F60, s6;
	[sflag:s0] =	ssyncadd.s32 $0xFFFFFB00  }
0x6e: {  	[spmem:s1] =	stream.indirect.scatter.add.f32 [tilespmem:s26], [sflag:$0xA], $0x10, s7, s17, $0xb8;
	[tilespmem:$0x8E30] =	vst v63  }
0x6f: {  	_ =	swait.ge [sflag:s16], $0x500  }
0x70: {  	[sflag:s16] =	ssyncset.done $0x0  }
0x71: {  	s7 =	sadd.s32 $0x28A0, s6;
	[sflag:s16] =	ssyncadd.s32 $0xFFFFFB00  }
0x72: {  	[tilespmem:s18], [sflag:$0x1] =	stream.indirect.gather [hbm4b:s3+s17], $0x10, s7, s17, $0xb8;
	[tilespmem:$0x8E30] =	vst v63  }
0x73: {  	_ =	swait.ge [sflag:s19], $0x500  }
0x74: {  	[sflag:s19] =	ssyncset.done $0x0  }
0x75: {  	s7 =	sadd.s32 $0x28F0, s6;
	[sflag:s19] =	ssyncadd.s32 $0xFFFFFB00  }
0x76: {  	[tilespmem:s20], [sflag:$0x2] =	stream.indirect.gather [hbm4b:s3+s17], $0x10, s7, s17, $0xb8;
	[tilespmem:$0x8E30] =	vst v63  }
0x77: {  	_ =	swait.ge [sflag:s21], $0x500  }
0x78: {  	[sflag:s21] =	ssyncset.done $0x0  }
0x79: {  	s7 =	sadd.s32 $0x2940, s6;
	[sflag:s21] =	ssyncadd.s32 $0xFFFFFB00  }
0x7a: {  	[tilespmem:s22], [sflag:$0x3] =	stream.indirect.gather [hbm4b:s3+s17], $0x10, s7, s17, $0xb8;
	[tilespmem:$0x8E30] =	vst v63  }
0x7b: {  	_ =	swait.ge [sflag:s23], $0x500  }
0x7c: {  	[sflag:s23] =	ssyncset.done $0x0  }
.Ltmp0:
0x7d: {  	s7 =	sadd.s32 $0x2990, s6;
	[sflag:s23] =	ssyncadd.s32 $0xFFFFFB00;
	(pc) =	sbr.rel @p1 .LBB2_2-.Ltmp0, $4  }
0x7e: {  	[tilespmem:s24], [sflag:$0x4] =	stream.indirect.gather [hbm4b:s3+s17], $0x10, s7, s17, $0xb8;
	[tilespmem:$0x8E30] =	vst v63  }
0x7f: {  	_ =	swait.ge [sflag:s25], $0x500  }
0x80: {  	[sflag:s25] =	ssyncset.done $0x0  }
0x81: {  	s6 =	sadd.s32 $0x29E0, s6;
	[sflag:s25] =	ssyncadd.s32 $0xFFFFFB00  }
0x82: {  	[tilespmem:s26], [sflag:$0x5] =	stream.indirect.gather [hbm4b:s3+s17], $0x10, s6, s17, $0xb8;
	[tilespmem:$0x8E30] =	vst v63  }
0x83: {  	_ =	swait.ge [sflag:s28], $0x500  }
0x84: {  	[sflag:s28] =	ssyncset.done $0x0  }
0x85: {  	s4 =	simm.s32 $0x73A0;
	[sflag:s28] =	ssyncadd.s32 $0xFFFFFB00  }
0x86: {  	[spmem:s1] =	stream.indirect.scatter.add.f32 [tilespmem:s18], [sflag:$0x6], $0x10, s4, s17, $0xb8;
	[tilespmem:$0x8E30] =	vst v63  }
0x87: {  	_ =	swait.ge [sflag:s29], $0x500  }
0x88: {  	[sflag:s29] =	ssyncset.done $0x0  }
0x89: {  	s6 =	simm.s32 $0x73F0;
	[sflag:s29] =	ssyncadd.s32 $0xFFFFFB00  }
0x8a: {  	[spmem:s1] =	stream.indirect.scatter.add.f32 [tilespmem:s20], [sflag:$0x7], $0x10, s6, s17, $0xb8;
	[tilespmem:$0x8E30] =	vst v63  }
0x8b: {  	_ =	swait.ge [sflag:s30], $0x500  }
0x8c: {  	[sflag:s30] =	ssyncset.done $0x0  }
0x8d: {  	s7 =	simm.s32 $0x7440;
	[sflag:s30] =	ssyncadd.s32 $0xFFFFFB00  }
0x8e: {  	[spmem:s1] =	stream.indirect.scatter.add.f32 [tilespmem:s22], [sflag:$0x8], $0x10, s7, s17, $0xb8;
	[tilespmem:$0x8E30] =	vst v63  }
0x8f: {  	_ =	swait.ge [sflag:s31], $0x500  }
0x90: {  	[sflag:s31] =	ssyncset.done $0x0  }
0x91: {  	s6 =	simm.s32 $0x7490;
	[sflag:s31] =	ssyncadd.s32 $0xFFFFFB00  }
0x92: {  	[spmem:s1] =	stream.indirect.scatter.add.f32 [tilespmem:s24], [sflag:$0x9], $0x10, s6, s17, $0xb8;
	[tilespmem:$0x8E30] =	vst v63  }
0x93: {  	_ =	swait.ge [sflag:s0], $0x500  }
0x94: {  	[sflag:s0] =	ssyncset.done $0x0  }
0x95: {  	s7 =	simm.s32 $0x74E0;
	[sflag:s0] =	ssyncadd.s32 $0xFFFFFB00  }
0x96: {  	[spmem:s1] =	stream.indirect.scatter.add.f32 [tilespmem:s26], [sflag:$0xA], $0x10, s7, s17, $0xb8;
	[tilespmem:$0x8E30] =	vst v63  }
0x97: {  	_ =	swait.ge [sflag:s16], $0x500  }
0x98: {  	[sflag:s16] =	ssyncset.done $0x0  }
0x99: {  	[sflag:s16] =	ssyncadd.s32 $0xFFFFFB00  }
0x9a: {  	_ =	swait.ge [sflag:s19], $0x500  }
0x9b: {  	[sflag:s19] =	ssyncset.done $0x0  }
0x9c: {  	[sflag:s19] =	ssyncadd.s32 $0xFFFFFB00  }
0x9d: {  	_ =	swait.ge [sflag:s21], $0x500  }
0x9e: {  	[sflag:s21] =	ssyncset.done $0x0  }
0x9f: {  	[sflag:s21] =	ssyncadd.s32 $0xFFFFFB00  }
0xa0: {  	_ =	swait.ge [sflag:s23], $0x500  }
0xa1: {  	[sflag:s23] =	ssyncset.done $0x0  }
0xa2: {  	[sflag:s23] =	ssyncadd.s32 $0xFFFFFB00  }
0xa3: {  	_ =	swait.ge [sflag:s25], $0x500  }
0xa4: {  	[sflag:s25] =	ssyncset.done $0x0  }
0xa5: {  	[sflag:s25] =	ssyncadd.s32 $0xFFFFFB00  }
0xa6: {  	[bflag:$0x0] =	sbarrier.arrive $0xFFFF  }
0xa7: {  	[hbm:s9], [sflag:s5] =	dma.local [spmem:s12], $0x4E0  }
0xa8: {  	s2 =	sadd.s32 $0x1, s2;
	_ =	swait.ge [sflag:s13], $0x4E0  }
0xa9: {  	p1 =	sne.s32 s2, s11;
	[sflag:s13] =	ssyncset.done $0x0  }
.Ltmp1:
0xaa: {  	s4 =	simm.s32 @!p0 $0xB;
	[sflag:s13] =	ssyncadd.s32 $0xFFFFFB20;
	(pc) =	sbr.rel @p1 .LBB2_1-.Ltmp1, $4  }
0xab: {  	[hbm:s10], [sflag:s5] =	dma.local @!p0 [spmem:s14], $0x20  }
0xac: {  	_ =	swait.ge @!p0 [sflag:s4], $0x20  }
0xad: {  	[sflag:s4] =	ssyncset.done @!p0 $0x0  }
0xae: {  	[sflag:s4] =	ssyncadd.s32 @!p0 $0xFFFFFFE0  }
0xaf: {  	_ =	sfence.sel $0x180000  }
0xb0: {  	[bflag:$0x0] =	sbarrier.arrive $0xFFFF  }
0xb1: {  	_ =	strace $0x9000004D  }
0xb2: {  	[bflag:$0x2] =	sbarrier.arrive $0xFFFF  }
0xb3: {  	s0 =	rddreg [dreg:$0x2]  }
0xb4: {  	s0 =	sadd.s32 @!p0 $0x100000, s0  }
0xb5: {  	[sflag:s0] =	ssyncadd.tile.s32 @!p0 $0x1;
	_ =	shalt  }
.Lfunc_end2:
_tile_overlayer_lowered:
.L_overlay_start_2:
0xb6: {  	(tag) =	ssettag $0x2  }
0xb7: {  	s0 =	rddreg [dreg:$0x0];
	s2 =	stileid.u32  }
0xb8: {  	s1 =	rddreg [dreg:$0x1];
	p0 =	sne.s32 s2, $0x0  }
0xb9: {  	s3 =	rddreg [dreg:$0x2];
	[bflag:$0x3] =	sbarrier.arrive $0xFFFF;
	s2 =	simm.s32 @!p0 $0x1C0B  }
0xba: {  	[timem:s3], [sflag:s2] =	dma.local @!p0 [hbm:s0], s1  }
0xbb: {  	s0 =	simm.s32 @!p0 $0xB  }
0xbc: {  	_ =	swait.ge @!p0 [sflag:s0], s1  }
0xbd: {  	s1 =	ssub.s32 @!p0 $0x0, s1;
	[sflag:s0] =	ssyncset.done @!p0 $0x0  }
0xbe: {  	[sflag:s0] =	ssyncadd.s32 @!p0 s1  }
0xbf: {  	[bflag:$0x3] =	sbarrier.arrive $0xFFFF  }
0xc0: {  	_ =	shalt  }

// kernel: kernel.9.cloned.1.call-start
scs
__scs_entry_jumppad:
0x0: {  	(pc) =	sbr.rel $0x88, $3  }
0x1: {  	(tag) =	ssettag $0x0;
	lr =	simm.s32 $0x1  }
0x2: {  	[smem:$0x3F99] =	sst lr;
	_ =	strace $0xD0000000  }
0x3: {  	_ = 	snop  }
0x4: {  	_ = 	snop  }
0x5: {  	_ = 	snop  }
0x6: {  	_ = 	snop  }
0x7: {  	_ = 	snop  }
__scs_overlays_trampoline_lowered:
0x8: {  	[smem:$0x3FA8] =	sst s0  }
0x9: {  	[smem:$0x3FA9] =	sst s1  }
0xa: {  	[smem:$0x3FAA] =	sst s2  }
0xb: {  	[smem:$0x3FAB] =	sst s3  }
0xc: {  	[smem:$0x3FAC] =	sst s4  }
0xd: {  	[smem:$0x3FAD] =	sst s5  }
0xe: {  	[smem:$0x3FAE] =	sst s6  }
0xf: {  	[smem:$0x3FAF] =	sst s7  }
0x10: {  	[smem:$0x3FB0] =	sst s8  }
0x11: {  	[smem:$0x3FB1] =	sst s9;
	s0 =	simm.s32 @!p0 $0x0  }
0x12: {  	s1 =	sld [smem:$0x3F97];
	s0 =	simm.s32 @p0 $0x1  }
0x13: {  	[smem:$0x3FB2] =	sst s0;
	s0 =	simm.s32 @!p1 $0x0  }
0x14: {  	s2 =	sld [smem:$0x3F96];
	s0 =	simm.s32 @p1 $0x1  }
0x15: {  	[smem:$0x3FB3] =	sst s0;
	s0 =	simm.s32 @!p2 $0x0  }
0x16: {  	s3 =	sld [smem:$0x3FDB];
	s0 =	simm.s32 @p2 $0x1  }
0x17: {  	s4 =	simm.s32 $0x1BF5;
	[smem:$0x3FB5] =	sst s0  }
0x18: {  	s0 =	sld [smem:$0x3F98];
	_ =	swait.ge [sflag:s4], $0x0  }
0x19: {  	s7 =	sld [smem:$0x3F99]  }
0x1a: {  	s8 =	sadd.s32 $0xFFFFE003, lr  }
0x1b: {  	s9 =	sadd.s32 $0xFFFFFEF7, lr;
	s5 =	simm.s32 $0xFFFFFFFF;
	p2 =	slt.u32 s8, $0xFFFFF086  }
0x1c: {  	p1 =	slt.u32 s9, $0xF7A;
	s5 =	simm.s32 @!p2 $0x0  }
0x1d: {  	s5 =	simm.s32 @p1 $0x1;
	p0 =	seq.s32 s7, s2  }
0x1e: {  	s7 =	smul.u32 @!p0 $0xF7A, s2;
	p2 =	seq.s32 @!p0 s5, $0x0  }
0x1f: {  	s9 =	smul.u32 $0xF7A, s1;
	s8 =	simm.s32 @!p0 $0x1BF5;
	p2 =	por !p2, p0  }
0x20: {  	[sflag:s8] =	ssyncset.s32 @!p0 $0xFFFFF086;
	s6 =	sadd.s32 @!p0 s3, s7;
	s7 =	simm.s32 @!p0 $0x108  }
0x21: {  	s3 =	sadd.s32 s3, s9;
	s6 =	sadd.s32 @!p0 $0x88, s6;
	s7 =	simm.s32 @p2 $0x1082  }
0x22: {  	[simem:s7], [sflag:s8] =	dma.local @!p0 [hbm:s6], $0xF7A  }
0x23: {  	s9 =	sor.u32 $0xD0000000, s2;
	s6 =	simm.s32 $0x108;
	_ =	swait.ge @!p0 [sflag:s8], $0x0  }
0x24: {  	s3 =	sadd.s32 $0x88, s3;
	s6 =	simm.s32 @!p1 $0x1082;
	[sflag:s4] =	ssyncset.s32 $0xFFFFF086  }
0x25: {  	[simem:s6], [sflag:s4] =	dma.local [hbm:s3], $0xF7A  }
0x26: {  	[smem:$0x3F99] =	sst s1;
	(tag) =	ssettag s2;
	_ =	strace s9  }
0x27: {  	s1 =	sld [smem:$0x3FA9]  }
0x28: {  	s2 =	sld [smem:$0x3FAA]  }
0x29: {  	s4 =	sld [smem:$0x3FAC]  }
0x2a: {  	p0 =	seq.s32 s5, $0x0;
	s5 =	sld [smem:$0x3FAD]  }
0x2b: {  	s6 =	sld [smem:$0x3FAE]  }
0x2c: {  	s7 =	sld [smem:$0x3FAF]  }
0x2d: {  	s3 =	simm.s32 $0x108;
	s8 =	sld [smem:$0x3FB0]  }
0x2e: {  	s3 =	simm.s32 @!p0 $0x1082;
	s9 =	sld [smem:$0x3FB1]  }
0x2f: {  	lr =	sadd.s32 s0, s3;
	s0 =	sld [smem:$0x3FA8]  }
0x30: {  	s3 =	sld [smem:$0x3FAB]  }
0x31: {  	[smem:$0x3FB4] =	sst s10  }
0x32: {  	s10 =	sld [smem:$0x3FB2];
	_ =	sdelay $0x3  }
0x33: {  	p0 =	seq.s32 s10, $0x1;
	s10 =	sld [smem:$0x3FB4];
	_ =	sdelay $0x3  }
0x34: {  	[smem:$0x3FB4] =	sst s10  }
0x35: {  	s10 =	sld [smem:$0x3FB3];
	_ =	sdelay $0x3  }
0x36: {  	p1 =	seq.s32 s10, $0x1;
	s10 =	sld [smem:$0x3FB4];
	_ =	sdelay $0x3  }
0x37: {  	[smem:$0x3FB4] =	sst s10  }
0x38: {  	s10 =	sld [smem:$0x3FB5]  }
0x39: {  	_ = 	snop;
	(pc) =	sbr.ind lr, $3  }
0x3a: {  	_ = 	snop  }
0x3b: {  	_ = 	snop  }
0x3c: {  	p2 =	seq.s32 s10, $0x1;
	s10 =	sld [smem:$0x3FB4]  }
0x3d: {  	_ =	shalt  }
0x3e: {  	_ =	shalt  }
0x3f: {  	_ =	shalt  }
0x40: {  	_ =	shalt  }
0x41: {  	_ =	shalt  }
0x42: {  	_ =	shalt  }
0x43: {  	_ =	shalt  }
0x44: {  	_ =	shalt  }
0x45: {  	_ =	shalt  }
0x46: {  	_ =	shalt  }
0x47: {  	_ =	shalt  }
0x48: {  	_ =	shalt  }
0x49: {  	_ =	shalt  }
0x4a: {  	_ =	shalt  }
0x4b: {  	_ =	shalt  }
0x4c: {  	_ =	shalt  }
0x4d: {  	_ =	shalt  }
0x4e: {  	_ =	shalt  }
0x4f: {  	_ =	shalt  }
0x50: {  	_ =	shalt  }
0x51: {  	_ =	shalt  }
0x52: {  	_ =	shalt  }
0x53: {  	_ =	shalt  }
0x54: {  	_ =	shalt  }
0x55: {  	_ =	shalt  }
0x56: {  	_ =	shalt  }
0x57: {  	_ =	shalt  }
0x58: {  	_ =	shalt  }
0x59: {  	_ =	shalt  }
0x5a: {  	_ =	shalt  }
0x5b: {  	_ =	shalt  }
0x5c: {  	_ =	shalt  }
0x5d: {  	_ =	shalt  }
0x5e: {  	_ =	shalt  }
0x5f: {  	_ =	shalt  }
0x60: {  	_ =	shalt  }
0x61: {  	_ =	shalt  }
0x62: {  	_ =	shalt  }
0x63: {  	_ =	shalt  }
0x64: {  	_ =	shalt  }
0x65: {  	_ =	shalt  }
0x66: {  	_ =	shalt  }
0x67: {  	_ =	shalt  }
0x68: {  	_ =	shalt  }
0x69: {  	_ =	shalt  }
0x6a: {  	_ =	shalt  }
0x6b: {  	_ =	shalt  }
0x6c: {  	_ =	shalt  }
0x6d: {  	_ =	shalt  }
0x6e: {  	_ =	shalt  }
0x6f: {  	_ =	shalt  }
0x70: {  	_ =	shalt  }
0x71: {  	_ =	shalt  }
0x72: {  	_ =	shalt  }
0x73: {  	_ =	shalt  }
0x74: {  	_ =	shalt  }
0x75: {  	_ =	shalt  }
0x76: {  	_ =	shalt  }
0x77: {  	_ =	shalt  }
0x78: {  	_ =	shalt  }
0x79: {  	_ =	shalt  }
0x7a: {  	_ =	shalt  }
0x7b: {  	_ =	shalt  }
0x7c: {  	_ =	shalt  }
0x7d: {  	_ =	shalt  }
0x7e: {  	_ =	shalt  }
0x7f: {  	_ =	shalt  }
0x80: {  	_ =	shalt  }
0x81: {  	_ =	shalt  }
0x82: {  	_ =	shalt  }
0x83: {  	_ =	shalt  }
0x84: {  	_ =	shalt  }
0x85: {  	_ =	shalt  }
0x86: {  	_ =	shalt  }
0x87: {  	_ =	shalt  }
.Lfunc_end0:
.L_simem_size_0:
called_computation.1_lowered:
.L_overlay_start_0:
0x88: {  	s2 =	sld [smem:$0x3FD9]  }
0x89: {  	s3 =	sld [smem:$0x3FFE];
	_ =	sdelay $0x1  }
0x8a: {  	s1 =	srdreg.scid  }
0x8b: {  	s0 =	sand.u32 $0x1, s1  }
0x8c: {  	s17 =	sshll.u32 s0, $0xA;
	s2 =	sadd.s32 s3, s2  }
0x8d: {  	s2 =	sadd.s32 s2, s17  }
0x8e: {  	[smem:$0x3FC0] =	sst s2  }
0x8f: {  	_ = 	snop  }
0x90: {  	s2 =	sld [smem:$0x3FD0];
	(tm) =	ssettm $0x1  }
0x91: {  	s18 =	sld [smem:$0x3FFB];
	_ =	sdelay $0x3  }
0x92: {  	_ =	strace s18  }
0x93: {  	s3 =	sld [smem:$0x3FFC];
	_ =	sdelay $0x3  }
0x94: {  	_ =	strace s3  }
0x95: {  	s3 =	sld [smem:$0x3FFD];
	_ =	sdelay $0x3  }
0x96: {  	_ =	strace s3  }
0x97: {  	_ =	strace $0x8FFFFFFF  }
0x98: {  	s19 =	sld [smem:$0x3FDB];
	_ =	sdelay $0x1  }
0x99: {  	s4 =	simm.s32 $_scs_section_size  }
0x9a: {  	s5 =	simm.s32 $_size__tile_overlayer_lowered;
	s6 =	simm.s32 $_tile_overlayer_lowered  }
0x9b: {  	s22 =	simm.s32 $0x1BFF;
	s21 =	sshll.u32 s6, $0x1;
	s3 =	sadd.s32 s4, s19  }
0x9c: {  	s7 =	simm.s32 $0x0;
	s20 =	sshll.u32 s5, $0x1;
	s5 =	sadd.s32 s21, s3  }
0x9d: {  	[timem:s7], [sflag:s22] =	dma.local [hbm:s5], s20  }
0x9e: {  	_ =	swait.ge [sflag:s22], s20  }
0x9f: {  	s4 =	ssub.s32 $0x0, s20;
	[sflag:s22] =	ssyncset.done $0x0  }
0xa0: {  	[sflag:s22] =	ssyncadd.s32 s4;
	_ =	sdelay $0x1  }
0xa1: {  	s23 =	simm.s32 $0x1B8B  }
0xa2: {  	_ =	swait.ge [sflag:s23], $0x1  }
0xa3: {  	[sflag:s23] =	ssyncset.done $0x0  }
0xa4: {  	s25 =	simm.s32 $0x1B8E;
	s24 =	sld [smem:$0x3FFE];
	[sflag:s23] =	ssyncadd.s32 $0xFFFFFFFF  }
0xa5: {  	s26 =	simm.s32 $execute0_lowered;
	[smem:$0x3FD2] =	sst s25  }
0xa6: {  	s5 =	sshll.u32 s26, $0x1;
	_ =	strace $0x80000046;
	[dreg:$0x1] =	wrdreg $0xFFFFFFFF  }
0xa7: {  	s28 =	simm.s32 $_size_execute0_lowered;
	s3 =	sadd.s32 s3, s5;
	[dreg:$0x0] =	wrdreg $0x0  }
0xa8: {  	s5 =	sshll.u32 s28, $0x1;
	[dreg:$0x2] =	wrdreg s3  }
0xa9: {  	[dreg:$0x3] =	wrdreg s5  }
0xaa: {  	[dreg:$0x4] =	wrdreg $0xC0  }
0xab: {  	_ =	task [dreg:s7], $0x5FFFF  }
0xac: {  	[dreg:$0x1] =	wrdreg $0xFFFFFFFF  }
0xad: {  	[dreg:$0x0] =	wrdreg $0x60  }
0xae: {  	[dreg:$0x2] =	wrdreg s24  }
0xaf: {  	[dreg:$0x3] =	wrdreg s2  }
0xb0: {  	[dreg:$0x4] =	wrdreg $0x0  }
0xb1: {  	[dreg:$0x5] =	wrdreg $0x9  }
0xb2: {  	_ =	task.clear_ibuf [dreg:s7], $0x6FFFF;
	_ =	strace $0x90000046  }
0xb3: {  	s29 =	simm.s32 $0x9;
	_ =	strace $0x80000048  }
0xb4: {  	_ =	swait.ge [sflag:s29], $0x1  }
0xb5: {  	[sflag:s29] =	ssyncadd.s32 $0xFFFFFFFF  }
0xb6: {  	_ =	strace $0x90000048  }
0xb7: {  	_ =	sfence  }
0xb8: {  	s30 =	sld [smem:$0x0];
	_ =	sdelay $0x2  }
0xb9: {  	s31 =	sshll.u32 s1, $0xD;
	s1 =	sshrl.u32 s1, $0x2  }
0xba: {  	s3 =	sand.u32 $0x4000, s31;
	s1 =	sadd.s32 s1, s30  }
0xbb: {  	s0 =	sor.u32 s3, s0;
	s1 =	sshll.u32 s1, $0x11  }
0xbc: {  	s0 =	sor.u32 s1, s0  }
0xbd: {  	s0 =	sadd.s32 $0x8F2B, s0  }
0xbe: {  	[sflag:s0] =	ssyncadd.remote.s32 $0x1  }
0xbf: {  	_ =	sfence.sel $0xFFFF  }
0xc0: {  	[dreg:$0x0] =	wrdreg $0xFFFFFFFF;
	(pc) =	sbr.abs _section_cstart, $3  }
0xc1: {  	[dreg:$0x1] =	wrdreg $0xFFFFFFFF  }
0xc2: {  	_ =	task.clear_ibuf [dreg:s7], $0x2FFFF;
	_ =	strace $0x9FFFFFFF  }
0xc3: {  	(tm) =	ssettm $0x7FFFFFFF  }
tec
execute0_lowered:
.L_overlay_start_1:
0x0: {  	(tag) =	ssettag $0x1  }
0x1: {  	s6 =	rddreg [dreg:$0x0]  }
0x2: {  	s1 =	rddreg [dreg:$0x1]  }
0x3: {  	s0 =	srdreg.scid;
	s2 =	rddreg [dreg:$0x2]  }
0x4: {  	s11 =	stileid.u32;
	s3 =	simm.s32 $0x0;
	s16 =	simm.s32 $0x50  }
0x5: {  	s17 =	simm.s32 $0x1;
	s18 =	simm.s32 $0x2;
	s19 =	simm.s32 $0x3  }
0x6: {  	s20 =	simm.s32 $0x4;
	s21 =	simm.s32 $0x5;
	s22 =	simm.s32 $0x0  }
0x7: {  	s4 =	sand.u32 $0x1, s0;
	s0 =	rddreg [dreg:$0x3];
	s7 =	smul.u32 $0x2700, s11  }
0x8: {  	[smem:$0x7FF] =	sst s3;
	s12 =	sadd.s32 $0x1B200, s6;
	s30 =	sshll.u32 s11, $0x6  }
0x9: {  	s15 =	sadd.s32 $0x27000, s2;
	p0 =	sne.s32 s11, $0x0;
	s5 =	sshll.u32 s4, $0x4  }
0xa: {  	_ =	strace $0x80000047;
	s9 =	ssub.s32 $0x2, s4;
	s29 =	smul.u32 $0x27100, s4  }
0xb: {  	s5 =	sor.u32 s11, s5;
	s8 =	sshrl.u32 s7, $0x3;
	s28 =	sshrl.u32 s9, $0x1  }
0xc: {  	s14 =	sadd.s32 s7, s2;
	s5 =	smul.u32 $0x4E2, s5;
	s8 =	sadd.s32 s8, s6  }
0xd: {  	s13 =	ssub.s32 s9, s28;
	s7 =	sadd.s32 s7, s29;
	s9 =	sshrl.u32 s29, $0x3  }
0xe: {  	s11 =	sshrl.u32 s14, $0x3;
	s14 =	simm.s32 $0x2710;
	s4 =	sadd.s32 $0x16200, s8  }
0xf: {  	s31 =	sshrl.u32 s7, $0x3;
	s9 =	sadd.s32 s12, s9;
	s10 =	sadd.s32 s5, s6  }
0x10: {  	s5 =	sor.u32 $0x1C06, s30;
	s6 =	sadd.s32 $0x1B000, s6;
	s8 =	sadd.s32 s12, s31  }
0x11: {  	s9 =	sadd.s32 $0x4E00, s9;
	s12 =	simm.s32 $0x6;
	s7 =	sadd.s32 $0xC400, s10  }
0x12: {  	s10 =	smax.u32 s13, $0x1;
	s13 =	sshrl.u32 @!p0 s15, $0x3;
	s15 =	simm.s32 $0x4E20  }
.LBB2_1:
0x13: {  	[spmem:s11], [sflag:s5] =	dma.local [hbm:s4], $0x4E0  }
0x14: {  	_ =	swait.ge [sflag:s12], $0x4E0  }
0x15: {  	[sflag:s12] =	ssyncset.done $0x0  }
0x16: {  	s23 =	simm.s32 @!p0 $0x6;
	[sflag:s12] =	ssyncadd.s32 $0xFFFFFB20  }
0x17: {  	[spmem:s13], [sflag:s5] =	dma.local @!p0 [hbm:s6], $0x20  }
0x18: {  	_ =	swait.ge @!p0 [sflag:s23], $0x20  }
0x19: {  	[sflag:s23] =	ssyncset.done @!p0 $0x0  }
0x1a: {  	[sflag:s23] =	ssyncadd.s32 @!p0 $0xFFFFFFE0  }
0x1b: {  	[tilespmem:s14], [sflag:$0x6] =	stream.linear.gather [hbm4b:s7+s3], $0x2710, $0x38;
	[tilespmem:$0x5320] =	vst v63  }
0x1c: {  	_ =	swait.ge [sflag:s12], $0x2710  }
0x1d: {  	[sflag:s12] =	ssyncset.done $0x0  }
0x1e: {  	[sflag:s12] =	ssyncadd.s32 $0xFFFFD8F0  }
0x1f: {  	[tilespmem:s15], [sflag:$0x6] =	stream.linear.gather [hbm4b:s1+s3], $0x500, $0x38;
	[tilespmem:$0x5320] =	vst v63  }
0x20: {  	_ =	swait.ge [sflag:s12], $0x500  }
0x21: {  	[sflag:s12] =	ssyncset.done $0x0  }
0x22: {  	[sflag:s12] =	ssyncadd.s32 $0xFFFFFB00  }
0x23: {  	s26 =	simm.s32 $0x2710;
	[bflag:$0x0] =	sbarrier.arrive $0xFFFF  }
0x24: {  	[spmem:s2] =	stream.indirect.scatter.add.f32 [tilespmem:s15], [sflag:$0x1], $0x10, s26, s16, $0xb8;
	[tilespmem:$0x5320] =	vst v63  }
0x25: {  	s28 =	simm.s32 $0x2760  }
0x26: {  	[spmem:s2] =	stream.indirect.scatter.add.f32 [tilespmem:s15], [sflag:$0x2], $0x10, s28, s16, $0xb8;
	[tilespmem:$0x5320] =	vst v63  }
0x27: {  	s29 =	simm.s32 $0x27B0  }
0x28: {  	[spmem:s2] =	stream.indirect.scatter.add.f32 [tilespmem:s15], [sflag:$0x3], $0x10, s29, s16, $0xb8;
	[tilespmem:$0x5320] =	vst v63  }
0x29: {  	s30 =	simm.s32 $0x2800  }
0x2a: {  	[spmem:s2] =	stream.indirect.scatter.add.f32 [tilespmem:s15], [sflag:$0x4], $0x10, s30, s16, $0xb8;
	[tilespmem:$0x5320] =	vst v63  }
0x2b: {  	s31 =	simm.s32 $0x2850  }
0x2c: {  	[spmem:s2] =	stream.indirect.scatter.add.f32 [tilespmem:s15], [sflag:$0x5], $0x10, s31, s16, $0xb8;
	[tilespmem:$0x5320] =	vst v63  }
0x2d: {  	_ =	swait.ge [sflag:s17], $0x500  }
0x2e: {  	[sflag:s17] =	ssyncset.done $0x0  }
0x2f: {  	[sflag:s17] =	ssyncadd.s32 $0xFFFFFB00  }
0x30: {  	_ =	swait.ge [sflag:s18], $0x500  }
0x31: {  	[sflag:s18] =	ssyncset.done $0x0  }
0x32: {  	[sflag:s18] =	ssyncadd.s32 $0xFFFFFB00  }
0x33: {  	_ =	swait.ge [sflag:s19], $0x500  }
0x34: {  	[sflag:s19] =	ssyncset.done $0x0  }
0x35: {  	[sflag:s19] =	ssyncadd.s32 $0xFFFFFB00  }
0x36: {  	_ =	swait.ge [sflag:s20], $0x500  }
0x37: {  	[sflag:s20] =	ssyncset.done $0x0  }
0x38: {  	[sflag:s20] =	ssyncadd.s32 $0xFFFFFB00  }
0x39: {  	_ =	swait.ge [sflag:s21], $0x500  }
0x3a: {  	s24 =	simm.s32 $0xC80;
	s23 =	simm.s32 $0x190;
	[sflag:s21] =	ssyncset.done $0x0  }
.LBB2_2:
0x3b: {  	s25 =	sadd.s32 $0x2710, s23  }
0x3c: {  	[sflag:s21] =	ssyncadd.s32 $0xFFFFFB00;
	s26 =	smov.u32 s24;
	s28 =	sadd.s32 $0x640, s24  }
0x3d: {  	[spmem:s2] =	stream.indirect.scatter.add.f32 [tilespmem:s15], [sflag:$0x1], $0x10, s25, s16, $0xb8;
	[tilespmem:$0x5320] =	vst v63  }
0x3e: {  	p1 =	sne.s32 s24, $0x9600;
	s24 =	sadd.s32 $0x2760, s23  }
0x3f: {  	[spmem:s2] =	stream.indirect.scatter.add.f32 [tilespmem:s15], [sflag:$0x2], $0x10, s24, s16, $0xb8;
	[tilespmem:$0x5320] =	vst v63  }
0x40: {  	s24 =	sadd.s32 $0x27B0, s23  }
0x41: {  	[spmem:s2] =	stream.indirect.scatter.add.f32 [tilespmem:s15], [sflag:$0x3], $0x10, s24, s16, $0xb8;
	[tilespmem:$0x5320] =	vst v63  }
0x42: {  	s24 =	sadd.s32 $0x2800, s23  }
0x43: {  	[spmem:s2] =	stream.indirect.scatter.add.f32 [tilespmem:s15], [sflag:$0x4], $0x10, s24, s16, $0xb8;
	[tilespmem:$0x5320] =	vst v63  }
0x44: {  	s23 =	sadd.s32 $0x2850, s23  }
0x45: {  	[spmem:s2] =	stream.indirect.scatter.add.f32 [tilespmem:s15], [sflag:$0x5], $0x10, s23, s16, $0xb8;
	[tilespmem:$0x5320] =	vst v63  }
0x46: {  	_ =	swait.ge [sflag:s17], $0x500  }
0x47: {  	[sflag:s17] =	ssyncset.done $0x0  }
0x48: {  	[sflag:s17] =	ssyncadd.s32 $0xFFFFFB00  }
0x49: {  	_ =	swait.ge [sflag:s18], $0x500  }
0x4a: {  	[sflag:s18] =	ssyncset.done $0x0  }
0x4b: {  	[sflag:s18] =	ssyncadd.s32 $0xFFFFFB00  }
0x4c: {  	_ =	swait.ge [sflag:s19], $0x500  }
0x4d: {  	[sflag:s19] =	ssyncset.done $0x0  }
0x4e: {  	[sflag:s19] =	ssyncadd.s32 $0xFFFFFB00  }
.Ltmp0:
0x4f: {  	_ =	swait.ge [sflag:s20], $0x500;
	(pc) =	sbr.rel @p1 .LBB2_2-.Ltmp0, $4  }
0x50: {  	[sflag:s20] =	ssyncset.done $0x0  }
0x51: {  	[sflag:s20] =	ssyncadd.s32 $0xFFFFFB00  }
0x52: {  	_ =	swait.ge [sflag:s21], $0x500  }
0x53: {  	s24 =	smov.u32 s28;
	s23 =	sshra.s32 s26, $0x2;
	[sflag:s21] =	ssyncset.done $0x0  }
0x54: {  	s24 =	sadd.s32 $0x2710, s23;
	[sflag:s21] =	ssyncadd.s32 $0xFFFFFB00  }
0x55: {  	[spmem:s2] =	stream.indirect.scatter.add.f32 [tilespmem:s15], [sflag:$0x1], $0x10, s24, s16, $0xb8;
	[tilespmem:$0x5320] =	vst v63  }
0x56: {  	s28 =	sadd.s32 $0x2760, s23  }
0x57: {  	[spmem:s2] =	stream.indirect.scatter.add.f32 [tilespmem:s15], [sflag:$0x2], $0x10, s28, s16, $0xb8;
	[tilespmem:$0x5320] =	vst v63  }
0x58: {  	s29 =	sadd.s32 $0x27B0, s23  }
0x59: {  	[spmem:s2] =	stream.indirect.scatter.add.f32 [tilespmem:s15], [sflag:$0x3], $0x10, s29, s16, $0xb8;
	[tilespmem:$0x5320] =	vst v63  }
0x5a: {  	s30 =	sadd.s32 $0x2800, s23  }
0x5b: {  	[spmem:s2] =	stream.indirect.scatter.add.f32 [tilespmem:s15], [sflag:$0x4], $0x10, s30, s16, $0xb8;
	[tilespmem:$0x5320] =	vst v63  }
0x5c: {  	s31 =	sadd.s32 $0x2850, s23  }
0x5d: {  	[spmem:s2] =	stream.indirect.scatter.add.f32 [tilespmem:s15], [sflag:$0x5], $0x10, s31, s16, $0xb8;
	[tilespmem:$0x5320] =	vst v63  }
0x5e: {  	_ =	swait.ge [sflag:s17], $0x500  }
0x5f: {  	[sflag:s17] =	ssyncset.done $0x0  }
0x60: {  	[sflag:s17] =	ssyncadd.s32 $0xFFFFFB00  }
0x61: {  	_ =	swait.ge [sflag:s18], $0x500  }
0x62: {  	[sflag:s18] =	ssyncset.done $0x0  }
0x63: {  	[sflag:s18] =	ssyncadd.s32 $0xFFFFFB00  }
0x64: {  	_ =	swait.ge [sflag:s19], $0x500  }
0x65: {  	[sflag:s19] =	ssyncset.done $0x0  }
0x66: {  	[sflag:s19] =	ssyncadd.s32 $0xFFFFFB00  }
0x67: {  	_ =	swait.ge [sflag:s20], $0x500  }
0x68: {  	[sflag:s20] =	ssyncset.done $0x0  }
0x69: {  	[sflag:s20] =	ssyncadd.s32 $0xFFFFFB00  }
0x6a: {  	_ =	swait.ge [sflag:s21], $0x500  }
0x6b: {  	[sflag:s21] =	ssyncset.done $0x0  }
0x6c: {  	[sflag:s21] =	ssyncadd.s32 $0xFFFFFB00  }
0x6d: {  	[bflag:$0x0] =	sbarrier.arrive $0xFFFF  }
0x6e: {  	[hbm:s8], [sflag:s5] =	dma.local [spmem:s11], $0x4E0  }
0x6f: {  	s22 =	sadd.s32 $0x1, s22;
	_ =	swait.ge [sflag:s12], $0x4E0  }
0x70: {  	p1 =	sne.s32 s22, s10;
	[sflag:s12] =	ssyncset.done $0x0  }
.Ltmp1:
0x71: {  	s23 =	simm.s32 @!p0 $0x6;
	[sflag:s12] =	ssyncadd.s32 $0xFFFFFB20;
	(pc) =	sbr.rel @p1 .LBB2_1-.Ltmp1, $4  }
0x72: {  	[hbm:s9], [sflag:s5] =	dma.local @!p0 [spmem:s13], $0x20  }
0x73: {  	_ =	swait.ge @!p0 [sflag:s23], $0x20  }
0x74: {  	[sflag:s23] =	ssyncset.done @!p0 $0x0  }
0x75: {  	[sflag:s23] =	ssyncadd.s32 @!p0 $0xFFFFFFE0  }
0x76: {  	_ =	sfence.sel $0x180000  }
0x77: {  	[bflag:$0x0] =	sbarrier.arrive $0xFFFF  }
0x78: {  	_ =	strace $0x90000047  }
0x79: {  	s0 =	sadd.s32 @!p0 $0x100000, s0;
	[bflag:$0x2] =	sbarrier.arrive $0xFFFF  }
0x7a: {  	[sflag:s0] =	ssyncadd.tile.s32 @!p0 $0x1;
	_ =	shalt  }
.Lfunc_end2:
_tile_overlayer_lowered:
.L_overlay_start_2:
0x7b: {  	(tag) =	ssettag $0x2  }
0x7c: {  	s0 =	rddreg [dreg:$0x0];
	s2 =	stileid.u32  }
0x7d: {  	s1 =	rddreg [dreg:$0x1];
	p0 =	sne.s32 s2, $0x0  }
0x7e: {  	s3 =	rddreg [dreg:$0x2];
	[bflag:$0x3] =	sbarrier.arrive $0xFFFF;
	s2 =	simm.s32 @!p0 $0x1C06  }
0x7f: {  	[timem:s3], [sflag:s2] =	dma.local @!p0 [hbm:s0], s1  }
0x80: {  	s0 =	simm.s32 @!p0 $0x6  }
0x81: {  	_ =	swait.ge @!p0 [sflag:s0], s1  }
0x82: {  	s1 =	ssub.s32 @!p0 $0x0, s1;
	[sflag:s0] =	ssyncset.done @!p0 $0x0  }
0x83: {  	[sflag:s0] =	ssyncadd.s32 @!p0 s1  }
0x84: {  	[bflag:$0x3] =	sbarrier.arrive $0xFFFF  }
0x85: {  	_ =	shalt  }

</sc_bundles>
